<compile_context>
chip_gen: v7x
topology: tpu7x:2x2x1
jax: 0.10.2.dev20260603
libtpu: 0.0.44.dev20260713+nightly
codegen_flags: <defaults>
</compile_context>

<pallas_src>
import functools

import jax
import jax.numpy as jnp
from jax import lax
from jax.experimental import pallas as pl
from jax.experimental.pallas import tpu as pltpu
from jax.experimental.pallas import tpu_sc as plsc

_N = 3_200_000
_D = 16
_R = 10
_NW = 32
_CH = 2_560
_T = _CH // 128
_G = _N // _CH

_mesh = plsc.VectorSubcoreMesh(core_axis_name="c", subcore_axis_name="s")


@functools.partial(
    pl.kernel,
    out_type=jax.ShapeDtypeStruct((2, _N // 128, 8, 128), jnp.float32),
    mesh=_mesh,
    compiler_params=pltpu.CompilerParams(use_tc_tiling_on_sc=False,
                                         needs_layout_passes=False),
    scratch_types=[
        pltpu.VMEM((_R * _D * 16,), jnp.float32),
        [pltpu.VMEM((_CH,), jnp.int32)] * 2,
        [pltpu.VMEM((2, _T, 8, 128), jnp.float32)] * 2,
        [pltpu.SemaphoreType.DMA] * 2,
        [pltpu.SemaphoreType.DMA] * 2,
    ],
)
def _emb_lookup(idx_hbm, table_hbm, out_hbm, tbl_v, idx_v, buf_v, isem, osem):
    wid = lax.axis_index("s") * 2 + lax.axis_index("c")
    pltpu.sync_copy(table_hbm, tbl_v)
    iota16 = lax.iota(jnp.int32, 16)
    trips = jnp.where(wid < _G - (_G // _NW) * _NW, _G // _NW + 1, _G // _NW)

    def chunk_of(i):
        return jnp.minimum(wid + _NW * i, _G - 1)

    def idx_start(i, b):
        pltpu.make_async_copy(idx_hbm.at[pl.ds(chunk_of(i) * _CH, _CH)],
                              idx_v[b], isem[b]).start()

    def idx_wait(i, b):
        pltpu.make_async_copy(idx_hbm.at[pl.ds(chunk_of(i) * _CH, _CH)],
                              idx_v[b], isem[b]).wait()

    def out_copies(i, b):
        g = chunk_of(i)
        return [pltpu.make_async_copy(buf_v[b].at[p],
                                      out_hbm.at[p, pl.ds(g * _T, _T)],
                                      osem[b]) for p in range(2)]

    def out_start(i, b):
        for cp in out_copies(i, b):
            cp.start()

    def out_wait(i, b):
        for cp in out_copies(i, b):
            cp.wait()

    def expand(b):
        @plsc.parallel_loop(0, _CH // 16, unroll=4)
        def blk(k):
            idx_vec = idx_v[b][pl.ds(k * 16, 16)]
            gbase = idx_vec * (_D * 16) + iota16
            t = k // 8
            e0 = (k % 8) * 16
            for j in range(_D):
                col = plsc.load_gather(tbl_v, [gbase + j * 16])
                buf_v[b][j // 8, t, j % 8, pl.ds(e0, 16)] = col

    idx_start(0, 0)
    idx_start(1, 1)
    for b in range(2):
        idx_wait(b, b)
        expand(b)
        out_start(b, b)
        idx_start(b + 2, b)

    def pair_body(pi, carry):
        a = 2 * pi
        for b in range(2):
            idx_wait(a + b, b)
            out_wait(a + b - 2, b)
            expand(b)
            out_start(a + b, b)
            idx_start(a + b + 2, b)
        return carry

    lax.fori_loop(1, trips // 2, pair_body, 0)

    last_even = 2 * (trips // 2)

    @pl.when(trips % 2 == 1)
    def _remainder():
        idx_wait(last_even, 0)
        out_wait(last_even - 2, 0)
        expand(0)
        out_start(last_even, 0)
        idx_wait(last_even + 1, 1)

    @pl.when(trips % 2 == 0)
    def _drain_idx():
        idx_wait(last_even, 0)
        idx_wait(last_even + 1, 1)

    out_wait(trips - 2, 0)
    out_wait(trips - 1, 1)


def kernel(bond_types, embedding_weight):
    rep = jnp.broadcast_to(embedding_weight[:, :, None],
                           (_R, _D, 16)).reshape(-1)
    tiles = _emb_lookup(bond_types.astype(jnp.int32), rep)
    return jnp.transpose(tiles, (1, 3, 0, 2)).reshape(_N, _D)

# --- scband reference (transcript-rebuilt; emitter-appended) ---
"""Pipeline reference for scband-bond-features-67199058313585 (READ-ONLY COPY).

The authoritative reference and input builder live on the scoring server;
editing this copy changes nothing except your own understanding.
"""

import jax, jax.numpy as jnp
import numpy as np

NUM_BOND_TYPES = 10
EDGE_DIM = 16
N_EDGES = 3200000

def setup_inputs(seed: int = 0) -> dict:
    key = jax.random.key(seed)
    k1, k2 = jax.random.split(key)
    bond_types = jax.random.randint(k1, (N_EDGES,), 0, NUM_BOND_TYPES, dtype=jnp.int64 if jax.config.jax_enable_x64 else jnp.int32)
    # nn.Embedding default init: N(0, 1)
    embedding_weight = jax.random.normal(k2, (NUM_BOND_TYPES, EDGE_DIM), dtype=jnp.float32)
    return {"bond_types": bond_types, "embedding_weight": embedding_weight}

def reference(bond_types, embedding_weight):
    # Faithful translation of nn.Embedding lookup: out[i] = weight[bond_types[i]]
    return jnp.take(embedding_weight, bond_types, axis=0)

if __name__ == "__main__":
    import jax
    _d = setup_inputs()
    print(jax.jit(kernel)(*tuple(_d.values())))

</pallas_src>

<mosaic_0001>
#map = affine_map<(d0, d1) -> (0)>
#map1 = affine_map<(d0, d1) -> (0, 0, 0, 0)>
module attributes {stable_mosaic.version = 14 : i64} {
  func.func @_emb_lookup(%arg0: i32, %arg1: i32, %arg2: memref<3200000xi32, #tpu.memory_space<hbm>>, %arg3: memref<2560xf32, #tpu.memory_space<hbm>>, %arg4: memref<2x25000x8x128xf32, #tpu.memory_space<hbm>>, %arg5: memref<2560xf32, #tpu.memory_space<vmem>>, %arg6: memref<2560xi32, #tpu.memory_space<vmem>>, %arg7: memref<2560xi32, #tpu.memory_space<vmem>>, %arg8: memref<2x20x8x128xf32, #tpu.memory_space<vmem>>, %arg9: memref<2x20x8x128xf32, #tpu.memory_space<vmem>>, %arg10: memref<!tpu.dma_semaphore, #tpu.memory_space<semaphore_mem>>, %arg11: memref<!tpu.dma_semaphore, #tpu.memory_space<semaphore_mem>>, %arg12: memref<!tpu.dma_semaphore, #tpu.memory_space<semaphore_mem>>, %arg13: memref<!tpu.dma_semaphore, #tpu.memory_space<semaphore_mem>>) attributes {dimension_semantics = [#tpu.dimension_semantics<core_parallel>, #tpu.dimension_semantics<subcore_parallel>], iteration_bounds = array<i64: 2, 16>, scalar_prefetch = 0 : i64, scratch_operands = 9 : i64, tpu.core_type = #tpu.core_type<sc_vector_subcore>, window_params = [{transform_indices = #map}, {transform_indices = #map}, {transform_indices = #map1}]} {
    %mul3A = arith.constant 2 : i32
    %mul3A_0 = arith.muli %arg1, %mul3A : i32
    %add3A = arith.addi %mul3A_0, %arg0 : i32
    "tpu.region"() ({
      %run_scoped3A = tpu.sem_alloc : memref<!tpu.dma_semaphore, #tpu.memory_space<semaphore_mem>>
      tpu.enqueue_dma source(%arg3 : memref<2560xf32, #tpu.memory_space<hbm>>) target(%arg5 : memref<2560xf32, #tpu.memory_space<vmem>>) target_semaphore(%run_scoped3A : memref<!tpu.dma_semaphore, #tpu.memory_space<semaphore_mem>>)
      tpu.wait_dma2 semaphore(%run_scoped3A : memref<!tpu.dma_semaphore, #tpu.memory_space<semaphore_mem>>) src(%arg3 : memref<2560xf32, #tpu.memory_space<hbm>>) dst(%arg5 : memref<2560xf32, #tpu.memory_space<vmem>>)
      tpu.yield
    }) : () -> ()
    %iota3A = tpu.iota {dimensions = array<i32: 0>} : vector<16xi32>
    %lt3A = arith.constant 2 : i32
    %lt3A_1 = arith.cmpi slt, %add3A, %lt3A : i32
    %jit3A = arith.constant 40 : i32
    %jit3A_2 = arith.constant 39 : i32
    %select_n3A = arith.select %lt3A_1, %jit3A, %jit3A_2 : i32
    %add3A_3 = arith.constant 0 : i32
    %add3A_4 = arith.addi %add3A, %add3A_3 : i32
    %min3A = arith.constant 1249 : i32
    %min3A_5 = arith.minsi %add3A_4, %min3A : i32
    %mul3A_6 = arith.constant 2560 : i32
    %mul3A_7 = arith.muli %min3A_5, %mul3A_6 : i32
    %dma_start3A = tpu.memref_slice %arg2[%mul3A_7] : memref<3200000xi32, #tpu.memory_space<hbm>> -> memref<2560xi32, #tpu.memory_space<hbm>>
    %dma_start3A_8 = tpu.memref_slice %arg2[%mul3A_7] : memref<3200000xi32, #tpu.memory_space<hbm>> -> memref<2560xi32, #tpu.memory_space<hbm>>
    tpu.enqueue_dma source(%dma_start3A_8 : memref<2560xi32, #tpu.memory_space<hbm>>) target(%arg6 : memref<2560xi32, #tpu.memory_space<vmem>>) target_semaphore(%arg10 : memref<!tpu.dma_semaphore, #tpu.memory_space<semaphore_mem>>)
    %add3A_9 = arith.constant 32 : i32
    %add3A_10 = arith.addi %add3A, %add3A_9 : i32
    %min3A_11 = arith.constant 1249 : i32
    %min3A_12 = arith.minsi %add3A_10, %min3A_11 : i32
    %mul3A_13 = arith.constant 2560 : i32
    %mul3A_14 = arith.muli %min3A_12, %mul3A_13 : i32
    %dma_start3A_15 = tpu.memref_slice %arg2[%mul3A_14] : memref<3200000xi32, #tpu.memory_space<hbm>> -> memref<2560xi32, #tpu.memory_space<hbm>>
    %dma_start3A_16 = tpu.memref_slice %arg2[%mul3A_14] : memref<3200000xi32, #tpu.memory_space<hbm>> -> memref<2560xi32, #tpu.memory_space<hbm>>
    tpu.enqueue_dma source(%dma_start3A_16 : memref<2560xi32, #tpu.memory_space<hbm>>) target(%arg7 : memref<2560xi32, #tpu.memory_space<vmem>>) target_semaphore(%arg11 : memref<!tpu.dma_semaphore, #tpu.memory_space<semaphore_mem>>)
    %add3A_17 = arith.constant 0 : i32
    %add3A_18 = arith.addi %add3A, %add3A_17 : i32
    %min3A_19 = arith.constant 1249 : i32
    %min3A_20 = arith.minsi %add3A_18, %min3A_19 : i32
    %mul3A_21 = arith.constant 2560 : i32
    %mul3A_22 = arith.muli %min3A_20, %mul3A_21 : i32
    %dma_wait3A = tpu.memref_slice %arg2[%mul3A_22] : memref<3200000xi32, #tpu.memory_space<hbm>> -> memref<2560xi32, #tpu.memory_space<hbm>>
    %dma_wait3A_23 = tpu.memref_slice %arg2[%mul3A_22] : memref<3200000xi32, #tpu.memory_space<hbm>> -> memref<2560xi32, #tpu.memory_space<hbm>>
    tpu.wait_dma2 semaphore(%arg10 : memref<!tpu.dma_semaphore, #tpu.memory_space<semaphore_mem>>) src(%dma_wait3A_23 : memref<2560xi32, #tpu.memory_space<hbm>>) dst(%arg6 : memref<2560xi32, #tpu.memory_space<vmem>>)
    %parallel_loop3A = arith.constant 0 : i32
    %parallel_loop3A_24 = arith.constant 160 : i32
    %parallel_loop3A_25 = arith.constant 1 : i32
    scf.for %parallel_loop3A_343 = %parallel_loop3A to %parallel_loop3A_24 step %parallel_loop3A_25  : i32 {
      %parallel_loop3A_344 = arith.constant 16 : i32
      %parallel_loop3A_345 = arith.muli %parallel_loop3A_343, %parallel_loop3A_344 : i32
      %parallel_loop3A_346 = arith.index_cast %parallel_loop3A_345 : i32 to index
      %parallel_loop3A_347 = tpu.vector_load %arg6[%parallel_loop3A_346] {strides = array<i32>} : memref<2560xi32, #tpu.memory_space<vmem>>, vector<16xi32>,
      %parallel_loop3A_348 = arith.constant 256 : i32
      %parallel_loop3A_349 = vector.broadcast %parallel_loop3A_348 : i32 to vector<16xi32>
      %parallel_loop3A_350 = arith.muli %parallel_loop3A_347, %parallel_loop3A_349 : vector<16xi32>
      %parallel_loop3A_351 = arith.addi %parallel_loop3A_350, %iota3A : vector<16xi32>
      %parallel_loop3A_352 = arith.constant 8 : i32
      %parallel_loop3A_353 = arith.divsi %parallel_loop3A_343, %parallel_loop3A_352 : i32
      %parallel_loop3A_354 = arith.constant 0 : i32
      %parallel_loop3A_355 = arith.cmpi sgt, %parallel_loop3A_343, %parallel_loop3A_354 : i32
      %parallel_loop3A_356 = arith.extui %parallel_loop3A_355 : i1 to i32
      %parallel_loop3A_357 = arith.constant 0 : i32
      %parallel_loop3A_358 = arith.cmpi slt, %parallel_loop3A_343, %parallel_loop3A_357 : i32
      %parallel_loop3A_359 = arith.extui %parallel_loop3A_358 : i1 to i32
      %parallel_loop3A_360 = arith.subi %parallel_loop3A_356, %parallel_loop3A_359 : i32
      %parallel_loop3A_361 = arith.constant 0 : i32
      %parallel_loop3A_362 = arith.cmpi sgt, %parallel_loop3A_352, %parallel_loop3A_361 : i32
      %parallel_loop3A_363 = arith.extui %parallel_loop3A_362 : i1 to i32
      %parallel_loop3A_364 = arith.constant 0 : i32
      %parallel_loop3A_365 = arith.cmpi slt, %parallel_loop3A_352, %parallel_loop3A_364 : i32
      %parallel_loop3A_366 = arith.extui %parallel_loop3A_365 : i1 to i32
      %parallel_loop3A_367 = arith.subi %parallel_loop3A_363, %parallel_loop3A_366 : i32
      %parallel_loop3A_368 = arith.cmpi ne, %parallel_loop3A_360, %parallel_loop3A_367 : i32
      %parallel_loop3A_369 = arith.remsi %parallel_loop3A_343, %parallel_loop3A_352 : i32
      %parallel_loop3A_370 = arith.constant 0 : i32
      %parallel_loop3A_371 = arith.cmpi ne, %parallel_loop3A_369, %parallel_loop3A_370 : i32
      %parallel_loop3A_372 = arith.andi %parallel_loop3A_368, %parallel_loop3A_371 : i1
      %parallel_loop3A_373 = arith.constant 1 : i32
      %parallel_loop3A_374 = arith.subi %parallel_loop3A_353, %parallel_loop3A_373 : i32
      %parallel_loop3A_375 = arith.select %parallel_loop3A_372, %parallel_loop3A_374, %parallel_loop3A_353 : i32
      %parallel_loop3A_376 = arith.constant 8 : i32
      %parallel_loop3A_377 = arith.constant 0 : i32
      %parallel_loop3A_378 = arith.cmpi eq, %parallel_loop3A_376, %parallel_loop3A_377 : i32
      %parallel_loop3A_379 = arith.constant 1 : i32
      %parallel_loop3A_380 = arith.select %parallel_loop3A_378, %parallel_loop3A_379, %parallel_loop3A_376 : i32
      %parallel_loop3A_381 = arith.remsi %parallel_loop3A_343, %parallel_loop3A_380 : i32
      %parallel_loop3A_382 = arith.constant 0 : i32
      %parallel_loop3A_383 = arith.cmpi ne, %parallel_loop3A_381, %parallel_loop3A_382 : i32
      %parallel_loop3A_384 = arith.constant 0 : i32
      %parallel_loop3A_385 = arith.cmpi slt, %parallel_loop3A_381, %parallel_loop3A_384 : i32
      %parallel_loop3A_386 = arith.constant 0 : i32
      %parallel_loop3A_387 = arith.cmpi slt, %parallel_loop3A_380, %parallel_loop3A_386 : i32
      %parallel_loop3A_388 = arith.xori %parallel_loop3A_385, %parallel_loop3A_387 : i1
      %parallel_loop3A_389 = arith.andi %parallel_loop3A_388, %parallel_loop3A_383 : i1
      %parallel_loop3A_390 = arith.addi %parallel_loop3A_381, %parallel_loop3A_380 : i32
      %parallel_loop3A_391 = arith.select %parallel_loop3A_389, %parallel_loop3A_390, %parallel_loop3A_381 : i32
      %parallel_loop3A_392 = arith.constant 16 : i32
      %parallel_loop3A_393 = arith.muli %parallel_loop3A_391, %parallel_loop3A_392 : i32
      %parallel_loop3A_394 = arith.constant 0 : i32
      %parallel_loop3A_395 = vector.broadcast %parallel_loop3A_394 : i32 to vector<16xi32>
      %parallel_loop3A_396 = arith.addi %parallel_loop3A_351, %parallel_loop3A_395 : vector<16xi32>
      %parallel_loop3A_397 = tpu.vector_load_idx %arg5[%parallel_loop3A_396] : memref<2560xf32, #tpu.memory_space<vmem>>[vector<16xi32>], vector<16xf32>,
      %parallel_loop3A_398 = arith.constant 0 : i32
      %parallel_loop3A_399 = arith.constant 0 : i32
      %parallel_loop3A_400 = arith.index_cast %parallel_loop3A_398 : i32 to index
      %parallel_loop3A_401 = arith.index_cast %parallel_loop3A_375 : i32 to index
      %parallel_loop3A_402 = arith.index_cast %parallel_loop3A_399 : i32 to index
      %parallel_loop3A_403 = arith.index_cast %parallel_loop3A_393 : i32 to index
      %parallel_loop3A_404 = tpu.vector_load %arg8[%parallel_loop3A_400, %parallel_loop3A_401, %parallel_loop3A_402, %parallel_loop3A_403] {strides = array<i32>} : memref<2x20x8x128xf32, #tpu.memory_space<vmem>>, vector<16xf32>,
      tpu.vector_store %arg8[%parallel_loop3A_400, %parallel_loop3A_401, %parallel_loop3A_402, %parallel_loop3A_403], %parallel_loop3A_397 {strides = array<i32>} : memref<2x20x8x128xf32, #tpu.memory_space<vmem>>, vector<16xf32>,
      %parallel_loop3A_405 = arith.constant 16 : i32
      %parallel_loop3A_406 = vector.broadcast %parallel_loop3A_405 : i32 to vector<16xi32>
      %parallel_loop3A_407 = arith.addi %parallel_loop3A_351, %parallel_loop3A_406 : vector<16xi32>
      %parallel_loop3A_408 = tpu.vector_load_idx %arg5[%parallel_loop3A_407] : memref<2560xf32, #tpu.memory_space<vmem>>[vector<16xi32>], vector<16xf32>,
      %parallel_loop3A_409 = arith.constant 0 : i32
      %parallel_loop3A_410 = arith.constant 1 : i32
      %parallel_loop3A_411 = arith.index_cast %parallel_loop3A_409 : i32 to index
      %parallel_loop3A_412 = arith.index_cast %parallel_loop3A_375 : i32 to index
      %parallel_loop3A_413 = arith.index_cast %parallel_loop3A_410 : i32 to index
      %parallel_loop3A_414 = arith.index_cast %parallel_loop3A_393 : i32 to index
      %parallel_loop3A_415 = tpu.vector_load %arg8[%parallel_loop3A_411, %parallel_loop3A_412, %parallel_loop3A_413, %parallel_loop3A_414] {strides = array<i32>} : memref<2x20x8x128xf32, #tpu.memory_space<vmem>>, vector<16xf32>,
      tpu.vector_store %arg8[%parallel_loop3A_411, %parallel_loop3A_412, %parallel_loop3A_413, %parallel_loop3A_414], %parallel_loop3A_408 {strides = array<i32>} : memref<2x20x8x128xf32, #tpu.memory_space<vmem>>, vector<16xf32>,
      %parallel_loop3A_416 = arith.constant 32 : i32
      %parallel_loop3A_417 = vector.broadcast %parallel_loop3A_416 : i32 to vector<16xi32>
      %parallel_loop3A_418 = arith.addi %parallel_loop3A_351, %parallel_loop3A_417 : vector<16xi32>
      %parallel_loop3A_419 = tpu.vector_load_idx %arg5[%parallel_loop3A_418] : memref<2560xf32, #tpu.memory_space<vmem>>[vector<16xi32>], vector<16xf32>,
      %parallel_loop3A_420 = arith.constant 0 : i32
      %parallel_loop3A_421 = arith.constant 2 : i32
      %parallel_loop3A_422 = arith.index_cast %parallel_loop3A_420 : i32 to index
      %parallel_loop3A_423 = arith.index_cast %parallel_loop3A_375 : i32 to index
      %parallel_loop3A_424 = arith.index_cast %parallel_loop3A_421 : i32 to index
      %parallel_loop3A_425 = arith.index_cast %parallel_loop3A_393 : i32 to index
      %parallel_loop3A_426 = tpu.vector_load %arg8[%parallel_loop3A_422, %parallel_loop3A_423, %parallel_loop3A_424, %parallel_loop3A_425] {strides = array<i32>} : memref<2x20x8x128xf32, #tpu.memory_space<vmem>>, vector<16xf32>,
      tpu.vector_store %arg8[%parallel_loop3A_422, %parallel_loop3A_423, %parallel_loop3A_424, %parallel_loop3A_425], %parallel_loop3A_419 {strides = array<i32>} : memref<2x20x8x128xf32, #tpu.memory_space<vmem>>, vector<16xf32>,
      %parallel_loop3A_427 = arith.constant 48 : i32
      %parallel_loop3A_428 = vector.broadcast %parallel_loop3A_427 : i32 to vector<16xi32>
      %parallel_loop3A_429 = arith.addi %parallel_loop3A_351, %parallel_loop3A_428 : vector<16xi32>
      %parallel_loop3A_430 = tpu.vector_load_idx %arg5[%parallel_loop3A_429] : memref<2560xf32, #tpu.memory_space<vmem>>[vector<16xi32>], vector<16xf32>,
      %parallel_loop3A_431 = arith.constant 0 : i32
      %parallel_loop3A_432 = arith.constant 3 : i32
      %parallel_loop3A_433 = arith.index_cast %parallel_loop3A_431 : i32 to index
      %parallel_loop3A_434 = arith.index_cast %parallel_loop3A_375 : i32 to index
      %parallel_loop3A_435 = arith.index_cast %parallel_loop3A_432 : i32 to index
      %parallel_loop3A_436 = arith.index_cast %parallel_loop3A_393 : i32 to index
      %parallel_loop3A_437 = tpu.vector_load %arg8[%parallel_loop3A_433, %parallel_loop3A_434, %parallel_loop3A_435, %parallel_loop3A_436] {strides = array<i32>} : memref<2x20x8x128xf32, #tpu.memory_space<vmem>>, vector<16xf32>,
      tpu.vector_store %arg8[%parallel_loop3A_433, %parallel_loop3A_434, %parallel_loop3A_435, %parallel_loop3A_436], %parallel_loop3A_430 {strides = array<i32>} : memref<2x20x8x128xf32, #tpu.memory_space<vmem>>, vector<16xf32>,
      %parallel_loop3A_438 = arith.constant 64 : i32
      %parallel_loop3A_439 = vector.broadcast %parallel_loop3A_438 : i32 to vector<16xi32>
      %parallel_loop3A_440 = arith.addi %parallel_loop3A_351, %parallel_loop3A_439 : vector<16xi32>
      %parallel_loop3A_441 = tpu.vector_load_idx %arg5[%parallel_loop3A_440] : memref<2560xf32, #tpu.memory_space<vmem>>[vector<16xi32>], vector<16xf32>,
      %parallel_loop3A_442 = arith.constant 0 : i32
      %parallel_loop3A_443 = arith.constant 4 : i32
      %parallel_loop3A_444 = arith.index_cast %parallel_loop3A_442 : i32 to index
      %parallel_loop3A_445 = arith.index_cast %parallel_loop3A_375 : i32 to index
      %parallel_loop3A_446 = arith.index_cast %parallel_loop3A_443 : i32 to index
      %parallel_loop3A_447 = arith.index_cast %parallel_loop3A_393 : i32 to index
      %parallel_loop3A_448 = tpu.vector_load %arg8[%parallel_loop3A_444, %parallel_loop3A_445, %parallel_loop3A_446, %parallel_loop3A_447] {strides = array<i32>} : memref<2x20x8x128xf32, #tpu.memory_space<vmem>>, vector<16xf32>,
      tpu.vector_store %arg8[%parallel_loop3A_444, %parallel_loop3A_445, %parallel_loop3A_446, %parallel_loop3A_447], %parallel_loop3A_441 {strides = array<i32>} : memref<2x20x8x128xf32, #tpu.memory_space<vmem>>, vector<16xf32>,
      %parallel_loop3A_449 = arith.constant 80 : i32
      %parallel_loop3A_450 = vector.broadcast %parallel_loop3A_449 : i32 to vector<16xi32>
      %parallel_loop3A_451 = arith.addi %parallel_loop3A_351, %parallel_loop3A_450 : vector<16xi32>
      %parallel_loop3A_452 = tpu.vector_load_idx %arg5[%parallel_loop3A_451] : memref<2560xf32, #tpu.memory_space<vmem>>[vector<16xi32>], vector<16xf32>,
      %parallel_loop3A_453 = arith.constant 0 : i32
      %parallel_loop3A_454 = arith.constant 5 : i32
      %parallel_loop3A_455 = arith.index_cast %parallel_loop3A_453 : i32 to index
      %parallel_loop3A_456 = arith.index_cast %parallel_loop3A_375 : i32 to index
      %parallel_loop3A_457 = arith.index_cast %parallel_loop3A_454 : i32 to index
      %parallel_loop3A_458 = arith.index_cast %parallel_loop3A_393 : i32 to index
      %parallel_loop3A_459 = tpu.vector_load %arg8[%parallel_loop3A_455, %parallel_loop3A_456, %parallel_loop3A_457, %parallel_loop3A_458] {strides = array<i32>} : memref<2x20x8x128xf32, #tpu.memory_space<vmem>>, vector<16xf32>,
      tpu.vector_store %arg8[%parallel_loop3A_455, %parallel_loop3A_456, %parallel_loop3A_457, %parallel_loop3A_458], %parallel_loop3A_452 {strides = array<i32>} : memref<2x20x8x128xf32, #tpu.memory_space<vmem>>, vector<16xf32>,
      %parallel_loop3A_460 = arith.constant 96 : i32
      %parallel_loop3A_461 = vector.broadcast %parallel_loop3A_460 : i32 to vector<16xi32>
      %parallel_loop3A_462 = arith.addi %parallel_loop3A_351, %parallel_loop3A_461 : vector<16xi32>
      %parallel_loop3A_463 = tpu.vector_load_idx %arg5[%parallel_loop3A_462] : memref<2560xf32, #tpu.memory_space<vmem>>[vector<16xi32>], vector<16xf32>,
      %parallel_loop3A_464 = arith.constant 0 : i32
      %parallel_loop3A_465 = arith.constant 6 : i32
      %parallel_loop3A_466 = arith.index_cast %parallel_loop3A_464 : i32 to index
      %parallel_loop3A_467 = arith.index_cast %parallel_loop3A_375 : i32 to index
      %parallel_loop3A_468 = arith.index_cast %parallel_loop3A_465 : i32 to index
      %parallel_loop3A_469 = arith.index_cast %parallel_loop3A_393 : i32 to index
      %parallel_loop3A_470 = tpu.vector_load %arg8[%parallel_loop3A_466, %parallel_loop3A_467, %parallel_loop3A_468, %parallel_loop3A_469] {strides = array<i32>} : memref<2x20x8x128xf32, #tpu.memory_space<vmem>>, vector<16xf32>,
      tpu.vector_store %arg8[%parallel_loop3A_466, %parallel_loop3A_467, %parallel_loop3A_468, %parallel_loop3A_469], %parallel_loop3A_463 {strides = array<i32>} : memref<2x20x8x128xf32, #tpu.memory_space<vmem>>, vector<16xf32>,
      %parallel_loop3A_471 = arith.constant 112 : i32
      %parallel_loop3A_472 = vector.broadcast %parallel_loop3A_471 : i32 to vector<16xi32>
      %parallel_loop3A_473 = arith.addi %parallel_loop3A_351, %parallel_loop3A_472 : vector<16xi32>
      %parallel_loop3A_474 = tpu.vector_load_idx %arg5[%parallel_loop3A_473] : memref<2560xf32, #tpu.memory_space<vmem>>[vector<16xi32>], vector<16xf32>,
      %parallel_loop3A_475 = arith.constant 0 : i32
      %parallel_loop3A_476 = arith.constant 7 : i32
      %parallel_loop3A_477 = arith.index_cast %parallel_loop3A_475 : i32 to index
      %parallel_loop3A_478 = arith.index_cast %parallel_loop3A_375 : i32 to index
      %parallel_loop3A_479 = arith.index_cast %parallel_loop3A_476 : i32 to index
      %parallel_loop3A_480 = arith.index_cast %parallel_loop3A_393 : i32 to index
      %parallel_loop3A_481 = tpu.vector_load %arg8[%parallel_loop3A_477, %parallel_loop3A_478, %parallel_loop3A_479, %parallel_loop3A_480] {strides = array<i32>} : memref<2x20x8x128xf32, #tpu.memory_space<vmem>>, vector<16xf32>,
      tpu.vector_store %arg8[%parallel_loop3A_477, %parallel_loop3A_478, %parallel_loop3A_479, %parallel_loop3A_480], %parallel_loop3A_474 {strides = array<i32>} : memref<2x20x8x128xf32, #tpu.memory_space<vmem>>, vector<16xf32>,
      %parallel_loop3A_482 = arith.constant 128 : i32
      %parallel_loop3A_483 = vector.broadcast %parallel_loop3A_482 : i32 to vector<16xi32>
      %parallel_loop3A_484 = arith.addi %parallel_loop3A_351, %parallel_loop3A_483 : vector<16xi32>
      %parallel_loop3A_485 = tpu.vector_load_idx %arg5[%parallel_loop3A_484] : memref<2560xf32, #tpu.memory_space<vmem>>[vector<16xi32>], vector<16xf32>,
      %parallel_loop3A_486 = arith.constant 1 : i32
      %parallel_loop3A_487 = arith.constant 0 : i32
      %parallel_loop3A_488 = arith.index_cast %parallel_loop3A_486 : i32 to index
      %parallel_loop3A_489 = arith.index_cast %parallel_loop3A_375 : i32 to index
      %parallel_loop3A_490 = arith.index_cast %parallel_loop3A_487 : i32 to index
      %parallel_loop3A_491 = arith.index_cast %parallel_loop3A_393 : i32 to index
      %parallel_loop3A_492 = tpu.vector_load %arg8[%parallel_loop3A_488, %parallel_loop3A_489, %parallel_loop3A_490, %parallel_loop3A_491] {strides = array<i32>} : memref<2x20x8x128xf32, #tpu.memory_space<vmem>>, vector<16xf32>,
      tpu.vector_store %arg8[%parallel_loop3A_488, %parallel_loop3A_489, %parallel_loop3A_490, %parallel_loop3A_491], %parallel_loop3A_485 {strides = array<i32>} : memref<2x20x8x128xf32, #tpu.memory_space<vmem>>, vector<16xf32>,
      %parallel_loop3A_493 = arith.constant 144 : i32
      %parallel_loop3A_494 = vector.broadcast %parallel_loop3A_493 : i32 to vector<16xi32>
      %parallel_loop3A_495 = arith.addi %parallel_loop3A_351, %parallel_loop3A_494 : vector<16xi32>
      %parallel_loop3A_496 = tpu.vector_load_idx %arg5[%parallel_loop3A_495] : memref<2560xf32, #tpu.memory_space<vmem>>[vector<16xi32>], vector<16xf32>,
      %parallel_loop3A_497 = arith.constant 1 : i32
      %parallel_loop3A_498 = arith.constant 1 : i32
      %parallel_loop3A_499 = arith.index_cast %parallel_loop3A_497 : i32 to index
      %parallel_loop3A_500 = arith.index_cast %parallel_loop3A_375 : i32 to index
      %parallel_loop3A_501 = arith.index_cast %parallel_loop3A_498 : i32 to index
      %parallel_loop3A_502 = arith.index_cast %parallel_loop3A_393 : i32 to index
      %parallel_loop3A_503 = tpu.vector_load %arg8[%parallel_loop3A_499, %parallel_loop3A_500, %parallel_loop3A_501, %parallel_loop3A_502] {strides = array<i32>} : memref<2x20x8x128xf32, #tpu.memory_space<vmem>>, vector<16xf32>,
      tpu.vector_store %arg8[%parallel_loop3A_499, %parallel_loop3A_500, %parallel_loop3A_501, %parallel_loop3A_502], %parallel_loop3A_496 {strides = array<i32>} : memref<2x20x8x128xf32, #tpu.memory_space<vmem>>, vector<16xf32>,
      %parallel_loop3A_504 = arith.constant 160 : i32
      %parallel_loop3A_505 = vector.broadcast %parallel_loop3A_504 : i32 to vector<16xi32>
      %parallel_loop3A_506 = arith.addi %parallel_loop3A_351, %parallel_loop3A_505 : vector<16xi32>
      %parallel_loop3A_507 = tpu.vector_load_idx %arg5[%parallel_loop3A_506] : memref<2560xf32, #tpu.memory_space<vmem>>[vector<16xi32>], vector<16xf32>,
      %parallel_loop3A_508 = arith.constant 1 : i32
      %parallel_loop3A_509 = arith.constant 2 : i32
      %parallel_loop3A_510 = arith.index_cast %parallel_loop3A_508 : i32 to index
      %parallel_loop3A_511 = arith.index_cast %parallel_loop3A_375 : i32 to index
      %parallel_loop3A_512 = arith.index_cast %parallel_loop3A_509 : i32 to index
      %parallel_loop3A_513 = arith.index_cast %parallel_loop3A_393 : i32 to index
      %parallel_loop3A_514 = tpu.vector_load %arg8[%parallel_loop3A_510, %parallel_loop3A_511, %parallel_loop3A_512, %parallel_loop3A_513] {strides = array<i32>} : memref<2x20x8x128xf32, #tpu.memory_space<vmem>>, vector<16xf32>,
      tpu.vector_store %arg8[%parallel_loop3A_510, %parallel_loop3A_511, %parallel_loop3A_512, %parallel_loop3A_513], %parallel_loop3A_507 {strides = array<i32>} : memref<2x20x8x128xf32, #tpu.memory_space<vmem>>, vector<16xf32>,
      %parallel_loop3A_515 = arith.constant 176 : i32
      %parallel_loop3A_516 = vector.broadcast %parallel_loop3A_515 : i32 to vector<16xi32>
      %parallel_loop3A_517 = arith.addi %parallel_loop3A_351, %parallel_loop3A_516 : vector<16xi32>
      %parallel_loop3A_518 = tpu.vector_load_idx %arg5[%parallel_loop3A_517] : memref<2560xf32, #tpu.memory_space<vmem>>[vector<16xi32>], vector<16xf32>,
      %parallel_loop3A_519 = arith.constant 1 : i32
      %parallel_loop3A_520 = arith.constant 3 : i32
      %parallel_loop3A_521 = arith.index_cast %parallel_loop3A_519 : i32 to index
      %parallel_loop3A_522 = arith.index_cast %parallel_loop3A_375 : i32 to index
      %parallel_loop3A_523 = arith.index_cast %parallel_loop3A_520 : i32 to index
      %parallel_loop3A_524 = arith.index_cast %parallel_loop3A_393 : i32 to index
      %parallel_loop3A_525 = tpu.vector_load %arg8[%parallel_loop3A_521, %parallel_loop3A_522, %parallel_loop3A_523, %parallel_loop3A_524] {strides = array<i32>} : memref<2x20x8x128xf32, #tpu.memory_space<vmem>>, vector<16xf32>,
      tpu.vector_store %arg8[%parallel_loop3A_521, %parallel_loop3A_522, %parallel_loop3A_523, %parallel_loop3A_524], %parallel_loop3A_518 {strides = array<i32>} : memref<2x20x8x128xf32, #tpu.memory_space<vmem>>, vector<16xf32>,
      %parallel_loop3A_526 = arith.constant 192 : i32
      %parallel_loop3A_527 = vector.broadcast %parallel_loop3A_526 : i32 to vector<16xi32>
      %parallel_loop3A_528 = arith.addi %parallel_loop3A_351, %parallel_loop3A_527 : vector<16xi32>
      %parallel_loop3A_529 = tpu.vector_load_idx %arg5[%parallel_loop3A_528] : memref<2560xf32, #tpu.memory_space<vmem>>[vector<16xi32>], vector<16xf32>,
      %parallel_loop3A_530 = arith.constant 1 : i32
      %parallel_loop3A_531 = arith.constant 4 : i32
      %parallel_loop3A_532 = arith.index_cast %parallel_loop3A_530 : i32 to index
      %parallel_loop3A_533 = arith.index_cast %parallel_loop3A_375 : i32 to index
      %parallel_loop3A_534 = arith.index_cast %parallel_loop3A_531 : i32 to index
      %parallel_loop3A_535 = arith.index_cast %parallel_loop3A_393 : i32 to index
      %parallel_loop3A_536 = tpu.vector_load %arg8[%parallel_loop3A_532, %parallel_loop3A_533, %parallel_loop3A_534, %parallel_loop3A_535] {strides = array<i32>} : memref<2x20x8x128xf32, #tpu.memory_space<vmem>>, vector<16xf32>,
      tpu.vector_store %arg8[%parallel_loop3A_532, %parallel_loop3A_533, %parallel_loop3A_534, %parallel_loop3A_535], %parallel_loop3A_529 {strides = array<i32>} : memref<2x20x8x128xf32, #tpu.memory_space<vmem>>, vector<16xf32>,
      %parallel_loop3A_537 = arith.constant 208 : i32
      %parallel_loop3A_538 = vector.broadcast %parallel_loop3A_537 : i32 to vector<16xi32>
      %parallel_loop3A_539 = arith.addi %parallel_loop3A_351, %parallel_loop3A_538 : vector<16xi32>
      %parallel_loop3A_540 = tpu.vector_load_idx %arg5[%parallel_loop3A_539] : memref<2560xf32, #tpu.memory_space<vmem>>[vector<16xi32>], vector<16xf32>,
      %parallel_loop3A_541 = arith.constant 1 : i32
      %parallel_loop3A_542 = arith.constant 5 : i32
      %parallel_loop3A_543 = arith.index_cast %parallel_loop3A_541 : i32 to index
      %parallel_loop3A_544 = arith.index_cast %parallel_loop3A_375 : i32 to index
      %parallel_loop3A_545 = arith.index_cast %parallel_loop3A_542 : i32 to index
      %parallel_loop3A_546 = arith.index_cast %parallel_loop3A_393 : i32 to index
      %parallel_loop3A_547 = tpu.vector_load %arg8[%parallel_loop3A_543, %parallel_loop3A_544, %parallel_loop3A_545, %parallel_loop3A_546] {strides = array<i32>} : memref<2x20x8x128xf32, #tpu.memory_space<vmem>>, vector<16xf32>,
      tpu.vector_store %arg8[%parallel_loop3A_543, %parallel_loop3A_544, %parallel_loop3A_545, %parallel_loop3A_546], %parallel_loop3A_540 {strides = array<i32>} : memref<2x20x8x128xf32, #tpu.memory_space<vmem>>, vector<16xf32>,
      %parallel_loop3A_548 = arith.constant 224 : i32
      %parallel_loop3A_549 = vector.broadcast %parallel_loop3A_548 : i32 to vector<16xi32>
      %parallel_loop3A_550 = arith.addi %parallel_loop3A_351, %parallel_loop3A_549 : vector<16xi32>
      %parallel_loop3A_551 = tpu.vector_load_idx %arg5[%parallel_loop3A_550] : memref<2560xf32, #tpu.memory_space<vmem>>[vector<16xi32>], vector<16xf32>,
      %parallel_loop3A_552 = arith.constant 1 : i32
      %parallel_loop3A_553 = arith.constant 6 : i32
      %parallel_loop3A_554 = arith.index_cast %parallel_loop3A_552 : i32 to index
      %parallel_loop3A_555 = arith.index_cast %parallel_loop3A_375 : i32 to index
      %parallel_loop3A_556 = arith.index_cast %parallel_loop3A_553 : i32 to index
      %parallel_loop3A_557 = arith.index_cast %parallel_loop3A_393 : i32 to index
      %parallel_loop3A_558 = tpu.vector_load %arg8[%parallel_loop3A_554, %parallel_loop3A_555, %parallel_loop3A_556, %parallel_loop3A_557] {strides = array<i32>} : memref<2x20x8x128xf32, #tpu.memory_space<vmem>>, vector<16xf32>,
      tpu.vector_store %arg8[%parallel_loop3A_554, %parallel_loop3A_555, %parallel_loop3A_556, %parallel_loop3A_557], %parallel_loop3A_551 {strides = array<i32>} : memref<2x20x8x128xf32, #tpu.memory_space<vmem>>, vector<16xf32>,
      %parallel_loop3A_559 = arith.constant 240 : i32
      %parallel_loop3A_560 = vector.broadcast %parallel_loop3A_559 : i32 to vector<16xi32>
      %parallel_loop3A_561 = arith.addi %parallel_loop3A_351, %parallel_loop3A_560 : vector<16xi32>
      %parallel_loop3A_562 = tpu.vector_load_idx %arg5[%parallel_loop3A_561] : memref<2560xf32, #tpu.memory_space<vmem>>[vector<16xi32>], vector<16xf32>,
      %parallel_loop3A_563 = arith.constant 1 : i32
      %parallel_loop3A_564 = arith.constant 7 : i32
      %parallel_loop3A_565 = arith.index_cast %parallel_loop3A_563 : i32 to index
      %parallel_loop3A_566 = arith.index_cast %parallel_loop3A_375 : i32 to index
      %parallel_loop3A_567 = arith.index_cast %parallel_loop3A_564 : i32 to index
      %parallel_loop3A_568 = arith.index_cast %parallel_loop3A_393 : i32 to index
      %parallel_loop3A_569 = tpu.vector_load %arg8[%parallel_loop3A_565, %parallel_loop3A_566, %parallel_loop3A_567, %parallel_loop3A_568] {strides = array<i32>} : memref<2x20x8x128xf32, #tpu.memory_space<vmem>>, vector<16xf32>,
      tpu.vector_store %arg8[%parallel_loop3A_565, %parallel_loop3A_566, %parallel_loop3A_567, %parallel_loop3A_568], %parallel_loop3A_562 {strides = array<i32>} : memref<2x20x8x128xf32, #tpu.memory_space<vmem>>, vector<16xf32>,
    } {sc.loop_unroll_factor = 4 : i64, sc.parallel_access}
    %add3A_26 = arith.constant 0 : i32
    %add3A_27 = arith.addi %add3A, %add3A_26 : i32
    %min3A_28 = arith.constant 1249 : i32
    %min3A_29 = arith.minsi %add3A_27, %min3A_28 : i32
    %mul3A_30 = arith.constant 20 : i32
    %mul3A_31 = arith.muli %min3A_29, %mul3A_30 : i32
    %mul3A_32 = arith.constant 20 : i32
    %mul3A_33 = arith.muli %min3A_29, %mul3A_32 : i32
    %dma_start3A_34 = arith.constant 0 : i32
    %dma_start3A_35 = arith.constant 0 : i32
    %dma_start3A_36 = arith.constant 0 : i32
    %dma_start3A_37 = arith.constant 0 : i32
    %dma_start3A_38 = arith.constant 0 : i32
    %dma_start3A_39 = tpu.memref_slice %arg8[%dma_start3A_34, %dma_start3A_36, %dma_start3A_37, %dma_start3A_38] : memref<2x20x8x128xf32, #tpu.memory_space<vmem>> -> memref<1x20x8x128xf32, #tpu.memory_space<vmem>>
    %dma_start3A_40 = tpu.memref_squeeze %dma_start3A_39 : memref<1x20x8x128xf32, #tpu.memory_space<vmem>> -> memref<20x8x128xf32, #tpu.memory_space<vmem>>
    %dma_start3A_41 = arith.constant 0 : i32
    %dma_start3A_42 = arith.constant 0 : i32
    %dma_start3A_43 = tpu.memref_slice %arg4[%dma_start3A_35, %mul3A_31, %dma_start3A_41, %dma_start3A_42] : memref<2x25000x8x128xf32, #tpu.memory_space<hbm>> -> memref<1x20x8x128xf32, #tpu.memory_space<hbm>>
    %dma_start3A_44 = tpu.memref_squeeze %dma_start3A_43 : memref<1x20x8x128xf32, #tpu.memory_space<hbm>> -> memref<20x8x128xf32, #tpu.memory_space<hbm>>
    %dma_start3A_45 = arith.constant 0 : i32
    %dma_start3A_46 = arith.constant 0 : i32
    %dma_start3A_47 = tpu.memref_slice %arg4[%dma_start3A_35, %mul3A_31, %dma_start3A_45, %dma_start3A_46] : memref<2x25000x8x128xf32, #tpu.memory_space<hbm>> -> memref<1x20x8x128xf32, #tpu.memory_space<hbm>>
    %dma_start3A_48 = tpu.memref_squeeze %dma_start3A_47 : memref<1x20x8x128xf32, #tpu.memory_space<hbm>> -> memref<20x8x128xf32, #tpu.memory_space<hbm>>
    %dma_start3A_49 = arith.constant 0 : i32
    %dma_start3A_50 = arith.constant 0 : i32
    %dma_start3A_51 = arith.constant 0 : i32
    %dma_start3A_52 = tpu.memref_slice %arg8[%dma_start3A_34, %dma_start3A_49, %dma_start3A_50, %dma_start3A_51] : memref<2x20x8x128xf32, #tpu.memory_space<vmem>> -> memref<1x20x8x128xf32, #tpu.memory_space<vmem>>
    %dma_start3A_53 = tpu.memref_squeeze %dma_start3A_52 : memref<1x20x8x128xf32, #tpu.memory_space<vmem>> -> memref<20x8x128xf32, #tpu.memory_space<vmem>>
    tpu.enqueue_dma source(%dma_start3A_53 : memref<20x8x128xf32, #tpu.memory_space<vmem>>) target(%dma_start3A_48 : memref<20x8x128xf32, #tpu.memory_space<hbm>>) target_semaphore(%arg12 : memref<!tpu.dma_semaphore, #tpu.memory_space<semaphore_mem>>)
    %dma_start3A_54 = arith.constant 1 : i32
    %dma_start3A_55 = arith.constant 1 : i32
    %dma_start3A_56 = arith.constant 0 : i32
    %dma_start3A_57 = arith.constant 0 : i32
    %dma_start3A_58 = arith.constant 0 : i32
    %dma_start3A_59 = tpu.memref_slice %arg8[%dma_start3A_54, %dma_start3A_56, %dma_start3A_57, %dma_start3A_58] : memref<2x20x8x128xf32, #tpu.memory_space<vmem>> -> memref<1x20x8x128xf32, #tpu.memory_space<vmem>>
    %dma_start3A_60 = tpu.memref_squeeze %dma_start3A_59 : memref<1x20x8x128xf32, #tpu.memory_space<vmem>> -> memref<20x8x128xf32, #tpu.memory_space<vmem>>
    %dma_start3A_61 = arith.constant 0 : i32
    %dma_start3A_62 = arith.constant 0 : i32
    %dma_start3A_63 = tpu.memref_slice %arg4[%dma_start3A_55, %mul3A_33, %dma_start3A_61, %dma_start3A_62] : memref<2x25000x8x128xf32, #tpu.memory_space<hbm>> -> memref<1x20x8x128xf32, #tpu.memory_space<hbm>>
    %dma_start3A_64 = tpu.memref_squeeze %dma_start3A_63 : memref<1x20x8x128xf32, #tpu.memory_space<hbm>> -> memref<20x8x128xf32, #tpu.memory_space<hbm>>
    %dma_start3A_65 = arith.constant 0 : i32
    %dma_start3A_66 = arith.constant 0 : i32
    %dma_start3A_67 = tpu.memref_slice %arg4[%dma_start3A_55, %mul3A_33, %dma_start3A_65, %dma_start3A_66] : memref<2x25000x8x128xf32, #tpu.memory_space<hbm>> -> memref<1x20x8x128xf32, #tpu.memory_space<hbm>>
    %dma_start3A_68 = tpu.memref_squeeze %dma_start3A_67 : memref<1x20x8x128xf32, #tpu.memory_space<hbm>> -> memref<20x8x128xf32, #tpu.memory_space<hbm>>
    %dma_start3A_69 = arith.constant 0 : i32
    %dma_start3A_70 = arith.constant 0 : i32
    %dma_start3A_71 = arith.constant 0 : i32
    %dma_start3A_72 = tpu.memref_slice %arg8[%dma_start3A_54, %dma_start3A_69, %dma_start3A_70, %dma_start3A_71] : memref<2x20x8x128xf32, #tpu.memory_space<vmem>> -> memref<1x20x8x128xf32, #tpu.memory_space<vmem>>
    %dma_start3A_73 = tpu.memref_squeeze %dma_start3A_72 : memref<1x20x8x128xf32, #tpu.memory_space<vmem>> -> memref<20x8x128xf32, #tpu.memory_space<vmem>>
    tpu.enqueue_dma source(%dma_start3A_73 : memref<20x8x128xf32, #tpu.memory_space<vmem>>) target(%dma_start3A_68 : memref<20x8x128xf32, #tpu.memory_space<hbm>>) target_semaphore(%arg12 : memref<!tpu.dma_semaphore, #tpu.memory_space<semaphore_mem>>)
    %add3A_74 = arith.constant 64 : i32
    %add3A_75 = arith.addi %add3A, %add3A_74 : i32
    %min3A_76 = arith.constant 1249 : i32
    %min3A_77 = arith.minsi %add3A_75, %min3A_76 : i32
    %mul3A_78 = arith.constant 2560 : i32
    %mul3A_79 = arith.muli %min3A_77, %mul3A_78 : i32
    %dma_start3A_80 = tpu.memref_slice %arg2[%mul3A_79] : memref<3200000xi32, #tpu.memory_space<hbm>> -> memref<2560xi32, #tpu.memory_space<hbm>>
    %dma_start3A_81 = tpu.memref_slice %arg2[%mul3A_79] : memref<3200000xi32, #tpu.memory_space<hbm>> -> memref<2560xi32, #tpu.memory_space<hbm>>
    tpu.enqueue_dma source(%dma_start3A_81 : memref<2560xi32, #tpu.memory_space<hbm>>) target(%arg6 : memref<2560xi32, #tpu.memory_space<vmem>>) target_semaphore(%arg10 : memref<!tpu.dma_semaphore, #tpu.memory_space<semaphore_mem>>)
    %add3A_82 = arith.constant 32 : i32
    %add3A_83 = arith.addi %add3A, %add3A_82 : i32
    %min3A_84 = arith.constant 1249 : i32
    %min3A_85 = arith.minsi %add3A_83, %min3A_84 : i32
    %mul3A_86 = arith.constant 2560 : i32
    %mul3A_87 = arith.muli %min3A_85, %mul3A_86 : i32
    %dma_wait3A_88 = tpu.memref_slice %arg2[%mul3A_87] : memref<3200000xi32, #tpu.memory_space<hbm>> -> memref<2560xi32, #tpu.memory_space<hbm>>
    %dma_wait3A_89 = tpu.memref_slice %arg2[%mul3A_87] : memref<3200000xi32, #tpu.memory_space<hbm>> -> memref<2560xi32, #tpu.memory_space<hbm>>
    tpu.wait_dma2 semaphore(%arg11 : memref<!tpu.dma_semaphore, #tpu.memory_space<semaphore_mem>>) src(%dma_wait3A_89 : memref<2560xi32, #tpu.memory_space<hbm>>) dst(%arg7 : memref<2560xi32, #tpu.memory_space<vmem>>)
    %parallel_loop3A_90 = arith.constant 0 : i32
    %parallel_loop3A_91 = arith.constant 160 : i32
    %parallel_loop3A_92 = arith.constant 1 : i32
    scf.for %parallel_loop3A_343 = %parallel_loop3A_90 to %parallel_loop3A_91 step %parallel_loop3A_92  : i32 {
      %parallel_loop3A_344 = arith.constant 16 : i32
      %parallel_loop3A_345 = arith.muli %parallel_loop3A_343, %parallel_loop3A_344 : i32
      %parallel_loop3A_346 = arith.index_cast %parallel_loop3A_345 : i32 to index
      %parallel_loop3A_347 = tpu.vector_load %arg7[%parallel_loop3A_346] {strides = array<i32>} : memref<2560xi32, #tpu.memory_space<vmem>>, vector<16xi32>,
      %parallel_loop3A_348 = arith.constant 256 : i32
      %parallel_loop3A_349 = vector.broadcast %parallel_loop3A_348 : i32 to vector<16xi32>
      %parallel_loop3A_350 = arith.muli %parallel_loop3A_347, %parallel_loop3A_349 : vector<16xi32>
      %parallel_loop3A_351 = arith.addi %parallel_loop3A_350, %iota3A : vector<16xi32>
      %parallel_loop3A_352 = arith.constant 8 : i32
      %parallel_loop3A_353 = arith.divsi %parallel_loop3A_343, %parallel_loop3A_352 : i32
      %parallel_loop3A_354 = arith.constant 0 : i32
      %parallel_loop3A_355 = arith.cmpi sgt, %parallel_loop3A_343, %parallel_loop3A_354 : i32
      %parallel_loop3A_356 = arith.extui %parallel_loop3A_355 : i1 to i32
      %parallel_loop3A_357 = arith.constant 0 : i32
      %parallel_loop3A_358 = arith.cmpi slt, %parallel_loop3A_343, %parallel_loop3A_357 : i32
      %parallel_loop3A_359 = arith.extui %parallel_loop3A_358 : i1 to i32
      %parallel_loop3A_360 = arith.subi %parallel_loop3A_356, %parallel_loop3A_359 : i32
      %parallel_loop3A_361 = arith.constant 0 : i32
      %parallel_loop3A_362 = arith.cmpi sgt, %parallel_loop3A_352, %parallel_loop3A_361 : i32
      %parallel_loop3A_363 = arith.extui %parallel_loop3A_362 : i1 to i32
      %parallel_loop3A_364 = arith.constant 0 : i32
      %parallel_loop3A_365 = arith.cmpi slt, %parallel_loop3A_352, %parallel_loop3A_364 : i32
      %parallel_loop3A_366 = arith.extui %parallel_loop3A_365 : i1 to i32
      %parallel_loop3A_367 = arith.subi %parallel_loop3A_363, %parallel_loop3A_366 : i32
      %parallel_loop3A_368 = arith.cmpi ne, %parallel_loop3A_360, %parallel_loop3A_367 : i32
      %parallel_loop3A_369 = arith.remsi %parallel_loop3A_343, %parallel_loop3A_352 : i32
      %parallel_loop3A_370 = arith.constant 0 : i32
      %parallel_loop3A_371 = arith.cmpi ne, %parallel_loop3A_369, %parallel_loop3A_370 : i32
      %parallel_loop3A_372 = arith.andi %parallel_loop3A_368, %parallel_loop3A_371 : i1
      %parallel_loop3A_373 = arith.constant 1 : i32
      %parallel_loop3A_374 = arith.subi %parallel_loop3A_353, %parallel_loop3A_373 : i32
      %parallel_loop3A_375 = arith.select %parallel_loop3A_372, %parallel_loop3A_374, %parallel_loop3A_353 : i32
      %parallel_loop3A_376 = arith.constant 8 : i32
      %parallel_loop3A_377 = arith.constant 0 : i32
      %parallel_loop3A_378 = arith.cmpi eq, %parallel_loop3A_376, %parallel_loop3A_377 : i32
      %parallel_loop3A_379 = arith.constant 1 : i32
      %parallel_loop3A_380 = arith.select %parallel_loop3A_378, %parallel_loop3A_379, %parallel_loop3A_376 : i32
      %parallel_loop3A_381 = arith.remsi %parallel_loop3A_343, %parallel_loop3A_380 : i32
      %parallel_loop3A_382 = arith.constant 0 : i32
      %parallel_loop3A_383 = arith.cmpi ne, %parallel_loop3A_381, %parallel_loop3A_382 : i32
      %parallel_loop3A_384 = arith.constant 0 : i32
      %parallel_loop3A_385 = arith.cmpi slt, %parallel_loop3A_381, %parallel_loop3A_384 : i32
      %parallel_loop3A_386 = arith.constant 0 : i32
      %parallel_loop3A_387 = arith.cmpi slt, %parallel_loop3A_380, %parallel_loop3A_386 : i32
      %parallel_loop3A_388 = arith.xori %parallel_loop3A_385, %parallel_loop3A_387 : i1
      %parallel_loop3A_389 = arith.andi %parallel_loop3A_388, %parallel_loop3A_383 : i1
      %parallel_loop3A_390 = arith.addi %parallel_loop3A_381, %parallel_loop3A_380 : i32
      %parallel_loop3A_391 = arith.select %parallel_loop3A_389, %parallel_loop3A_390, %parallel_loop3A_381 : i32
      %parallel_loop3A_392 = arith.constant 16 : i32
      %parallel_loop3A_393 = arith.muli %parallel_loop3A_391, %parallel_loop3A_392 : i32
      %parallel_loop3A_394 = arith.constant 0 : i32
      %parallel_loop3A_395 = vector.broadcast %parallel_loop3A_394 : i32 to vector<16xi32>
      %parallel_loop3A_396 = arith.addi %parallel_loop3A_351, %parallel_loop3A_395 : vector<16xi32>
      %parallel_loop3A_397 = tpu.vector_load_idx %arg5[%parallel_loop3A_396] : memref<2560xf32, #tpu.memory_space<vmem>>[vector<16xi32>], vector<16xf32>,
      %parallel_loop3A_398 = arith.constant 0 : i32
      %parallel_loop3A_399 = arith.constant 0 : i32
      %parallel_loop3A_400 = arith.index_cast %parallel_loop3A_398 : i32 to index
      %parallel_loop3A_401 = arith.index_cast %parallel_loop3A_375 : i32 to index
      %parallel_loop3A_402 = arith.index_cast %parallel_loop3A_399 : i32 to index
      %parallel_loop3A_403 = arith.index_cast %parallel_loop3A_393 : i32 to index
      %parallel_loop3A_404 = tpu.vector_load %arg9[%parallel_loop3A_400, %parallel_loop3A_401, %parallel_loop3A_402, %parallel_loop3A_403] {strides = array<i32>} : memref<2x20x8x128xf32, #tpu.memory_space<vmem>>, vector<16xf32>,
      tpu.vector_store %arg9[%parallel_loop3A_400, %parallel_loop3A_401, %parallel_loop3A_402, %parallel_loop3A_403], %parallel_loop3A_397 {strides = array<i32>} : memref<2x20x8x128xf32, #tpu.memory_space<vmem>>, vector<16xf32>,
      %parallel_loop3A_405 = arith.constant 16 : i32
      %parallel_loop3A_406 = vector.broadcast %parallel_loop3A_405 : i32 to vector<16xi32>
      %parallel_loop3A_407 = arith.addi %parallel_loop3A_351, %parallel_loop3A_406 : vector<16xi32>
      %parallel_loop3A_408 = tpu.vector_load_idx %arg5[%parallel_loop3A_407] : memref<2560xf32, #tpu.memory_space<vmem>>[vector<16xi32>], vector<16xf32>,
      %parallel_loop3A_409 = arith.constant 0 : i32
      %parallel_loop3A_410 = arith.constant 1 : i32
      %parallel_loop3A_411 = arith.index_cast %parallel_loop3A_409 : i32 to index
      %parallel_loop3A_412 = arith.index_cast %parallel_loop3A_375 : i32 to index
      %parallel_loop3A_413 = arith.index_cast %parallel_loop3A_410 : i32 to index
      %parallel_loop3A_414 = arith.index_cast %parallel_loop3A_393 : i32 to index
      %parallel_loop3A_415 = tpu.vector_load %arg9[%parallel_loop3A_411, %parallel_loop3A_412, %parallel_loop3A_413, %parallel_loop3A_414] {strides = array<i32>} : memref<2x20x8x128xf32, #tpu.memory_space<vmem>>, vector<16xf32>,
      tpu.vector_store %arg9[%parallel_loop3A_411, %parallel_loop3A_412, %parallel_loop3A_413, %parallel_loop3A_414], %parallel_loop3A_408 {strides = array<i32>} : memref<2x20x8x128xf32, #tpu.memory_space<vmem>>, vector<16xf32>,
      %parallel_loop3A_416 = arith.constant 32 : i32
      %parallel_loop3A_417 = vector.broadcast %parallel_loop3A_416 : i32 to vector<16xi32>
      %parallel_loop3A_418 = arith.addi %parallel_loop3A_351, %parallel_loop3A_417 : vector<16xi32>
      %parallel_loop3A_419 = tpu.vector_load_idx %arg5[%parallel_loop3A_418] : memref<2560xf32, #tpu.memory_space<vmem>>[vector<16xi32>], vector<16xf32>,
      %parallel_loop3A_420 = arith.constant 0 : i32
      %parallel_loop3A_421 = arith.constant 2 : i32
      %parallel_loop3A_422 = arith.index_cast %parallel_loop3A_420 : i32 to index
      %parallel_loop3A_423 = arith.index_cast %parallel_loop3A_375 : i32 to index
      %parallel_loop3A_424 = arith.index_cast %parallel_loop3A_421 : i32 to index
      %parallel_loop3A_425 = arith.index_cast %parallel_loop3A_393 : i32 to index
      %parallel_loop3A_426 = tpu.vector_load %arg9[%parallel_loop3A_422, %parallel_loop3A_423, %parallel_loop3A_424, %parallel_loop3A_425] {strides = array<i32>} : memref<2x20x8x128xf32, #tpu.memory_space<vmem>>, vector<16xf32>,
      tpu.vector_store %arg9[%parallel_loop3A_422, %parallel_loop3A_423, %parallel_loop3A_424, %parallel_loop3A_425], %parallel_loop3A_419 {strides = array<i32>} : memref<2x20x8x128xf32, #tpu.memory_space<vmem>>, vector<16xf32>,
      %parallel_loop3A_427 = arith.constant 48 : i32
      %parallel_loop3A_428 = vector.broadcast %parallel_loop3A_427 : i32 to vector<16xi32>
      %parallel_loop3A_429 = arith.addi %parallel_loop3A_351, %parallel_loop3A_428 : vector<16xi32>
      %parallel_loop3A_430 = tpu.vector_load_idx %arg5[%parallel_loop3A_429] : memref<2560xf32, #tpu.memory_space<vmem>>[vector<16xi32>], vector<16xf32>,
      %parallel_loop3A_431 = arith.constant 0 : i32
      %parallel_loop3A_432 = arith.constant 3 : i32
      %parallel_loop3A_433 = arith.index_cast %parallel_loop3A_431 : i32 to index
      %parallel_loop3A_434 = arith.index_cast %parallel_loop3A_375 : i32 to index
      %parallel_loop3A_435 = arith.index_cast %parallel_loop3A_432 : i32 to index
      %parallel_loop3A_436 = arith.index_cast %parallel_loop3A_393 : i32 to index
      %parallel_loop3A_437 = tpu.vector_load %arg9[%parallel_loop3A_433, %parallel_loop3A_434, %parallel_loop3A_435, %parallel_loop3A_436] {strides = array<i32>} : memref<2x20x8x128xf32, #tpu.memory_space<vmem>>, vector<16xf32>,
      tpu.vector_store %arg9[%parallel_loop3A_433, %parallel_loop3A_434, %parallel_loop3A_435, %parallel_loop3A_436], %parallel_loop3A_430 {strides = array<i32>} : memref<2x20x8x128xf32, #tpu.memory_space<vmem>>, vector<16xf32>,
      %parallel_loop3A_438 = arith.constant 64 : i32
      %parallel_loop3A_439 = vector.broadcast %parallel_loop3A_438 : i32 to vector<16xi32>
      %parallel_loop3A_440 = arith.addi %parallel_loop3A_351, %parallel_loop3A_439 : vector<16xi32>
      %parallel_loop3A_441 = tpu.vector_load_idx %arg5[%parallel_loop3A_440] : memref<2560xf32, #tpu.memory_space<vmem>>[vector<16xi32>], vector<16xf32>,
      %parallel_loop3A_442 = arith.constant 0 : i32
      %parallel_loop3A_443 = arith.constant 4 : i32
      %parallel_loop3A_444 = arith.index_cast %parallel_loop3A_442 : i32 to index
      %parallel_loop3A_445 = arith.index_cast %parallel_loop3A_375 : i32 to index
      %parallel_loop3A_446 = arith.index_cast %parallel_loop3A_443 : i32 to index
      %parallel_loop3A_447 = arith.index_cast %parallel_loop3A_393 : i32 to index
      %parallel_loop3A_448 = tpu.vector_load %arg9[%parallel_loop3A_444, %parallel_loop3A_445, %parallel_loop3A_446, %parallel_loop3A_447] {strides = array<i32>} : memref<2x20x8x128xf32, #tpu.memory_space<vmem>>, vector<16xf32>,
      tpu.vector_store %arg9[%parallel_loop3A_444, %parallel_loop3A_445, %parallel_loop3A_446, %parallel_loop3A_447], %parallel_loop3A_441 {strides = array<i32>} : memref<2x20x8x128xf32, #tpu.memory_space<vmem>>, vector<16xf32>,
      %parallel_loop3A_449 = arith.constant 80 : i32
      %parallel_loop3A_450 = vector.broadcast %parallel_loop3A_449 : i32 to vector<16xi32>
      %parallel_loop3A_451 = arith.addi %parallel_loop3A_351, %parallel_loop3A_450 : vector<16xi32>
      %parallel_loop3A_452 = tpu.vector_load_idx %arg5[%parallel_loop3A_451] : memref<2560xf32, #tpu.memory_space<vmem>>[vector<16xi32>], vector<16xf32>,
      %parallel_loop3A_453 = arith.constant 0 : i32
      %parallel_loop3A_454 = arith.constant 5 : i32
      %parallel_loop3A_455 = arith.index_cast %parallel_loop3A_453 : i32 to index
      %parallel_loop3A_456 = arith.index_cast %parallel_loop3A_375 : i32 to index
      %parallel_loop3A_457 = arith.index_cast %parallel_loop3A_454 : i32 to index
      %parallel_loop3A_458 = arith.index_cast %parallel_loop3A_393 : i32 to index
      %parallel_loop3A_459 = tpu.vector_load %arg9[%parallel_loop3A_455, %parallel_loop3A_456, %parallel_loop3A_457, %parallel_loop3A_458] {strides = array<i32>} : memref<2x20x8x128xf32, #tpu.memory_space<vmem>>, vector<16xf32>,
      tpu.vector_store %arg9[%parallel_loop3A_455, %parallel_loop3A_456, %parallel_loop3A_457, %parallel_loop3A_458], %parallel_loop3A_452 {strides = array<i32>} : memref<2x20x8x128xf32, #tpu.memory_space<vmem>>, vector<16xf32>,
      %parallel_loop3A_460 = arith.constant 96 : i32
      %parallel_loop3A_461 = vector.broadcast %parallel_loop3A_460 : i32 to vector<16xi32>
      %parallel_loop3A_462 = arith.addi %parallel_loop3A_351, %parallel_loop3A_461 : vector<16xi32>
      %parallel_loop3A_463 = tpu.vector_load_idx %arg5[%parallel_loop3A_462] : memref<2560xf32, #tpu.memory_space<vmem>>[vector<16xi32>], vector<16xf32>,
      %parallel_loop3A_464 = arith.constant 0 : i32
      %parallel_loop3A_465 = arith.constant 6 : i32
      %parallel_loop3A_466 = arith.index_cast %parallel_loop3A_464 : i32 to index
      %parallel_loop3A_467 = arith.index_cast %parallel_loop3A_375 : i32 to index
      %parallel_loop3A_468 = arith.index_cast %parallel_loop3A_465 : i32 to index
      %parallel_loop3A_469 = arith.index_cast %parallel_loop3A_393 : i32 to index
      %parallel_loop3A_470 = tpu.vector_load %arg9[%parallel_loop3A_466, %parallel_loop3A_467, %parallel_loop3A_468, %parallel_loop3A_469] {strides = array<i32>} : memref<2x20x8x128xf32, #tpu.memory_space<vmem>>, vector<16xf32>,
      tpu.vector_store %arg9[%parallel_loop3A_466, %parallel_loop3A_467, %parallel_loop3A_468, %parallel_loop3A_469], %parallel_loop3A_463 {strides = array<i32>} : memref<2x20x8x128xf32, #tpu.memory_space<vmem>>, vector<16xf32>,
      %parallel_loop3A_471 = arith.constant 112 : i32
      %parallel_loop3A_472 = vector.broadcast %parallel_loop3A_471 : i32 to vector<16xi32>
      %parallel_loop3A_473 = arith.addi %parallel_loop3A_351, %parallel_loop3A_472 : vector<16xi32>
      %parallel_loop3A_474 = tpu.vector_load_idx %arg5[%parallel_loop3A_473] : memref<2560xf32, #tpu.memory_space<vmem>>[vector<16xi32>], vector<16xf32>,
      %parallel_loop3A_475 = arith.constant 0 : i32
      %parallel_loop3A_476 = arith.constant 7 : i32
      %parallel_loop3A_477 = arith.index_cast %parallel_loop3A_475 : i32 to index
      %parallel_loop3A_478 = arith.index_cast %parallel_loop3A_375 : i32 to index
      %parallel_loop3A_479 = arith.index_cast %parallel_loop3A_476 : i32 to index
      %parallel_loop3A_480 = arith.index_cast %parallel_loop3A_393 : i32 to index
      %parallel_loop3A_481 = tpu.vector_load %arg9[%parallel_loop3A_477, %parallel_loop3A_478, %parallel_loop3A_479, %parallel_loop3A_480] {strides = array<i32>} : memref<2x20x8x128xf32, #tpu.memory_space<vmem>>, vector<16xf32>,
      tpu.vector_store %arg9[%parallel_loop3A_477, %parallel_loop3A_478, %parallel_loop3A_479, %parallel_loop3A_480], %parallel_loop3A_474 {strides = array<i32>} : memref<2x20x8x128xf32, #tpu.memory_space<vmem>>, vector<16xf32>,
      %parallel_loop3A_482 = arith.constant 128 : i32
      %parallel_loop3A_483 = vector.broadcast %parallel_loop3A_482 : i32 to vector<16xi32>
      %parallel_loop3A_484 = arith.addi %parallel_loop3A_351, %parallel_loop3A_483 : vector<16xi32>
      %parallel_loop3A_485 = tpu.vector_load_idx %arg5[%parallel_loop3A_484] : memref<2560xf32, #tpu.memory_space<vmem>>[vector<16xi32>], vector<16xf32>,
      %parallel_loop3A_486 = arith.constant 1 : i32
      %parallel_loop3A_487 = arith.constant 0 : i32
      %parallel_loop3A_488 = arith.index_cast %parallel_loop3A_486 : i32 to index
      %parallel_loop3A_489 = arith.index_cast %parallel_loop3A_375 : i32 to index
      %parallel_loop3A_490 = arith.index_cast %parallel_loop3A_487 : i32 to index
      %parallel_loop3A_491 = arith.index_cast %parallel_loop3A_393 : i32 to index
      %parallel_loop3A_492 = tpu.vector_load %arg9[%parallel_loop3A_488, %parallel_loop3A_489, %parallel_loop3A_490, %parallel_loop3A_491] {strides = array<i32>} : memref<2x20x8x128xf32, #tpu.memory_space<vmem>>, vector<16xf32>,
      tpu.vector_store %arg9[%parallel_loop3A_488, %parallel_loop3A_489, %parallel_loop3A_490, %parallel_loop3A_491], %parallel_loop3A_485 {strides = array<i32>} : memref<2x20x8x128xf32, #tpu.memory_space<vmem>>, vector<16xf32>,
      %parallel_loop3A_493 = arith.constant 144 : i32
      %parallel_loop3A_494 = vector.broadcast %parallel_loop3A_493 : i32 to vector<16xi32>
      %parallel_loop3A_495 = arith.addi %parallel_loop3A_351, %parallel_loop3A_494 : vector<16xi32>
      %parallel_loop3A_496 = tpu.vector_load_idx %arg5[%parallel_loop3A_495] : memref<2560xf32, #tpu.memory_space<vmem>>[vector<16xi32>], vector<16xf32>,
      %parallel_loop3A_497 = arith.constant 1 : i32
      %parallel_loop3A_498 = arith.constant 1 : i32
      %parallel_loop3A_499 = arith.index_cast %parallel_loop3A_497 : i32 to index
      %parallel_loop3A_500 = arith.index_cast %parallel_loop3A_375 : i32 to index
      %parallel_loop3A_501 = arith.index_cast %parallel_loop3A_498 : i32 to index
      %parallel_loop3A_502 = arith.index_cast %parallel_loop3A_393 : i32 to index
      %parallel_loop3A_503 = tpu.vector_load %arg9[%parallel_loop3A_499, %parallel_loop3A_500, %parallel_loop3A_501, %parallel_loop3A_502] {strides = array<i32>} : memref<2x20x8x128xf32, #tpu.memory_space<vmem>>, vector<16xf32>,
      tpu.vector_store %arg9[%parallel_loop3A_499, %parallel_loop3A_500, %parallel_loop3A_501, %parallel_loop3A_502], %parallel_loop3A_496 {strides = array<i32>} : memref<2x20x8x128xf32, #tpu.memory_space<vmem>>, vector<16xf32>,
      %parallel_loop3A_504 = arith.constant 160 : i32
      %parallel_loop3A_505 = vector.broadcast %parallel_loop3A_504 : i32 to vector<16xi32>
      %parallel_loop3A_506 = arith.addi %parallel_loop3A_351, %parallel_loop3A_505 : vector<16xi32>
      %parallel_loop3A_507 = tpu.vector_load_idx %arg5[%parallel_loop3A_506] : memref<2560xf32, #tpu.memory_space<vmem>>[vector<16xi32>], vector<16xf32>,
      %parallel_loop3A_508 = arith.constant 1 : i32
      %parallel_loop3A_509 = arith.constant 2 : i32
      %parallel_loop3A_510 = arith.index_cast %parallel_loop3A_508 : i32 to index
      %parallel_loop3A_511 = arith.index_cast %parallel_loop3A_375 : i32 to index
      %parallel_loop3A_512 = arith.index_cast %parallel_loop3A_509 : i32 to index
      %parallel_loop3A_513 = arith.index_cast %parallel_loop3A_393 : i32 to index
      %parallel_loop3A_514 = tpu.vector_load %arg9[%parallel_loop3A_510, %parallel_loop3A_511, %parallel_loop3A_512, %parallel_loop3A_513] {strides = array<i32>} : memref<2x20x8x128xf32, #tpu.memory_space<vmem>>, vector<16xf32>,
      tpu.vector_store %arg9[%parallel_loop3A_510, %parallel_loop3A_511, %parallel_loop3A_512, %parallel_loop3A_513], %parallel_loop3A_507 {strides = array<i32>} : memref<2x20x8x128xf32, #tpu.memory_space<vmem>>, vector<16xf32>,
      %parallel_loop3A_515 = arith.constant 176 : i32
      %parallel_loop3A_516 = vector.broadcast %parallel_loop3A_515 : i32 to vector<16xi32>
      %parallel_loop3A_517 = arith.addi %parallel_loop3A_351, %parallel_loop3A_516 : vector<16xi32>
      %parallel_loop3A_518 = tpu.vector_load_idx %arg5[%parallel_loop3A_517] : memref<2560xf32, #tpu.memory_space<vmem>>[vector<16xi32>], vector<16xf32>,
      %parallel_loop3A_519 = arith.constant 1 : i32
      %parallel_loop3A_520 = arith.constant 3 : i32
      %parallel_loop3A_521 = arith.index_cast %parallel_loop3A_519 : i32 to index
      %parallel_loop3A_522 = arith.index_cast %parallel_loop3A_375 : i32 to index
      %parallel_loop3A_523 = arith.index_cast %parallel_loop3A_520 : i32 to index
      %parallel_loop3A_524 = arith.index_cast %parallel_loop3A_393 : i32 to index
      %parallel_loop3A_525 = tpu.vector_load %arg9[%parallel_loop3A_521, %parallel_loop3A_522, %parallel_loop3A_523, %parallel_loop3A_524] {strides = array<i32>} : memref<2x20x8x128xf32, #tpu.memory_space<vmem>>, vector<16xf32>,
      tpu.vector_store %arg9[%parallel_loop3A_521, %parallel_loop3A_522, %parallel_loop3A_523, %parallel_loop3A_524], %parallel_loop3A_518 {strides = array<i32>} : memref<2x20x8x128xf32, #tpu.memory_space<vmem>>, vector<16xf32>,
      %parallel_loop3A_526 = arith.constant 192 : i32
      %parallel_loop3A_527 = vector.broadcast %parallel_loop3A_526 : i32 to vector<16xi32>
      %parallel_loop3A_528 = arith.addi %parallel_loop3A_351, %parallel_loop3A_527 : vector<16xi32>
      %parallel_loop3A_529 = tpu.vector_load_idx %arg5[%parallel_loop3A_528] : memref<2560xf32, #tpu.memory_space<vmem>>[vector<16xi32>], vector<16xf32>,
      %parallel_loop3A_530 = arith.constant 1 : i32
      %parallel_loop3A_531 = arith.constant 4 : i32
      %parallel_loop3A_532 = arith.index_cast %parallel_loop3A_530 : i32 to index
      %parallel_loop3A_533 = arith.index_cast %parallel_loop3A_375 : i32 to index
      %parallel_loop3A_534 = arith.index_cast %parallel_loop3A_531 : i32 to index
      %parallel_loop3A_535 = arith.index_cast %parallel_loop3A_393 : i32 to index
      %parallel_loop3A_536 = tpu.vector_load %arg9[%parallel_loop3A_532, %parallel_loop3A_533, %parallel_loop3A_534, %parallel_loop3A_535] {strides = array<i32>} : memref<2x20x8x128xf32, #tpu.memory_space<vmem>>, vector<16xf32>,
      tpu.vector_store %arg9[%parallel_loop3A_532, %parallel_loop3A_533, %parallel_loop3A_534, %parallel_loop3A_535], %parallel_loop3A_529 {strides = array<i32>} : memref<2x20x8x128xf32, #tpu.memory_space<vmem>>, vector<16xf32>,
      %parallel_loop3A_537 = arith.constant 208 : i32
      %parallel_loop3A_538 = vector.broadcast %parallel_loop3A_537 : i32 to vector<16xi32>
      %parallel_loop3A_539 = arith.addi %parallel_loop3A_351, %parallel_loop3A_538 : vector<16xi32>
      %parallel_loop3A_540 = tpu.vector_load_idx %arg5[%parallel_loop3A_539] : memref<2560xf32, #tpu.memory_space<vmem>>[vector<16xi32>], vector<16xf32>,
      %parallel_loop3A_541 = arith.constant 1 : i32
      %parallel_loop3A_542 = arith.constant 5 : i32
      %parallel_loop3A_543 = arith.index_cast %parallel_loop3A_541 : i32 to index
      %parallel_loop3A_544 = arith.index_cast %parallel_loop3A_375 : i32 to index
      %parallel_loop3A_545 = arith.index_cast %parallel_loop3A_542 : i32 to index
      %parallel_loop3A_546 = arith.index_cast %parallel_loop3A_393 : i32 to index
      %parallel_loop3A_547 = tpu.vector_load %arg9[%parallel_loop3A_543, %parallel_loop3A_544, %parallel_loop3A_545, %parallel_loop3A_546] {strides = array<i32>} : memref<2x20x8x128xf32, #tpu.memory_space<vmem>>, vector<16xf32>,
      tpu.vector_store %arg9[%parallel_loop3A_543, %parallel_loop3A_544, %parallel_loop3A_545, %parallel_loop3A_546], %parallel_loop3A_540 {strides = array<i32>} : memref<2x20x8x128xf32, #tpu.memory_space<vmem>>, vector<16xf32>,
      %parallel_loop3A_548 = arith.constant 224 : i32
      %parallel_loop3A_549 = vector.broadcast %parallel_loop3A_548 : i32 to vector<16xi32>
      %parallel_loop3A_550 = arith.addi %parallel_loop3A_351, %parallel_loop3A_549 : vector<16xi32>
      %parallel_loop3A_551 = tpu.vector_load_idx %arg5[%parallel_loop3A_550] : memref<2560xf32, #tpu.memory_space<vmem>>[vector<16xi32>], vector<16xf32>,
      %parallel_loop3A_552 = arith.constant 1 : i32
      %parallel_loop3A_553 = arith.constant 6 : i32
      %parallel_loop3A_554 = arith.index_cast %parallel_loop3A_552 : i32 to index
      %parallel_loop3A_555 = arith.index_cast %parallel_loop3A_375 : i32 to index
      %parallel_loop3A_556 = arith.index_cast %parallel_loop3A_553 : i32 to index
      %parallel_loop3A_557 = arith.index_cast %parallel_loop3A_393 : i32 to index
      %parallel_loop3A_558 = tpu.vector_load %arg9[%parallel_loop3A_554, %parallel_loop3A_555, %parallel_loop3A_556, %parallel_loop3A_557] {strides = array<i32>} : memref<2x20x8x128xf32, #tpu.memory_space<vmem>>, vector<16xf32>,
      tpu.vector_store %arg9[%parallel_loop3A_554, %parallel_loop3A_555, %parallel_loop3A_556, %parallel_loop3A_557], %parallel_loop3A_551 {strides = array<i32>} : memref<2x20x8x128xf32, #tpu.memory_space<vmem>>, vector<16xf32>,
      %parallel_loop3A_559 = arith.constant 240 : i32
      %parallel_loop3A_560 = vector.broadcast %parallel_loop3A_559 : i32 to vector<16xi32>
      %parallel_loop3A_561 = arith.addi %parallel_loop3A_351, %parallel_loop3A_560 : vector<16xi32>
      %parallel_loop3A_562 = tpu.vector_load_idx %arg5[%parallel_loop3A_561] : memref<2560xf32, #tpu.memory_space<vmem>>[vector<16xi32>], vector<16xf32>,
      %parallel_loop3A_563 = arith.constant 1 : i32
      %parallel_loop3A_564 = arith.constant 7 : i32
      %parallel_loop3A_565 = arith.index_cast %parallel_loop3A_563 : i32 to index
      %parallel_loop3A_566 = arith.index_cast %parallel_loop3A_375 : i32 to index
      %parallel_loop3A_567 = arith.index_cast %parallel_loop3A_564 : i32 to index
      %parallel_loop3A_568 = arith.index_cast %parallel_loop3A_393 : i32 to index
      %parallel_loop3A_569 = tpu.vector_load %arg9[%parallel_loop3A_565, %parallel_loop3A_566, %parallel_loop3A_567, %parallel_loop3A_568] {strides = array<i32>} : memref<2x20x8x128xf32, #tpu.memory_space<vmem>>, vector<16xf32>,
      tpu.vector_store %arg9[%parallel_loop3A_565, %parallel_loop3A_566, %parallel_loop3A_567, %parallel_loop3A_568], %parallel_loop3A_562 {strides = array<i32>} : memref<2x20x8x128xf32, #tpu.memory_space<vmem>>, vector<16xf32>,
    } {sc.loop_unroll_factor = 4 : i64, sc.parallel_access}
    %add3A_93 = arith.constant 32 : i32
    %add3A_94 = arith.addi %add3A, %add3A_93 : i32
    %min3A_95 = arith.constant 1249 : i32
    %min3A_96 = arith.minsi %add3A_94, %min3A_95 : i32
    %mul3A_97 = arith.constant 20 : i32
    %mul3A_98 = arith.muli %min3A_96, %mul3A_97 : i32
    %mul3A_99 = arith.constant 20 : i32
    %mul3A_100 = arith.muli %min3A_96, %mul3A_99 : i32
    %dma_start3A_101 = arith.constant 0 : i32
    %dma_start3A_102 = arith.constant 0 : i32
    %dma_start3A_103 = arith.constant 0 : i32
    %dma_start3A_104 = arith.constant 0 : i32
    %dma_start3A_105 = arith.constant 0 : i32
    %dma_start3A_106 = tpu.memref_slice %arg9[%dma_start3A_101, %dma_start3A_103, %dma_start3A_104, %dma_start3A_105] : memref<2x20x8x128xf32, #tpu.memory_space<vmem>> -> memref<1x20x8x128xf32, #tpu.memory_space<vmem>>
    %dma_start3A_107 = tpu.memref_squeeze %dma_start3A_106 : memref<1x20x8x128xf32, #tpu.memory_space<vmem>> -> memref<20x8x128xf32, #tpu.memory_space<vmem>>
    %dma_start3A_108 = arith.constant 0 : i32
    %dma_start3A_109 = arith.constant 0 : i32
    %dma_start3A_110 = tpu.memref_slice %arg4[%dma_start3A_102, %mul3A_98, %dma_start3A_108, %dma_start3A_109] : memref<2x25000x8x128xf32, #tpu.memory_space<hbm>> -> memref<1x20x8x128xf32, #tpu.memory_space<hbm>>
    %dma_start3A_111 = tpu.memref_squeeze %dma_start3A_110 : memref<1x20x8x128xf32, #tpu.memory_space<hbm>> -> memref<20x8x128xf32, #tpu.memory_space<hbm>>
    %dma_start3A_112 = arith.constant 0 : i32
    %dma_start3A_113 = arith.constant 0 : i32
    %dma_start3A_114 = tpu.memref_slice %arg4[%dma_start3A_102, %mul3A_98, %dma_start3A_112, %dma_start3A_113] : memref<2x25000x8x128xf32, #tpu.memory_space<hbm>> -> memref<1x20x8x128xf32, #tpu.memory_space<hbm>>
    %dma_start3A_115 = tpu.memref_squeeze %dma_start3A_114 : memref<1x20x8x128xf32, #tpu.memory_space<hbm>> -> memref<20x8x128xf32, #tpu.memory_space<hbm>>
    %dma_start3A_116 = arith.constant 0 : i32
    %dma_start3A_117 = arith.constant 0 : i32
    %dma_start3A_118 = arith.constant 0 : i32
    %dma_start3A_119 = tpu.memref_slice %arg9[%dma_start3A_101, %dma_start3A_116, %dma_start3A_117, %dma_start3A_118] : memref<2x20x8x128xf32, #tpu.memory_space<vmem>> -> memref<1x20x8x128xf32, #tpu.memory_space<vmem>>
    %dma_start3A_120 = tpu.memref_squeeze %dma_start3A_119 : memref<1x20x8x128xf32, #tpu.memory_space<vmem>> -> memref<20x8x128xf32, #tpu.memory_space<vmem>>
    tpu.enqueue_dma source(%dma_start3A_120 : memref<20x8x128xf32, #tpu.memory_space<vmem>>) target(%dma_start3A_115 : memref<20x8x128xf32, #tpu.memory_space<hbm>>) target_semaphore(%arg13 : memref<!tpu.dma_semaphore, #tpu.memory_space<semaphore_mem>>)
    %dma_start3A_121 = arith.constant 1 : i32
    %dma_start3A_122 = arith.constant 1 : i32
    %dma_start3A_123 = arith.constant 0 : i32
    %dma_start3A_124 = arith.constant 0 : i32
    %dma_start3A_125 = arith.constant 0 : i32
    %dma_start3A_126 = tpu.memref_slice %arg9[%dma_start3A_121, %dma_start3A_123, %dma_start3A_124, %dma_start3A_125] : memref<2x20x8x128xf32, #tpu.memory_space<vmem>> -> memref<1x20x8x128xf32, #tpu.memory_space<vmem>>
    %dma_start3A_127 = tpu.memref_squeeze %dma_start3A_126 : memref<1x20x8x128xf32, #tpu.memory_space<vmem>> -> memref<20x8x128xf32, #tpu.memory_space<vmem>>
    %dma_start3A_128 = arith.constant 0 : i32
    %dma_start3A_129 = arith.constant 0 : i32
    %dma_start3A_130 = tpu.memref_slice %arg4[%dma_start3A_122, %mul3A_100, %dma_start3A_128, %dma_start3A_129] : memref<2x25000x8x128xf32, #tpu.memory_space<hbm>> -> memref<1x20x8x128xf32, #tpu.memory_space<hbm>>
    %dma_start3A_131 = tpu.memref_squeeze %dma_start3A_130 : memref<1x20x8x128xf32, #tpu.memory_space<hbm>> -> memref<20x8x128xf32, #tpu.memory_space<hbm>>
    %dma_start3A_132 = arith.constant 0 : i32
    %dma_start3A_133 = arith.constant 0 : i32
    %dma_start3A_134 = tpu.memref_slice %arg4[%dma_start3A_122, %mul3A_100, %dma_start3A_132, %dma_start3A_133] : memref<2x25000x8x128xf32, #tpu.memory_space<hbm>> -> memref<1x20x8x128xf32, #tpu.memory_space<hbm>>
    %dma_start3A_135 = tpu.memref_squeeze %dma_start3A_134 : memref<1x20x8x128xf32, #tpu.memory_space<hbm>> -> memref<20x8x128xf32, #tpu.memory_space<hbm>>
    %dma_start3A_136 = arith.constant 0 : i32
    %dma_start3A_137 = arith.constant 0 : i32
    %dma_start3A_138 = arith.constant 0 : i32
    %dma_start3A_139 = tpu.memref_slice %arg9[%dma_start3A_121, %dma_start3A_136, %dma_start3A_137, %dma_start3A_138] : memref<2x20x8x128xf32, #tpu.memory_space<vmem>> -> memref<1x20x8x128xf32, #tpu.memory_space<vmem>>
    %dma_start3A_140 = tpu.memref_squeeze %dma_start3A_139 : memref<1x20x8x128xf32, #tpu.memory_space<vmem>> -> memref<20x8x128xf32, #tpu.memory_space<vmem>>
    tpu.enqueue_dma source(%dma_start3A_140 : memref<20x8x128xf32, #tpu.memory_space<vmem>>) target(%dma_start3A_135 : memref<20x8x128xf32, #tpu.memory_space<hbm>>) target_semaphore(%arg13 : memref<!tpu.dma_semaphore, #tpu.memory_space<semaphore_mem>>)
    %add3A_141 = arith.constant 96 : i32
    %add3A_142 = arith.addi %add3A, %add3A_141 : i32
    %min3A_143 = arith.constant 1249 : i32
    %min3A_144 = arith.minsi %add3A_142, %min3A_143 : i32
    %mul3A_145 = arith.constant 2560 : i32
    %mul3A_146 = arith.muli %min3A_144, %mul3A_145 : i32
    %dma_start3A_147 = tpu.memref_slice %arg2[%mul3A_146] : memref<3200000xi32, #tpu.memory_space<hbm>> -> memref<2560xi32, #tpu.memory_space<hbm>>
    %dma_start3A_148 = tpu.memref_slice %arg2[%mul3A_146] : memref<3200000xi32, #tpu.memory_space<hbm>> -> memref<2560xi32, #tpu.memory_space<hbm>>
    tpu.enqueue_dma source(%dma_start3A_148 : memref<2560xi32, #tpu.memory_space<hbm>>) target(%arg7 : memref<2560xi32, #tpu.memory_space<vmem>>) target_semaphore(%arg11 : memref<!tpu.dma_semaphore, #tpu.memory_space<semaphore_mem>>)
    %jit3A_149 = arith.constant 2 : i32
    %div3A = arith.divsi %select_n3A, %jit3A_149 : i32
    %sign3A = arith.constant 0 : i32
    %sign3A_150 = arith.cmpi sgt, %select_n3A, %sign3A : i32
    %sign3A_151 = arith.extui %sign3A_150 : i1 to i32
    %sign3A_152 = arith.constant 0 : i32
    %sign3A_153 = arith.cmpi slt, %select_n3A, %sign3A_152 : i32
    %sign3A_154 = arith.extui %sign3A_153 : i1 to i32
    %sign3A_155 = arith.subi %sign3A_151, %sign3A_154 : i32
    %sign3A_156 = arith.constant 0 : i32
    %sign3A_157 = arith.cmpi sgt, %jit3A_149, %sign3A_156 : i32
    %sign3A_158 = arith.extui %sign3A_157 : i1 to i32
    %sign3A_159 = arith.constant 0 : i32
    %sign3A_160 = arith.cmpi slt, %jit3A_149, %sign3A_159 : i32
    %sign3A_161 = arith.extui %sign3A_160 : i1 to i32
    %sign3A_162 = arith.subi %sign3A_158, %sign3A_161 : i32
    %ne3A = arith.cmpi ne, %sign3A_155, %sign3A_162 : i32
    %rem3A = arith.remsi %select_n3A, %jit3A_149 : i32
    %ne3A_163 = arith.constant 0 : i32
    %ne3A_164 = arith.cmpi ne, %rem3A, %ne3A_163 : i32
    %and3A = arith.andi %ne3A, %ne3A_164 : i1
    %sub3A = arith.constant 1 : i32
    %sub3A_165 = arith.subi %div3A, %sub3A : i32
    %select_n3A_166 = arith.select %and3A, %sub3A_165, %div3A : i32
    %while3A = arith.constant 0 : i32
    %while3A_167 = arith.constant 1 : i32
    %while3A_168 = arith.subi %select_n3A_166, %while3A_167 : i32
    %while3A_169 = arith.addi %while3A_167, %while3A_168 : i32
    %while3A_170 = arith.constant 1 : i32
    %while3A_171 = arith.divsi %while3A_168, %while3A_170 : i32
    %while3A_172 = arith.muli %while3A_171, %while3A_170 : i32
    %while3A_173 = arith.addi %while3A_167, %while3A_172 : i32
    %while3A_174 = arith.constant 1 : i32
    scf.for %while3A_343 = %while3A_167 to %while3A_173 step %while3A_174  : i32 {
      %mul3A_344 = arith.constant 2 : i32
      %mul3A_345 = arith.muli %mul3A_344, %while3A_343 : i32
      %add3A_346 = arith.constant 0 : i32
      %add3A_347 = arith.addi %mul3A_345, %add3A_346 : i32
      %mul3A_348 = arith.constant 32 : i32
      %mul3A_349 = arith.muli %mul3A_348, %add3A_347 : i32
      %add3A_350 = arith.addi %add3A, %mul3A_349 : i32
      %min3A_351 = arith.constant 1249 : i32
      %min3A_352 = arith.minsi %add3A_350, %min3A_351 : i32
      %mul3A_353 = arith.constant 2560 : i32
      %mul3A_354 = arith.muli %min3A_352, %mul3A_353 : i32
      %dma_wait3A_355 = tpu.memref_slice %arg2[%mul3A_354] : memref<3200000xi32, #tpu.memory_space<hbm>> -> memref<2560xi32, #tpu.memory_space<hbm>>
      %dma_wait3A_356 = tpu.memref_slice %arg2[%mul3A_354] : memref<3200000xi32, #tpu.memory_space<hbm>> -> memref<2560xi32, #tpu.memory_space<hbm>>
      tpu.wait_dma2 semaphore(%arg10 : memref<!tpu.dma_semaphore, #tpu.memory_space<semaphore_mem>>) src(%dma_wait3A_356 : memref<2560xi32, #tpu.memory_space<hbm>>) dst(%arg6 : memref<2560xi32, #tpu.memory_space<vmem>>)
      %add3A_357 = arith.constant 0 : i32
      %add3A_358 = arith.addi %mul3A_345, %add3A_357 : i32
      %sub3A_359 = arith.constant 2 : i32
      %sub3A_360 = arith.subi %add3A_358, %sub3A_359 : i32
      %mul3A_361 = arith.constant 32 : i32
      %mul3A_362 = arith.muli %mul3A_361, %sub3A_360 : i32
      %add3A_363 = arith.addi %add3A, %mul3A_362 : i32
      %min3A_364 = arith.constant 1249 : i32
      %min3A_365 = arith.minsi %add3A_363, %min3A_364 : i32
      %mul3A_366 = arith.constant 20 : i32
      %mul3A_367 = arith.muli %min3A_365, %mul3A_366 : i32
      %mul3A_368 = arith.constant 20 : i32
      %mul3A_369 = arith.muli %min3A_365, %mul3A_368 : i32
      %dma_wait3A_370 = arith.constant 0 : i32
      %dma_wait3A_371 = arith.constant 0 : i32
      %dma_wait3A_372 = arith.constant 0 : i32
      %dma_wait3A_373 = arith.constant 0 : i32
      %dma_wait3A_374 = arith.constant 0 : i32
      %dma_wait3A_375 = tpu.memref_slice %arg8[%dma_wait3A_370, %dma_wait3A_372, %dma_wait3A_373, %dma_wait3A_374] : memref<2x20x8x128xf32, #tpu.memory_space<vmem>> -> memref<1x20x8x128xf32, #tpu.memory_space<vmem>>
      %dma_wait3A_376 = tpu.memref_squeeze %dma_wait3A_375 : memref<1x20x8x128xf32, #tpu.memory_space<vmem>> -> memref<20x8x128xf32, #tpu.memory_space<vmem>>
      %dma_wait3A_377 = arith.constant 0 : i32
      %dma_wait3A_378 = arith.constant 0 : i32
      %dma_wait3A_379 = tpu.memref_slice %arg4[%dma_wait3A_371, %mul3A_367, %dma_wait3A_377, %dma_wait3A_378] : memref<2x25000x8x128xf32, #tpu.memory_space<hbm>> -> memref<1x20x8x128xf32, #tpu.memory_space<hbm>>
      %dma_wait3A_380 = tpu.memref_squeeze %dma_wait3A_379 : memref<1x20x8x128xf32, #tpu.memory_space<hbm>> -> memref<20x8x128xf32, #tpu.memory_space<hbm>>
      %dma_wait3A_381 = arith.constant 0 : i32
      %dma_wait3A_382 = arith.constant 0 : i32
      %dma_wait3A_383 = tpu.memref_slice %arg4[%dma_wait3A_371, %mul3A_367, %dma_wait3A_381, %dma_wait3A_382] : memref<2x25000x8x128xf32, #tpu.memory_space<hbm>> -> memref<1x20x8x128xf32, #tpu.memory_space<hbm>>
      %dma_wait3A_384 = tpu.memref_squeeze %dma_wait3A_383 : memref<1x20x8x128xf32, #tpu.memory_space<hbm>> -> memref<20x8x128xf32, #tpu.memory_space<hbm>>
      %dma_wait3A_385 = arith.constant 0 : i32
      %dma_wait3A_386 = arith.constant 0 : i32
      %dma_wait3A_387 = arith.constant 0 : i32
      %dma_wait3A_388 = tpu.memref_slice %arg8[%dma_wait3A_370, %dma_wait3A_385, %dma_wait3A_386, %dma_wait3A_387] : memref<2x20x8x128xf32, #tpu.memory_space<vmem>> -> memref<1x20x8x128xf32, #tpu.memory_space<vmem>>
      %dma_wait3A_389 = tpu.memref_squeeze %dma_wait3A_388 : memref<1x20x8x128xf32, #tpu.memory_space<vmem>> -> memref<20x8x128xf32, #tpu.memory_space<vmem>>
      tpu.wait_dma2 semaphore(%arg12 : memref<!tpu.dma_semaphore, #tpu.memory_space<semaphore_mem>>) src(%dma_wait3A_389 : memref<20x8x128xf32, #tpu.memory_space<vmem>>) dst(%dma_wait3A_384 : memref<20x8x128xf32, #tpu.memory_space<hbm>>)
      %dma_wait3A_390 = arith.constant 1 : i32
      %dma_wait3A_391 = arith.constant 1 : i32
      %dma_wait3A_392 = arith.constant 0 : i32
      %dma_wait3A_393 = arith.constant 0 : i32
      %dma_wait3A_394 = arith.constant 0 : i32
      %dma_wait3A_395 = tpu.memref_slice %arg8[%dma_wait3A_390, %dma_wait3A_392, %dma_wait3A_393, %dma_wait3A_394] : memref<2x20x8x128xf32, #tpu.memory_space<vmem>> -> memref<1x20x8x128xf32, #tpu.memory_space<vmem>>
      %dma_wait3A_396 = tpu.memref_squeeze %dma_wait3A_395 : memref<1x20x8x128xf32, #tpu.memory_space<vmem>> -> memref<20x8x128xf32, #tpu.memory_space<vmem>>
      %dma_wait3A_397 = arith.constant 0 : i32
      %dma_wait3A_398 = arith.constant 0 : i32
      %dma_wait3A_399 = tpu.memref_slice %arg4[%dma_wait3A_391, %mul3A_369, %dma_wait3A_397, %dma_wait3A_398] : memref<2x25000x8x128xf32, #tpu.memory_space<hbm>> -> memref<1x20x8x128xf32, #tpu.memory_space<hbm>>
      %dma_wait3A_400 = tpu.memref_squeeze %dma_wait3A_399 : memref<1x20x8x128xf32, #tpu.memory_space<hbm>> -> memref<20x8x128xf32, #tpu.memory_space<hbm>>
      %dma_wait3A_401 = arith.constant 0 : i32
      %dma_wait3A_402 = arith.constant 0 : i32
      %dma_wait3A_403 = tpu.memref_slice %arg4[%dma_wait3A_391, %mul3A_369, %dma_wait3A_401, %dma_wait3A_402] : memref<2x25000x8x128xf32, #tpu.memory_space<hbm>> -> memref<1x20x8x128xf32, #tpu.memory_space<hbm>>
      %dma_wait3A_404 = tpu.memref_squeeze %dma_wait3A_403 : memref<1x20x8x128xf32, #tpu.memory_space<hbm>> -> memref<20x8x128xf32, #tpu.memory_space<hbm>>
      %dma_wait3A_405 = arith.constant 0 : i32
      %dma_wait3A_406 = arith.constant 0 : i32
      %dma_wait3A_407 = arith.constant 0 : i32
      %dma_wait3A_408 = tpu.memref_slice %arg8[%dma_wait3A_390, %dma_wait3A_405, %dma_wait3A_406, %dma_wait3A_407] : memref<2x20x8x128xf32, #tpu.memory_space<vmem>> -> memref<1x20x8x128xf32, #tpu.memory_space<vmem>>
      %dma_wait3A_409 = tpu.memref_squeeze %dma_wait3A_408 : memref<1x20x8x128xf32, #tpu.memory_space<vmem>> -> memref<20x8x128xf32, #tpu.memory_space<vmem>>
      tpu.wait_dma2 semaphore(%arg12 : memref<!tpu.dma_semaphore, #tpu.memory_space<semaphore_mem>>) src(%dma_wait3A_409 : memref<20x8x128xf32, #tpu.memory_space<vmem>>) dst(%dma_wait3A_404 : memref<20x8x128xf32, #tpu.memory_space<hbm>>)
      %parallel_loop3A_410 = arith.constant 0 : i32
      %parallel_loop3A_411 = arith.constant 160 : i32
      %parallel_loop3A_412 = arith.constant 1 : i32
      scf.for %parallel_loop3A_608 = %parallel_loop3A_410 to %parallel_loop3A_411 step %parallel_loop3A_412  : i32 {
        %parallel_loop3A_609 = arith.constant 16 : i32
        %parallel_loop3A_610 = arith.muli %parallel_loop3A_608, %parallel_loop3A_609 : i32
        %parallel_loop3A_611 = arith.index_cast %parallel_loop3A_610 : i32 to index
        %parallel_loop3A_612 = tpu.vector_load %arg6[%parallel_loop3A_611] {strides = array<i32>} : memref<2560xi32, #tpu.memory_space<vmem>>, vector<16xi32>,
        %parallel_loop3A_613 = arith.constant 256 : i32
        %parallel_loop3A_614 = vector.broadcast %parallel_loop3A_613 : i32 to vector<16xi32>
        %parallel_loop3A_615 = arith.muli %parallel_loop3A_612, %parallel_loop3A_614 : vector<16xi32>
        %parallel_loop3A_616 = arith.addi %parallel_loop3A_615, %iota3A : vector<16xi32>
        %parallel_loop3A_617 = arith.constant 8 : i32
        %parallel_loop3A_618 = arith.divsi %parallel_loop3A_608, %parallel_loop3A_617 : i32
        %parallel_loop3A_619 = arith.constant 0 : i32
        %parallel_loop3A_620 = arith.cmpi sgt, %parallel_loop3A_608, %parallel_loop3A_619 : i32
        %parallel_loop3A_621 = arith.extui %parallel_loop3A_620 : i1 to i32
        %parallel_loop3A_622 = arith.constant 0 : i32
        %parallel_loop3A_623 = arith.cmpi slt, %parallel_loop3A_608, %parallel_loop3A_622 : i32
        %parallel_loop3A_624 = arith.extui %parallel_loop3A_623 : i1 to i32
        %parallel_loop3A_625 = arith.subi %parallel_loop3A_621, %parallel_loop3A_624 : i32
        %parallel_loop3A_626 = arith.constant 0 : i32
        %parallel_loop3A_627 = arith.cmpi sgt, %parallel_loop3A_617, %parallel_loop3A_626 : i32
        %parallel_loop3A_628 = arith.extui %parallel_loop3A_627 : i1 to i32
        %parallel_loop3A_629 = arith.constant 0 : i32
        %parallel_loop3A_630 = arith.cmpi slt, %parallel_loop3A_617, %parallel_loop3A_629 : i32
        %parallel_loop3A_631 = arith.extui %parallel_loop3A_630 : i1 to i32
        %parallel_loop3A_632 = arith.subi %parallel_loop3A_628, %parallel_loop3A_631 : i32
        %parallel_loop3A_633 = arith.cmpi ne, %parallel_loop3A_625, %parallel_loop3A_632 : i32
        %parallel_loop3A_634 = arith.remsi %parallel_loop3A_608, %parallel_loop3A_617 : i32
        %parallel_loop3A_635 = arith.constant 0 : i32
        %parallel_loop3A_636 = arith.cmpi ne, %parallel_loop3A_634, %parallel_loop3A_635 : i32
        %parallel_loop3A_637 = arith.andi %parallel_loop3A_633, %parallel_loop3A_636 : i1
        %parallel_loop3A_638 = arith.constant 1 : i32
        %parallel_loop3A_639 = arith.subi %parallel_loop3A_618, %parallel_loop3A_638 : i32
        %parallel_loop3A_640 = arith.select %parallel_loop3A_637, %parallel_loop3A_639, %parallel_loop3A_618 : i32
        %parallel_loop3A_641 = arith.constant 8 : i32
        %parallel_loop3A_642 = arith.constant 0 : i32
        %parallel_loop3A_643 = arith.cmpi eq, %parallel_loop3A_641, %parallel_loop3A_642 : i32
        %parallel_loop3A_644 = arith.constant 1 : i32
        %parallel_loop3A_645 = arith.select %parallel_loop3A_643, %parallel_loop3A_644, %parallel_loop3A_641 : i32
        %parallel_loop3A_646 = arith.remsi %parallel_loop3A_608, %parallel_loop3A_645 : i32
        %parallel_loop3A_647 = arith.constant 0 : i32
        %parallel_loop3A_648 = arith.cmpi ne, %parallel_loop3A_646, %parallel_loop3A_647 : i32
        %parallel_loop3A_649 = arith.constant 0 : i32
        %parallel_loop3A_650 = arith.cmpi slt, %parallel_loop3A_646, %parallel_loop3A_649 : i32
        %parallel_loop3A_651 = arith.constant 0 : i32
        %parallel_loop3A_652 = arith.cmpi slt, %parallel_loop3A_645, %parallel_loop3A_651 : i32
        %parallel_loop3A_653 = arith.xori %parallel_loop3A_650, %parallel_loop3A_652 : i1
        %parallel_loop3A_654 = arith.andi %parallel_loop3A_653, %parallel_loop3A_648 : i1
        %parallel_loop3A_655 = arith.addi %parallel_loop3A_646, %parallel_loop3A_645 : i32
        %parallel_loop3A_656 = arith.select %parallel_loop3A_654, %parallel_loop3A_655, %parallel_loop3A_646 : i32
        %parallel_loop3A_657 = arith.constant 16 : i32
        %parallel_loop3A_658 = arith.muli %parallel_loop3A_656, %parallel_loop3A_657 : i32
        %parallel_loop3A_659 = arith.constant 0 : i32
        %parallel_loop3A_660 = vector.broadcast %parallel_loop3A_659 : i32 to vector<16xi32>
        %parallel_loop3A_661 = arith.addi %parallel_loop3A_616, %parallel_loop3A_660 : vector<16xi32>
        %parallel_loop3A_662 = tpu.vector_load_idx %arg5[%parallel_loop3A_661] : memref<2560xf32, #tpu.memory_space<vmem>>[vector<16xi32>], vector<16xf32>,
        %parallel_loop3A_663 = arith.constant 0 : i32
        %parallel_loop3A_664 = arith.constant 0 : i32
        %parallel_loop3A_665 = arith.index_cast %parallel_loop3A_663 : i32 to index
        %parallel_loop3A_666 = arith.index_cast %parallel_loop3A_640 : i32 to index
        %parallel_loop3A_667 = arith.index_cast %parallel_loop3A_664 : i32 to index
        %parallel_loop3A_668 = arith.index_cast %parallel_loop3A_658 : i32 to index
        %parallel_loop3A_669 = tpu.vector_load %arg8[%parallel_loop3A_665, %parallel_loop3A_666, %parallel_loop3A_667, %parallel_loop3A_668] {strides = array<i32>} : memref<2x20x8x128xf32, #tpu.memory_space<vmem>>, vector<16xf32>,
        tpu.vector_store %arg8[%parallel_loop3A_665, %parallel_loop3A_666, %parallel_loop3A_667, %parallel_loop3A_668], %parallel_loop3A_662 {strides = array<i32>} : memref<2x20x8x128xf32, #tpu.memory_space<vmem>>, vector<16xf32>,
        %parallel_loop3A_670 = arith.constant 16 : i32
        %parallel_loop3A_671 = vector.broadcast %parallel_loop3A_670 : i32 to vector<16xi32>
        %parallel_loop3A_672 = arith.addi %parallel_loop3A_616, %parallel_loop3A_671 : vector<16xi32>
        %parallel_loop3A_673 = tpu.vector_load_idx %arg5[%parallel_loop3A_672] : memref<2560xf32, #tpu.memory_space<vmem>>[vector<16xi32>], vector<16xf32>,
        %parallel_loop3A_674 = arith.constant 0 : i32
        %parallel_loop3A_675 = arith.constant 1 : i32
        %parallel_loop3A_676 = arith.index_cast %parallel_loop3A_674 : i32 to index
        %parallel_loop3A_677 = arith.index_cast %parallel_loop3A_640 : i32 to index
        %parallel_loop3A_678 = arith.index_cast %parallel_loop3A_675 : i32 to index
        %parallel_loop3A_679 = arith.index_cast %parallel_loop3A_658 : i32 to index
        %parallel_loop3A_680 = tpu.vector_load %arg8[%parallel_loop3A_676, %parallel_loop3A_677, %parallel_loop3A_678, %parallel_loop3A_679] {strides = array<i32>} : memref<2x20x8x128xf32, #tpu.memory_space<vmem>>, vector<16xf32>,
        tpu.vector_store %arg8[%parallel_loop3A_676, %parallel_loop3A_677, %parallel_loop3A_678, %parallel_loop3A_679], %parallel_loop3A_673 {strides = array<i32>} : memref<2x20x8x128xf32, #tpu.memory_space<vmem>>, vector<16xf32>,
        %parallel_loop3A_681 = arith.constant 32 : i32
        %parallel_loop3A_682 = vector.broadcast %parallel_loop3A_681 : i32 to vector<16xi32>
        %parallel_loop3A_683 = arith.addi %parallel_loop3A_616, %parallel_loop3A_682 : vector<16xi32>
        %parallel_loop3A_684 = tpu.vector_load_idx %arg5[%parallel_loop3A_683] : memref<2560xf32, #tpu.memory_space<vmem>>[vector<16xi32>], vector<16xf32>,
        %parallel_loop3A_685 = arith.constant 0 : i32
        %parallel_loop3A_686 = arith.constant 2 : i32
        %parallel_loop3A_687 = arith.index_cast %parallel_loop3A_685 : i32 to index
        %parallel_loop3A_688 = arith.index_cast %parallel_loop3A_640 : i32 to index
        %parallel_loop3A_689 = arith.index_cast %parallel_loop3A_686 : i32 to index
        %parallel_loop3A_690 = arith.index_cast %parallel_loop3A_658 : i32 to index
        %parallel_loop3A_691 = tpu.vector_load %arg8[%parallel_loop3A_687, %parallel_loop3A_688, %parallel_loop3A_689, %parallel_loop3A_690] {strides = array<i32>} : memref<2x20x8x128xf32, #tpu.memory_space<vmem>>, vector<16xf32>,
        tpu.vector_store %arg8[%parallel_loop3A_687, %parallel_loop3A_688, %parallel_loop3A_689, %parallel_loop3A_690], %parallel_loop3A_684 {strides = array<i32>} : memref<2x20x8x128xf32, #tpu.memory_space<vmem>>, vector<16xf32>,
        %parallel_loop3A_692 = arith.constant 48 : i32
        %parallel_loop3A_693 = vector.broadcast %parallel_loop3A_692 : i32 to vector<16xi32>
        %parallel_loop3A_694 = arith.addi %parallel_loop3A_616, %parallel_loop3A_693 : vector<16xi32>
        %parallel_loop3A_695 = tpu.vector_load_idx %arg5[%parallel_loop3A_694] : memref<2560xf32, #tpu.memory_space<vmem>>[vector<16xi32>], vector<16xf32>,
        %parallel_loop3A_696 = arith.constant 0 : i32
        %parallel_loop3A_697 = arith.constant 3 : i32
        %parallel_loop3A_698 = arith.index_cast %parallel_loop3A_696 : i32 to index
        %parallel_loop3A_699 = arith.index_cast %parallel_loop3A_640 : i32 to index
        %parallel_loop3A_700 = arith.index_cast %parallel_loop3A_697 : i32 to index
        %parallel_loop3A_701 = arith.index_cast %parallel_loop3A_658 : i32 to index
        %parallel_loop3A_702 = tpu.vector_load %arg8[%parallel_loop3A_698, %parallel_loop3A_699, %parallel_loop3A_700, %parallel_loop3A_701] {strides = array<i32>} : memref<2x20x8x128xf32, #tpu.memory_space<vmem>>, vector<16xf32>,
        tpu.vector_store %arg8[%parallel_loop3A_698, %parallel_loop3A_699, %parallel_loop3A_700, %parallel_loop3A_701], %parallel_loop3A_695 {strides = array<i32>} : memref<2x20x8x128xf32, #tpu.memory_space<vmem>>, vector<16xf32>,
        %parallel_loop3A_703 = arith.constant 64 : i32
        %parallel_loop3A_704 = vector.broadcast %parallel_loop3A_703 : i32 to vector<16xi32>
        %parallel_loop3A_705 = arith.addi %parallel_loop3A_616, %parallel_loop3A_704 : vector<16xi32>
        %parallel_loop3A_706 = tpu.vector_load_idx %arg5[%parallel_loop3A_705] : memref<2560xf32, #tpu.memory_space<vmem>>[vector<16xi32>], vector<16xf32>,
        %parallel_loop3A_707 = arith.constant 0 : i32
        %parallel_loop3A_708 = arith.constant 4 : i32
        %parallel_loop3A_709 = arith.index_cast %parallel_loop3A_707 : i32 to index
        %parallel_loop3A_710 = arith.index_cast %parallel_loop3A_640 : i32 to index
        %parallel_loop3A_711 = arith.index_cast %parallel_loop3A_708 : i32 to index
        %parallel_loop3A_712 = arith.index_cast %parallel_loop3A_658 : i32 to index
        %parallel_loop3A_713 = tpu.vector_load %arg8[%parallel_loop3A_709, %parallel_loop3A_710, %parallel_loop3A_711, %parallel_loop3A_712] {strides = array<i32>} : memref<2x20x8x128xf32, #tpu.memory_space<vmem>>, vector<16xf32>,
        tpu.vector_store %arg8[%parallel_loop3A_709, %parallel_loop3A_710, %parallel_loop3A_711, %parallel_loop3A_712], %parallel_loop3A_706 {strides = array<i32>} : memref<2x20x8x128xf32, #tpu.memory_space<vmem>>, vector<16xf32>,
        %parallel_loop3A_714 = arith.constant 80 : i32
        %parallel_loop3A_715 = vector.broadcast %parallel_loop3A_714 : i32 to vector<16xi32>
        %parallel_loop3A_716 = arith.addi %parallel_loop3A_616, %parallel_loop3A_715 : vector<16xi32>
        %parallel_loop3A_717 = tpu.vector_load_idx %arg5[%parallel_loop3A_716] : memref<2560xf32, #tpu.memory_space<vmem>>[vector<16xi32>], vector<16xf32>,
        %parallel_loop3A_718 = arith.constant 0 : i32
        %parallel_loop3A_719 = arith.constant 5 : i32
        %parallel_loop3A_720 = arith.index_cast %parallel_loop3A_718 : i32 to index
        %parallel_loop3A_721 = arith.index_cast %parallel_loop3A_640 : i32 to index
        %parallel_loop3A_722 = arith.index_cast %parallel_loop3A_719 : i32 to index
        %parallel_loop3A_723 = arith.index_cast %parallel_loop3A_658 : i32 to index
        %parallel_loop3A_724 = tpu.vector_load %arg8[%parallel_loop3A_720, %parallel_loop3A_721, %parallel_loop3A_722, %parallel_loop3A_723] {strides = array<i32>} : memref<2x20x8x128xf32, #tpu.memory_space<vmem>>, vector<16xf32>,
        tpu.vector_store %arg8[%parallel_loop3A_720, %parallel_loop3A_721, %parallel_loop3A_722, %parallel_loop3A_723], %parallel_loop3A_717 {strides = array<i32>} : memref<2x20x8x128xf32, #tpu.memory_space<vmem>>, vector<16xf32>,
        %parallel_loop3A_725 = arith.constant 96 : i32
        %parallel_loop3A_726 = vector.broadcast %parallel_loop3A_725 : i32 to vector<16xi32>
        %parallel_loop3A_727 = arith.addi %parallel_loop3A_616, %parallel_loop3A_726 : vector<16xi32>
        %parallel_loop3A_728 = tpu.vector_load_idx %arg5[%parallel_loop3A_727] : memref<2560xf32, #tpu.memory_space<vmem>>[vector<16xi32>], vector<16xf32>,
        %parallel_loop3A_729 = arith.constant 0 : i32
        %parallel_loop3A_730 = arith.constant 6 : i32
        %parallel_loop3A_731 = arith.index_cast %parallel_loop3A_729 : i32 to index
        %parallel_loop3A_732 = arith.index_cast %parallel_loop3A_640 : i32 to index
        %parallel_loop3A_733 = arith.index_cast %parallel_loop3A_730 : i32 to index
        %parallel_loop3A_734 = arith.index_cast %parallel_loop3A_658 : i32 to index
        %parallel_loop3A_735 = tpu.vector_load %arg8[%parallel_loop3A_731, %parallel_loop3A_732, %parallel_loop3A_733, %parallel_loop3A_734] {strides = array<i32>} : memref<2x20x8x128xf32, #tpu.memory_space<vmem>>, vector<16xf32>,
        tpu.vector_store %arg8[%parallel_loop3A_731, %parallel_loop3A_732, %parallel_loop3A_733, %parallel_loop3A_734], %parallel_loop3A_728 {strides = array<i32>} : memref<2x20x8x128xf32, #tpu.memory_space<vmem>>, vector<16xf32>,
        %parallel_loop3A_736 = arith.constant 112 : i32
        %parallel_loop3A_737 = vector.broadcast %parallel_loop3A_736 : i32 to vector<16xi32>
        %parallel_loop3A_738 = arith.addi %parallel_loop3A_616, %parallel_loop3A_737 : vector<16xi32>
        %parallel_loop3A_739 = tpu.vector_load_idx %arg5[%parallel_loop3A_738] : memref<2560xf32, #tpu.memory_space<vmem>>[vector<16xi32>], vector<16xf32>,
        %parallel_loop3A_740 = arith.constant 0 : i32
        %parallel_loop3A_741 = arith.constant 7 : i32
        %parallel_loop3A_742 = arith.index_cast %parallel_loop3A_740 : i32 to index
        %parallel_loop3A_743 = arith.index_cast %parallel_loop3A_640 : i32 to index
        %parallel_loop3A_744 = arith.index_cast %parallel_loop3A_741 : i32 to index
        %parallel_loop3A_745 = arith.index_cast %parallel_loop3A_658 : i32 to index
        %parallel_loop3A_746 = tpu.vector_load %arg8[%parallel_loop3A_742, %parallel_loop3A_743, %parallel_loop3A_744, %parallel_loop3A_745] {strides = array<i32>} : memref<2x20x8x128xf32, #tpu.memory_space<vmem>>, vector<16xf32>,
        tpu.vector_store %arg8[%parallel_loop3A_742, %parallel_loop3A_743, %parallel_loop3A_744, %parallel_loop3A_745], %parallel_loop3A_739 {strides = array<i32>} : memref<2x20x8x128xf32, #tpu.memory_space<vmem>>, vector<16xf32>,
        %parallel_loop3A_747 = arith.constant 128 : i32
        %parallel_loop3A_748 = vector.broadcast %parallel_loop3A_747 : i32 to vector<16xi32>
        %parallel_loop3A_749 = arith.addi %parallel_loop3A_616, %parallel_loop3A_748 : vector<16xi32>
        %parallel_loop3A_750 = tpu.vector_load_idx %arg5[%parallel_loop3A_749] : memref<2560xf32, #tpu.memory_space<vmem>>[vector<16xi32>], vector<16xf32>,
        %parallel_loop3A_751 = arith.constant 1 : i32
        %parallel_loop3A_752 = arith.constant 0 : i32
        %parallel_loop3A_753 = arith.index_cast %parallel_loop3A_751 : i32 to index
        %parallel_loop3A_754 = arith.index_cast %parallel_loop3A_640 : i32 to index
        %parallel_loop3A_755 = arith.index_cast %parallel_loop3A_752 : i32 to index
        %parallel_loop3A_756 = arith.index_cast %parallel_loop3A_658 : i32 to index
        %parallel_loop3A_757 = tpu.vector_load %arg8[%parallel_loop3A_753, %parallel_loop3A_754, %parallel_loop3A_755, %parallel_loop3A_756] {strides = array<i32>} : memref<2x20x8x128xf32, #tpu.memory_space<vmem>>, vector<16xf32>,
        tpu.vector_store %arg8[%parallel_loop3A_753, %parallel_loop3A_754, %parallel_loop3A_755, %parallel_loop3A_756], %parallel_loop3A_750 {strides = array<i32>} : memref<2x20x8x128xf32, #tpu.memory_space<vmem>>, vector<16xf32>,
        %parallel_loop3A_758 = arith.constant 144 : i32
        %parallel_loop3A_759 = vector.broadcast %parallel_loop3A_758 : i32 to vector<16xi32>
        %parallel_loop3A_760 = arith.addi %parallel_loop3A_616, %parallel_loop3A_759 : vector<16xi32>
        %parallel_loop3A_761 = tpu.vector_load_idx %arg5[%parallel_loop3A_760] : memref<2560xf32, #tpu.memory_space<vmem>>[vector<16xi32>], vector<16xf32>,
        %parallel_loop3A_762 = arith.constant 1 : i32
        %parallel_loop3A_763 = arith.constant 1 : i32
        %parallel_loop3A_764 = arith.index_cast %parallel_loop3A_762 : i32 to index
        %parallel_loop3A_765 = arith.index_cast %parallel_loop3A_640 : i32 to index
        %parallel_loop3A_766 = arith.index_cast %parallel_loop3A_763 : i32 to index
        %parallel_loop3A_767 = arith.index_cast %parallel_loop3A_658 : i32 to index
        %parallel_loop3A_768 = tpu.vector_load %arg8[%parallel_loop3A_764, %parallel_loop3A_765, %parallel_loop3A_766, %parallel_loop3A_767] {strides = array<i32>} : memref<2x20x8x128xf32, #tpu.memory_space<vmem>>, vector<16xf32>,
        tpu.vector_store %arg8[%parallel_loop3A_764, %parallel_loop3A_765, %parallel_loop3A_766, %parallel_loop3A_767], %parallel_loop3A_761 {strides = array<i32>} : memref<2x20x8x128xf32, #tpu.memory_space<vmem>>, vector<16xf32>,
        %parallel_loop3A_769 = arith.constant 160 : i32
        %parallel_loop3A_770 = vector.broadcast %parallel_loop3A_769 : i32 to vector<16xi32>
        %parallel_loop3A_771 = arith.addi %parallel_loop3A_616, %parallel_loop3A_770 : vector<16xi32>
        %parallel_loop3A_772 = tpu.vector_load_idx %arg5[%parallel_loop3A_771] : memref<2560xf32, #tpu.memory_space<vmem>>[vector<16xi32>], vector<16xf32>,
        %parallel_loop3A_773 = arith.constant 1 : i32
        %parallel_loop3A_774 = arith.constant 2 : i32
        %parallel_loop3A_775 = arith.index_cast %parallel_loop3A_773 : i32 to index
        %parallel_loop3A_776 = arith.index_cast %parallel_loop3A_640 : i32 to index
        %parallel_loop3A_777 = arith.index_cast %parallel_loop3A_774 : i32 to index
        %parallel_loop3A_778 = arith.index_cast %parallel_loop3A_658 : i32 to index
        %parallel_loop3A_779 = tpu.vector_load %arg8[%parallel_loop3A_775, %parallel_loop3A_776, %parallel_loop3A_777, %parallel_loop3A_778] {strides = array<i32>} : memref<2x20x8x128xf32, #tpu.memory_space<vmem>>, vector<16xf32>,
        tpu.vector_store %arg8[%parallel_loop3A_775, %parallel_loop3A_776, %parallel_loop3A_777, %parallel_loop3A_778], %parallel_loop3A_772 {strides = array<i32>} : memref<2x20x8x128xf32, #tpu.memory_space<vmem>>, vector<16xf32>,
        %parallel_loop3A_780 = arith.constant 176 : i32
        %parallel_loop3A_781 = vector.broadcast %parallel_loop3A_780 : i32 to vector<16xi32>
        %parallel_loop3A_782 = arith.addi %parallel_loop3A_616, %parallel_loop3A_781 : vector<16xi32>
        %parallel_loop3A_783 = tpu.vector_load_idx %arg5[%parallel_loop3A_782] : memref<2560xf32, #tpu.memory_space<vmem>>[vector<16xi32>], vector<16xf32>,
        %parallel_loop3A_784 = arith.constant 1 : i32
        %parallel_loop3A_785 = arith.constant 3 : i32
        %parallel_loop3A_786 = arith.index_cast %parallel_loop3A_784 : i32 to index
        %parallel_loop3A_787 = arith.index_cast %parallel_loop3A_640 : i32 to index
        %parallel_loop3A_788 = arith.index_cast %parallel_loop3A_785 : i32 to index
        %parallel_loop3A_789 = arith.index_cast %parallel_loop3A_658 : i32 to index
        %parallel_loop3A_790 = tpu.vector_load %arg8[%parallel_loop3A_786, %parallel_loop3A_787, %parallel_loop3A_788, %parallel_loop3A_789] {strides = array<i32>} : memref<2x20x8x128xf32, #tpu.memory_space<vmem>>, vector<16xf32>,
        tpu.vector_store %arg8[%parallel_loop3A_786, %parallel_loop3A_787, %parallel_loop3A_788, %parallel_loop3A_789], %parallel_loop3A_783 {strides = array<i32>} : memref<2x20x8x128xf32, #tpu.memory_space<vmem>>, vector<16xf32>,
        %parallel_loop3A_791 = arith.constant 192 : i32
        %parallel_loop3A_792 = vector.broadcast %parallel_loop3A_791 : i32 to vector<16xi32>
        %parallel_loop3A_793 = arith.addi %parallel_loop3A_616, %parallel_loop3A_792 : vector<16xi32>
        %parallel_loop3A_794 = tpu.vector_load_idx %arg5[%parallel_loop3A_793] : memref<2560xf32, #tpu.memory_space<vmem>>[vector<16xi32>], vector<16xf32>,
        %parallel_loop3A_795 = arith.constant 1 : i32
        %parallel_loop3A_796 = arith.constant 4 : i32
        %parallel_loop3A_797 = arith.index_cast %parallel_loop3A_795 : i32 to index
        %parallel_loop3A_798 = arith.index_cast %parallel_loop3A_640 : i32 to index
        %parallel_loop3A_799 = arith.index_cast %parallel_loop3A_796 : i32 to index
        %parallel_loop3A_800 = arith.index_cast %parallel_loop3A_658 : i32 to index
        %parallel_loop3A_801 = tpu.vector_load %arg8[%parallel_loop3A_797, %parallel_loop3A_798, %parallel_loop3A_799, %parallel_loop3A_800] {strides = array<i32>} : memref<2x20x8x128xf32, #tpu.memory_space<vmem>>, vector<16xf32>,
        tpu.vector_store %arg8[%parallel_loop3A_797, %parallel_loop3A_798, %parallel_loop3A_799, %parallel_loop3A_800], %parallel_loop3A_794 {strides = array<i32>} : memref<2x20x8x128xf32, #tpu.memory_space<vmem>>, vector<16xf32>,
        %parallel_loop3A_802 = arith.constant 208 : i32
        %parallel_loop3A_803 = vector.broadcast %parallel_loop3A_802 : i32 to vector<16xi32>
        %parallel_loop3A_804 = arith.addi %parallel_loop3A_616, %parallel_loop3A_803 : vector<16xi32>
        %parallel_loop3A_805 = tpu.vector_load_idx %arg5[%parallel_loop3A_804] : memref<2560xf32, #tpu.memory_space<vmem>>[vector<16xi32>], vector<16xf32>,
        %parallel_loop3A_806 = arith.constant 1 : i32
        %parallel_loop3A_807 = arith.constant 5 : i32
        %parallel_loop3A_808 = arith.index_cast %parallel_loop3A_806 : i32 to index
        %parallel_loop3A_809 = arith.index_cast %parallel_loop3A_640 : i32 to index
        %parallel_loop3A_810 = arith.index_cast %parallel_loop3A_807 : i32 to index
        %parallel_loop3A_811 = arith.index_cast %parallel_loop3A_658 : i32 to index
        %parallel_loop3A_812 = tpu.vector_load %arg8[%parallel_loop3A_808, %parallel_loop3A_809, %parallel_loop3A_810, %parallel_loop3A_811] {strides = array<i32>} : memref<2x20x8x128xf32, #tpu.memory_space<vmem>>, vector<16xf32>,
        tpu.vector_store %arg8[%parallel_loop3A_808, %parallel_loop3A_809, %parallel_loop3A_810, %parallel_loop3A_811], %parallel_loop3A_805 {strides = array<i32>} : memref<2x20x8x128xf32, #tpu.memory_space<vmem>>, vector<16xf32>,
        %parallel_loop3A_813 = arith.constant 224 : i32
        %parallel_loop3A_814 = vector.broadcast %parallel_loop3A_813 : i32 to vector<16xi32>
        %parallel_loop3A_815 = arith.addi %parallel_loop3A_616, %parallel_loop3A_814 : vector<16xi32>
        %parallel_loop3A_816 = tpu.vector_load_idx %arg5[%parallel_loop3A_815] : memref<2560xf32, #tpu.memory_space<vmem>>[vector<16xi32>], vector<16xf32>,
        %parallel_loop3A_817 = arith.constant 1 : i32
        %parallel_loop3A_818 = arith.constant 6 : i32
        %parallel_loop3A_819 = arith.index_cast %parallel_loop3A_817 : i32 to index
        %parallel_loop3A_820 = arith.index_cast %parallel_loop3A_640 : i32 to index
        %parallel_loop3A_821 = arith.index_cast %parallel_loop3A_818 : i32 to index
        %parallel_loop3A_822 = arith.index_cast %parallel_loop3A_658 : i32 to index
        %parallel_loop3A_823 = tpu.vector_load %arg8[%parallel_loop3A_819, %parallel_loop3A_820, %parallel_loop3A_821, %parallel_loop3A_822] {strides = array<i32>} : memref<2x20x8x128xf32, #tpu.memory_space<vmem>>, vector<16xf32>,
        tpu.vector_store %arg8[%parallel_loop3A_819, %parallel_loop3A_820, %parallel_loop3A_821, %parallel_loop3A_822], %parallel_loop3A_816 {strides = array<i32>} : memref<2x20x8x128xf32, #tpu.memory_space<vmem>>, vector<16xf32>,
        %parallel_loop3A_824 = arith.constant 240 : i32
        %parallel_loop3A_825 = vector.broadcast %parallel_loop3A_824 : i32 to vector<16xi32>
        %parallel_loop3A_826 = arith.addi %parallel_loop3A_616, %parallel_loop3A_825 : vector<16xi32>
        %parallel_loop3A_827 = tpu.vector_load_idx %arg5[%parallel_loop3A_826] : memref<2560xf32, #tpu.memory_space<vmem>>[vector<16xi32>], vector<16xf32>,
        %parallel_loop3A_828 = arith.constant 1 : i32
        %parallel_loop3A_829 = arith.constant 7 : i32
        %parallel_loop3A_830 = arith.index_cast %parallel_loop3A_828 : i32 to index
        %parallel_loop3A_831 = arith.index_cast %parallel_loop3A_640 : i32 to index
        %parallel_loop3A_832 = arith.index_cast %parallel_loop3A_829 : i32 to index
        %parallel_loop3A_833 = arith.index_cast %parallel_loop3A_658 : i32 to index
        %parallel_loop3A_834 = tpu.vector_load %arg8[%parallel_loop3A_830, %parallel_loop3A_831, %parallel_loop3A_832, %parallel_loop3A_833] {strides = array<i32>} : memref<2x20x8x128xf32, #tpu.memory_space<vmem>>, vector<16xf32>,
        tpu.vector_store %arg8[%parallel_loop3A_830, %parallel_loop3A_831, %parallel_loop3A_832, %parallel_loop3A_833], %parallel_loop3A_827 {strides = array<i32>} : memref<2x20x8x128xf32, #tpu.memory_space<vmem>>, vector<16xf32>,
      } {sc.loop_unroll_factor = 4 : i64, sc.parallel_access}
      %add3A_413 = arith.constant 0 : i32
      %add3A_414 = arith.addi %mul3A_345, %add3A_413 : i32
      %mul3A_415 = arith.constant 32 : i32
      %mul3A_416 = arith.muli %mul3A_415, %add3A_414 : i32
      %add3A_417 = arith.addi %add3A, %mul3A_416 : i32
      %min3A_418 = arith.constant 1249 : i32
      %min3A_419 = arith.minsi %add3A_417, %min3A_418 : i32
      %mul3A_420 = arith.constant 20 : i32
      %mul3A_421 = arith.muli %min3A_419, %mul3A_420 : i32
      %mul3A_422 = arith.constant 20 : i32
      %mul3A_423 = arith.muli %min3A_419, %mul3A_422 : i32
      %dma_start3A_424 = arith.constant 0 : i32
      %dma_start3A_425 = arith.constant 0 : i32
      %dma_start3A_426 = arith.constant 0 : i32
      %dma_start3A_427 = arith.constant 0 : i32
      %dma_start3A_428 = arith.constant 0 : i32
      %dma_start3A_429 = tpu.memref_slice %arg8[%dma_start3A_424, %dma_start3A_426, %dma_start3A_427, %dma_start3A_428] : memref<2x20x8x128xf32, #tpu.memory_space<vmem>> -> memref<1x20x8x128xf32, #tpu.memory_space<vmem>>
      %dma_start3A_430 = tpu.memref_squeeze %dma_start3A_429 : memref<1x20x8x128xf32, #tpu.memory_space<vmem>> -> memref<20x8x128xf32, #tpu.memory_space<vmem>>
      %dma_start3A_431 = arith.constant 0 : i32
      %dma_start3A_432 = arith.constant 0 : i32
      %dma_start3A_433 = tpu.memref_slice %arg4[%dma_start3A_425, %mul3A_421, %dma_start3A_431, %dma_start3A_432] : memref<2x25000x8x128xf32, #tpu.memory_space<hbm>> -> memref<1x20x8x128xf32, #tpu.memory_space<hbm>>
      %dma_start3A_434 = tpu.memref_squeeze %dma_start3A_433 : memref<1x20x8x128xf32, #tpu.memory_space<hbm>> -> memref<20x8x128xf32, #tpu.memory_space<hbm>>
      %dma_start3A_435 = arith.constant 0 : i32
      %dma_start3A_436 = arith.constant 0 : i32
      %dma_start3A_437 = tpu.memref_slice %arg4[%dma_start3A_425, %mul3A_421, %dma_start3A_435, %dma_start3A_436] : memref<2x25000x8x128xf32, #tpu.memory_space<hbm>> -> memref<1x20x8x128xf32, #tpu.memory_space<hbm>>
      %dma_start3A_438 = tpu.memref_squeeze %dma_start3A_437 : memref<1x20x8x128xf32, #tpu.memory_space<hbm>> -> memref<20x8x128xf32, #tpu.memory_space<hbm>>
      %dma_start3A_439 = arith.constant 0 : i32
      %dma_start3A_440 = arith.constant 0 : i32
      %dma_start3A_441 = arith.constant 0 : i32
      %dma_start3A_442 = tpu.memref_slice %arg8[%dma_start3A_424, %dma_start3A_439, %dma_start3A_440, %dma_start3A_441] : memref<2x20x8x128xf32, #tpu.memory_space<vmem>> -> memref<1x20x8x128xf32, #tpu.memory_space<vmem>>
      %dma_start3A_443 = tpu.memref_squeeze %dma_start3A_442 : memref<1x20x8x128xf32, #tpu.memory_space<vmem>> -> memref<20x8x128xf32, #tpu.memory_space<vmem>>
      tpu.enqueue_dma source(%dma_start3A_443 : memref<20x8x128xf32, #tpu.memory_space<vmem>>) target(%dma_start3A_438 : memref<20x8x128xf32, #tpu.memory_space<hbm>>) target_semaphore(%arg12 : memref<!tpu.dma_semaphore, #tpu.memory_space<semaphore_mem>>)
      %dma_start3A_444 = arith.constant 1 : i32
      %dma_start3A_445 = arith.constant 1 : i32
      %dma_start3A_446 = arith.constant 0 : i32
      %dma_start3A_447 = arith.constant 0 : i32
      %dma_start3A_448 = arith.constant 0 : i32
      %dma_start3A_449 = tpu.memref_slice %arg8[%dma_start3A_444, %dma_start3A_446, %dma_start3A_447, %dma_start3A_448] : memref<2x20x8x128xf32, #tpu.memory_space<vmem>> -> memref<1x20x8x128xf32, #tpu.memory_space<vmem>>
      %dma_start3A_450 = tpu.memref_squeeze %dma_start3A_449 : memref<1x20x8x128xf32, #tpu.memory_space<vmem>> -> memref<20x8x128xf32, #tpu.memory_space<vmem>>
      %dma_start3A_451 = arith.constant 0 : i32
      %dma_start3A_452 = arith.constant 0 : i32
      %dma_start3A_453 = tpu.memref_slice %arg4[%dma_start3A_445, %mul3A_423, %dma_start3A_451, %dma_start3A_452] : memref<2x25000x8x128xf32, #tpu.memory_space<hbm>> -> memref<1x20x8x128xf32, #tpu.memory_space<hbm>>
      %dma_start3A_454 = tpu.memref_squeeze %dma_start3A_453 : memref<1x20x8x128xf32, #tpu.memory_space<hbm>> -> memref<20x8x128xf32, #tpu.memory_space<hbm>>
      %dma_start3A_455 = arith.constant 0 : i32
      %dma_start3A_456 = arith.constant 0 : i32
      %dma_start3A_457 = tpu.memref_slice %arg4[%dma_start3A_445, %mul3A_423, %dma_start3A_455, %dma_start3A_456] : memref<2x25000x8x128xf32, #tpu.memory_space<hbm>> -> memref<1x20x8x128xf32, #tpu.memory_space<hbm>>
      %dma_start3A_458 = tpu.memref_squeeze %dma_start3A_457 : memref<1x20x8x128xf32, #tpu.memory_space<hbm>> -> memref<20x8x128xf32, #tpu.memory_space<hbm>>
      %dma_start3A_459 = arith.constant 0 : i32
      %dma_start3A_460 = arith.constant 0 : i32
      %dma_start3A_461 = arith.constant 0 : i32
      %dma_start3A_462 = tpu.memref_slice %arg8[%dma_start3A_444, %dma_start3A_459, %dma_start3A_460, %dma_start3A_461] : memref<2x20x8x128xf32, #tpu.memory_space<vmem>> -> memref<1x20x8x128xf32, #tpu.memory_space<vmem>>
      %dma_start3A_463 = tpu.memref_squeeze %dma_start3A_462 : memref<1x20x8x128xf32, #tpu.memory_space<vmem>> -> memref<20x8x128xf32, #tpu.memory_space<vmem>>
      tpu.enqueue_dma source(%dma_start3A_463 : memref<20x8x128xf32, #tpu.memory_space<vmem>>) target(%dma_start3A_458 : memref<20x8x128xf32, #tpu.memory_space<hbm>>) target_semaphore(%arg12 : memref<!tpu.dma_semaphore, #tpu.memory_space<semaphore_mem>>)
      %add3A_464 = arith.constant 0 : i32
      %add3A_465 = arith.addi %mul3A_345, %add3A_464 : i32
      %add3A_466 = arith.constant 2 : i32
      %add3A_467 = arith.addi %add3A_465, %add3A_466 : i32
      %mul3A_468 = arith.constant 32 : i32
      %mul3A_469 = arith.muli %mul3A_468, %add3A_467 : i32
      %add3A_470 = arith.addi %add3A, %mul3A_469 : i32
      %min3A_471 = arith.constant 1249 : i32
      %min3A_472 = arith.minsi %add3A_470, %min3A_471 : i32
      %mul3A_473 = arith.constant 2560 : i32
      %mul3A_474 = arith.muli %min3A_472, %mul3A_473 : i32
      %dma_start3A_475 = tpu.memref_slice %arg2[%mul3A_474] : memref<3200000xi32, #tpu.memory_space<hbm>> -> memref<2560xi32, #tpu.memory_space<hbm>>
      %dma_start3A_476 = tpu.memref_slice %arg2[%mul3A_474] : memref<3200000xi32, #tpu.memory_space<hbm>> -> memref<2560xi32, #tpu.memory_space<hbm>>
      tpu.enqueue_dma source(%dma_start3A_476 : memref<2560xi32, #tpu.memory_space<hbm>>) target(%arg6 : memref<2560xi32, #tpu.memory_space<vmem>>) target_semaphore(%arg10 : memref<!tpu.dma_semaphore, #tpu.memory_space<semaphore_mem>>)
      %add3A_477 = arith.constant 1 : i32
      %add3A_478 = arith.addi %mul3A_345, %add3A_477 : i32
      %mul3A_479 = arith.constant 32 : i32
      %mul3A_480 = arith.muli %mul3A_479, %add3A_478 : i32
      %add3A_481 = arith.addi %add3A, %mul3A_480 : i32
      %min3A_482 = arith.constant 1249 : i32
      %min3A_483 = arith.minsi %add3A_481, %min3A_482 : i32
      %mul3A_484 = arith.constant 2560 : i32
      %mul3A_485 = arith.muli %min3A_483, %mul3A_484 : i32
      %dma_wait3A_486 = tpu.memref_slice %arg2[%mul3A_485] : memref<3200000xi32, #tpu.memory_space<hbm>> -> memref<2560xi32, #tpu.memory_space<hbm>>
      %dma_wait3A_487 = tpu.memref_slice %arg2[%mul3A_485] : memref<3200000xi32, #tpu.memory_space<hbm>> -> memref<2560xi32, #tpu.memory_space<hbm>>
      tpu.wait_dma2 semaphore(%arg11 : memref<!tpu.dma_semaphore, #tpu.memory_space<semaphore_mem>>) src(%dma_wait3A_487 : memref<2560xi32, #tpu.memory_space<hbm>>) dst(%arg7 : memref<2560xi32, #tpu.memory_space<vmem>>)
      %add3A_488 = arith.constant 1 : i32
      %add3A_489 = arith.addi %mul3A_345, %add3A_488 : i32
      %sub3A_490 = arith.constant 2 : i32
      %sub3A_491 = arith.subi %add3A_489, %sub3A_490 : i32
      %mul3A_492 = arith.constant 32 : i32
      %mul3A_493 = arith.muli %mul3A_492, %sub3A_491 : i32
      %add3A_494 = arith.addi %add3A, %mul3A_493 : i32
      %min3A_495 = arith.constant 1249 : i32
      %min3A_496 = arith.minsi %add3A_494, %min3A_495 : i32
      %mul3A_497 = arith.constant 20 : i32
      %mul3A_498 = arith.muli %min3A_496, %mul3A_497 : i32
      %mul3A_499 = arith.constant 20 : i32
      %mul3A_500 = arith.muli %min3A_496, %mul3A_499 : i32
      %dma_wait3A_501 = arith.constant 0 : i32
      %dma_wait3A_502 = arith.constant 0 : i32
      %dma_wait3A_503 = arith.constant 0 : i32
      %dma_wait3A_504 = arith.constant 0 : i32
      %dma_wait3A_505 = arith.constant 0 : i32
      %dma_wait3A_506 = tpu.memref_slice %arg9[%dma_wait3A_501, %dma_wait3A_503, %dma_wait3A_504, %dma_wait3A_505] : memref<2x20x8x128xf32, #tpu.memory_space<vmem>> -> memref<1x20x8x128xf32, #tpu.memory_space<vmem>>
      %dma_wait3A_507 = tpu.memref_squeeze %dma_wait3A_506 : memref<1x20x8x128xf32, #tpu.memory_space<vmem>> -> memref<20x8x128xf32, #tpu.memory_space<vmem>>
      %dma_wait3A_508 = arith.constant 0 : i32
      %dma_wait3A_509 = arith.constant 0 : i32
      %dma_wait3A_510 = tpu.memref_slice %arg4[%dma_wait3A_502, %mul3A_498, %dma_wait3A_508, %dma_wait3A_509] : memref<2x25000x8x128xf32, #tpu.memory_space<hbm>> -> memref<1x20x8x128xf32, #tpu.memory_space<hbm>>
      %dma_wait3A_511 = tpu.memref_squeeze %dma_wait3A_510 : memref<1x20x8x128xf32, #tpu.memory_space<hbm>> -> memref<20x8x128xf32, #tpu.memory_space<hbm>>
      %dma_wait3A_512 = arith.constant 0 : i32
      %dma_wait3A_513 = arith.constant 0 : i32
      %dma_wait3A_514 = tpu.memref_slice %arg4[%dma_wait3A_502, %mul3A_498, %dma_wait3A_512, %dma_wait3A_513] : memref<2x25000x8x128xf32, #tpu.memory_space<hbm>> -> memref<1x20x8x128xf32, #tpu.memory_space<hbm>>
      %dma_wait3A_515 = tpu.memref_squeeze %dma_wait3A_514 : memref<1x20x8x128xf32, #tpu.memory_space<hbm>> -> memref<20x8x128xf32, #tpu.memory_space<hbm>>
      %dma_wait3A_516 = arith.constant 0 : i32
      %dma_wait3A_517 = arith.constant 0 : i32
      %dma_wait3A_518 = arith.constant 0 : i32
      %dma_wait3A_519 = tpu.memref_slice %arg9[%dma_wait3A_501, %dma_wait3A_516, %dma_wait3A_517, %dma_wait3A_518] : memref<2x20x8x128xf32, #tpu.memory_space<vmem>> -> memref<1x20x8x128xf32, #tpu.memory_space<vmem>>
      %dma_wait3A_520 = tpu.memref_squeeze %dma_wait3A_519 : memref<1x20x8x128xf32, #tpu.memory_space<vmem>> -> memref<20x8x128xf32, #tpu.memory_space<vmem>>
      tpu.wait_dma2 semaphore(%arg13 : memref<!tpu.dma_semaphore, #tpu.memory_space<semaphore_mem>>) src(%dma_wait3A_520 : memref<20x8x128xf32, #tpu.memory_space<vmem>>) dst(%dma_wait3A_515 : memref<20x8x128xf32, #tpu.memory_space<hbm>>)
      %dma_wait3A_521 = arith.constant 1 : i32
      %dma_wait3A_522 = arith.constant 1 : i32
      %dma_wait3A_523 = arith.constant 0 : i32
      %dma_wait3A_524 = arith.constant 0 : i32
      %dma_wait3A_525 = arith.constant 0 : i32
      %dma_wait3A_526 = tpu.memref_slice %arg9[%dma_wait3A_521, %dma_wait3A_523, %dma_wait3A_524, %dma_wait3A_525] : memref<2x20x8x128xf32, #tpu.memory_space<vmem>> -> memref<1x20x8x128xf32, #tpu.memory_space<vmem>>
      %dma_wait3A_527 = tpu.memref_squeeze %dma_wait3A_526 : memref<1x20x8x128xf32, #tpu.memory_space<vmem>> -> memref<20x8x128xf32, #tpu.memory_space<vmem>>
      %dma_wait3A_528 = arith.constant 0 : i32
      %dma_wait3A_529 = arith.constant 0 : i32
      %dma_wait3A_530 = tpu.memref_slice %arg4[%dma_wait3A_522, %mul3A_500, %dma_wait3A_528, %dma_wait3A_529] : memref<2x25000x8x128xf32, #tpu.memory_space<hbm>> -> memref<1x20x8x128xf32, #tpu.memory_space<hbm>>
      %dma_wait3A_531 = tpu.memref_squeeze %dma_wait3A_530 : memref<1x20x8x128xf32, #tpu.memory_space<hbm>> -> memref<20x8x128xf32, #tpu.memory_space<hbm>>
      %dma_wait3A_532 = arith.constant 0 : i32
      %dma_wait3A_533 = arith.constant 0 : i32
      %dma_wait3A_534 = tpu.memref_slice %arg4[%dma_wait3A_522, %mul3A_500, %dma_wait3A_532, %dma_wait3A_533] : memref<2x25000x8x128xf32, #tpu.memory_space<hbm>> -> memref<1x20x8x128xf32, #tpu.memory_space<hbm>>
      %dma_wait3A_535 = tpu.memref_squeeze %dma_wait3A_534 : memref<1x20x8x128xf32, #tpu.memory_space<hbm>> -> memref<20x8x128xf32, #tpu.memory_space<hbm>>
      %dma_wait3A_536 = arith.constant 0 : i32
      %dma_wait3A_537 = arith.constant 0 : i32
      %dma_wait3A_538 = arith.constant 0 : i32
      %dma_wait3A_539 = tpu.memref_slice %arg9[%dma_wait3A_521, %dma_wait3A_536, %dma_wait3A_537, %dma_wait3A_538] : memref<2x20x8x128xf32, #tpu.memory_space<vmem>> -> memref<1x20x8x128xf32, #tpu.memory_space<vmem>>
      %dma_wait3A_540 = tpu.memref_squeeze %dma_wait3A_539 : memref<1x20x8x128xf32, #tpu.memory_space<vmem>> -> memref<20x8x128xf32, #tpu.memory_space<vmem>>
      tpu.wait_dma2 semaphore(%arg13 : memref<!tpu.dma_semaphore, #tpu.memory_space<semaphore_mem>>) src(%dma_wait3A_540 : memref<20x8x128xf32, #tpu.memory_space<vmem>>) dst(%dma_wait3A_535 : memref<20x8x128xf32, #tpu.memory_space<hbm>>)
      %parallel_loop3A_541 = arith.constant 0 : i32
      %parallel_loop3A_542 = arith.constant 160 : i32
      %parallel_loop3A_543 = arith.constant 1 : i32
      scf.for %parallel_loop3A_608 = %parallel_loop3A_541 to %parallel_loop3A_542 step %parallel_loop3A_543  : i32 {
        %parallel_loop3A_609 = arith.constant 16 : i32
        %parallel_loop3A_610 = arith.muli %parallel_loop3A_608, %parallel_loop3A_609 : i32
        %parallel_loop3A_611 = arith.index_cast %parallel_loop3A_610 : i32 to index
        %parallel_loop3A_612 = tpu.vector_load %arg7[%parallel_loop3A_611] {strides = array<i32>} : memref<2560xi32, #tpu.memory_space<vmem>>, vector<16xi32>,
        %parallel_loop3A_613 = arith.constant 256 : i32
        %parallel_loop3A_614 = vector.broadcast %parallel_loop3A_613 : i32 to vector<16xi32>
        %parallel_loop3A_615 = arith.muli %parallel_loop3A_612, %parallel_loop3A_614 : vector<16xi32>
        %parallel_loop3A_616 = arith.addi %parallel_loop3A_615, %iota3A : vector<16xi32>
        %parallel_loop3A_617 = arith.constant 8 : i32
        %parallel_loop3A_618 = arith.divsi %parallel_loop3A_608, %parallel_loop3A_617 : i32
        %parallel_loop3A_619 = arith.constant 0 : i32
        %parallel_loop3A_620 = arith.cmpi sgt, %parallel_loop3A_608, %parallel_loop3A_619 : i32
        %parallel_loop3A_621 = arith.extui %parallel_loop3A_620 : i1 to i32
        %parallel_loop3A_622 = arith.constant 0 : i32
        %parallel_loop3A_623 = arith.cmpi slt, %parallel_loop3A_608, %parallel_loop3A_622 : i32
        %parallel_loop3A_624 = arith.extui %parallel_loop3A_623 : i1 to i32
        %parallel_loop3A_625 = arith.subi %parallel_loop3A_621, %parallel_loop3A_624 : i32
        %parallel_loop3A_626 = arith.constant 0 : i32
        %parallel_loop3A_627 = arith.cmpi sgt, %parallel_loop3A_617, %parallel_loop3A_626 : i32
        %parallel_loop3A_628 = arith.extui %parallel_loop3A_627 : i1 to i32
        %parallel_loop3A_629 = arith.constant 0 : i32
        %parallel_loop3A_630 = arith.cmpi slt, %parallel_loop3A_617, %parallel_loop3A_629 : i32
        %parallel_loop3A_631 = arith.extui %parallel_loop3A_630 : i1 to i32
        %parallel_loop3A_632 = arith.subi %parallel_loop3A_628, %parallel_loop3A_631 : i32
        %parallel_loop3A_633 = arith.cmpi ne, %parallel_loop3A_625, %parallel_loop3A_632 : i32
        %parallel_loop3A_634 = arith.remsi %parallel_loop3A_608, %parallel_loop3A_617 : i32
        %parallel_loop3A_635 = arith.constant 0 : i32
        %parallel_loop3A_636 = arith.cmpi ne, %parallel_loop3A_634, %parallel_loop3A_635 : i32
        %parallel_loop3A_637 = arith.andi %parallel_loop3A_633, %parallel_loop3A_636 : i1
        %parallel_loop3A_638 = arith.constant 1 : i32
        %parallel_loop3A_639 = arith.subi %parallel_loop3A_618, %parallel_loop3A_638 : i32
        %parallel_loop3A_640 = arith.select %parallel_loop3A_637, %parallel_loop3A_639, %parallel_loop3A_618 : i32
        %parallel_loop3A_641 = arith.constant 8 : i32
        %parallel_loop3A_642 = arith.constant 0 : i32
        %parallel_loop3A_643 = arith.cmpi eq, %parallel_loop3A_641, %parallel_loop3A_642 : i32
        %parallel_loop3A_644 = arith.constant 1 : i32
        %parallel_loop3A_645 = arith.select %parallel_loop3A_643, %parallel_loop3A_644, %parallel_loop3A_641 : i32
        %parallel_loop3A_646 = arith.remsi %parallel_loop3A_608, %parallel_loop3A_645 : i32
        %parallel_loop3A_647 = arith.constant 0 : i32
        %parallel_loop3A_648 = arith.cmpi ne, %parallel_loop3A_646, %parallel_loop3A_647 : i32
        %parallel_loop3A_649 = arith.constant 0 : i32
        %parallel_loop3A_650 = arith.cmpi slt, %parallel_loop3A_646, %parallel_loop3A_649 : i32
        %parallel_loop3A_651 = arith.constant 0 : i32
        %parallel_loop3A_652 = arith.cmpi slt, %parallel_loop3A_645, %parallel_loop3A_651 : i32
        %parallel_loop3A_653 = arith.xori %parallel_loop3A_650, %parallel_loop3A_652 : i1
        %parallel_loop3A_654 = arith.andi %parallel_loop3A_653, %parallel_loop3A_648 : i1
        %parallel_loop3A_655 = arith.addi %parallel_loop3A_646, %parallel_loop3A_645 : i32
        %parallel_loop3A_656 = arith.select %parallel_loop3A_654, %parallel_loop3A_655, %parallel_loop3A_646 : i32
        %parallel_loop3A_657 = arith.constant 16 : i32
        %parallel_loop3A_658 = arith.muli %parallel_loop3A_656, %parallel_loop3A_657 : i32
        %parallel_loop3A_659 = arith.constant 0 : i32
        %parallel_loop3A_660 = vector.broadcast %parallel_loop3A_659 : i32 to vector<16xi32>
        %parallel_loop3A_661 = arith.addi %parallel_loop3A_616, %parallel_loop3A_660 : vector<16xi32>
        %parallel_loop3A_662 = tpu.vector_load_idx %arg5[%parallel_loop3A_661] : memref<2560xf32, #tpu.memory_space<vmem>>[vector<16xi32>], vector<16xf32>,
        %parallel_loop3A_663 = arith.constant 0 : i32
        %parallel_loop3A_664 = arith.constant 0 : i32
        %parallel_loop3A_665 = arith.index_cast %parallel_loop3A_663 : i32 to index
        %parallel_loop3A_666 = arith.index_cast %parallel_loop3A_640 : i32 to index
        %parallel_loop3A_667 = arith.index_cast %parallel_loop3A_664 : i32 to index
        %parallel_loop3A_668 = arith.index_cast %parallel_loop3A_658 : i32 to index
        %parallel_loop3A_669 = tpu.vector_load %arg9[%parallel_loop3A_665, %parallel_loop3A_666, %parallel_loop3A_667, %parallel_loop3A_668] {strides = array<i32>} : memref<2x20x8x128xf32, #tpu.memory_space<vmem>>, vector<16xf32>,
        tpu.vector_store %arg9[%parallel_loop3A_665, %parallel_loop3A_666, %parallel_loop3A_667, %parallel_loop3A_668], %parallel_loop3A_662 {strides = array<i32>} : memref<2x20x8x128xf32, #tpu.memory_space<vmem>>, vector<16xf32>,
        %parallel_loop3A_670 = arith.constant 16 : i32
        %parallel_loop3A_671 = vector.broadcast %parallel_loop3A_670 : i32 to vector<16xi32>
        %parallel_loop3A_672 = arith.addi %parallel_loop3A_616, %parallel_loop3A_671 : vector<16xi32>
        %parallel_loop3A_673 = tpu.vector_load_idx %arg5[%parallel_loop3A_672] : memref<2560xf32, #tpu.memory_space<vmem>>[vector<16xi32>], vector<16xf32>,
        %parallel_loop3A_674 = arith.constant 0 : i32
        %parallel_loop3A_675 = arith.constant 1 : i32
        %parallel_loop3A_676 = arith.index_cast %parallel_loop3A_674 : i32 to index
        %parallel_loop3A_677 = arith.index_cast %parallel_loop3A_640 : i32 to index
        %parallel_loop3A_678 = arith.index_cast %parallel_loop3A_675 : i32 to index
        %parallel_loop3A_679 = arith.index_cast %parallel_loop3A_658 : i32 to index
        %parallel_loop3A_680 = tpu.vector_load %arg9[%parallel_loop3A_676, %parallel_loop3A_677, %parallel_loop3A_678, %parallel_loop3A_679] {strides = array<i32>} : memref<2x20x8x128xf32, #tpu.memory_space<vmem>>, vector<16xf32>,
        tpu.vector_store %arg9[%parallel_loop3A_676, %parallel_loop3A_677, %parallel_loop3A_678, %parallel_loop3A_679], %parallel_loop3A_673 {strides = array<i32>} : memref<2x20x8x128xf32, #tpu.memory_space<vmem>>, vector<16xf32>,
        %parallel_loop3A_681 = arith.constant 32 : i32
        %parallel_loop3A_682 = vector.broadcast %parallel_loop3A_681 : i32 to vector<16xi32>
        %parallel_loop3A_683 = arith.addi %parallel_loop3A_616, %parallel_loop3A_682 : vector<16xi32>
        %parallel_loop3A_684 = tpu.vector_load_idx %arg5[%parallel_loop3A_683] : memref<2560xf32, #tpu.memory_space<vmem>>[vector<16xi32>], vector<16xf32>,
        %parallel_loop3A_685 = arith.constant 0 : i32
        %parallel_loop3A_686 = arith.constant 2 : i32
        %parallel_loop3A_687 = arith.index_cast %parallel_loop3A_685 : i32 to index
        %parallel_loop3A_688 = arith.index_cast %parallel_loop3A_640 : i32 to index
        %parallel_loop3A_689 = arith.index_cast %parallel_loop3A_686 : i32 to index
        %parallel_loop3A_690 = arith.index_cast %parallel_loop3A_658 : i32 to index
        %parallel_loop3A_691 = tpu.vector_load %arg9[%parallel_loop3A_687, %parallel_loop3A_688, %parallel_loop3A_689, %parallel_loop3A_690] {strides = array<i32>} : memref<2x20x8x128xf32, #tpu.memory_space<vmem>>, vector<16xf32>,
        tpu.vector_store %arg9[%parallel_loop3A_687, %parallel_loop3A_688, %parallel_loop3A_689, %parallel_loop3A_690], %parallel_loop3A_684 {strides = array<i32>} : memref<2x20x8x128xf32, #tpu.memory_space<vmem>>, vector<16xf32>,
        %parallel_loop3A_692 = arith.constant 48 : i32
        %parallel_loop3A_693 = vector.broadcast %parallel_loop3A_692 : i32 to vector<16xi32>
        %parallel_loop3A_694 = arith.addi %parallel_loop3A_616, %parallel_loop3A_693 : vector<16xi32>
        %parallel_loop3A_695 = tpu.vector_load_idx %arg5[%parallel_loop3A_694] : memref<2560xf32, #tpu.memory_space<vmem>>[vector<16xi32>], vector<16xf32>,
        %parallel_loop3A_696 = arith.constant 0 : i32
        %parallel_loop3A_697 = arith.constant 3 : i32
        %parallel_loop3A_698 = arith.index_cast %parallel_loop3A_696 : i32 to index
        %parallel_loop3A_699 = arith.index_cast %parallel_loop3A_640 : i32 to index
        %parallel_loop3A_700 = arith.index_cast %parallel_loop3A_697 : i32 to index
        %parallel_loop3A_701 = arith.index_cast %parallel_loop3A_658 : i32 to index
        %parallel_loop3A_702 = tpu.vector_load %arg9[%parallel_loop3A_698, %parallel_loop3A_699, %parallel_loop3A_700, %parallel_loop3A_701] {strides = array<i32>} : memref<2x20x8x128xf32, #tpu.memory_space<vmem>>, vector<16xf32>,
        tpu.vector_store %arg9[%parallel_loop3A_698, %parallel_loop3A_699, %parallel_loop3A_700, %parallel_loop3A_701], %parallel_loop3A_695 {strides = array<i32>} : memref<2x20x8x128xf32, #tpu.memory_space<vmem>>, vector<16xf32>,
        %parallel_loop3A_703 = arith.constant 64 : i32
        %parallel_loop3A_704 = vector.broadcast %parallel_loop3A_703 : i32 to vector<16xi32>
        %parallel_loop3A_705 = arith.addi %parallel_loop3A_616, %parallel_loop3A_704 : vector<16xi32>
        %parallel_loop3A_706 = tpu.vector_load_idx %arg5[%parallel_loop3A_705] : memref<2560xf32, #tpu.memory_space<vmem>>[vector<16xi32>], vector<16xf32>,
        %parallel_loop3A_707 = arith.constant 0 : i32
        %parallel_loop3A_708 = arith.constant 4 : i32
        %parallel_loop3A_709 = arith.index_cast %parallel_loop3A_707 : i32 to index
        %parallel_loop3A_710 = arith.index_cast %parallel_loop3A_640 : i32 to index
        %parallel_loop3A_711 = arith.index_cast %parallel_loop3A_708 : i32 to index
        %parallel_loop3A_712 = arith.index_cast %parallel_loop3A_658 : i32 to index
        %parallel_loop3A_713 = tpu.vector_load %arg9[%parallel_loop3A_709, %parallel_loop3A_710, %parallel_loop3A_711, %parallel_loop3A_712] {strides = array<i32>} : memref<2x20x8x128xf32, #tpu.memory_space<vmem>>, vector<16xf32>,
        tpu.vector_store %arg9[%parallel_loop3A_709, %parallel_loop3A_710, %parallel_loop3A_711, %parallel_loop3A_712], %parallel_loop3A_706 {strides = array<i32>} : memref<2x20x8x128xf32, #tpu.memory_space<vmem>>, vector<16xf32>,
        %parallel_loop3A_714 = arith.constant 80 : i32
        %parallel_loop3A_715 = vector.broadcast %parallel_loop3A_714 : i32 to vector<16xi32>
        %parallel_loop3A_716 = arith.addi %parallel_loop3A_616, %parallel_loop3A_715 : vector<16xi32>
        %parallel_loop3A_717 = tpu.vector_load_idx %arg5[%parallel_loop3A_716] : memref<2560xf32, #tpu.memory_space<vmem>>[vector<16xi32>], vector<16xf32>,
        %parallel_loop3A_718 = arith.constant 0 : i32
        %parallel_loop3A_719 = arith.constant 5 : i32
        %parallel_loop3A_720 = arith.index_cast %parallel_loop3A_718 : i32 to index
        %parallel_loop3A_721 = arith.index_cast %parallel_loop3A_640 : i32 to index
        %parallel_loop3A_722 = arith.index_cast %parallel_loop3A_719 : i32 to index
        %parallel_loop3A_723 = arith.index_cast %parallel_loop3A_658 : i32 to index
        %parallel_loop3A_724 = tpu.vector_load %arg9[%parallel_loop3A_720, %parallel_loop3A_721, %parallel_loop3A_722, %parallel_loop3A_723] {strides = array<i32>} : memref<2x20x8x128xf32, #tpu.memory_space<vmem>>, vector<16xf32>,
        tpu.vector_store %arg9[%parallel_loop3A_720, %parallel_loop3A_721, %parallel_loop3A_722, %parallel_loop3A_723], %parallel_loop3A_717 {strides = array<i32>} : memref<2x20x8x128xf32, #tpu.memory_space<vmem>>, vector<16xf32>,
        %parallel_loop3A_725 = arith.constant 96 : i32
        %parallel_loop3A_726 = vector.broadcast %parallel_loop3A_725 : i32 to vector<16xi32>
        %parallel_loop3A_727 = arith.addi %parallel_loop3A_616, %parallel_loop3A_726 : vector<16xi32>
        %parallel_loop3A_728 = tpu.vector_load_idx %arg5[%parallel_loop3A_727] : memref<2560xf32, #tpu.memory_space<vmem>>[vector<16xi32>], vector<16xf32>,
        %parallel_loop3A_729 = arith.constant 0 : i32
        %parallel_loop3A_730 = arith.constant 6 : i32
        %parallel_loop3A_731 = arith.index_cast %parallel_loop3A_729 : i32 to index
        %parallel_loop3A_732 = arith.index_cast %parallel_loop3A_640 : i32 to index
        %parallel_loop3A_733 = arith.index_cast %parallel_loop3A_730 : i32 to index
        %parallel_loop3A_734 = arith.index_cast %parallel_loop3A_658 : i32 to index
        %parallel_loop3A_735 = tpu.vector_load %arg9[%parallel_loop3A_731, %parallel_loop3A_732, %parallel_loop3A_733, %parallel_loop3A_734] {strides = array<i32>} : memref<2x20x8x128xf32, #tpu.memory_space<vmem>>, vector<16xf32>,
        tpu.vector_store %arg9[%parallel_loop3A_731, %parallel_loop3A_732, %parallel_loop3A_733, %parallel_loop3A_734], %parallel_loop3A_728 {strides = array<i32>} : memref<2x20x8x128xf32, #tpu.memory_space<vmem>>, vector<16xf32>,
        %parallel_loop3A_736 = arith.constant 112 : i32
        %parallel_loop3A_737 = vector.broadcast %parallel_loop3A_736 : i32 to vector<16xi32>
        %parallel_loop3A_738 = arith.addi %parallel_loop3A_616, %parallel_loop3A_737 : vector<16xi32>
        %parallel_loop3A_739 = tpu.vector_load_idx %arg5[%parallel_loop3A_738] : memref<2560xf32, #tpu.memory_space<vmem>>[vector<16xi32>], vector<16xf32>,
        %parallel_loop3A_740 = arith.constant 0 : i32
        %parallel_loop3A_741 = arith.constant 7 : i32
        %parallel_loop3A_742 = arith.index_cast %parallel_loop3A_740 : i32 to index
        %parallel_loop3A_743 = arith.index_cast %parallel_loop3A_640 : i32 to index
        %parallel_loop3A_744 = arith.index_cast %parallel_loop3A_741 : i32 to index
        %parallel_loop3A_745 = arith.index_cast %parallel_loop3A_658 : i32 to index
        %parallel_loop3A_746 = tpu.vector_load %arg9[%parallel_loop3A_742, %parallel_loop3A_743, %parallel_loop3A_744, %parallel_loop3A_745] {strides = array<i32>} : memref<2x20x8x128xf32, #tpu.memory_space<vmem>>, vector<16xf32>,
        tpu.vector_store %arg9[%parallel_loop3A_742, %parallel_loop3A_743, %parallel_loop3A_744, %parallel_loop3A_745], %parallel_loop3A_739 {strides = array<i32>} : memref<2x20x8x128xf32, #tpu.memory_space<vmem>>, vector<16xf32>,
        %parallel_loop3A_747 = arith.constant 128 : i32
        %parallel_loop3A_748 = vector.broadcast %parallel_loop3A_747 : i32 to vector<16xi32>
        %parallel_loop3A_749 = arith.addi %parallel_loop3A_616, %parallel_loop3A_748 : vector<16xi32>
        %parallel_loop3A_750 = tpu.vector_load_idx %arg5[%parallel_loop3A_749] : memref<2560xf32, #tpu.memory_space<vmem>>[vector<16xi32>], vector<16xf32>,
        %parallel_loop3A_751 = arith.constant 1 : i32
        %parallel_loop3A_752 = arith.constant 0 : i32
        %parallel_loop3A_753 = arith.index_cast %parallel_loop3A_751 : i32 to index
        %parallel_loop3A_754 = arith.index_cast %parallel_loop3A_640 : i32 to index
        %parallel_loop3A_755 = arith.index_cast %parallel_loop3A_752 : i32 to index
        %parallel_loop3A_756 = arith.index_cast %parallel_loop3A_658 : i32 to index
        %parallel_loop3A_757 = tpu.vector_load %arg9[%parallel_loop3A_753, %parallel_loop3A_754, %parallel_loop3A_755, %parallel_loop3A_756] {strides = array<i32>} : memref<2x20x8x128xf32, #tpu.memory_space<vmem>>, vector<16xf32>,
        tpu.vector_store %arg9[%parallel_loop3A_753, %parallel_loop3A_754, %parallel_loop3A_755, %parallel_loop3A_756], %parallel_loop3A_750 {strides = array<i32>} : memref<2x20x8x128xf32, #tpu.memory_space<vmem>>, vector<16xf32>,
        %parallel_loop3A_758 = arith.constant 144 : i32
        %parallel_loop3A_759 = vector.broadcast %parallel_loop3A_758 : i32 to vector<16xi32>
        %parallel_loop3A_760 = arith.addi %parallel_loop3A_616, %parallel_loop3A_759 : vector<16xi32>
        %parallel_loop3A_761 = tpu.vector_load_idx %arg5[%parallel_loop3A_760] : memref<2560xf32, #tpu.memory_space<vmem>>[vector<16xi32>], vector<16xf32>,
        %parallel_loop3A_762 = arith.constant 1 : i32
        %parallel_loop3A_763 = arith.constant 1 : i32
        %parallel_loop3A_764 = arith.index_cast %parallel_loop3A_762 : i32 to index
        %parallel_loop3A_765 = arith.index_cast %parallel_loop3A_640 : i32 to index
        %parallel_loop3A_766 = arith.index_cast %parallel_loop3A_763 : i32 to index
        %parallel_loop3A_767 = arith.index_cast %parallel_loop3A_658 : i32 to index
        %parallel_loop3A_768 = tpu.vector_load %arg9[%parallel_loop3A_764, %parallel_loop3A_765, %parallel_loop3A_766, %parallel_loop3A_767] {strides = array<i32>} : memref<2x20x8x128xf32, #tpu.memory_space<vmem>>, vector<16xf32>,
        tpu.vector_store %arg9[%parallel_loop3A_764, %parallel_loop3A_765, %parallel_loop3A_766, %parallel_loop3A_767], %parallel_loop3A_761 {strides = array<i32>} : memref<2x20x8x128xf32, #tpu.memory_space<vmem>>, vector<16xf32>,
        %parallel_loop3A_769 = arith.constant 160 : i32
        %parallel_loop3A_770 = vector.broadcast %parallel_loop3A_769 : i32 to vector<16xi32>
        %parallel_loop3A_771 = arith.addi %parallel_loop3A_616, %parallel_loop3A_770 : vector<16xi32>
        %parallel_loop3A_772 = tpu.vector_load_idx %arg5[%parallel_loop3A_771] : memref<2560xf32, #tpu.memory_space<vmem>>[vector<16xi32>], vector<16xf32>,
        %parallel_loop3A_773 = arith.constant 1 : i32
        %parallel_loop3A_774 = arith.constant 2 : i32
        %parallel_loop3A_775 = arith.index_cast %parallel_loop3A_773 : i32 to index
        %parallel_loop3A_776 = arith.index_cast %parallel_loop3A_640 : i32 to index
        %parallel_loop3A_777 = arith.index_cast %parallel_loop3A_774 : i32 to index
        %parallel_loop3A_778 = arith.index_cast %parallel_loop3A_658 : i32 to index
        %parallel_loop3A_779 = tpu.vector_load %arg9[%parallel_loop3A_775, %parallel_loop3A_776, %parallel_loop3A_777, %parallel_loop3A_778] {strides = array<i32>} : memref<2x20x8x128xf32, #tpu.memory_space<vmem>>, vector<16xf32>,
        tpu.vector_store %arg9[%parallel_loop3A_775, %parallel_loop3A_776, %parallel_loop3A_777, %parallel_loop3A_778], %parallel_loop3A_772 {strides = array<i32>} : memref<2x20x8x128xf32, #tpu.memory_space<vmem>>, vector<16xf32>,
        %parallel_loop3A_780 = arith.constant 176 : i32
        %parallel_loop3A_781 = vector.broadcast %parallel_loop3A_780 : i32 to vector<16xi32>
        %parallel_loop3A_782 = arith.addi %parallel_loop3A_616, %parallel_loop3A_781 : vector<16xi32>
        %parallel_loop3A_783 = tpu.vector_load_idx %arg5[%parallel_loop3A_782] : memref<2560xf32, #tpu.memory_space<vmem>>[vector<16xi32>], vector<16xf32>,
        %parallel_loop3A_784 = arith.constant 1 : i32
        %parallel_loop3A_785 = arith.constant 3 : i32
        %parallel_loop3A_786 = arith.index_cast %parallel_loop3A_784 : i32 to index
        %parallel_loop3A_787 = arith.index_cast %parallel_loop3A_640 : i32 to index
        %parallel_loop3A_788 = arith.index_cast %parallel_loop3A_785 : i32 to index
        %parallel_loop3A_789 = arith.index_cast %parallel_loop3A_658 : i32 to index
        %parallel_loop3A_790 = tpu.vector_load %arg9[%parallel_loop3A_786, %parallel_loop3A_787, %parallel_loop3A_788, %parallel_loop3A_789] {strides = array<i32>} : memref<2x20x8x128xf32, #tpu.memory_space<vmem>>, vector<16xf32>,
        tpu.vector_store %arg9[%parallel_loop3A_786, %parallel_loop3A_787, %parallel_loop3A_788, %parallel_loop3A_789], %parallel_loop3A_783 {strides = array<i32>} : memref<2x20x8x128xf32, #tpu.memory_space<vmem>>, vector<16xf32>,
        %parallel_loop3A_791 = arith.constant 192 : i32
        %parallel_loop3A_792 = vector.broadcast %parallel_loop3A_791 : i32 to vector<16xi32>
        %parallel_loop3A_793 = arith.addi %parallel_loop3A_616, %parallel_loop3A_792 : vector<16xi32>
        %parallel_loop3A_794 = tpu.vector_load_idx %arg5[%parallel_loop3A_793] : memref<2560xf32, #tpu.memory_space<vmem>>[vector<16xi32>], vector<16xf32>,
        %parallel_loop3A_795 = arith.constant 1 : i32
        %parallel_loop3A_796 = arith.constant 4 : i32
        %parallel_loop3A_797 = arith.index_cast %parallel_loop3A_795 : i32 to index
        %parallel_loop3A_798 = arith.index_cast %parallel_loop3A_640 : i32 to index
        %parallel_loop3A_799 = arith.index_cast %parallel_loop3A_796 : i32 to index
        %parallel_loop3A_800 = arith.index_cast %parallel_loop3A_658 : i32 to index
        %parallel_loop3A_801 = tpu.vector_load %arg9[%parallel_loop3A_797, %parallel_loop3A_798, %parallel_loop3A_799, %parallel_loop3A_800] {strides = array<i32>} : memref<2x20x8x128xf32, #tpu.memory_space<vmem>>, vector<16xf32>,
        tpu.vector_store %arg9[%parallel_loop3A_797, %parallel_loop3A_798, %parallel_loop3A_799, %parallel_loop3A_800], %parallel_loop3A_794 {strides = array<i32>} : memref<2x20x8x128xf32, #tpu.memory_space<vmem>>, vector<16xf32>,
        %parallel_loop3A_802 = arith.constant 208 : i32
        %parallel_loop3A_803 = vector.broadcast %parallel_loop3A_802 : i32 to vector<16xi32>
        %parallel_loop3A_804 = arith.addi %parallel_loop3A_616, %parallel_loop3A_803 : vector<16xi32>
        %parallel_loop3A_805 = tpu.vector_load_idx %arg5[%parallel_loop3A_804] : memref<2560xf32, #tpu.memory_space<vmem>>[vector<16xi32>], vector<16xf32>,
        %parallel_loop3A_806 = arith.constant 1 : i32
        %parallel_loop3A_807 = arith.constant 5 : i32
        %parallel_loop3A_808 = arith.index_cast %parallel_loop3A_806 : i32 to index
        %parallel_loop3A_809 = arith.index_cast %parallel_loop3A_640 : i32 to index
        %parallel_loop3A_810 = arith.index_cast %parallel_loop3A_807 : i32 to index
        %parallel_loop3A_811 = arith.index_cast %parallel_loop3A_658 : i32 to index
        %parallel_loop3A_812 = tpu.vector_load %arg9[%parallel_loop3A_808, %parallel_loop3A_809, %parallel_loop3A_810, %parallel_loop3A_811] {strides = array<i32>} : memref<2x20x8x128xf32, #tpu.memory_space<vmem>>, vector<16xf32>,
        tpu.vector_store %arg9[%parallel_loop3A_808, %parallel_loop3A_809, %parallel_loop3A_810, %parallel_loop3A_811], %parallel_loop3A_805 {strides = array<i32>} : memref<2x20x8x128xf32, #tpu.memory_space<vmem>>, vector<16xf32>,
        %parallel_loop3A_813 = arith.constant 224 : i32
        %parallel_loop3A_814 = vector.broadcast %parallel_loop3A_813 : i32 to vector<16xi32>
        %parallel_loop3A_815 = arith.addi %parallel_loop3A_616, %parallel_loop3A_814 : vector<16xi32>
        %parallel_loop3A_816 = tpu.vector_load_idx %arg5[%parallel_loop3A_815] : memref<2560xf32, #tpu.memory_space<vmem>>[vector<16xi32>], vector<16xf32>,
        %parallel_loop3A_817 = arith.constant 1 : i32
        %parallel_loop3A_818 = arith.constant 6 : i32
        %parallel_loop3A_819 = arith.index_cast %parallel_loop3A_817 : i32 to index
        %parallel_loop3A_820 = arith.index_cast %parallel_loop3A_640 : i32 to index
        %parallel_loop3A_821 = arith.index_cast %parallel_loop3A_818 : i32 to index
        %parallel_loop3A_822 = arith.index_cast %parallel_loop3A_658 : i32 to index
        %parallel_loop3A_823 = tpu.vector_load %arg9[%parallel_loop3A_819, %parallel_loop3A_820, %parallel_loop3A_821, %parallel_loop3A_822] {strides = array<i32>} : memref<2x20x8x128xf32, #tpu.memory_space<vmem>>, vector<16xf32>,
        tpu.vector_store %arg9[%parallel_loop3A_819, %parallel_loop3A_820, %parallel_loop3A_821, %parallel_loop3A_822], %parallel_loop3A_816 {strides = array<i32>} : memref<2x20x8x128xf32, #tpu.memory_space<vmem>>, vector<16xf32>,
        %parallel_loop3A_824 = arith.constant 240 : i32
        %parallel_loop3A_825 = vector.broadcast %parallel_loop3A_824 : i32 to vector<16xi32>
        %parallel_loop3A_826 = arith.addi %parallel_loop3A_616, %parallel_loop3A_825 : vector<16xi32>
        %parallel_loop3A_827 = tpu.vector_load_idx %arg5[%parallel_loop3A_826] : memref<2560xf32, #tpu.memory_space<vmem>>[vector<16xi32>], vector<16xf32>,
        %parallel_loop3A_828 = arith.constant 1 : i32
        %parallel_loop3A_829 = arith.constant 7 : i32
        %parallel_loop3A_830 = arith.index_cast %parallel_loop3A_828 : i32 to index
        %parallel_loop3A_831 = arith.index_cast %parallel_loop3A_640 : i32 to index
        %parallel_loop3A_832 = arith.index_cast %parallel_loop3A_829 : i32 to index
        %parallel_loop3A_833 = arith.index_cast %parallel_loop3A_658 : i32 to index
        %parallel_loop3A_834 = tpu.vector_load %arg9[%parallel_loop3A_830, %parallel_loop3A_831, %parallel_loop3A_832, %parallel_loop3A_833] {strides = array<i32>} : memref<2x20x8x128xf32, #tpu.memory_space<vmem>>, vector<16xf32>,
        tpu.vector_store %arg9[%parallel_loop3A_830, %parallel_loop3A_831, %parallel_loop3A_832, %parallel_loop3A_833], %parallel_loop3A_827 {strides = array<i32>} : memref<2x20x8x128xf32, #tpu.memory_space<vmem>>, vector<16xf32>,
      } {sc.loop_unroll_factor = 4 : i64, sc.parallel_access}
      %add3A_544 = arith.constant 1 : i32
      %add3A_545 = arith.addi %mul3A_345, %add3A_544 : i32
      %mul3A_546 = arith.constant 32 : i32
      %mul3A_547 = arith.muli %mul3A_546, %add3A_545 : i32
      %add3A_548 = arith.addi %add3A, %mul3A_547 : i32
      %min3A_549 = arith.constant 1249 : i32
      %min3A_550 = arith.minsi %add3A_548, %min3A_549 : i32
      %mul3A_551 = arith.constant 20 : i32
      %mul3A_552 = arith.muli %min3A_550, %mul3A_551 : i32
      %mul3A_553 = arith.constant 20 : i32
      %mul3A_554 = arith.muli %min3A_550, %mul3A_553 : i32
      %dma_start3A_555 = arith.constant 0 : i32
      %dma_start3A_556 = arith.constant 0 : i32
      %dma_start3A_557 = arith.constant 0 : i32
      %dma_start3A_558 = arith.constant 0 : i32
      %dma_start3A_559 = arith.constant 0 : i32
      %dma_start3A_560 = tpu.memref_slice %arg9[%dma_start3A_555, %dma_start3A_557, %dma_start3A_558, %dma_start3A_559] : memref<2x20x8x128xf32, #tpu.memory_space<vmem>> -> memref<1x20x8x128xf32, #tpu.memory_space<vmem>>
      %dma_start3A_561 = tpu.memref_squeeze %dma_start3A_560 : memref<1x20x8x128xf32, #tpu.memory_space<vmem>> -> memref<20x8x128xf32, #tpu.memory_space<vmem>>
      %dma_start3A_562 = arith.constant 0 : i32
      %dma_start3A_563 = arith.constant 0 : i32
      %dma_start3A_564 = tpu.memref_slice %arg4[%dma_start3A_556, %mul3A_552, %dma_start3A_562, %dma_start3A_563] : memref<2x25000x8x128xf32, #tpu.memory_space<hbm>> -> memref<1x20x8x128xf32, #tpu.memory_space<hbm>>
      %dma_start3A_565 = tpu.memref_squeeze %dma_start3A_564 : memref<1x20x8x128xf32, #tpu.memory_space<hbm>> -> memref<20x8x128xf32, #tpu.memory_space<hbm>>
      %dma_start3A_566 = arith.constant 0 : i32
      %dma_start3A_567 = arith.constant 0 : i32
      %dma_start3A_568 = tpu.memref_slice %arg4[%dma_start3A_556, %mul3A_552, %dma_start3A_566, %dma_start3A_567] : memref<2x25000x8x128xf32, #tpu.memory_space<hbm>> -> memref<1x20x8x128xf32, #tpu.memory_space<hbm>>
      %dma_start3A_569 = tpu.memref_squeeze %dma_start3A_568 : memref<1x20x8x128xf32, #tpu.memory_space<hbm>> -> memref<20x8x128xf32, #tpu.memory_space<hbm>>
      %dma_start3A_570 = arith.constant 0 : i32
      %dma_start3A_571 = arith.constant 0 : i32
      %dma_start3A_572 = arith.constant 0 : i32
      %dma_start3A_573 = tpu.memref_slice %arg9[%dma_start3A_555, %dma_start3A_570, %dma_start3A_571, %dma_start3A_572] : memref<2x20x8x128xf32, #tpu.memory_space<vmem>> -> memref<1x20x8x128xf32, #tpu.memory_space<vmem>>
      %dma_start3A_574 = tpu.memref_squeeze %dma_start3A_573 : memref<1x20x8x128xf32, #tpu.memory_space<vmem>> -> memref<20x8x128xf32, #tpu.memory_space<vmem>>
      tpu.enqueue_dma source(%dma_start3A_574 : memref<20x8x128xf32, #tpu.memory_space<vmem>>) target(%dma_start3A_569 : memref<20x8x128xf32, #tpu.memory_space<hbm>>) target_semaphore(%arg13 : memref<!tpu.dma_semaphore, #tpu.memory_space<semaphore_mem>>)
      %dma_start3A_575 = arith.constant 1 : i32
      %dma_start3A_576 = arith.constant 1 : i32
      %dma_start3A_577 = arith.constant 0 : i32
      %dma_start3A_578 = arith.constant 0 : i32
      %dma_start3A_579 = arith.constant 0 : i32
      %dma_start3A_580 = tpu.memref_slice %arg9[%dma_start3A_575, %dma_start3A_577, %dma_start3A_578, %dma_start3A_579] : memref<2x20x8x128xf32, #tpu.memory_space<vmem>> -> memref<1x20x8x128xf32, #tpu.memory_space<vmem>>
      %dma_start3A_581 = tpu.memref_squeeze %dma_start3A_580 : memref<1x20x8x128xf32, #tpu.memory_space<vmem>> -> memref<20x8x128xf32, #tpu.memory_space<vmem>>
      %dma_start3A_582 = arith.constant 0 : i32
      %dma_start3A_583 = arith.constant 0 : i32
      %dma_start3A_584 = tpu.memref_slice %arg4[%dma_start3A_576, %mul3A_554, %dma_start3A_582, %dma_start3A_583] : memref<2x25000x8x128xf32, #tpu.memory_space<hbm>> -> memref<1x20x8x128xf32, #tpu.memory_space<hbm>>
      %dma_start3A_585 = tpu.memref_squeeze %dma_start3A_584 : memref<1x20x8x128xf32, #tpu.memory_space<hbm>> -> memref<20x8x128xf32, #tpu.memory_space<hbm>>
      %dma_start3A_586 = arith.constant 0 : i32
      %dma_start3A_587 = arith.constant 0 : i32
      %dma_start3A_588 = tpu.memref_slice %arg4[%dma_start3A_576, %mul3A_554, %dma_start3A_586, %dma_start3A_587] : memref<2x25000x8x128xf32, #tpu.memory_space<hbm>> -> memref<1x20x8x128xf32, #tpu.memory_space<hbm>>
      %dma_start3A_589 = tpu.memref_squeeze %dma_start3A_588 : memref<1x20x8x128xf32, #tpu.memory_space<hbm>> -> memref<20x8x128xf32, #tpu.memory_space<hbm>>
      %dma_start3A_590 = arith.constant 0 : i32
      %dma_start3A_591 = arith.constant 0 : i32
      %dma_start3A_592 = arith.constant 0 : i32
      %dma_start3A_593 = tpu.memref_slice %arg9[%dma_start3A_575, %dma_start3A_590, %dma_start3A_591, %dma_start3A_592] : memref<2x20x8x128xf32, #tpu.memory_space<vmem>> -> memref<1x20x8x128xf32, #tpu.memory_space<vmem>>
      %dma_start3A_594 = tpu.memref_squeeze %dma_start3A_593 : memref<1x20x8x128xf32, #tpu.memory_space<vmem>> -> memref<20x8x128xf32, #tpu.memory_space<vmem>>
      tpu.enqueue_dma source(%dma_start3A_594 : memref<20x8x128xf32, #tpu.memory_space<vmem>>) target(%dma_start3A_589 : memref<20x8x128xf32, #tpu.memory_space<hbm>>) target_semaphore(%arg13 : memref<!tpu.dma_semaphore, #tpu.memory_space<semaphore_mem>>)
      %add3A_595 = arith.constant 1 : i32
      %add3A_596 = arith.addi %mul3A_345, %add3A_595 : i32
      %add3A_597 = arith.constant 2 : i32
      %add3A_598 = arith.addi %add3A_596, %add3A_597 : i32
      %mul3A_599 = arith.constant 32 : i32
      %mul3A_600 = arith.muli %mul3A_599, %add3A_598 : i32
      %add3A_601 = arith.addi %add3A, %mul3A_600 : i32
      %min3A_602 = arith.constant 1249 : i32
      %min3A_603 = arith.minsi %add3A_601, %min3A_602 : i32
      %mul3A_604 = arith.constant 2560 : i32
      %mul3A_605 = arith.muli %min3A_603, %mul3A_604 : i32
      %dma_start3A_606 = tpu.memref_slice %arg2[%mul3A_605] : memref<3200000xi32, #tpu.memory_space<hbm>> -> memref<2560xi32, #tpu.memory_space<hbm>>
      %dma_start3A_607 = tpu.memref_slice %arg2[%mul3A_605] : memref<3200000xi32, #tpu.memory_space<hbm>> -> memref<2560xi32, #tpu.memory_space<hbm>>
      tpu.enqueue_dma source(%dma_start3A_607 : memref<2560xi32, #tpu.memory_space<hbm>>) target(%arg7 : memref<2560xi32, #tpu.memory_space<vmem>>) target_semaphore(%arg11 : memref<!tpu.dma_semaphore, #tpu.memory_space<semaphore_mem>>)
    }
    %while3A_175 = arith.constant 1 : i32
    scf.for %while3A_343 = %while3A_173 to %while3A_169 step %while3A_175  : i32 {
      %mul3A_344 = arith.constant 2 : i32
      %mul3A_345 = arith.muli %mul3A_344, %while3A_343 : i32
      %add3A_346 = arith.constant 0 : i32
      %add3A_347 = arith.addi %mul3A_345, %add3A_346 : i32
      %mul3A_348 = arith.constant 32 : i32
      %mul3A_349 = arith.muli %mul3A_348, %add3A_347 : i32
      %add3A_350 = arith.addi %add3A, %mul3A_349 : i32
      %min3A_351 = arith.constant 1249 : i32
      %min3A_352 = arith.minsi %add3A_350, %min3A_351 : i32
      %mul3A_353 = arith.constant 2560 : i32
      %mul3A_354 = arith.muli %min3A_352, %mul3A_353 : i32
      %dma_wait3A_355 = tpu.memref_slice %arg2[%mul3A_354] : memref<3200000xi32, #tpu.memory_space<hbm>> -> memref<2560xi32, #tpu.memory_space<hbm>>
      %dma_wait3A_356 = tpu.memref_slice %arg2[%mul3A_354] : memref<3200000xi32, #tpu.memory_space<hbm>> -> memref<2560xi32, #tpu.memory_space<hbm>>
      tpu.wait_dma2 semaphore(%arg10 : memref<!tpu.dma_semaphore, #tpu.memory_space<semaphore_mem>>) src(%dma_wait3A_356 : memref<2560xi32, #tpu.memory_space<hbm>>) dst(%arg6 : memref<2560xi32, #tpu.memory_space<vmem>>)
      %add3A_357 = arith.constant 0 : i32
      %add3A_358 = arith.addi %mul3A_345, %add3A_357 : i32
      %sub3A_359 = arith.constant 2 : i32
      %sub3A_360 = arith.subi %add3A_358, %sub3A_359 : i32
      %mul3A_361 = arith.constant 32 : i32
      %mul3A_362 = arith.muli %mul3A_361, %sub3A_360 : i32
      %add3A_363 = arith.addi %add3A, %mul3A_362 : i32
      %min3A_364 = arith.constant 1249 : i32
      %min3A_365 = arith.minsi %add3A_363, %min3A_364 : i32
      %mul3A_366 = arith.constant 20 : i32
      %mul3A_367 = arith.muli %min3A_365, %mul3A_366 : i32
      %mul3A_368 = arith.constant 20 : i32
      %mul3A_369 = arith.muli %min3A_365, %mul3A_368 : i32
      %dma_wait3A_370 = arith.constant 0 : i32
      %dma_wait3A_371 = arith.constant 0 : i32
      %dma_wait3A_372 = arith.constant 0 : i32
      %dma_wait3A_373 = arith.constant 0 : i32
      %dma_wait3A_374 = arith.constant 0 : i32
      %dma_wait3A_375 = tpu.memref_slice %arg8[%dma_wait3A_370, %dma_wait3A_372, %dma_wait3A_373, %dma_wait3A_374] : memref<2x20x8x128xf32, #tpu.memory_space<vmem>> -> memref<1x20x8x128xf32, #tpu.memory_space<vmem>>
      %dma_wait3A_376 = tpu.memref_squeeze %dma_wait3A_375 : memref<1x20x8x128xf32, #tpu.memory_space<vmem>> -> memref<20x8x128xf32, #tpu.memory_space<vmem>>
      %dma_wait3A_377 = arith.constant 0 : i32
      %dma_wait3A_378 = arith.constant 0 : i32
      %dma_wait3A_379 = tpu.memref_slice %arg4[%dma_wait3A_371, %mul3A_367, %dma_wait3A_377, %dma_wait3A_378] : memref<2x25000x8x128xf32, #tpu.memory_space<hbm>> -> memref<1x20x8x128xf32, #tpu.memory_space<hbm>>
      %dma_wait3A_380 = tpu.memref_squeeze %dma_wait3A_379 : memref<1x20x8x128xf32, #tpu.memory_space<hbm>> -> memref<20x8x128xf32, #tpu.memory_space<hbm>>
      %dma_wait3A_381 = arith.constant 0 : i32
      %dma_wait3A_382 = arith.constant 0 : i32
      %dma_wait3A_383 = tpu.memref_slice %arg4[%dma_wait3A_371, %mul3A_367, %dma_wait3A_381, %dma_wait3A_382] : memref<2x25000x8x128xf32, #tpu.memory_space<hbm>> -> memref<1x20x8x128xf32, #tpu.memory_space<hbm>>
      %dma_wait3A_384 = tpu.memref_squeeze %dma_wait3A_383 : memref<1x20x8x128xf32, #tpu.memory_space<hbm>> -> memref<20x8x128xf32, #tpu.memory_space<hbm>>
      %dma_wait3A_385 = arith.constant 0 : i32
      %dma_wait3A_386 = arith.constant 0 : i32
      %dma_wait3A_387 = arith.constant 0 : i32
      %dma_wait3A_388 = tpu.memref_slice %arg8[%dma_wait3A_370, %dma_wait3A_385, %dma_wait3A_386, %dma_wait3A_387] : memref<2x20x8x128xf32, #tpu.memory_space<vmem>> -> memref<1x20x8x128xf32, #tpu.memory_space<vmem>>
      %dma_wait3A_389 = tpu.memref_squeeze %dma_wait3A_388 : memref<1x20x8x128xf32, #tpu.memory_space<vmem>> -> memref<20x8x128xf32, #tpu.memory_space<vmem>>
      tpu.wait_dma2 semaphore(%arg12 : memref<!tpu.dma_semaphore, #tpu.memory_space<semaphore_mem>>) src(%dma_wait3A_389 : memref<20x8x128xf32, #tpu.memory_space<vmem>>) dst(%dma_wait3A_384 : memref<20x8x128xf32, #tpu.memory_space<hbm>>)
      %dma_wait3A_390 = arith.constant 1 : i32
      %dma_wait3A_391 = arith.constant 1 : i32
      %dma_wait3A_392 = arith.constant 0 : i32
      %dma_wait3A_393 = arith.constant 0 : i32
      %dma_wait3A_394 = arith.constant 0 : i32
      %dma_wait3A_395 = tpu.memref_slice %arg8[%dma_wait3A_390, %dma_wait3A_392, %dma_wait3A_393, %dma_wait3A_394] : memref<2x20x8x128xf32, #tpu.memory_space<vmem>> -> memref<1x20x8x128xf32, #tpu.memory_space<vmem>>
      %dma_wait3A_396 = tpu.memref_squeeze %dma_wait3A_395 : memref<1x20x8x128xf32, #tpu.memory_space<vmem>> -> memref<20x8x128xf32, #tpu.memory_space<vmem>>
      %dma_wait3A_397 = arith.constant 0 : i32
      %dma_wait3A_398 = arith.constant 0 : i32
      %dma_wait3A_399 = tpu.memref_slice %arg4[%dma_wait3A_391, %mul3A_369, %dma_wait3A_397, %dma_wait3A_398] : memref<2x25000x8x128xf32, #tpu.memory_space<hbm>> -> memref<1x20x8x128xf32, #tpu.memory_space<hbm>>
      %dma_wait3A_400 = tpu.memref_squeeze %dma_wait3A_399 : memref<1x20x8x128xf32, #tpu.memory_space<hbm>> -> memref<20x8x128xf32, #tpu.memory_space<hbm>>
      %dma_wait3A_401 = arith.constant 0 : i32
      %dma_wait3A_402 = arith.constant 0 : i32
      %dma_wait3A_403 = tpu.memref_slice %arg4[%dma_wait3A_391, %mul3A_369, %dma_wait3A_401, %dma_wait3A_402] : memref<2x25000x8x128xf32, #tpu.memory_space<hbm>> -> memref<1x20x8x128xf32, #tpu.memory_space<hbm>>
      %dma_wait3A_404 = tpu.memref_squeeze %dma_wait3A_403 : memref<1x20x8x128xf32, #tpu.memory_space<hbm>> -> memref<20x8x128xf32, #tpu.memory_space<hbm>>
      %dma_wait3A_405 = arith.constant 0 : i32
      %dma_wait3A_406 = arith.constant 0 : i32
      %dma_wait3A_407 = arith.constant 0 : i32
      %dma_wait3A_408 = tpu.memref_slice %arg8[%dma_wait3A_390, %dma_wait3A_405, %dma_wait3A_406, %dma_wait3A_407] : memref<2x20x8x128xf32, #tpu.memory_space<vmem>> -> memref<1x20x8x128xf32, #tpu.memory_space<vmem>>
      %dma_wait3A_409 = tpu.memref_squeeze %dma_wait3A_408 : memref<1x20x8x128xf32, #tpu.memory_space<vmem>> -> memref<20x8x128xf32, #tpu.memory_space<vmem>>
      tpu.wait_dma2 semaphore(%arg12 : memref<!tpu.dma_semaphore, #tpu.memory_space<semaphore_mem>>) src(%dma_wait3A_409 : memref<20x8x128xf32, #tpu.memory_space<vmem>>) dst(%dma_wait3A_404 : memref<20x8x128xf32, #tpu.memory_space<hbm>>)
      %parallel_loop3A_410 = arith.constant 0 : i32
      %parallel_loop3A_411 = arith.constant 160 : i32
      %parallel_loop3A_412 = arith.constant 1 : i32
      scf.for %parallel_loop3A_608 = %parallel_loop3A_410 to %parallel_loop3A_411 step %parallel_loop3A_412  : i32 {
        %parallel_loop3A_609 = arith.constant 16 : i32
        %parallel_loop3A_610 = arith.muli %parallel_loop3A_608, %parallel_loop3A_609 : i32
        %parallel_loop3A_611 = arith.index_cast %parallel_loop3A_610 : i32 to index
        %parallel_loop3A_612 = tpu.vector_load %arg6[%parallel_loop3A_611] {strides = array<i32>} : memref<2560xi32, #tpu.memory_space<vmem>>, vector<16xi32>,
        %parallel_loop3A_613 = arith.constant 256 : i32
        %parallel_loop3A_614 = vector.broadcast %parallel_loop3A_613 : i32 to vector<16xi32>
        %parallel_loop3A_615 = arith.muli %parallel_loop3A_612, %parallel_loop3A_614 : vector<16xi32>
        %parallel_loop3A_616 = arith.addi %parallel_loop3A_615, %iota3A : vector<16xi32>
        %parallel_loop3A_617 = arith.constant 8 : i32
        %parallel_loop3A_618 = arith.divsi %parallel_loop3A_608, %parallel_loop3A_617 : i32
        %parallel_loop3A_619 = arith.constant 0 : i32
        %parallel_loop3A_620 = arith.cmpi sgt, %parallel_loop3A_608, %parallel_loop3A_619 : i32
        %parallel_loop3A_621 = arith.extui %parallel_loop3A_620 : i1 to i32
        %parallel_loop3A_622 = arith.constant 0 : i32
        %parallel_loop3A_623 = arith.cmpi slt, %parallel_loop3A_608, %parallel_loop3A_622 : i32
        %parallel_loop3A_624 = arith.extui %parallel_loop3A_623 : i1 to i32
        %parallel_loop3A_625 = arith.subi %parallel_loop3A_621, %parallel_loop3A_624 : i32
        %parallel_loop3A_626 = arith.constant 0 : i32
        %parallel_loop3A_627 = arith.cmpi sgt, %parallel_loop3A_617, %parallel_loop3A_626 : i32
        %parallel_loop3A_628 = arith.extui %parallel_loop3A_627 : i1 to i32
        %parallel_loop3A_629 = arith.constant 0 : i32
        %parallel_loop3A_630 = arith.cmpi slt, %parallel_loop3A_617, %parallel_loop3A_629 : i32
        %parallel_loop3A_631 = arith.extui %parallel_loop3A_630 : i1 to i32
        %parallel_loop3A_632 = arith.subi %parallel_loop3A_628, %parallel_loop3A_631 : i32
        %parallel_loop3A_633 = arith.cmpi ne, %parallel_loop3A_625, %parallel_loop3A_632 : i32
        %parallel_loop3A_634 = arith.remsi %parallel_loop3A_608, %parallel_loop3A_617 : i32
        %parallel_loop3A_635 = arith.constant 0 : i32
        %parallel_loop3A_636 = arith.cmpi ne, %parallel_loop3A_634, %parallel_loop3A_635 : i32
        %parallel_loop3A_637 = arith.andi %parallel_loop3A_633, %parallel_loop3A_636 : i1
        %parallel_loop3A_638 = arith.constant 1 : i32
        %parallel_loop3A_639 = arith.subi %parallel_loop3A_618, %parallel_loop3A_638 : i32
        %parallel_loop3A_640 = arith.select %parallel_loop3A_637, %parallel_loop3A_639, %parallel_loop3A_618 : i32
        %parallel_loop3A_641 = arith.constant 8 : i32
        %parallel_loop3A_642 = arith.constant 0 : i32
        %parallel_loop3A_643 = arith.cmpi eq, %parallel_loop3A_641, %parallel_loop3A_642 : i32
        %parallel_loop3A_644 = arith.constant 1 : i32
        %parallel_loop3A_645 = arith.select %parallel_loop3A_643, %parallel_loop3A_644, %parallel_loop3A_641 : i32
        %parallel_loop3A_646 = arith.remsi %parallel_loop3A_608, %parallel_loop3A_645 : i32
        %parallel_loop3A_647 = arith.constant 0 : i32
        %parallel_loop3A_648 = arith.cmpi ne, %parallel_loop3A_646, %parallel_loop3A_647 : i32
        %parallel_loop3A_649 = arith.constant 0 : i32
        %parallel_loop3A_650 = arith.cmpi slt, %parallel_loop3A_646, %parallel_loop3A_649 : i32
        %parallel_loop3A_651 = arith.constant 0 : i32
        %parallel_loop3A_652 = arith.cmpi slt, %parallel_loop3A_645, %parallel_loop3A_651 : i32
        %parallel_loop3A_653 = arith.xori %parallel_loop3A_650, %parallel_loop3A_652 : i1
        %parallel_loop3A_654 = arith.andi %parallel_loop3A_653, %parallel_loop3A_648 : i1
        %parallel_loop3A_655 = arith.addi %parallel_loop3A_646, %parallel_loop3A_645 : i32
        %parallel_loop3A_656 = arith.select %parallel_loop3A_654, %parallel_loop3A_655, %parallel_loop3A_646 : i32
        %parallel_loop3A_657 = arith.constant 16 : i32
        %parallel_loop3A_658 = arith.muli %parallel_loop3A_656, %parallel_loop3A_657 : i32
        %parallel_loop3A_659 = arith.constant 0 : i32
        %parallel_loop3A_660 = vector.broadcast %parallel_loop3A_659 : i32 to vector<16xi32>
        %parallel_loop3A_661 = arith.addi %parallel_loop3A_616, %parallel_loop3A_660 : vector<16xi32>
        %parallel_loop3A_662 = tpu.vector_load_idx %arg5[%parallel_loop3A_661] : memref<2560xf32, #tpu.memory_space<vmem>>[vector<16xi32>], vector<16xf32>,
        %parallel_loop3A_663 = arith.constant 0 : i32
        %parallel_loop3A_664 = arith.constant 0 : i32
        %parallel_loop3A_665 = arith.index_cast %parallel_loop3A_663 : i32 to index
        %parallel_loop3A_666 = arith.index_cast %parallel_loop3A_640 : i32 to index
        %parallel_loop3A_667 = arith.index_cast %parallel_loop3A_664 : i32 to index
        %parallel_loop3A_668 = arith.index_cast %parallel_loop3A_658 : i32 to index
        %parallel_loop3A_669 = tpu.vector_load %arg8[%parallel_loop3A_665, %parallel_loop3A_666, %parallel_loop3A_667, %parallel_loop3A_668] {strides = array<i32>} : memref<2x20x8x128xf32, #tpu.memory_space<vmem>>, vector<16xf32>,
        tpu.vector_store %arg8[%parallel_loop3A_665, %parallel_loop3A_666, %parallel_loop3A_667, %parallel_loop3A_668], %parallel_loop3A_662 {strides = array<i32>} : memref<2x20x8x128xf32, #tpu.memory_space<vmem>>, vector<16xf32>,
        %parallel_loop3A_670 = arith.constant 16 : i32
        %parallel_loop3A_671 = vector.broadcast %parallel_loop3A_670 : i32 to vector<16xi32>
        %parallel_loop3A_672 = arith.addi %parallel_loop3A_616, %parallel_loop3A_671 : vector<16xi32>
        %parallel_loop3A_673 = tpu.vector_load_idx %arg5[%parallel_loop3A_672] : memref<2560xf32, #tpu.memory_space<vmem>>[vector<16xi32>], vector<16xf32>,
        %parallel_loop3A_674 = arith.constant 0 : i32
        %parallel_loop3A_675 = arith.constant 1 : i32
        %parallel_loop3A_676 = arith.index_cast %parallel_loop3A_674 : i32 to index
        %parallel_loop3A_677 = arith.index_cast %parallel_loop3A_640 : i32 to index
        %parallel_loop3A_678 = arith.index_cast %parallel_loop3A_675 : i32 to index
        %parallel_loop3A_679 = arith.index_cast %parallel_loop3A_658 : i32 to index
        %parallel_loop3A_680 = tpu.vector_load %arg8[%parallel_loop3A_676, %parallel_loop3A_677, %parallel_loop3A_678, %parallel_loop3A_679] {strides = array<i32>} : memref<2x20x8x128xf32, #tpu.memory_space<vmem>>, vector<16xf32>,
        tpu.vector_store %arg8[%parallel_loop3A_676, %parallel_loop3A_677, %parallel_loop3A_678, %parallel_loop3A_679], %parallel_loop3A_673 {strides = array<i32>} : memref<2x20x8x128xf32, #tpu.memory_space<vmem>>, vector<16xf32>,
        %parallel_loop3A_681 = arith.constant 32 : i32
        %parallel_loop3A_682 = vector.broadcast %parallel_loop3A_681 : i32 to vector<16xi32>
        %parallel_loop3A_683 = arith.addi %parallel_loop3A_616, %parallel_loop3A_682 : vector<16xi32>
        %parallel_loop3A_684 = tpu.vector_load_idx %arg5[%parallel_loop3A_683] : memref<2560xf32, #tpu.memory_space<vmem>>[vector<16xi32>], vector<16xf32>,
        %parallel_loop3A_685 = arith.constant 0 : i32
        %parallel_loop3A_686 = arith.constant 2 : i32
        %parallel_loop3A_687 = arith.index_cast %parallel_loop3A_685 : i32 to index
        %parallel_loop3A_688 = arith.index_cast %parallel_loop3A_640 : i32 to index
        %parallel_loop3A_689 = arith.index_cast %parallel_loop3A_686 : i32 to index
        %parallel_loop3A_690 = arith.index_cast %parallel_loop3A_658 : i32 to index
        %parallel_loop3A_691 = tpu.vector_load %arg8[%parallel_loop3A_687, %parallel_loop3A_688, %parallel_loop3A_689, %parallel_loop3A_690] {strides = array<i32>} : memref<2x20x8x128xf32, #tpu.memory_space<vmem>>, vector<16xf32>,
        tpu.vector_store %arg8[%parallel_loop3A_687, %parallel_loop3A_688, %parallel_loop3A_689, %parallel_loop3A_690], %parallel_loop3A_684 {strides = array<i32>} : memref<2x20x8x128xf32, #tpu.memory_space<vmem>>, vector<16xf32>,
        %parallel_loop3A_692 = arith.constant 48 : i32
        %parallel_loop3A_693 = vector.broadcast %parallel_loop3A_692 : i32 to vector<16xi32>
        %parallel_loop3A_694 = arith.addi %parallel_loop3A_616, %parallel_loop3A_693 : vector<16xi32>
        %parallel_loop3A_695 = tpu.vector_load_idx %arg5[%parallel_loop3A_694] : memref<2560xf32, #tpu.memory_space<vmem>>[vector<16xi32>], vector<16xf32>,
        %parallel_loop3A_696 = arith.constant 0 : i32
        %parallel_loop3A_697 = arith.constant 3 : i32
        %parallel_loop3A_698 = arith.index_cast %parallel_loop3A_696 : i32 to index
        %parallel_loop3A_699 = arith.index_cast %parallel_loop3A_640 : i32 to index
        %parallel_loop3A_700 = arith.index_cast %parallel_loop3A_697 : i32 to index
        %parallel_loop3A_701 = arith.index_cast %parallel_loop3A_658 : i32 to index
        %parallel_loop3A_702 = tpu.vector_load %arg8[%parallel_loop3A_698, %parallel_loop3A_699, %parallel_loop3A_700, %parallel_loop3A_701] {strides = array<i32>} : memref<2x20x8x128xf32, #tpu.memory_space<vmem>>, vector<16xf32>,
        tpu.vector_store %arg8[%parallel_loop3A_698, %parallel_loop3A_699, %parallel_loop3A_700, %parallel_loop3A_701], %parallel_loop3A_695 {strides = array<i32>} : memref<2x20x8x128xf32, #tpu.memory_space<vmem>>, vector<16xf32>,
        %parallel_loop3A_703 = arith.constant 64 : i32
        %parallel_loop3A_704 = vector.broadcast %parallel_loop3A_703 : i32 to vector<16xi32>
        %parallel_loop3A_705 = arith.addi %parallel_loop3A_616, %parallel_loop3A_704 : vector<16xi32>
        %parallel_loop3A_706 = tpu.vector_load_idx %arg5[%parallel_loop3A_705] : memref<2560xf32, #tpu.memory_space<vmem>>[vector<16xi32>], vector<16xf32>,
        %parallel_loop3A_707 = arith.constant 0 : i32
        %parallel_loop3A_708 = arith.constant 4 : i32
        %parallel_loop3A_709 = arith.index_cast %parallel_loop3A_707 : i32 to index
        %parallel_loop3A_710 = arith.index_cast %parallel_loop3A_640 : i32 to index
        %parallel_loop3A_711 = arith.index_cast %parallel_loop3A_708 : i32 to index
        %parallel_loop3A_712 = arith.index_cast %parallel_loop3A_658 : i32 to index
        %parallel_loop3A_713 = tpu.vector_load %arg8[%parallel_loop3A_709, %parallel_loop3A_710, %parallel_loop3A_711, %parallel_loop3A_712] {strides = array<i32>} : memref<2x20x8x128xf32, #tpu.memory_space<vmem>>, vector<16xf32>,
        tpu.vector_store %arg8[%parallel_loop3A_709, %parallel_loop3A_710, %parallel_loop3A_711, %parallel_loop3A_712], %parallel_loop3A_706 {strides = array<i32>} : memref<2x20x8x128xf32, #tpu.memory_space<vmem>>, vector<16xf32>,
        %parallel_loop3A_714 = arith.constant 80 : i32
        %parallel_loop3A_715 = vector.broadcast %parallel_loop3A_714 : i32 to vector<16xi32>
        %parallel_loop3A_716 = arith.addi %parallel_loop3A_616, %parallel_loop3A_715 : vector<16xi32>
        %parallel_loop3A_717 = tpu.vector_load_idx %arg5[%parallel_loop3A_716] : memref<2560xf32, #tpu.memory_space<vmem>>[vector<16xi32>], vector<16xf32>,
        %parallel_loop3A_718 = arith.constant 0 : i32
        %parallel_loop3A_719 = arith.constant 5 : i32
        %parallel_loop3A_720 = arith.index_cast %parallel_loop3A_718 : i32 to index
        %parallel_loop3A_721 = arith.index_cast %parallel_loop3A_640 : i32 to index
        %parallel_loop3A_722 = arith.index_cast %parallel_loop3A_719 : i32 to index
        %parallel_loop3A_723 = arith.index_cast %parallel_loop3A_658 : i32 to index
        %parallel_loop3A_724 = tpu.vector_load %arg8[%parallel_loop3A_720, %parallel_loop3A_721, %parallel_loop3A_722, %parallel_loop3A_723] {strides = array<i32>} : memref<2x20x8x128xf32, #tpu.memory_space<vmem>>, vector<16xf32>,
        tpu.vector_store %arg8[%parallel_loop3A_720, %parallel_loop3A_721, %parallel_loop3A_722, %parallel_loop3A_723], %parallel_loop3A_717 {strides = array<i32>} : memref<2x20x8x128xf32, #tpu.memory_space<vmem>>, vector<16xf32>,
        %parallel_loop3A_725 = arith.constant 96 : i32
        %parallel_loop3A_726 = vector.broadcast %parallel_loop3A_725 : i32 to vector<16xi32>
        %parallel_loop3A_727 = arith.addi %parallel_loop3A_616, %parallel_loop3A_726 : vector<16xi32>
        %parallel_loop3A_728 = tpu.vector_load_idx %arg5[%parallel_loop3A_727] : memref<2560xf32, #tpu.memory_space<vmem>>[vector<16xi32>], vector<16xf32>,
        %parallel_loop3A_729 = arith.constant 0 : i32
        %parallel_loop3A_730 = arith.constant 6 : i32
        %parallel_loop3A_731 = arith.index_cast %parallel_loop3A_729 : i32 to index
        %parallel_loop3A_732 = arith.index_cast %parallel_loop3A_640 : i32 to index
        %parallel_loop3A_733 = arith.index_cast %parallel_loop3A_730 : i32 to index
        %parallel_loop3A_734 = arith.index_cast %parallel_loop3A_658 : i32 to index
        %parallel_loop3A_735 = tpu.vector_load %arg8[%parallel_loop3A_731, %parallel_loop3A_732, %parallel_loop3A_733, %parallel_loop3A_734] {strides = array<i32>} : memref<2x20x8x128xf32, #tpu.memory_space<vmem>>, vector<16xf32>,
        tpu.vector_store %arg8[%parallel_loop3A_731, %parallel_loop3A_732, %parallel_loop3A_733, %parallel_loop3A_734], %parallel_loop3A_728 {strides = array<i32>} : memref<2x20x8x128xf32, #tpu.memory_space<vmem>>, vector<16xf32>,
        %parallel_loop3A_736 = arith.constant 112 : i32
        %parallel_loop3A_737 = vector.broadcast %parallel_loop3A_736 : i32 to vector<16xi32>
        %parallel_loop3A_738 = arith.addi %parallel_loop3A_616, %parallel_loop3A_737 : vector<16xi32>
        %parallel_loop3A_739 = tpu.vector_load_idx %arg5[%parallel_loop3A_738] : memref<2560xf32, #tpu.memory_space<vmem>>[vector<16xi32>], vector<16xf32>,
        %parallel_loop3A_740 = arith.constant 0 : i32
        %parallel_loop3A_741 = arith.constant 7 : i32
        %parallel_loop3A_742 = arith.index_cast %parallel_loop3A_740 : i32 to index
        %parallel_loop3A_743 = arith.index_cast %parallel_loop3A_640 : i32 to index
        %parallel_loop3A_744 = arith.index_cast %parallel_loop3A_741 : i32 to index
        %parallel_loop3A_745 = arith.index_cast %parallel_loop3A_658 : i32 to index
        %parallel_loop3A_746 = tpu.vector_load %arg8[%parallel_loop3A_742, %parallel_loop3A_743, %parallel_loop3A_744, %parallel_loop3A_745] {strides = array<i32>} : memref<2x20x8x128xf32, #tpu.memory_space<vmem>>, vector<16xf32>,
        tpu.vector_store %arg8[%parallel_loop3A_742, %parallel_loop3A_743, %parallel_loop3A_744, %parallel_loop3A_745], %parallel_loop3A_739 {strides = array<i32>} : memref<2x20x8x128xf32, #tpu.memory_space<vmem>>, vector<16xf32>,
        %parallel_loop3A_747 = arith.constant 128 : i32
        %parallel_loop3A_748 = vector.broadcast %parallel_loop3A_747 : i32 to vector<16xi32>
        %parallel_loop3A_749 = arith.addi %parallel_loop3A_616, %parallel_loop3A_748 : vector<16xi32>
        %parallel_loop3A_750 = tpu.vector_load_idx %arg5[%parallel_loop3A_749] : memref<2560xf32, #tpu.memory_space<vmem>>[vector<16xi32>], vector<16xf32>,
        %parallel_loop3A_751 = arith.constant 1 : i32
        %parallel_loop3A_752 = arith.constant 0 : i32
        %parallel_loop3A_753 = arith.index_cast %parallel_loop3A_751 : i32 to index
        %parallel_loop3A_754 = arith.index_cast %parallel_loop3A_640 : i32 to index
        %parallel_loop3A_755 = arith.index_cast %parallel_loop3A_752 : i32 to index
        %parallel_loop3A_756 = arith.index_cast %parallel_loop3A_658 : i32 to index
        %parallel_loop3A_757 = tpu.vector_load %arg8[%parallel_loop3A_753, %parallel_loop3A_754, %parallel_loop3A_755, %parallel_loop3A_756] {strides = array<i32>} : memref<2x20x8x128xf32, #tpu.memory_space<vmem>>, vector<16xf32>,
        tpu.vector_store %arg8[%parallel_loop3A_753, %parallel_loop3A_754, %parallel_loop3A_755, %parallel_loop3A_756], %parallel_loop3A_750 {strides = array<i32>} : memref<2x20x8x128xf32, #tpu.memory_space<vmem>>, vector<16xf32>,
        %parallel_loop3A_758 = arith.constant 144 : i32
        %parallel_loop3A_759 = vector.broadcast %parallel_loop3A_758 : i32 to vector<16xi32>
        %parallel_loop3A_760 = arith.addi %parallel_loop3A_616, %parallel_loop3A_759 : vector<16xi32>
        %parallel_loop3A_761 = tpu.vector_load_idx %arg5[%parallel_loop3A_760] : memref<2560xf32, #tpu.memory_space<vmem>>[vector<16xi32>], vector<16xf32>,
        %parallel_loop3A_762 = arith.constant 1 : i32
        %parallel_loop3A_763 = arith.constant 1 : i32
        %parallel_loop3A_764 = arith.index_cast %parallel_loop3A_762 : i32 to index
        %parallel_loop3A_765 = arith.index_cast %parallel_loop3A_640 : i32 to index
        %parallel_loop3A_766 = arith.index_cast %parallel_loop3A_763 : i32 to index
        %parallel_loop3A_767 = arith.index_cast %parallel_loop3A_658 : i32 to index
        %parallel_loop3A_768 = tpu.vector_load %arg8[%parallel_loop3A_764, %parallel_loop3A_765, %parallel_loop3A_766, %parallel_loop3A_767] {strides = array<i32>} : memref<2x20x8x128xf32, #tpu.memory_space<vmem>>, vector<16xf32>,
        tpu.vector_store %arg8[%parallel_loop3A_764, %parallel_loop3A_765, %parallel_loop3A_766, %parallel_loop3A_767], %parallel_loop3A_761 {strides = array<i32>} : memref<2x20x8x128xf32, #tpu.memory_space<vmem>>, vector<16xf32>,
        %parallel_loop3A_769 = arith.constant 160 : i32
        %parallel_loop3A_770 = vector.broadcast %parallel_loop3A_769 : i32 to vector<16xi32>
        %parallel_loop3A_771 = arith.addi %parallel_loop3A_616, %parallel_loop3A_770 : vector<16xi32>
        %parallel_loop3A_772 = tpu.vector_load_idx %arg5[%parallel_loop3A_771] : memref<2560xf32, #tpu.memory_space<vmem>>[vector<16xi32>], vector<16xf32>,
        %parallel_loop3A_773 = arith.constant 1 : i32
        %parallel_loop3A_774 = arith.constant 2 : i32
        %parallel_loop3A_775 = arith.index_cast %parallel_loop3A_773 : i32 to index
        %parallel_loop3A_776 = arith.index_cast %parallel_loop3A_640 : i32 to index
        %parallel_loop3A_777 = arith.index_cast %parallel_loop3A_774 : i32 to index
        %parallel_loop3A_778 = arith.index_cast %parallel_loop3A_658 : i32 to index
        %parallel_loop3A_779 = tpu.vector_load %arg8[%parallel_loop3A_775, %parallel_loop3A_776, %parallel_loop3A_777, %parallel_loop3A_778] {strides = array<i32>} : memref<2x20x8x128xf32, #tpu.memory_space<vmem>>, vector<16xf32>,
        tpu.vector_store %arg8[%parallel_loop3A_775, %parallel_loop3A_776, %parallel_loop3A_777, %parallel_loop3A_778], %parallel_loop3A_772 {strides = array<i32>} : memref<2x20x8x128xf32, #tpu.memory_space<vmem>>, vector<16xf32>,
        %parallel_loop3A_780 = arith.constant 176 : i32
        %parallel_loop3A_781 = vector.broadcast %parallel_loop3A_780 : i32 to vector<16xi32>
        %parallel_loop3A_782 = arith.addi %parallel_loop3A_616, %parallel_loop3A_781 : vector<16xi32>
        %parallel_loop3A_783 = tpu.vector_load_idx %arg5[%parallel_loop3A_782] : memref<2560xf32, #tpu.memory_space<vmem>>[vector<16xi32>], vector<16xf32>,
        %parallel_loop3A_784 = arith.constant 1 : i32
        %parallel_loop3A_785 = arith.constant 3 : i32
        %parallel_loop3A_786 = arith.index_cast %parallel_loop3A_784 : i32 to index
        %parallel_loop3A_787 = arith.index_cast %parallel_loop3A_640 : i32 to index
        %parallel_loop3A_788 = arith.index_cast %parallel_loop3A_785 : i32 to index
        %parallel_loop3A_789 = arith.index_cast %parallel_loop3A_658 : i32 to index
        %parallel_loop3A_790 = tpu.vector_load %arg8[%parallel_loop3A_786, %parallel_loop3A_787, %parallel_loop3A_788, %parallel_loop3A_789] {strides = array<i32>} : memref<2x20x8x128xf32, #tpu.memory_space<vmem>>, vector<16xf32>,
        tpu.vector_store %arg8[%parallel_loop3A_786, %parallel_loop3A_787, %parallel_loop3A_788, %parallel_loop3A_789], %parallel_loop3A_783 {strides = array<i32>} : memref<2x20x8x128xf32, #tpu.memory_space<vmem>>, vector<16xf32>,
        %parallel_loop3A_791 = arith.constant 192 : i32
        %parallel_loop3A_792 = vector.broadcast %parallel_loop3A_791 : i32 to vector<16xi32>
        %parallel_loop3A_793 = arith.addi %parallel_loop3A_616, %parallel_loop3A_792 : vector<16xi32>
        %parallel_loop3A_794 = tpu.vector_load_idx %arg5[%parallel_loop3A_793] : memref<2560xf32, #tpu.memory_space<vmem>>[vector<16xi32>], vector<16xf32>,
        %parallel_loop3A_795 = arith.constant 1 : i32
        %parallel_loop3A_796 = arith.constant 4 : i32
        %parallel_loop3A_797 = arith.index_cast %parallel_loop3A_795 : i32 to index
        %parallel_loop3A_798 = arith.index_cast %parallel_loop3A_640 : i32 to index
        %parallel_loop3A_799 = arith.index_cast %parallel_loop3A_796 : i32 to index
        %parallel_loop3A_800 = arith.index_cast %parallel_loop3A_658 : i32 to index
        %parallel_loop3A_801 = tpu.vector_load %arg8[%parallel_loop3A_797, %parallel_loop3A_798, %parallel_loop3A_799, %parallel_loop3A_800] {strides = array<i32>} : memref<2x20x8x128xf32, #tpu.memory_space<vmem>>, vector<16xf32>,
        tpu.vector_store %arg8[%parallel_loop3A_797, %parallel_loop3A_798, %parallel_loop3A_799, %parallel_loop3A_800], %parallel_loop3A_794 {strides = array<i32>} : memref<2x20x8x128xf32, #tpu.memory_space<vmem>>, vector<16xf32>,
        %parallel_loop3A_802 = arith.constant 208 : i32
        %parallel_loop3A_803 = vector.broadcast %parallel_loop3A_802 : i32 to vector<16xi32>
        %parallel_loop3A_804 = arith.addi %parallel_loop3A_616, %parallel_loop3A_803 : vector<16xi32>
        %parallel_loop3A_805 = tpu.vector_load_idx %arg5[%parallel_loop3A_804] : memref<2560xf32, #tpu.memory_space<vmem>>[vector<16xi32>], vector<16xf32>,
        %parallel_loop3A_806 = arith.constant 1 : i32
        %parallel_loop3A_807 = arith.constant 5 : i32
        %parallel_loop3A_808 = arith.index_cast %parallel_loop3A_806 : i32 to index
        %parallel_loop3A_809 = arith.index_cast %parallel_loop3A_640 : i32 to index
        %parallel_loop3A_810 = arith.index_cast %parallel_loop3A_807 : i32 to index
        %parallel_loop3A_811 = arith.index_cast %parallel_loop3A_658 : i32 to index
        %parallel_loop3A_812 = tpu.vector_load %arg8[%parallel_loop3A_808, %parallel_loop3A_809, %parallel_loop3A_810, %parallel_loop3A_811] {strides = array<i32>} : memref<2x20x8x128xf32, #tpu.memory_space<vmem>>, vector<16xf32>,
        tpu.vector_store %arg8[%parallel_loop3A_808, %parallel_loop3A_809, %parallel_loop3A_810, %parallel_loop3A_811], %parallel_loop3A_805 {strides = array<i32>} : memref<2x20x8x128xf32, #tpu.memory_space<vmem>>, vector<16xf32>,
        %parallel_loop3A_813 = arith.constant 224 : i32
        %parallel_loop3A_814 = vector.broadcast %parallel_loop3A_813 : i32 to vector<16xi32>
        %parallel_loop3A_815 = arith.addi %parallel_loop3A_616, %parallel_loop3A_814 : vector<16xi32>
        %parallel_loop3A_816 = tpu.vector_load_idx %arg5[%parallel_loop3A_815] : memref<2560xf32, #tpu.memory_space<vmem>>[vector<16xi32>], vector<16xf32>,
        %parallel_loop3A_817 = arith.constant 1 : i32
        %parallel_loop3A_818 = arith.constant 6 : i32
        %parallel_loop3A_819 = arith.index_cast %parallel_loop3A_817 : i32 to index
        %parallel_loop3A_820 = arith.index_cast %parallel_loop3A_640 : i32 to index
        %parallel_loop3A_821 = arith.index_cast %parallel_loop3A_818 : i32 to index
        %parallel_loop3A_822 = arith.index_cast %parallel_loop3A_658 : i32 to index
        %parallel_loop3A_823 = tpu.vector_load %arg8[%parallel_loop3A_819, %parallel_loop3A_820, %parallel_loop3A_821, %parallel_loop3A_822] {strides = array<i32>} : memref<2x20x8x128xf32, #tpu.memory_space<vmem>>, vector<16xf32>,
        tpu.vector_store %arg8[%parallel_loop3A_819, %parallel_loop3A_820, %parallel_loop3A_821, %parallel_loop3A_822], %parallel_loop3A_816 {strides = array<i32>} : memref<2x20x8x128xf32, #tpu.memory_space<vmem>>, vector<16xf32>,
        %parallel_loop3A_824 = arith.constant 240 : i32
        %parallel_loop3A_825 = vector.broadcast %parallel_loop3A_824 : i32 to vector<16xi32>
        %parallel_loop3A_826 = arith.addi %parallel_loop3A_616, %parallel_loop3A_825 : vector<16xi32>
        %parallel_loop3A_827 = tpu.vector_load_idx %arg5[%parallel_loop3A_826] : memref<2560xf32, #tpu.memory_space<vmem>>[vector<16xi32>], vector<16xf32>,
        %parallel_loop3A_828 = arith.constant 1 : i32
        %parallel_loop3A_829 = arith.constant 7 : i32
        %parallel_loop3A_830 = arith.index_cast %parallel_loop3A_828 : i32 to index
        %parallel_loop3A_831 = arith.index_cast %parallel_loop3A_640 : i32 to index
        %parallel_loop3A_832 = arith.index_cast %parallel_loop3A_829 : i32 to index
        %parallel_loop3A_833 = arith.index_cast %parallel_loop3A_658 : i32 to index
        %parallel_loop3A_834 = tpu.vector_load %arg8[%parallel_loop3A_830, %parallel_loop3A_831, %parallel_loop3A_832, %parallel_loop3A_833] {strides = array<i32>} : memref<2x20x8x128xf32, #tpu.memory_space<vmem>>, vector<16xf32>,
        tpu.vector_store %arg8[%parallel_loop3A_830, %parallel_loop3A_831, %parallel_loop3A_832, %parallel_loop3A_833], %parallel_loop3A_827 {strides = array<i32>} : memref<2x20x8x128xf32, #tpu.memory_space<vmem>>, vector<16xf32>,
      } {sc.loop_unroll_factor = 4 : i64, sc.parallel_access}
      %add3A_413 = arith.constant 0 : i32
      %add3A_414 = arith.addi %mul3A_345, %add3A_413 : i32
      %mul3A_415 = arith.constant 32 : i32
      %mul3A_416 = arith.muli %mul3A_415, %add3A_414 : i32
      %add3A_417 = arith.addi %add3A, %mul3A_416 : i32
      %min3A_418 = arith.constant 1249 : i32
      %min3A_419 = arith.minsi %add3A_417, %min3A_418 : i32
      %mul3A_420 = arith.constant 20 : i32
      %mul3A_421 = arith.muli %min3A_419, %mul3A_420 : i32
      %mul3A_422 = arith.constant 20 : i32
      %mul3A_423 = arith.muli %min3A_419, %mul3A_422 : i32
      %dma_start3A_424 = arith.constant 0 : i32
      %dma_start3A_425 = arith.constant 0 : i32
      %dma_start3A_426 = arith.constant 0 : i32
      %dma_start3A_427 = arith.constant 0 : i32
      %dma_start3A_428 = arith.constant 0 : i32
      %dma_start3A_429 = tpu.memref_slice %arg8[%dma_start3A_424, %dma_start3A_426, %dma_start3A_427, %dma_start3A_428] : memref<2x20x8x128xf32, #tpu.memory_space<vmem>> -> memref<1x20x8x128xf32, #tpu.memory_space<vmem>>
      %dma_start3A_430 = tpu.memref_squeeze %dma_start3A_429 : memref<1x20x8x128xf32, #tpu.memory_space<vmem>> -> memref<20x8x128xf32, #tpu.memory_space<vmem>>
      %dma_start3A_431 = arith.constant 0 : i32
      %dma_start3A_432 = arith.constant 0 : i32
      %dma_start3A_433 = tpu.memref_slice %arg4[%dma_start3A_425, %mul3A_421, %dma_start3A_431, %dma_start3A_432] : memref<2x25000x8x128xf32, #tpu.memory_space<hbm>> -> memref<1x20x8x128xf32, #tpu.memory_space<hbm>>
      %dma_start3A_434 = tpu.memref_squeeze %dma_start3A_433 : memref<1x20x8x128xf32, #tpu.memory_space<hbm>> -> memref<20x8x128xf32, #tpu.memory_space<hbm>>
      %dma_start3A_435 = arith.constant 0 : i32
      %dma_start3A_436 = arith.constant 0 : i32
      %dma_start3A_437 = tpu.memref_slice %arg4[%dma_start3A_425, %mul3A_421, %dma_start3A_435, %dma_start3A_436] : memref<2x25000x8x128xf32, #tpu.memory_space<hbm>> -> memref<1x20x8x128xf32, #tpu.memory_space<hbm>>
      %dma_start3A_438 = tpu.memref_squeeze %dma_start3A_437 : memref<1x20x8x128xf32, #tpu.memory_space<hbm>> -> memref<20x8x128xf32, #tpu.memory_space<hbm>>
      %dma_start3A_439 = arith.constant 0 : i32
      %dma_start3A_440 = arith.constant 0 : i32
      %dma_start3A_441 = arith.constant 0 : i32
      %dma_start3A_442 = tpu.memref_slice %arg8[%dma_start3A_424, %dma_start3A_439, %dma_start3A_440, %dma_start3A_441] : memref<2x20x8x128xf32, #tpu.memory_space<vmem>> -> memref<1x20x8x128xf32, #tpu.memory_space<vmem>>
      %dma_start3A_443 = tpu.memref_squeeze %dma_start3A_442 : memref<1x20x8x128xf32, #tpu.memory_space<vmem>> -> memref<20x8x128xf32, #tpu.memory_space<vmem>>
      tpu.enqueue_dma source(%dma_start3A_443 : memref<20x8x128xf32, #tpu.memory_space<vmem>>) target(%dma_start3A_438 : memref<20x8x128xf32, #tpu.memory_space<hbm>>) target_semaphore(%arg12 : memref<!tpu.dma_semaphore, #tpu.memory_space<semaphore_mem>>)
      %dma_start3A_444 = arith.constant 1 : i32
      %dma_start3A_445 = arith.constant 1 : i32
      %dma_start3A_446 = arith.constant 0 : i32
      %dma_start3A_447 = arith.constant 0 : i32
      %dma_start3A_448 = arith.constant 0 : i32
      %dma_start3A_449 = tpu.memref_slice %arg8[%dma_start3A_444, %dma_start3A_446, %dma_start3A_447, %dma_start3A_448] : memref<2x20x8x128xf32, #tpu.memory_space<vmem>> -> memref<1x20x8x128xf32, #tpu.memory_space<vmem>>
      %dma_start3A_450 = tpu.memref_squeeze %dma_start3A_449 : memref<1x20x8x128xf32, #tpu.memory_space<vmem>> -> memref<20x8x128xf32, #tpu.memory_space<vmem>>
      %dma_start3A_451 = arith.constant 0 : i32
      %dma_start3A_452 = arith.constant 0 : i32
      %dma_start3A_453 = tpu.memref_slice %arg4[%dma_start3A_445, %mul3A_423, %dma_start3A_451, %dma_start3A_452] : memref<2x25000x8x128xf32, #tpu.memory_space<hbm>> -> memref<1x20x8x128xf32, #tpu.memory_space<hbm>>
      %dma_start3A_454 = tpu.memref_squeeze %dma_start3A_453 : memref<1x20x8x128xf32, #tpu.memory_space<hbm>> -> memref<20x8x128xf32, #tpu.memory_space<hbm>>
      %dma_start3A_455 = arith.constant 0 : i32
      %dma_start3A_456 = arith.constant 0 : i32
      %dma_start3A_457 = tpu.memref_slice %arg4[%dma_start3A_445, %mul3A_423, %dma_start3A_455, %dma_start3A_456] : memref<2x25000x8x128xf32, #tpu.memory_space<hbm>> -> memref<1x20x8x128xf32, #tpu.memory_space<hbm>>
      %dma_start3A_458 = tpu.memref_squeeze %dma_start3A_457 : memref<1x20x8x128xf32, #tpu.memory_space<hbm>> -> memref<20x8x128xf32, #tpu.memory_space<hbm>>
      %dma_start3A_459 = arith.constant 0 : i32
      %dma_start3A_460 = arith.constant 0 : i32
      %dma_start3A_461 = arith.constant 0 : i32
      %dma_start3A_462 = tpu.memref_slice %arg8[%dma_start3A_444, %dma_start3A_459, %dma_start3A_460, %dma_start3A_461] : memref<2x20x8x128xf32, #tpu.memory_space<vmem>> -> memref<1x20x8x128xf32, #tpu.memory_space<vmem>>
      %dma_start3A_463 = tpu.memref_squeeze %dma_start3A_462 : memref<1x20x8x128xf32, #tpu.memory_space<vmem>> -> memref<20x8x128xf32, #tpu.memory_space<vmem>>
      tpu.enqueue_dma source(%dma_start3A_463 : memref<20x8x128xf32, #tpu.memory_space<vmem>>) target(%dma_start3A_458 : memref<20x8x128xf32, #tpu.memory_space<hbm>>) target_semaphore(%arg12 : memref<!tpu.dma_semaphore, #tpu.memory_space<semaphore_mem>>)
      %add3A_464 = arith.constant 0 : i32
      %add3A_465 = arith.addi %mul3A_345, %add3A_464 : i32
      %add3A_466 = arith.constant 2 : i32
      %add3A_467 = arith.addi %add3A_465, %add3A_466 : i32
      %mul3A_468 = arith.constant 32 : i32
      %mul3A_469 = arith.muli %mul3A_468, %add3A_467 : i32
      %add3A_470 = arith.addi %add3A, %mul3A_469 : i32
      %min3A_471 = arith.constant 1249 : i32
      %min3A_472 = arith.minsi %add3A_470, %min3A_471 : i32
      %mul3A_473 = arith.constant 2560 : i32
      %mul3A_474 = arith.muli %min3A_472, %mul3A_473 : i32
      %dma_start3A_475 = tpu.memref_slice %arg2[%mul3A_474] : memref<3200000xi32, #tpu.memory_space<hbm>> -> memref<2560xi32, #tpu.memory_space<hbm>>
      %dma_start3A_476 = tpu.memref_slice %arg2[%mul3A_474] : memref<3200000xi32, #tpu.memory_space<hbm>> -> memref<2560xi32, #tpu.memory_space<hbm>>
      tpu.enqueue_dma source(%dma_start3A_476 : memref<2560xi32, #tpu.memory_space<hbm>>) target(%arg6 : memref<2560xi32, #tpu.memory_space<vmem>>) target_semaphore(%arg10 : memref<!tpu.dma_semaphore, #tpu.memory_space<semaphore_mem>>)
      %add3A_477 = arith.constant 1 : i32
      %add3A_478 = arith.addi %mul3A_345, %add3A_477 : i32
      %mul3A_479 = arith.constant 32 : i32
      %mul3A_480 = arith.muli %mul3A_479, %add3A_478 : i32
      %add3A_481 = arith.addi %add3A, %mul3A_480 : i32
      %min3A_482 = arith.constant 1249 : i32
      %min3A_483 = arith.minsi %add3A_481, %min3A_482 : i32
      %mul3A_484 = arith.constant 2560 : i32
      %mul3A_485 = arith.muli %min3A_483, %mul3A_484 : i32
      %dma_wait3A_486 = tpu.memref_slice %arg2[%mul3A_485] : memref<3200000xi32, #tpu.memory_space<hbm>> -> memref<2560xi32, #tpu.memory_space<hbm>>
      %dma_wait3A_487 = tpu.memref_slice %arg2[%mul3A_485] : memref<3200000xi32, #tpu.memory_space<hbm>> -> memref<2560xi32, #tpu.memory_space<hbm>>
      tpu.wait_dma2 semaphore(%arg11 : memref<!tpu.dma_semaphore, #tpu.memory_space<semaphore_mem>>) src(%dma_wait3A_487 : memref<2560xi32, #tpu.memory_space<hbm>>) dst(%arg7 : memref<2560xi32, #tpu.memory_space<vmem>>)
      %add3A_488 = arith.constant 1 : i32
      %add3A_489 = arith.addi %mul3A_345, %add3A_488 : i32
      %sub3A_490 = arith.constant 2 : i32
      %sub3A_491 = arith.subi %add3A_489, %sub3A_490 : i32
      %mul3A_492 = arith.constant 32 : i32
      %mul3A_493 = arith.muli %mul3A_492, %sub3A_491 : i32
      %add3A_494 = arith.addi %add3A, %mul3A_493 : i32
      %min3A_495 = arith.constant 1249 : i32
      %min3A_496 = arith.minsi %add3A_494, %min3A_495 : i32
      %mul3A_497 = arith.constant 20 : i32
      %mul3A_498 = arith.muli %min3A_496, %mul3A_497 : i32
      %mul3A_499 = arith.constant 20 : i32
      %mul3A_500 = arith.muli %min3A_496, %mul3A_499 : i32
      %dma_wait3A_501 = arith.constant 0 : i32
      %dma_wait3A_502 = arith.constant 0 : i32
      %dma_wait3A_503 = arith.constant 0 : i32
      %dma_wait3A_504 = arith.constant 0 : i32
      %dma_wait3A_505 = arith.constant 0 : i32
      %dma_wait3A_506 = tpu.memref_slice %arg9[%dma_wait3A_501, %dma_wait3A_503, %dma_wait3A_504, %dma_wait3A_505] : memref<2x20x8x128xf32, #tpu.memory_space<vmem>> -> memref<1x20x8x128xf32, #tpu.memory_space<vmem>>
      %dma_wait3A_507 = tpu.memref_squeeze %dma_wait3A_506 : memref<1x20x8x128xf32, #tpu.memory_space<vmem>> -> memref<20x8x128xf32, #tpu.memory_space<vmem>>
      %dma_wait3A_508 = arith.constant 0 : i32
      %dma_wait3A_509 = arith.constant 0 : i32
      %dma_wait3A_510 = tpu.memref_slice %arg4[%dma_wait3A_502, %mul3A_498, %dma_wait3A_508, %dma_wait3A_509] : memref<2x25000x8x128xf32, #tpu.memory_space<hbm>> -> memref<1x20x8x128xf32, #tpu.memory_space<hbm>>
      %dma_wait3A_511 = tpu.memref_squeeze %dma_wait3A_510 : memref<1x20x8x128xf32, #tpu.memory_space<hbm>> -> memref<20x8x128xf32, #tpu.memory_space<hbm>>
      %dma_wait3A_512 = arith.constant 0 : i32
      %dma_wait3A_513 = arith.constant 0 : i32
      %dma_wait3A_514 = tpu.memref_slice %arg4[%dma_wait3A_502, %mul3A_498, %dma_wait3A_512, %dma_wait3A_513] : memref<2x25000x8x128xf32, #tpu.memory_space<hbm>> -> memref<1x20x8x128xf32, #tpu.memory_space<hbm>>
      %dma_wait3A_515 = tpu.memref_squeeze %dma_wait3A_514 : memref<1x20x8x128xf32, #tpu.memory_space<hbm>> -> memref<20x8x128xf32, #tpu.memory_space<hbm>>
      %dma_wait3A_516 = arith.constant 0 : i32
      %dma_wait3A_517 = arith.constant 0 : i32
      %dma_wait3A_518 = arith.constant 0 : i32
      %dma_wait3A_519 = tpu.memref_slice %arg9[%dma_wait3A_501, %dma_wait3A_516, %dma_wait3A_517, %dma_wait3A_518] : memref<2x20x8x128xf32, #tpu.memory_space<vmem>> -> memref<1x20x8x128xf32, #tpu.memory_space<vmem>>
      %dma_wait3A_520 = tpu.memref_squeeze %dma_wait3A_519 : memref<1x20x8x128xf32, #tpu.memory_space<vmem>> -> memref<20x8x128xf32, #tpu.memory_space<vmem>>
      tpu.wait_dma2 semaphore(%arg13 : memref<!tpu.dma_semaphore, #tpu.memory_space<semaphore_mem>>) src(%dma_wait3A_520 : memref<20x8x128xf32, #tpu.memory_space<vmem>>) dst(%dma_wait3A_515 : memref<20x8x128xf32, #tpu.memory_space<hbm>>)
      %dma_wait3A_521 = arith.constant 1 : i32
      %dma_wait3A_522 = arith.constant 1 : i32
      %dma_wait3A_523 = arith.constant 0 : i32
      %dma_wait3A_524 = arith.constant 0 : i32
      %dma_wait3A_525 = arith.constant 0 : i32
      %dma_wait3A_526 = tpu.memref_slice %arg9[%dma_wait3A_521, %dma_wait3A_523, %dma_wait3A_524, %dma_wait3A_525] : memref<2x20x8x128xf32, #tpu.memory_space<vmem>> -> memref<1x20x8x128xf32, #tpu.memory_space<vmem>>
      %dma_wait3A_527 = tpu.memref_squeeze %dma_wait3A_526 : memref<1x20x8x128xf32, #tpu.memory_space<vmem>> -> memref<20x8x128xf32, #tpu.memory_space<vmem>>
      %dma_wait3A_528 = arith.constant 0 : i32
      %dma_wait3A_529 = arith.constant 0 : i32
      %dma_wait3A_530 = tpu.memref_slice %arg4[%dma_wait3A_522, %mul3A_500, %dma_wait3A_528, %dma_wait3A_529] : memref<2x25000x8x128xf32, #tpu.memory_space<hbm>> -> memref<1x20x8x128xf32, #tpu.memory_space<hbm>>
      %dma_wait3A_531 = tpu.memref_squeeze %dma_wait3A_530 : memref<1x20x8x128xf32, #tpu.memory_space<hbm>> -> memref<20x8x128xf32, #tpu.memory_space<hbm>>
      %dma_wait3A_532 = arith.constant 0 : i32
      %dma_wait3A_533 = arith.constant 0 : i32
      %dma_wait3A_534 = tpu.memref_slice %arg4[%dma_wait3A_522, %mul3A_500, %dma_wait3A_532, %dma_wait3A_533] : memref<2x25000x8x128xf32, #tpu.memory_space<hbm>> -> memref<1x20x8x128xf32, #tpu.memory_space<hbm>>
      %dma_wait3A_535 = tpu.memref_squeeze %dma_wait3A_534 : memref<1x20x8x128xf32, #tpu.memory_space<hbm>> -> memref<20x8x128xf32, #tpu.memory_space<hbm>>
      %dma_wait3A_536 = arith.constant 0 : i32
      %dma_wait3A_537 = arith.constant 0 : i32
      %dma_wait3A_538 = arith.constant 0 : i32
      %dma_wait3A_539 = tpu.memref_slice %arg9[%dma_wait3A_521, %dma_wait3A_536, %dma_wait3A_537, %dma_wait3A_538] : memref<2x20x8x128xf32, #tpu.memory_space<vmem>> -> memref<1x20x8x128xf32, #tpu.memory_space<vmem>>
      %dma_wait3A_540 = tpu.memref_squeeze %dma_wait3A_539 : memref<1x20x8x128xf32, #tpu.memory_space<vmem>> -> memref<20x8x128xf32, #tpu.memory_space<vmem>>
      tpu.wait_dma2 semaphore(%arg13 : memref<!tpu.dma_semaphore, #tpu.memory_space<semaphore_mem>>) src(%dma_wait3A_540 : memref<20x8x128xf32, #tpu.memory_space<vmem>>) dst(%dma_wait3A_535 : memref<20x8x128xf32, #tpu.memory_space<hbm>>)
      %parallel_loop3A_541 = arith.constant 0 : i32
      %parallel_loop3A_542 = arith.constant 160 : i32
      %parallel_loop3A_543 = arith.constant 1 : i32
      scf.for %parallel_loop3A_608 = %parallel_loop3A_541 to %parallel_loop3A_542 step %parallel_loop3A_543  : i32 {
        %parallel_loop3A_609 = arith.constant 16 : i32
        %parallel_loop3A_610 = arith.muli %parallel_loop3A_608, %parallel_loop3A_609 : i32
        %parallel_loop3A_611 = arith.index_cast %parallel_loop3A_610 : i32 to index
        %parallel_loop3A_612 = tpu.vector_load %arg7[%parallel_loop3A_611] {strides = array<i32>} : memref<2560xi32, #tpu.memory_space<vmem>>, vector<16xi32>,
        %parallel_loop3A_613 = arith.constant 256 : i32
        %parallel_loop3A_614 = vector.broadcast %parallel_loop3A_613 : i32 to vector<16xi32>
        %parallel_loop3A_615 = arith.muli %parallel_loop3A_612, %parallel_loop3A_614 : vector<16xi32>
        %parallel_loop3A_616 = arith.addi %parallel_loop3A_615, %iota3A : vector<16xi32>
        %parallel_loop3A_617 = arith.constant 8 : i32
        %parallel_loop3A_618 = arith.divsi %parallel_loop3A_608, %parallel_loop3A_617 : i32
        %parallel_loop3A_619 = arith.constant 0 : i32
        %parallel_loop3A_620 = arith.cmpi sgt, %parallel_loop3A_608, %parallel_loop3A_619 : i32
        %parallel_loop3A_621 = arith.extui %parallel_loop3A_620 : i1 to i32
        %parallel_loop3A_622 = arith.constant 0 : i32
        %parallel_loop3A_623 = arith.cmpi slt, %parallel_loop3A_608, %parallel_loop3A_622 : i32
        %parallel_loop3A_624 = arith.extui %parallel_loop3A_623 : i1 to i32
        %parallel_loop3A_625 = arith.subi %parallel_loop3A_621, %parallel_loop3A_624 : i32
        %parallel_loop3A_626 = arith.constant 0 : i32
        %parallel_loop3A_627 = arith.cmpi sgt, %parallel_loop3A_617, %parallel_loop3A_626 : i32
        %parallel_loop3A_628 = arith.extui %parallel_loop3A_627 : i1 to i32
        %parallel_loop3A_629 = arith.constant 0 : i32
        %parallel_loop3A_630 = arith.cmpi slt, %parallel_loop3A_617, %parallel_loop3A_629 : i32
        %parallel_loop3A_631 = arith.extui %parallel_loop3A_630 : i1 to i32
        %parallel_loop3A_632 = arith.subi %parallel_loop3A_628, %parallel_loop3A_631 : i32
        %parallel_loop3A_633 = arith.cmpi ne, %parallel_loop3A_625, %parallel_loop3A_632 : i32
        %parallel_loop3A_634 = arith.remsi %parallel_loop3A_608, %parallel_loop3A_617 : i32
        %parallel_loop3A_635 = arith.constant 0 : i32
        %parallel_loop3A_636 = arith.cmpi ne, %parallel_loop3A_634, %parallel_loop3A_635 : i32
        %parallel_loop3A_637 = arith.andi %parallel_loop3A_633, %parallel_loop3A_636 : i1
        %parallel_loop3A_638 = arith.constant 1 : i32
        %parallel_loop3A_639 = arith.subi %parallel_loop3A_618, %parallel_loop3A_638 : i32
        %parallel_loop3A_640 = arith.select %parallel_loop3A_637, %parallel_loop3A_639, %parallel_loop3A_618 : i32
        %parallel_loop3A_641 = arith.constant 8 : i32
        %parallel_loop3A_642 = arith.constant 0 : i32
        %parallel_loop3A_643 = arith.cmpi eq, %parallel_loop3A_641, %parallel_loop3A_642 : i32
        %parallel_loop3A_644 = arith.constant 1 : i32
        %parallel_loop3A_645 = arith.select %parallel_loop3A_643, %parallel_loop3A_644, %parallel_loop3A_641 : i32
        %parallel_loop3A_646 = arith.remsi %parallel_loop3A_608, %parallel_loop3A_645 : i32
        %parallel_loop3A_647 = arith.constant 0 : i32
        %parallel_loop3A_648 = arith.cmpi ne, %parallel_loop3A_646, %parallel_loop3A_647 : i32
        %parallel_loop3A_649 = arith.constant 0 : i32
        %parallel_loop3A_650 = arith.cmpi slt, %parallel_loop3A_646, %parallel_loop3A_649 : i32
        %parallel_loop3A_651 = arith.constant 0 : i32
        %parallel_loop3A_652 = arith.cmpi slt, %parallel_loop3A_645, %parallel_loop3A_651 : i32
        %parallel_loop3A_653 = arith.xori %parallel_loop3A_650, %parallel_loop3A_652 : i1
        %parallel_loop3A_654 = arith.andi %parallel_loop3A_653, %parallel_loop3A_648 : i1
        %parallel_loop3A_655 = arith.addi %parallel_loop3A_646, %parallel_loop3A_645 : i32
        %parallel_loop3A_656 = arith.select %parallel_loop3A_654, %parallel_loop3A_655, %parallel_loop3A_646 : i32
        %parallel_loop3A_657 = arith.constant 16 : i32
        %parallel_loop3A_658 = arith.muli %parallel_loop3A_656, %parallel_loop3A_657 : i32
        %parallel_loop3A_659 = arith.constant 0 : i32
        %parallel_loop3A_660 = vector.broadcast %parallel_loop3A_659 : i32 to vector<16xi32>
        %parallel_loop3A_661 = arith.addi %parallel_loop3A_616, %parallel_loop3A_660 : vector<16xi32>
        %parallel_loop3A_662 = tpu.vector_load_idx %arg5[%parallel_loop3A_661] : memref<2560xf32, #tpu.memory_space<vmem>>[vector<16xi32>], vector<16xf32>,
        %parallel_loop3A_663 = arith.constant 0 : i32
        %parallel_loop3A_664 = arith.constant 0 : i32
        %parallel_loop3A_665 = arith.index_cast %parallel_loop3A_663 : i32 to index
        %parallel_loop3A_666 = arith.index_cast %parallel_loop3A_640 : i32 to index
        %parallel_loop3A_667 = arith.index_cast %parallel_loop3A_664 : i32 to index
        %parallel_loop3A_668 = arith.index_cast %parallel_loop3A_658 : i32 to index
        %parallel_loop3A_669 = tpu.vector_load %arg9[%parallel_loop3A_665, %parallel_loop3A_666, %parallel_loop3A_667, %parallel_loop3A_668] {strides = array<i32>} : memref<2x20x8x128xf32, #tpu.memory_space<vmem>>, vector<16xf32>,
        tpu.vector_store %arg9[%parallel_loop3A_665, %parallel_loop3A_666, %parallel_loop3A_667, %parallel_loop3A_668], %parallel_loop3A_662 {strides = array<i32>} : memref<2x20x8x128xf32, #tpu.memory_space<vmem>>, vector<16xf32>,
        %parallel_loop3A_670 = arith.constant 16 : i32
        %parallel_loop3A_671 = vector.broadcast %parallel_loop3A_670 : i32 to vector<16xi32>
        %parallel_loop3A_672 = arith.addi %parallel_loop3A_616, %parallel_loop3A_671 : vector<16xi32>
        %parallel_loop3A_673 = tpu.vector_load_idx %arg5[%parallel_loop3A_672] : memref<2560xf32, #tpu.memory_space<vmem>>[vector<16xi32>], vector<16xf32>,
        %parallel_loop3A_674 = arith.constant 0 : i32
        %parallel_loop3A_675 = arith.constant 1 : i32
        %parallel_loop3A_676 = arith.index_cast %parallel_loop3A_674 : i32 to index
        %parallel_loop3A_677 = arith.index_cast %parallel_loop3A_640 : i32 to index
        %parallel_loop3A_678 = arith.index_cast %parallel_loop3A_675 : i32 to index
        %parallel_loop3A_679 = arith.index_cast %parallel_loop3A_658 : i32 to index
        %parallel_loop3A_680 = tpu.vector_load %arg9[%parallel_loop3A_676, %parallel_loop3A_677, %parallel_loop3A_678, %parallel_loop3A_679] {strides = array<i32>} : memref<2x20x8x128xf32, #tpu.memory_space<vmem>>, vector<16xf32>,
        tpu.vector_store %arg9[%parallel_loop3A_676, %parallel_loop3A_677, %parallel_loop3A_678, %parallel_loop3A_679], %parallel_loop3A_673 {strides = array<i32>} : memref<2x20x8x128xf32, #tpu.memory_space<vmem>>, vector<16xf32>,
        %parallel_loop3A_681 = arith.constant 32 : i32
        %parallel_loop3A_682 = vector.broadcast %parallel_loop3A_681 : i32 to vector<16xi32>
        %parallel_loop3A_683 = arith.addi %parallel_loop3A_616, %parallel_loop3A_682 : vector<16xi32>
        %parallel_loop3A_684 = tpu.vector_load_idx %arg5[%parallel_loop3A_683] : memref<2560xf32, #tpu.memory_space<vmem>>[vector<16xi32>], vector<16xf32>,
        %parallel_loop3A_685 = arith.constant 0 : i32
        %parallel_loop3A_686 = arith.constant 2 : i32
        %parallel_loop3A_687 = arith.index_cast %parallel_loop3A_685 : i32 to index
        %parallel_loop3A_688 = arith.index_cast %parallel_loop3A_640 : i32 to index
        %parallel_loop3A_689 = arith.index_cast %parallel_loop3A_686 : i32 to index
        %parallel_loop3A_690 = arith.index_cast %parallel_loop3A_658 : i32 to index
        %parallel_loop3A_691 = tpu.vector_load %arg9[%parallel_loop3A_687, %parallel_loop3A_688, %parallel_loop3A_689, %parallel_loop3A_690] {strides = array<i32>} : memref<2x20x8x128xf32, #tpu.memory_space<vmem>>, vector<16xf32>,
        tpu.vector_store %arg9[%parallel_loop3A_687, %parallel_loop3A_688, %parallel_loop3A_689, %parallel_loop3A_690], %parallel_loop3A_684 {strides = array<i32>} : memref<2x20x8x128xf32, #tpu.memory_space<vmem>>, vector<16xf32>,
        %parallel_loop3A_692 = arith.constant 48 : i32
        %parallel_loop3A_693 = vector.broadcast %parallel_loop3A_692 : i32 to vector<16xi32>
        %parallel_loop3A_694 = arith.addi %parallel_loop3A_616, %parallel_loop3A_693 : vector<16xi32>
        %parallel_loop3A_695 = tpu.vector_load_idx %arg5[%parallel_loop3A_694] : memref<2560xf32, #tpu.memory_space<vmem>>[vector<16xi32>], vector<16xf32>,
        %parallel_loop3A_696 = arith.constant 0 : i32
        %parallel_loop3A_697 = arith.constant 3 : i32
        %parallel_loop3A_698 = arith.index_cast %parallel_loop3A_696 : i32 to index
        %parallel_loop3A_699 = arith.index_cast %parallel_loop3A_640 : i32 to index
        %parallel_loop3A_700 = arith.index_cast %parallel_loop3A_697 : i32 to index
        %parallel_loop3A_701 = arith.index_cast %parallel_loop3A_658 : i32 to index
        %parallel_loop3A_702 = tpu.vector_load %arg9[%parallel_loop3A_698, %parallel_loop3A_699, %parallel_loop3A_700, %parallel_loop3A_701] {strides = array<i32>} : memref<2x20x8x128xf32, #tpu.memory_space<vmem>>, vector<16xf32>,
        tpu.vector_store %arg9[%parallel_loop3A_698, %parallel_loop3A_699, %parallel_loop3A_700, %parallel_loop3A_701], %parallel_loop3A_695 {strides = array<i32>} : memref<2x20x8x128xf32, #tpu.memory_space<vmem>>, vector<16xf32>,
        %parallel_loop3A_703 = arith.constant 64 : i32
        %parallel_loop3A_704 = vector.broadcast %parallel_loop3A_703 : i32 to vector<16xi32>
        %parallel_loop3A_705 = arith.addi %parallel_loop3A_616, %parallel_loop3A_704 : vector<16xi32>
        %parallel_loop3A_706 = tpu.vector_load_idx %arg5[%parallel_loop3A_705] : memref<2560xf32, #tpu.memory_space<vmem>>[vector<16xi32>], vector<16xf32>,
        %parallel_loop3A_707 = arith.constant 0 : i32
        %parallel_loop3A_708 = arith.constant 4 : i32
        %parallel_loop3A_709 = arith.index_cast %parallel_loop3A_707 : i32 to index
        %parallel_loop3A_710 = arith.index_cast %parallel_loop3A_640 : i32 to index
        %parallel_loop3A_711 = arith.index_cast %parallel_loop3A_708 : i32 to index
        %parallel_loop3A_712 = arith.index_cast %parallel_loop3A_658 : i32 to index
        %parallel_loop3A_713 = tpu.vector_load %arg9[%parallel_loop3A_709, %parallel_loop3A_710, %parallel_loop3A_711, %parallel_loop3A_712] {strides = array<i32>} : memref<2x20x8x128xf32, #tpu.memory_space<vmem>>, vector<16xf32>,
        tpu.vector_store %arg9[%parallel_loop3A_709, %parallel_loop3A_710, %parallel_loop3A_711, %parallel_loop3A_712], %parallel_loop3A_706 {strides = array<i32>} : memref<2x20x8x128xf32, #tpu.memory_space<vmem>>, vector<16xf32>,
        %parallel_loop3A_714 = arith.constant 80 : i32
        %parallel_loop3A_715 = vector.broadcast %parallel_loop3A_714 : i32 to vector<16xi32>
        %parallel_loop3A_716 = arith.addi %parallel_loop3A_616, %parallel_loop3A_715 : vector<16xi32>
        %parallel_loop3A_717 = tpu.vector_load_idx %arg5[%parallel_loop3A_716] : memref<2560xf32, #tpu.memory_space<vmem>>[vector<16xi32>], vector<16xf32>,
        %parallel_loop3A_718 = arith.constant 0 : i32
        %parallel_loop3A_719 = arith.constant 5 : i32
        %parallel_loop3A_720 = arith.index_cast %parallel_loop3A_718 : i32 to index
        %parallel_loop3A_721 = arith.index_cast %parallel_loop3A_640 : i32 to index
        %parallel_loop3A_722 = arith.index_cast %parallel_loop3A_719 : i32 to index
        %parallel_loop3A_723 = arith.index_cast %parallel_loop3A_658 : i32 to index
        %parallel_loop3A_724 = tpu.vector_load %arg9[%parallel_loop3A_720, %parallel_loop3A_721, %parallel_loop3A_722, %parallel_loop3A_723] {strides = array<i32>} : memref<2x20x8x128xf32, #tpu.memory_space<vmem>>, vector<16xf32>,
        tpu.vector_store %arg9[%parallel_loop3A_720, %parallel_loop3A_721, %parallel_loop3A_722, %parallel_loop3A_723], %parallel_loop3A_717 {strides = array<i32>} : memref<2x20x8x128xf32, #tpu.memory_space<vmem>>, vector<16xf32>,
        %parallel_loop3A_725 = arith.constant 96 : i32
        %parallel_loop3A_726 = vector.broadcast %parallel_loop3A_725 : i32 to vector<16xi32>
        %parallel_loop3A_727 = arith.addi %parallel_loop3A_616, %parallel_loop3A_726 : vector<16xi32>
        %parallel_loop3A_728 = tpu.vector_load_idx %arg5[%parallel_loop3A_727] : memref<2560xf32, #tpu.memory_space<vmem>>[vector<16xi32>], vector<16xf32>,
        %parallel_loop3A_729 = arith.constant 0 : i32
        %parallel_loop3A_730 = arith.constant 6 : i32
        %parallel_loop3A_731 = arith.index_cast %parallel_loop3A_729 : i32 to index
        %parallel_loop3A_732 = arith.index_cast %parallel_loop3A_640 : i32 to index
        %parallel_loop3A_733 = arith.index_cast %parallel_loop3A_730 : i32 to index
        %parallel_loop3A_734 = arith.index_cast %parallel_loop3A_658 : i32 to index
        %parallel_loop3A_735 = tpu.vector_load %arg9[%parallel_loop3A_731, %parallel_loop3A_732, %parallel_loop3A_733, %parallel_loop3A_734] {strides = array<i32>} : memref<2x20x8x128xf32, #tpu.memory_space<vmem>>, vector<16xf32>,
        tpu.vector_store %arg9[%parallel_loop3A_731, %parallel_loop3A_732, %parallel_loop3A_733, %parallel_loop3A_734], %parallel_loop3A_728 {strides = array<i32>} : memref<2x20x8x128xf32, #tpu.memory_space<vmem>>, vector<16xf32>,
        %parallel_loop3A_736 = arith.constant 112 : i32
        %parallel_loop3A_737 = vector.broadcast %parallel_loop3A_736 : i32 to vector<16xi32>
        %parallel_loop3A_738 = arith.addi %parallel_loop3A_616, %parallel_loop3A_737 : vector<16xi32>
        %parallel_loop3A_739 = tpu.vector_load_idx %arg5[%parallel_loop3A_738] : memref<2560xf32, #tpu.memory_space<vmem>>[vector<16xi32>], vector<16xf32>,
        %parallel_loop3A_740 = arith.constant 0 : i32
        %parallel_loop3A_741 = arith.constant 7 : i32
        %parallel_loop3A_742 = arith.index_cast %parallel_loop3A_740 : i32 to index
        %parallel_loop3A_743 = arith.index_cast %parallel_loop3A_640 : i32 to index
        %parallel_loop3A_744 = arith.index_cast %parallel_loop3A_741 : i32 to index
        %parallel_loop3A_745 = arith.index_cast %parallel_loop3A_658 : i32 to index
        %parallel_loop3A_746 = tpu.vector_load %arg9[%parallel_loop3A_742, %parallel_loop3A_743, %parallel_loop3A_744, %parallel_loop3A_745] {strides = array<i32>} : memref<2x20x8x128xf32, #tpu.memory_space<vmem>>, vector<16xf32>,
        tpu.vector_store %arg9[%parallel_loop3A_742, %parallel_loop3A_743, %parallel_loop3A_744, %parallel_loop3A_745], %parallel_loop3A_739 {strides = array<i32>} : memref<2x20x8x128xf32, #tpu.memory_space<vmem>>, vector<16xf32>,
        %parallel_loop3A_747 = arith.constant 128 : i32
        %parallel_loop3A_748 = vector.broadcast %parallel_loop3A_747 : i32 to vector<16xi32>
        %parallel_loop3A_749 = arith.addi %parallel_loop3A_616, %parallel_loop3A_748 : vector<16xi32>
        %parallel_loop3A_750 = tpu.vector_load_idx %arg5[%parallel_loop3A_749] : memref<2560xf32, #tpu.memory_space<vmem>>[vector<16xi32>], vector<16xf32>,
        %parallel_loop3A_751 = arith.constant 1 : i32
        %parallel_loop3A_752 = arith.constant 0 : i32
        %parallel_loop3A_753 = arith.index_cast %parallel_loop3A_751 : i32 to index
        %parallel_loop3A_754 = arith.index_cast %parallel_loop3A_640 : i32 to index
        %parallel_loop3A_755 = arith.index_cast %parallel_loop3A_752 : i32 to index
        %parallel_loop3A_756 = arith.index_cast %parallel_loop3A_658 : i32 to index
        %parallel_loop3A_757 = tpu.vector_load %arg9[%parallel_loop3A_753, %parallel_loop3A_754, %parallel_loop3A_755, %parallel_loop3A_756] {strides = array<i32>} : memref<2x20x8x128xf32, #tpu.memory_space<vmem>>, vector<16xf32>,
        tpu.vector_store %arg9[%parallel_loop3A_753, %parallel_loop3A_754, %parallel_loop3A_755, %parallel_loop3A_756], %parallel_loop3A_750 {strides = array<i32>} : memref<2x20x8x128xf32, #tpu.memory_space<vmem>>, vector<16xf32>,
        %parallel_loop3A_758 = arith.constant 144 : i32
        %parallel_loop3A_759 = vector.broadcast %parallel_loop3A_758 : i32 to vector<16xi32>
        %parallel_loop3A_760 = arith.addi %parallel_loop3A_616, %parallel_loop3A_759 : vector<16xi32>
        %parallel_loop3A_761 = tpu.vector_load_idx %arg5[%parallel_loop3A_760] : memref<2560xf32, #tpu.memory_space<vmem>>[vector<16xi32>], vector<16xf32>,
        %parallel_loop3A_762 = arith.constant 1 : i32
        %parallel_loop3A_763 = arith.constant 1 : i32
        %parallel_loop3A_764 = arith.index_cast %parallel_loop3A_762 : i32 to index
        %parallel_loop3A_765 = arith.index_cast %parallel_loop3A_640 : i32 to index
        %parallel_loop3A_766 = arith.index_cast %parallel_loop3A_763 : i32 to index
        %parallel_loop3A_767 = arith.index_cast %parallel_loop3A_658 : i32 to index
        %parallel_loop3A_768 = tpu.vector_load %arg9[%parallel_loop3A_764, %parallel_loop3A_765, %parallel_loop3A_766, %parallel_loop3A_767] {strides = array<i32>} : memref<2x20x8x128xf32, #tpu.memory_space<vmem>>, vector<16xf32>,
        tpu.vector_store %arg9[%parallel_loop3A_764, %parallel_loop3A_765, %parallel_loop3A_766, %parallel_loop3A_767], %parallel_loop3A_761 {strides = array<i32>} : memref<2x20x8x128xf32, #tpu.memory_space<vmem>>, vector<16xf32>,
        %parallel_loop3A_769 = arith.constant 160 : i32
        %parallel_loop3A_770 = vector.broadcast %parallel_loop3A_769 : i32 to vector<16xi32>
        %parallel_loop3A_771 = arith.addi %parallel_loop3A_616, %parallel_loop3A_770 : vector<16xi32>
        %parallel_loop3A_772 = tpu.vector_load_idx %arg5[%parallel_loop3A_771] : memref<2560xf32, #tpu.memory_space<vmem>>[vector<16xi32>], vector<16xf32>,
        %parallel_loop3A_773 = arith.constant 1 : i32
        %parallel_loop3A_774 = arith.constant 2 : i32
        %parallel_loop3A_775 = arith.index_cast %parallel_loop3A_773 : i32 to index
        %parallel_loop3A_776 = arith.index_cast %parallel_loop3A_640 : i32 to index
        %parallel_loop3A_777 = arith.index_cast %parallel_loop3A_774 : i32 to index
        %parallel_loop3A_778 = arith.index_cast %parallel_loop3A_658 : i32 to index
        %parallel_loop3A_779 = tpu.vector_load %arg9[%parallel_loop3A_775, %parallel_loop3A_776, %parallel_loop3A_777, %parallel_loop3A_778] {strides = array<i32>} : memref<2x20x8x128xf32, #tpu.memory_space<vmem>>, vector<16xf32>,
        tpu.vector_store %arg9[%parallel_loop3A_775, %parallel_loop3A_776, %parallel_loop3A_777, %parallel_loop3A_778], %parallel_loop3A_772 {strides = array<i32>} : memref<2x20x8x128xf32, #tpu.memory_space<vmem>>, vector<16xf32>,
        %parallel_loop3A_780 = arith.constant 176 : i32
        %parallel_loop3A_781 = vector.broadcast %parallel_loop3A_780 : i32 to vector<16xi32>
        %parallel_loop3A_782 = arith.addi %parallel_loop3A_616, %parallel_loop3A_781 : vector<16xi32>
        %parallel_loop3A_783 = tpu.vector_load_idx %arg5[%parallel_loop3A_782] : memref<2560xf32, #tpu.memory_space<vmem>>[vector<16xi32>], vector<16xf32>,
        %parallel_loop3A_784 = arith.constant 1 : i32
        %parallel_loop3A_785 = arith.constant 3 : i32
        %parallel_loop3A_786 = arith.index_cast %parallel_loop3A_784 : i32 to index
        %parallel_loop3A_787 = arith.index_cast %parallel_loop3A_640 : i32 to index
        %parallel_loop3A_788 = arith.index_cast %parallel_loop3A_785 : i32 to index
        %parallel_loop3A_789 = arith.index_cast %parallel_loop3A_658 : i32 to index
        %parallel_loop3A_790 = tpu.vector_load %arg9[%parallel_loop3A_786, %parallel_loop3A_787, %parallel_loop3A_788, %parallel_loop3A_789] {strides = array<i32>} : memref<2x20x8x128xf32, #tpu.memory_space<vmem>>, vector<16xf32>,
        tpu.vector_store %arg9[%parallel_loop3A_786, %parallel_loop3A_787, %parallel_loop3A_788, %parallel_loop3A_789], %parallel_loop3A_783 {strides = array<i32>} : memref<2x20x8x128xf32, #tpu.memory_space<vmem>>, vector<16xf32>,
        %parallel_loop3A_791 = arith.constant 192 : i32
        %parallel_loop3A_792 = vector.broadcast %parallel_loop3A_791 : i32 to vector<16xi32>
        %parallel_loop3A_793 = arith.addi %parallel_loop3A_616, %parallel_loop3A_792 : vector<16xi32>
        %parallel_loop3A_794 = tpu.vector_load_idx %arg5[%parallel_loop3A_793] : memref<2560xf32, #tpu.memory_space<vmem>>[vector<16xi32>], vector<16xf32>,
        %parallel_loop3A_795 = arith.constant 1 : i32
        %parallel_loop3A_796 = arith.constant 4 : i32
        %parallel_loop3A_797 = arith.index_cast %parallel_loop3A_795 : i32 to index
        %parallel_loop3A_798 = arith.index_cast %parallel_loop3A_640 : i32 to index
        %parallel_loop3A_799 = arith.index_cast %parallel_loop3A_796 : i32 to index
        %parallel_loop3A_800 = arith.index_cast %parallel_loop3A_658 : i32 to index
        %parallel_loop3A_801 = tpu.vector_load %arg9[%parallel_loop3A_797, %parallel_loop3A_798, %parallel_loop3A_799, %parallel_loop3A_800] {strides = array<i32>} : memref<2x20x8x128xf32, #tpu.memory_space<vmem>>, vector<16xf32>,
        tpu.vector_store %arg9[%parallel_loop3A_797, %parallel_loop3A_798, %parallel_loop3A_799, %parallel_loop3A_800], %parallel_loop3A_794 {strides = array<i32>} : memref<2x20x8x128xf32, #tpu.memory_space<vmem>>, vector<16xf32>,
        %parallel_loop3A_802 = arith.constant 208 : i32
        %parallel_loop3A_803 = vector.broadcast %parallel_loop3A_802 : i32 to vector<16xi32>
        %parallel_loop3A_804 = arith.addi %parallel_loop3A_616, %parallel_loop3A_803 : vector<16xi32>
        %parallel_loop3A_805 = tpu.vector_load_idx %arg5[%parallel_loop3A_804] : memref<2560xf32, #tpu.memory_space<vmem>>[vector<16xi32>], vector<16xf32>,
        %parallel_loop3A_806 = arith.constant 1 : i32
        %parallel_loop3A_807 = arith.constant 5 : i32
        %parallel_loop3A_808 = arith.index_cast %parallel_loop3A_806 : i32 to index
        %parallel_loop3A_809 = arith.index_cast %parallel_loop3A_640 : i32 to index
        %parallel_loop3A_810 = arith.index_cast %parallel_loop3A_807 : i32 to index
        %parallel_loop3A_811 = arith.index_cast %parallel_loop3A_658 : i32 to index
        %parallel_loop3A_812 = tpu.vector_load %arg9[%parallel_loop3A_808, %parallel_loop3A_809, %parallel_loop3A_810, %parallel_loop3A_811] {strides = array<i32>} : memref<2x20x8x128xf32, #tpu.memory_space<vmem>>, vector<16xf32>,
        tpu.vector_store %arg9[%parallel_loop3A_808, %parallel_loop3A_809, %parallel_loop3A_810, %parallel_loop3A_811], %parallel_loop3A_805 {strides = array<i32>} : memref<2x20x8x128xf32, #tpu.memory_space<vmem>>, vector<16xf32>,
        %parallel_loop3A_813 = arith.constant 224 : i32
        %parallel_loop3A_814 = vector.broadcast %parallel_loop3A_813 : i32 to vector<16xi32>
        %parallel_loop3A_815 = arith.addi %parallel_loop3A_616, %parallel_loop3A_814 : vector<16xi32>
        %parallel_loop3A_816 = tpu.vector_load_idx %arg5[%parallel_loop3A_815] : memref<2560xf32, #tpu.memory_space<vmem>>[vector<16xi32>], vector<16xf32>,
        %parallel_loop3A_817 = arith.constant 1 : i32
        %parallel_loop3A_818 = arith.constant 6 : i32
        %parallel_loop3A_819 = arith.index_cast %parallel_loop3A_817 : i32 to index
        %parallel_loop3A_820 = arith.index_cast %parallel_loop3A_640 : i32 to index
        %parallel_loop3A_821 = arith.index_cast %parallel_loop3A_818 : i32 to index
        %parallel_loop3A_822 = arith.index_cast %parallel_loop3A_658 : i32 to index
        %parallel_loop3A_823 = tpu.vector_load %arg9[%parallel_loop3A_819, %parallel_loop3A_820, %parallel_loop3A_821, %parallel_loop3A_822] {strides = array<i32>} : memref<2x20x8x128xf32, #tpu.memory_space<vmem>>, vector<16xf32>,
        tpu.vector_store %arg9[%parallel_loop3A_819, %parallel_loop3A_820, %parallel_loop3A_821, %parallel_loop3A_822], %parallel_loop3A_816 {strides = array<i32>} : memref<2x20x8x128xf32, #tpu.memory_space<vmem>>, vector<16xf32>,
        %parallel_loop3A_824 = arith.constant 240 : i32
        %parallel_loop3A_825 = vector.broadcast %parallel_loop3A_824 : i32 to vector<16xi32>
        %parallel_loop3A_826 = arith.addi %parallel_loop3A_616, %parallel_loop3A_825 : vector<16xi32>
        %parallel_loop3A_827 = tpu.vector_load_idx %arg5[%parallel_loop3A_826] : memref<2560xf32, #tpu.memory_space<vmem>>[vector<16xi32>], vector<16xf32>,
        %parallel_loop3A_828 = arith.constant 1 : i32
        %parallel_loop3A_829 = arith.constant 7 : i32
        %parallel_loop3A_830 = arith.index_cast %parallel_loop3A_828 : i32 to index
        %parallel_loop3A_831 = arith.index_cast %parallel_loop3A_640 : i32 to index
        %parallel_loop3A_832 = arith.index_cast %parallel_loop3A_829 : i32 to index
        %parallel_loop3A_833 = arith.index_cast %parallel_loop3A_658 : i32 to index
        %parallel_loop3A_834 = tpu.vector_load %arg9[%parallel_loop3A_830, %parallel_loop3A_831, %parallel_loop3A_832, %parallel_loop3A_833] {strides = array<i32>} : memref<2x20x8x128xf32, #tpu.memory_space<vmem>>, vector<16xf32>,
        tpu.vector_store %arg9[%parallel_loop3A_830, %parallel_loop3A_831, %parallel_loop3A_832, %parallel_loop3A_833], %parallel_loop3A_827 {strides = array<i32>} : memref<2x20x8x128xf32, #tpu.memory_space<vmem>>, vector<16xf32>,
      } {sc.loop_unroll_factor = 4 : i64, sc.parallel_access}
      %add3A_544 = arith.constant 1 : i32
      %add3A_545 = arith.addi %mul3A_345, %add3A_544 : i32
      %mul3A_546 = arith.constant 32 : i32
      %mul3A_547 = arith.muli %mul3A_546, %add3A_545 : i32
      %add3A_548 = arith.addi %add3A, %mul3A_547 : i32
      %min3A_549 = arith.constant 1249 : i32
      %min3A_550 = arith.minsi %add3A_548, %min3A_549 : i32
      %mul3A_551 = arith.constant 20 : i32
      %mul3A_552 = arith.muli %min3A_550, %mul3A_551 : i32
      %mul3A_553 = arith.constant 20 : i32
      %mul3A_554 = arith.muli %min3A_550, %mul3A_553 : i32
      %dma_start3A_555 = arith.constant 0 : i32
      %dma_start3A_556 = arith.constant 0 : i32
      %dma_start3A_557 = arith.constant 0 : i32
      %dma_start3A_558 = arith.constant 0 : i32
      %dma_start3A_559 = arith.constant 0 : i32
      %dma_start3A_560 = tpu.memref_slice %arg9[%dma_start3A_555, %dma_start3A_557, %dma_start3A_558, %dma_start3A_559] : memref<2x20x8x128xf32, #tpu.memory_space<vmem>> -> memref<1x20x8x128xf32, #tpu.memory_space<vmem>>
      %dma_start3A_561 = tpu.memref_squeeze %dma_start3A_560 : memref<1x20x8x128xf32, #tpu.memory_space<vmem>> -> memref<20x8x128xf32, #tpu.memory_space<vmem>>
      %dma_start3A_562 = arith.constant 0 : i32
      %dma_start3A_563 = arith.constant 0 : i32
      %dma_start3A_564 = tpu.memref_slice %arg4[%dma_start3A_556, %mul3A_552, %dma_start3A_562, %dma_start3A_563] : memref<2x25000x8x128xf32, #tpu.memory_space<hbm>> -> memref<1x20x8x128xf32, #tpu.memory_space<hbm>>
      %dma_start3A_565 = tpu.memref_squeeze %dma_start3A_564 : memref<1x20x8x128xf32, #tpu.memory_space<hbm>> -> memref<20x8x128xf32, #tpu.memory_space<hbm>>
      %dma_start3A_566 = arith.constant 0 : i32
      %dma_start3A_567 = arith.constant 0 : i32
      %dma_start3A_568 = tpu.memref_slice %arg4[%dma_start3A_556, %mul3A_552, %dma_start3A_566, %dma_start3A_567] : memref<2x25000x8x128xf32, #tpu.memory_space<hbm>> -> memref<1x20x8x128xf32, #tpu.memory_space<hbm>>
      %dma_start3A_569 = tpu.memref_squeeze %dma_start3A_568 : memref<1x20x8x128xf32, #tpu.memory_space<hbm>> -> memref<20x8x128xf32, #tpu.memory_space<hbm>>
      %dma_start3A_570 = arith.constant 0 : i32
      %dma_start3A_571 = arith.constant 0 : i32
      %dma_start3A_572 = arith.constant 0 : i32
      %dma_start3A_573 = tpu.memref_slice %arg9[%dma_start3A_555, %dma_start3A_570, %dma_start3A_571, %dma_start3A_572] : memref<2x20x8x128xf32, #tpu.memory_space<vmem>> -> memref<1x20x8x128xf32, #tpu.memory_space<vmem>>
      %dma_start3A_574 = tpu.memref_squeeze %dma_start3A_573 : memref<1x20x8x128xf32, #tpu.memory_space<vmem>> -> memref<20x8x128xf32, #tpu.memory_space<vmem>>
      tpu.enqueue_dma source(%dma_start3A_574 : memref<20x8x128xf32, #tpu.memory_space<vmem>>) target(%dma_start3A_569 : memref<20x8x128xf32, #tpu.memory_space<hbm>>) target_semaphore(%arg13 : memref<!tpu.dma_semaphore, #tpu.memory_space<semaphore_mem>>)
      %dma_start3A_575 = arith.constant 1 : i32
      %dma_start3A_576 = arith.constant 1 : i32
      %dma_start3A_577 = arith.constant 0 : i32
      %dma_start3A_578 = arith.constant 0 : i32
      %dma_start3A_579 = arith.constant 0 : i32
      %dma_start3A_580 = tpu.memref_slice %arg9[%dma_start3A_575, %dma_start3A_577, %dma_start3A_578, %dma_start3A_579] : memref<2x20x8x128xf32, #tpu.memory_space<vmem>> -> memref<1x20x8x128xf32, #tpu.memory_space<vmem>>
      %dma_start3A_581 = tpu.memref_squeeze %dma_start3A_580 : memref<1x20x8x128xf32, #tpu.memory_space<vmem>> -> memref<20x8x128xf32, #tpu.memory_space<vmem>>
      %dma_start3A_582 = arith.constant 0 : i32
      %dma_start3A_583 = arith.constant 0 : i32
      %dma_start3A_584 = tpu.memref_slice %arg4[%dma_start3A_576, %mul3A_554, %dma_start3A_582, %dma_start3A_583] : memref<2x25000x8x128xf32, #tpu.memory_space<hbm>> -> memref<1x20x8x128xf32, #tpu.memory_space<hbm>>
      %dma_start3A_585 = tpu.memref_squeeze %dma_start3A_584 : memref<1x20x8x128xf32, #tpu.memory_space<hbm>> -> memref<20x8x128xf32, #tpu.memory_space<hbm>>
      %dma_start3A_586 = arith.constant 0 : i32
      %dma_start3A_587 = arith.constant 0 : i32
      %dma_start3A_588 = tpu.memref_slice %arg4[%dma_start3A_576, %mul3A_554, %dma_start3A_586, %dma_start3A_587] : memref<2x25000x8x128xf32, #tpu.memory_space<hbm>> -> memref<1x20x8x128xf32, #tpu.memory_space<hbm>>
      %dma_start3A_589 = tpu.memref_squeeze %dma_start3A_588 : memref<1x20x8x128xf32, #tpu.memory_space<hbm>> -> memref<20x8x128xf32, #tpu.memory_space<hbm>>
      %dma_start3A_590 = arith.constant 0 : i32
      %dma_start3A_591 = arith.constant 0 : i32
      %dma_start3A_592 = arith.constant 0 : i32
      %dma_start3A_593 = tpu.memref_slice %arg9[%dma_start3A_575, %dma_start3A_590, %dma_start3A_591, %dma_start3A_592] : memref<2x20x8x128xf32, #tpu.memory_space<vmem>> -> memref<1x20x8x128xf32, #tpu.memory_space<vmem>>
      %dma_start3A_594 = tpu.memref_squeeze %dma_start3A_593 : memref<1x20x8x128xf32, #tpu.memory_space<vmem>> -> memref<20x8x128xf32, #tpu.memory_space<vmem>>
      tpu.enqueue_dma source(%dma_start3A_594 : memref<20x8x128xf32, #tpu.memory_space<vmem>>) target(%dma_start3A_589 : memref<20x8x128xf32, #tpu.memory_space<hbm>>) target_semaphore(%arg13 : memref<!tpu.dma_semaphore, #tpu.memory_space<semaphore_mem>>)
      %add3A_595 = arith.constant 1 : i32
      %add3A_596 = arith.addi %mul3A_345, %add3A_595 : i32
      %add3A_597 = arith.constant 2 : i32
      %add3A_598 = arith.addi %add3A_596, %add3A_597 : i32
      %mul3A_599 = arith.constant 32 : i32
      %mul3A_600 = arith.muli %mul3A_599, %add3A_598 : i32
      %add3A_601 = arith.addi %add3A, %mul3A_600 : i32
      %min3A_602 = arith.constant 1249 : i32
      %min3A_603 = arith.minsi %add3A_601, %min3A_602 : i32
      %mul3A_604 = arith.constant 2560 : i32
      %mul3A_605 = arith.muli %min3A_603, %mul3A_604 : i32
      %dma_start3A_606 = tpu.memref_slice %arg2[%mul3A_605] : memref<3200000xi32, #tpu.memory_space<hbm>> -> memref<2560xi32, #tpu.memory_space<hbm>>
      %dma_start3A_607 = tpu.memref_slice %arg2[%mul3A_605] : memref<3200000xi32, #tpu.memory_space<hbm>> -> memref<2560xi32, #tpu.memory_space<hbm>>
      tpu.enqueue_dma source(%dma_start3A_607 : memref<2560xi32, #tpu.memory_space<hbm>>) target(%arg7 : memref<2560xi32, #tpu.memory_space<vmem>>) target_semaphore(%arg11 : memref<!tpu.dma_semaphore, #tpu.memory_space<semaphore_mem>>)
    }
    %jit3A_176 = arith.constant 2 : i32
    %div3A_177 = arith.divsi %select_n3A, %jit3A_176 : i32
    %sign3A_178 = arith.constant 0 : i32
    %sign3A_179 = arith.cmpi sgt, %select_n3A, %sign3A_178 : i32
    %sign3A_180 = arith.extui %sign3A_179 : i1 to i32
    %sign3A_181 = arith.constant 0 : i32
    %sign3A_182 = arith.cmpi slt, %select_n3A, %sign3A_181 : i32
    %sign3A_183 = arith.extui %sign3A_182 : i1 to i32
    %sign3A_184 = arith.subi %sign3A_180, %sign3A_183 : i32
    %sign3A_185 = arith.constant 0 : i32
    %sign3A_186 = arith.cmpi sgt, %jit3A_176, %sign3A_185 : i32
    %sign3A_187 = arith.extui %sign3A_186 : i1 to i32
    %sign3A_188 = arith.constant 0 : i32
    %sign3A_189 = arith.cmpi slt, %jit3A_176, %sign3A_188 : i32
    %sign3A_190 = arith.extui %sign3A_189 : i1 to i32
    %sign3A_191 = arith.subi %sign3A_187, %sign3A_190 : i32
    %ne3A_192 = arith.cmpi ne, %sign3A_184, %sign3A_191 : i32
    %rem3A_193 = arith.remsi %select_n3A, %jit3A_176 : i32
    %ne3A_194 = arith.constant 0 : i32
    %ne3A_195 = arith.cmpi ne, %rem3A_193, %ne3A_194 : i32
    %and3A_196 = arith.andi %ne3A_192, %ne3A_195 : i1
    %sub3A_197 = arith.constant 1 : i32
    %sub3A_198 = arith.subi %div3A_177, %sub3A_197 : i32
    %select_n3A_199 = arith.select %and3A_196, %sub3A_198, %div3A_177 : i32
    %mul3A_200 = arith.constant 2 : i32
    %mul3A_201 = arith.muli %mul3A_200, %select_n3A_199 : i32
    %jit3A_202 = arith.constant 2 : i32
    %eq3A = arith.constant 0 : i32
    %eq3A_203 = arith.cmpi eq, %jit3A_202, %eq3A : i32
    %jit3A_204 = arith.constant 1 : i32
    %select_n3A_205 = arith.select %eq3A_203, %jit3A_204, %jit3A_202 : i32
    %rem3A_206 = arith.remsi %select_n3A, %select_n3A_205 : i32
    %ne3A_207 = arith.constant 0 : i32
    %ne3A_208 = arith.cmpi ne, %rem3A_206, %ne3A_207 : i32
    %lt3A_209 = arith.constant 0 : i32
    %lt3A_210 = arith.cmpi slt, %rem3A_206, %lt3A_209 : i32
    %lt3A_211 = arith.constant 0 : i32
    %lt3A_212 = arith.cmpi slt, %select_n3A_205, %lt3A_211 : i32
    %ne3A_213 = arith.xori %lt3A_210, %lt3A_212 : i1
    %and3A_214 = arith.andi %ne3A_213, %ne3A_208 : i1
    %add3A_215 = arith.addi %rem3A_206, %select_n3A_205 : i32
    %select_n3A_216 = arith.select %and3A_214, %add3A_215, %rem3A_206 : i32
    %eq3A_217 = arith.constant 1 : i32
    %eq3A_218 = arith.cmpi eq, %select_n3A_216, %eq3A_217 : i32
    %convert_element_type3A = arith.extui %eq3A_218 : i1 to i32
    %cond3A = arith.constant 0 : i32
    %cond3A_219 = arith.cmpi ne, %convert_element_type3A, %cond3A : i32
    scf.if %cond3A_219 {
      %mul3A_343 = arith.constant 32 : i32
      %mul3A_344 = arith.muli %mul3A_343, %mul3A_201 : i32
      %add3A_345 = arith.addi %add3A, %mul3A_344 : i32
      %min3A_346 = arith.constant 1249 : i32
      %min3A_347 = arith.minsi %add3A_345, %min3A_346 : i32
      %mul3A_348 = arith.constant 2560 : i32
      %mul3A_349 = arith.muli %min3A_347, %mul3A_348 : i32
      %dma_wait3A_350 = tpu.memref_slice %arg2[%mul3A_349] : memref<3200000xi32, #tpu.memory_space<hbm>> -> memref<2560xi32, #tpu.memory_space<hbm>>
      %dma_wait3A_351 = tpu.memref_slice %arg2[%mul3A_349] : memref<3200000xi32, #tpu.memory_space<hbm>> -> memref<2560xi32, #tpu.memory_space<hbm>>
      tpu.wait_dma2 semaphore(%arg10 : memref<!tpu.dma_semaphore, #tpu.memory_space<semaphore_mem>>) src(%dma_wait3A_351 : memref<2560xi32, #tpu.memory_space<hbm>>) dst(%arg6 : memref<2560xi32, #tpu.memory_space<vmem>>)
      %sub3A_352 = arith.constant 2 : i32
      %sub3A_353 = arith.subi %mul3A_201, %sub3A_352 : i32
      %mul3A_354 = arith.constant 32 : i32
      %mul3A_355 = arith.muli %mul3A_354, %sub3A_353 : i32
      %add3A_356 = arith.addi %add3A, %mul3A_355 : i32
      %min3A_357 = arith.constant 1249 : i32
      %min3A_358 = arith.minsi %add3A_356, %min3A_357 : i32
      %mul3A_359 = arith.constant 20 : i32
      %mul3A_360 = arith.muli %min3A_358, %mul3A_359 : i32
      %mul3A_361 = arith.constant 20 : i32
      %mul3A_362 = arith.muli %min3A_358, %mul3A_361 : i32
      %dma_wait3A_363 = arith.constant 0 : i32
      %dma_wait3A_364 = arith.constant 0 : i32
      %dma_wait3A_365 = arith.constant 0 : i32
      %dma_wait3A_366 = arith.constant 0 : i32
      %dma_wait3A_367 = arith.constant 0 : i32
      %dma_wait3A_368 = tpu.memref_slice %arg8[%dma_wait3A_363, %dma_wait3A_365, %dma_wait3A_366, %dma_wait3A_367] : memref<2x20x8x128xf32, #tpu.memory_space<vmem>> -> memref<1x20x8x128xf32, #tpu.memory_space<vmem>>
      %dma_wait3A_369 = tpu.memref_squeeze %dma_wait3A_368 : memref<1x20x8x128xf32, #tpu.memory_space<vmem>> -> memref<20x8x128xf32, #tpu.memory_space<vmem>>
      %dma_wait3A_370 = arith.constant 0 : i32
      %dma_wait3A_371 = arith.constant 0 : i32
      %dma_wait3A_372 = tpu.memref_slice %arg4[%dma_wait3A_364, %mul3A_360, %dma_wait3A_370, %dma_wait3A_371] : memref<2x25000x8x128xf32, #tpu.memory_space<hbm>> -> memref<1x20x8x128xf32, #tpu.memory_space<hbm>>
      %dma_wait3A_373 = tpu.memref_squeeze %dma_wait3A_372 : memref<1x20x8x128xf32, #tpu.memory_space<hbm>> -> memref<20x8x128xf32, #tpu.memory_space<hbm>>
      %dma_wait3A_374 = arith.constant 0 : i32
      %dma_wait3A_375 = arith.constant 0 : i32
      %dma_wait3A_376 = tpu.memref_slice %arg4[%dma_wait3A_364, %mul3A_360, %dma_wait3A_374, %dma_wait3A_375] : memref<2x25000x8x128xf32, #tpu.memory_space<hbm>> -> memref<1x20x8x128xf32, #tpu.memory_space<hbm>>
      %dma_wait3A_377 = tpu.memref_squeeze %dma_wait3A_376 : memref<1x20x8x128xf32, #tpu.memory_space<hbm>> -> memref<20x8x128xf32, #tpu.memory_space<hbm>>
      %dma_wait3A_378 = arith.constant 0 : i32
      %dma_wait3A_379 = arith.constant 0 : i32
      %dma_wait3A_380 = arith.constant 0 : i32
      %dma_wait3A_381 = tpu.memref_slice %arg8[%dma_wait3A_363, %dma_wait3A_378, %dma_wait3A_379, %dma_wait3A_380] : memref<2x20x8x128xf32, #tpu.memory_space<vmem>> -> memref<1x20x8x128xf32, #tpu.memory_space<vmem>>
      %dma_wait3A_382 = tpu.memref_squeeze %dma_wait3A_381 : memref<1x20x8x128xf32, #tpu.memory_space<vmem>> -> memref<20x8x128xf32, #tpu.memory_space<vmem>>
      tpu.wait_dma2 semaphore(%arg12 : memref<!tpu.dma_semaphore, #tpu.memory_space<semaphore_mem>>) src(%dma_wait3A_382 : memref<20x8x128xf32, #tpu.memory_space<vmem>>) dst(%dma_wait3A_377 : memref<20x8x128xf32, #tpu.memory_space<hbm>>)
      %dma_wait3A_383 = arith.constant 1 : i32
      %dma_wait3A_384 = arith.constant 1 : i32
      %dma_wait3A_385 = arith.constant 0 : i32
      %dma_wait3A_386 = arith.constant 0 : i32
      %dma_wait3A_387 = arith.constant 0 : i32
      %dma_wait3A_388 = tpu.memref_slice %arg8[%dma_wait3A_383, %dma_wait3A_385, %dma_wait3A_386, %dma_wait3A_387] : memref<2x20x8x128xf32, #tpu.memory_space<vmem>> -> memref<1x20x8x128xf32, #tpu.memory_space<vmem>>
      %dma_wait3A_389 = tpu.memref_squeeze %dma_wait3A_388 : memref<1x20x8x128xf32, #tpu.memory_space<vmem>> -> memref<20x8x128xf32, #tpu.memory_space<vmem>>
      %dma_wait3A_390 = arith.constant 0 : i32
      %dma_wait3A_391 = arith.constant 0 : i32
      %dma_wait3A_392 = tpu.memref_slice %arg4[%dma_wait3A_384, %mul3A_362, %dma_wait3A_390, %dma_wait3A_391] : memref<2x25000x8x128xf32, #tpu.memory_space<hbm>> -> memref<1x20x8x128xf32, #tpu.memory_space<hbm>>
      %dma_wait3A_393 = tpu.memref_squeeze %dma_wait3A_392 : memref<1x20x8x128xf32, #tpu.memory_space<hbm>> -> memref<20x8x128xf32, #tpu.memory_space<hbm>>
      %dma_wait3A_394 = arith.constant 0 : i32
      %dma_wait3A_395 = arith.constant 0 : i32
      %dma_wait3A_396 = tpu.memref_slice %arg4[%dma_wait3A_384, %mul3A_362, %dma_wait3A_394, %dma_wait3A_395] : memref<2x25000x8x128xf32, #tpu.memory_space<hbm>> -> memref<1x20x8x128xf32, #tpu.memory_space<hbm>>
      %dma_wait3A_397 = tpu.memref_squeeze %dma_wait3A_396 : memref<1x20x8x128xf32, #tpu.memory_space<hbm>> -> memref<20x8x128xf32, #tpu.memory_space<hbm>>
      %dma_wait3A_398 = arith.constant 0 : i32
      %dma_wait3A_399 = arith.constant 0 : i32
      %dma_wait3A_400 = arith.constant 0 : i32
      %dma_wait3A_401 = tpu.memref_slice %arg8[%dma_wait3A_383, %dma_wait3A_398, %dma_wait3A_399, %dma_wait3A_400] : memref<2x20x8x128xf32, #tpu.memory_space<vmem>> -> memref<1x20x8x128xf32, #tpu.memory_space<vmem>>
      %dma_wait3A_402 = tpu.memref_squeeze %dma_wait3A_401 : memref<1x20x8x128xf32, #tpu.memory_space<vmem>> -> memref<20x8x128xf32, #tpu.memory_space<vmem>>
      tpu.wait_dma2 semaphore(%arg12 : memref<!tpu.dma_semaphore, #tpu.memory_space<semaphore_mem>>) src(%dma_wait3A_402 : memref<20x8x128xf32, #tpu.memory_space<vmem>>) dst(%dma_wait3A_397 : memref<20x8x128xf32, #tpu.memory_space<hbm>>)
      %parallel_loop3A_403 = arith.constant 0 : i32
      %parallel_loop3A_404 = arith.constant 160 : i32
      %parallel_loop3A_405 = arith.constant 1 : i32
      scf.for %parallel_loop3A_466 = %parallel_loop3A_403 to %parallel_loop3A_404 step %parallel_loop3A_405  : i32 {
        %parallel_loop3A_467 = arith.constant 16 : i32
        %parallel_loop3A_468 = arith.muli %parallel_loop3A_466, %parallel_loop3A_467 : i32
        %parallel_loop3A_469 = arith.index_cast %parallel_loop3A_468 : i32 to index
        %parallel_loop3A_470 = tpu.vector_load %arg6[%parallel_loop3A_469] {strides = array<i32>} : memref<2560xi32, #tpu.memory_space<vmem>>, vector<16xi32>,
        %parallel_loop3A_471 = arith.constant 256 : i32
        %parallel_loop3A_472 = vector.broadcast %parallel_loop3A_471 : i32 to vector<16xi32>
        %parallel_loop3A_473 = arith.muli %parallel_loop3A_470, %parallel_loop3A_472 : vector<16xi32>
        %parallel_loop3A_474 = arith.addi %parallel_loop3A_473, %iota3A : vector<16xi32>
        %parallel_loop3A_475 = arith.constant 8 : i32
        %parallel_loop3A_476 = arith.divsi %parallel_loop3A_466, %parallel_loop3A_475 : i32
        %parallel_loop3A_477 = arith.constant 0 : i32
        %parallel_loop3A_478 = arith.cmpi sgt, %parallel_loop3A_466, %parallel_loop3A_477 : i32
        %parallel_loop3A_479 = arith.extui %parallel_loop3A_478 : i1 to i32
        %parallel_loop3A_480 = arith.constant 0 : i32
        %parallel_loop3A_481 = arith.cmpi slt, %parallel_loop3A_466, %parallel_loop3A_480 : i32
        %parallel_loop3A_482 = arith.extui %parallel_loop3A_481 : i1 to i32
        %parallel_loop3A_483 = arith.subi %parallel_loop3A_479, %parallel_loop3A_482 : i32
        %parallel_loop3A_484 = arith.constant 0 : i32
        %parallel_loop3A_485 = arith.cmpi sgt, %parallel_loop3A_475, %parallel_loop3A_484 : i32
        %parallel_loop3A_486 = arith.extui %parallel_loop3A_485 : i1 to i32
        %parallel_loop3A_487 = arith.constant 0 : i32
        %parallel_loop3A_488 = arith.cmpi slt, %parallel_loop3A_475, %parallel_loop3A_487 : i32
        %parallel_loop3A_489 = arith.extui %parallel_loop3A_488 : i1 to i32
        %parallel_loop3A_490 = arith.subi %parallel_loop3A_486, %parallel_loop3A_489 : i32
        %parallel_loop3A_491 = arith.cmpi ne, %parallel_loop3A_483, %parallel_loop3A_490 : i32
        %parallel_loop3A_492 = arith.remsi %parallel_loop3A_466, %parallel_loop3A_475 : i32
        %parallel_loop3A_493 = arith.constant 0 : i32
        %parallel_loop3A_494 = arith.cmpi ne, %parallel_loop3A_492, %parallel_loop3A_493 : i32
        %parallel_loop3A_495 = arith.andi %parallel_loop3A_491, %parallel_loop3A_494 : i1
        %parallel_loop3A_496 = arith.constant 1 : i32
        %parallel_loop3A_497 = arith.subi %parallel_loop3A_476, %parallel_loop3A_496 : i32
        %parallel_loop3A_498 = arith.select %parallel_loop3A_495, %parallel_loop3A_497, %parallel_loop3A_476 : i32
        %parallel_loop3A_499 = arith.constant 8 : i32
        %parallel_loop3A_500 = arith.constant 0 : i32
        %parallel_loop3A_501 = arith.cmpi eq, %parallel_loop3A_499, %parallel_loop3A_500 : i32
        %parallel_loop3A_502 = arith.constant 1 : i32
        %parallel_loop3A_503 = arith.select %parallel_loop3A_501, %parallel_loop3A_502, %parallel_loop3A_499 : i32
        %parallel_loop3A_504 = arith.remsi %parallel_loop3A_466, %parallel_loop3A_503 : i32
        %parallel_loop3A_505 = arith.constant 0 : i32
        %parallel_loop3A_506 = arith.cmpi ne, %parallel_loop3A_504, %parallel_loop3A_505 : i32
        %parallel_loop3A_507 = arith.constant 0 : i32
        %parallel_loop3A_508 = arith.cmpi slt, %parallel_loop3A_504, %parallel_loop3A_507 : i32
        %parallel_loop3A_509 = arith.constant 0 : i32
        %parallel_loop3A_510 = arith.cmpi slt, %parallel_loop3A_503, %parallel_loop3A_509 : i32
        %parallel_loop3A_511 = arith.xori %parallel_loop3A_508, %parallel_loop3A_510 : i1
        %parallel_loop3A_512 = arith.andi %parallel_loop3A_511, %parallel_loop3A_506 : i1
        %parallel_loop3A_513 = arith.addi %parallel_loop3A_504, %parallel_loop3A_503 : i32
        %parallel_loop3A_514 = arith.select %parallel_loop3A_512, %parallel_loop3A_513, %parallel_loop3A_504 : i32
        %parallel_loop3A_515 = arith.constant 16 : i32
        %parallel_loop3A_516 = arith.muli %parallel_loop3A_514, %parallel_loop3A_515 : i32
        %parallel_loop3A_517 = arith.constant 0 : i32
        %parallel_loop3A_518 = vector.broadcast %parallel_loop3A_517 : i32 to vector<16xi32>
        %parallel_loop3A_519 = arith.addi %parallel_loop3A_474, %parallel_loop3A_518 : vector<16xi32>
        %parallel_loop3A_520 = tpu.vector_load_idx %arg5[%parallel_loop3A_519] : memref<2560xf32, #tpu.memory_space<vmem>>[vector<16xi32>], vector<16xf32>,
        %parallel_loop3A_521 = arith.constant 0 : i32
        %parallel_loop3A_522 = arith.constant 0 : i32
        %parallel_loop3A_523 = arith.index_cast %parallel_loop3A_521 : i32 to index
        %parallel_loop3A_524 = arith.index_cast %parallel_loop3A_498 : i32 to index
        %parallel_loop3A_525 = arith.index_cast %parallel_loop3A_522 : i32 to index
        %parallel_loop3A_526 = arith.index_cast %parallel_loop3A_516 : i32 to index
        %parallel_loop3A_527 = tpu.vector_load %arg8[%parallel_loop3A_523, %parallel_loop3A_524, %parallel_loop3A_525, %parallel_loop3A_526] {strides = array<i32>} : memref<2x20x8x128xf32, #tpu.memory_space<vmem>>, vector<16xf32>,
        tpu.vector_store %arg8[%parallel_loop3A_523, %parallel_loop3A_524, %parallel_loop3A_525, %parallel_loop3A_526], %parallel_loop3A_520 {strides = array<i32>} : memref<2x20x8x128xf32, #tpu.memory_space<vmem>>, vector<16xf32>,
        %parallel_loop3A_528 = arith.constant 16 : i32
        %parallel_loop3A_529 = vector.broadcast %parallel_loop3A_528 : i32 to vector<16xi32>
        %parallel_loop3A_530 = arith.addi %parallel_loop3A_474, %parallel_loop3A_529 : vector<16xi32>
        %parallel_loop3A_531 = tpu.vector_load_idx %arg5[%parallel_loop3A_530] : memref<2560xf32, #tpu.memory_space<vmem>>[vector<16xi32>], vector<16xf32>,
        %parallel_loop3A_532 = arith.constant 0 : i32
        %parallel_loop3A_533 = arith.constant 1 : i32
        %parallel_loop3A_534 = arith.index_cast %parallel_loop3A_532 : i32 to index
        %parallel_loop3A_535 = arith.index_cast %parallel_loop3A_498 : i32 to index
        %parallel_loop3A_536 = arith.index_cast %parallel_loop3A_533 : i32 to index
        %parallel_loop3A_537 = arith.index_cast %parallel_loop3A_516 : i32 to index
        %parallel_loop3A_538 = tpu.vector_load %arg8[%parallel_loop3A_534, %parallel_loop3A_535, %parallel_loop3A_536, %parallel_loop3A_537] {strides = array<i32>} : memref<2x20x8x128xf32, #tpu.memory_space<vmem>>, vector<16xf32>,
        tpu.vector_store %arg8[%parallel_loop3A_534, %parallel_loop3A_535, %parallel_loop3A_536, %parallel_loop3A_537], %parallel_loop3A_531 {strides = array<i32>} : memref<2x20x8x128xf32, #tpu.memory_space<vmem>>, vector<16xf32>,
        %parallel_loop3A_539 = arith.constant 32 : i32
        %parallel_loop3A_540 = vector.broadcast %parallel_loop3A_539 : i32 to vector<16xi32>
        %parallel_loop3A_541 = arith.addi %parallel_loop3A_474, %parallel_loop3A_540 : vector<16xi32>
        %parallel_loop3A_542 = tpu.vector_load_idx %arg5[%parallel_loop3A_541] : memref<2560xf32, #tpu.memory_space<vmem>>[vector<16xi32>], vector<16xf32>,
        %parallel_loop3A_543 = arith.constant 0 : i32
        %parallel_loop3A_544 = arith.constant 2 : i32
        %parallel_loop3A_545 = arith.index_cast %parallel_loop3A_543 : i32 to index
        %parallel_loop3A_546 = arith.index_cast %parallel_loop3A_498 : i32 to index
        %parallel_loop3A_547 = arith.index_cast %parallel_loop3A_544 : i32 to index
        %parallel_loop3A_548 = arith.index_cast %parallel_loop3A_516 : i32 to index
        %parallel_loop3A_549 = tpu.vector_load %arg8[%parallel_loop3A_545, %parallel_loop3A_546, %parallel_loop3A_547, %parallel_loop3A_548] {strides = array<i32>} : memref<2x20x8x128xf32, #tpu.memory_space<vmem>>, vector<16xf32>,
        tpu.vector_store %arg8[%parallel_loop3A_545, %parallel_loop3A_546, %parallel_loop3A_547, %parallel_loop3A_548], %parallel_loop3A_542 {strides = array<i32>} : memref<2x20x8x128xf32, #tpu.memory_space<vmem>>, vector<16xf32>,
        %parallel_loop3A_550 = arith.constant 48 : i32
        %parallel_loop3A_551 = vector.broadcast %parallel_loop3A_550 : i32 to vector<16xi32>
        %parallel_loop3A_552 = arith.addi %parallel_loop3A_474, %parallel_loop3A_551 : vector<16xi32>
        %parallel_loop3A_553 = tpu.vector_load_idx %arg5[%parallel_loop3A_552] : memref<2560xf32, #tpu.memory_space<vmem>>[vector<16xi32>], vector<16xf32>,
        %parallel_loop3A_554 = arith.constant 0 : i32
        %parallel_loop3A_555 = arith.constant 3 : i32
        %parallel_loop3A_556 = arith.index_cast %parallel_loop3A_554 : i32 to index
        %parallel_loop3A_557 = arith.index_cast %parallel_loop3A_498 : i32 to index
        %parallel_loop3A_558 = arith.index_cast %parallel_loop3A_555 : i32 to index
        %parallel_loop3A_559 = arith.index_cast %parallel_loop3A_516 : i32 to index
        %parallel_loop3A_560 = tpu.vector_load %arg8[%parallel_loop3A_556, %parallel_loop3A_557, %parallel_loop3A_558, %parallel_loop3A_559] {strides = array<i32>} : memref<2x20x8x128xf32, #tpu.memory_space<vmem>>, vector<16xf32>,
        tpu.vector_store %arg8[%parallel_loop3A_556, %parallel_loop3A_557, %parallel_loop3A_558, %parallel_loop3A_559], %parallel_loop3A_553 {strides = array<i32>} : memref<2x20x8x128xf32, #tpu.memory_space<vmem>>, vector<16xf32>,
        %parallel_loop3A_561 = arith.constant 64 : i32
        %parallel_loop3A_562 = vector.broadcast %parallel_loop3A_561 : i32 to vector<16xi32>
        %parallel_loop3A_563 = arith.addi %parallel_loop3A_474, %parallel_loop3A_562 : vector<16xi32>
        %parallel_loop3A_564 = tpu.vector_load_idx %arg5[%parallel_loop3A_563] : memref<2560xf32, #tpu.memory_space<vmem>>[vector<16xi32>], vector<16xf32>,
        %parallel_loop3A_565 = arith.constant 0 : i32
        %parallel_loop3A_566 = arith.constant 4 : i32
        %parallel_loop3A_567 = arith.index_cast %parallel_loop3A_565 : i32 to index
        %parallel_loop3A_568 = arith.index_cast %parallel_loop3A_498 : i32 to index
        %parallel_loop3A_569 = arith.index_cast %parallel_loop3A_566 : i32 to index
        %parallel_loop3A_570 = arith.index_cast %parallel_loop3A_516 : i32 to index
        %parallel_loop3A_571 = tpu.vector_load %arg8[%parallel_loop3A_567, %parallel_loop3A_568, %parallel_loop3A_569, %parallel_loop3A_570] {strides = array<i32>} : memref<2x20x8x128xf32, #tpu.memory_space<vmem>>, vector<16xf32>,
        tpu.vector_store %arg8[%parallel_loop3A_567, %parallel_loop3A_568, %parallel_loop3A_569, %parallel_loop3A_570], %parallel_loop3A_564 {strides = array<i32>} : memref<2x20x8x128xf32, #tpu.memory_space<vmem>>, vector<16xf32>,
        %parallel_loop3A_572 = arith.constant 80 : i32
        %parallel_loop3A_573 = vector.broadcast %parallel_loop3A_572 : i32 to vector<16xi32>
        %parallel_loop3A_574 = arith.addi %parallel_loop3A_474, %parallel_loop3A_573 : vector<16xi32>
        %parallel_loop3A_575 = tpu.vector_load_idx %arg5[%parallel_loop3A_574] : memref<2560xf32, #tpu.memory_space<vmem>>[vector<16xi32>], vector<16xf32>,
        %parallel_loop3A_576 = arith.constant 0 : i32
        %parallel_loop3A_577 = arith.constant 5 : i32
        %parallel_loop3A_578 = arith.index_cast %parallel_loop3A_576 : i32 to index
        %parallel_loop3A_579 = arith.index_cast %parallel_loop3A_498 : i32 to index
        %parallel_loop3A_580 = arith.index_cast %parallel_loop3A_577 : i32 to index
        %parallel_loop3A_581 = arith.index_cast %parallel_loop3A_516 : i32 to index
        %parallel_loop3A_582 = tpu.vector_load %arg8[%parallel_loop3A_578, %parallel_loop3A_579, %parallel_loop3A_580, %parallel_loop3A_581] {strides = array<i32>} : memref<2x20x8x128xf32, #tpu.memory_space<vmem>>, vector<16xf32>,
        tpu.vector_store %arg8[%parallel_loop3A_578, %parallel_loop3A_579, %parallel_loop3A_580, %parallel_loop3A_581], %parallel_loop3A_575 {strides = array<i32>} : memref<2x20x8x128xf32, #tpu.memory_space<vmem>>, vector<16xf32>,
        %parallel_loop3A_583 = arith.constant 96 : i32
        %parallel_loop3A_584 = vector.broadcast %parallel_loop3A_583 : i32 to vector<16xi32>
        %parallel_loop3A_585 = arith.addi %parallel_loop3A_474, %parallel_loop3A_584 : vector<16xi32>
        %parallel_loop3A_586 = tpu.vector_load_idx %arg5[%parallel_loop3A_585] : memref<2560xf32, #tpu.memory_space<vmem>>[vector<16xi32>], vector<16xf32>,
        %parallel_loop3A_587 = arith.constant 0 : i32
        %parallel_loop3A_588 = arith.constant 6 : i32
        %parallel_loop3A_589 = arith.index_cast %parallel_loop3A_587 : i32 to index
        %parallel_loop3A_590 = arith.index_cast %parallel_loop3A_498 : i32 to index
        %parallel_loop3A_591 = arith.index_cast %parallel_loop3A_588 : i32 to index
        %parallel_loop3A_592 = arith.index_cast %parallel_loop3A_516 : i32 to index
        %parallel_loop3A_593 = tpu.vector_load %arg8[%parallel_loop3A_589, %parallel_loop3A_590, %parallel_loop3A_591, %parallel_loop3A_592] {strides = array<i32>} : memref<2x20x8x128xf32, #tpu.memory_space<vmem>>, vector<16xf32>,
        tpu.vector_store %arg8[%parallel_loop3A_589, %parallel_loop3A_590, %parallel_loop3A_591, %parallel_loop3A_592], %parallel_loop3A_586 {strides = array<i32>} : memref<2x20x8x128xf32, #tpu.memory_space<vmem>>, vector<16xf32>,
        %parallel_loop3A_594 = arith.constant 112 : i32
        %parallel_loop3A_595 = vector.broadcast %parallel_loop3A_594 : i32 to vector<16xi32>
        %parallel_loop3A_596 = arith.addi %parallel_loop3A_474, %parallel_loop3A_595 : vector<16xi32>
        %parallel_loop3A_597 = tpu.vector_load_idx %arg5[%parallel_loop3A_596] : memref<2560xf32, #tpu.memory_space<vmem>>[vector<16xi32>], vector<16xf32>,
        %parallel_loop3A_598 = arith.constant 0 : i32
        %parallel_loop3A_599 = arith.constant 7 : i32
        %parallel_loop3A_600 = arith.index_cast %parallel_loop3A_598 : i32 to index
        %parallel_loop3A_601 = arith.index_cast %parallel_loop3A_498 : i32 to index
        %parallel_loop3A_602 = arith.index_cast %parallel_loop3A_599 : i32 to index
        %parallel_loop3A_603 = arith.index_cast %parallel_loop3A_516 : i32 to index
        %parallel_loop3A_604 = tpu.vector_load %arg8[%parallel_loop3A_600, %parallel_loop3A_601, %parallel_loop3A_602, %parallel_loop3A_603] {strides = array<i32>} : memref<2x20x8x128xf32, #tpu.memory_space<vmem>>, vector<16xf32>,
        tpu.vector_store %arg8[%parallel_loop3A_600, %parallel_loop3A_601, %parallel_loop3A_602, %parallel_loop3A_603], %parallel_loop3A_597 {strides = array<i32>} : memref<2x20x8x128xf32, #tpu.memory_space<vmem>>, vector<16xf32>,
        %parallel_loop3A_605 = arith.constant 128 : i32
        %parallel_loop3A_606 = vector.broadcast %parallel_loop3A_605 : i32 to vector<16xi32>
        %parallel_loop3A_607 = arith.addi %parallel_loop3A_474, %parallel_loop3A_606 : vector<16xi32>
        %parallel_loop3A_608 = tpu.vector_load_idx %arg5[%parallel_loop3A_607] : memref<2560xf32, #tpu.memory_space<vmem>>[vector<16xi32>], vector<16xf32>,
        %parallel_loop3A_609 = arith.constant 1 : i32
        %parallel_loop3A_610 = arith.constant 0 : i32
        %parallel_loop3A_611 = arith.index_cast %parallel_loop3A_609 : i32 to index
        %parallel_loop3A_612 = arith.index_cast %parallel_loop3A_498 : i32 to index
        %parallel_loop3A_613 = arith.index_cast %parallel_loop3A_610 : i32 to index
        %parallel_loop3A_614 = arith.index_cast %parallel_loop3A_516 : i32 to index
        %parallel_loop3A_615 = tpu.vector_load %arg8[%parallel_loop3A_611, %parallel_loop3A_612, %parallel_loop3A_613, %parallel_loop3A_614] {strides = array<i32>} : memref<2x20x8x128xf32, #tpu.memory_space<vmem>>, vector<16xf32>,
        tpu.vector_store %arg8[%parallel_loop3A_611, %parallel_loop3A_612, %parallel_loop3A_613, %parallel_loop3A_614], %parallel_loop3A_608 {strides = array<i32>} : memref<2x20x8x128xf32, #tpu.memory_space<vmem>>, vector<16xf32>,
        %parallel_loop3A_616 = arith.constant 144 : i32
        %parallel_loop3A_617 = vector.broadcast %parallel_loop3A_616 : i32 to vector<16xi32>
        %parallel_loop3A_618 = arith.addi %parallel_loop3A_474, %parallel_loop3A_617 : vector<16xi32>
        %parallel_loop3A_619 = tpu.vector_load_idx %arg5[%parallel_loop3A_618] : memref<2560xf32, #tpu.memory_space<vmem>>[vector<16xi32>], vector<16xf32>,
        %parallel_loop3A_620 = arith.constant 1 : i32
        %parallel_loop3A_621 = arith.constant 1 : i32
        %parallel_loop3A_622 = arith.index_cast %parallel_loop3A_620 : i32 to index
        %parallel_loop3A_623 = arith.index_cast %parallel_loop3A_498 : i32 to index
        %parallel_loop3A_624 = arith.index_cast %parallel_loop3A_621 : i32 to index
        %parallel_loop3A_625 = arith.index_cast %parallel_loop3A_516 : i32 to index
        %parallel_loop3A_626 = tpu.vector_load %arg8[%parallel_loop3A_622, %parallel_loop3A_623, %parallel_loop3A_624, %parallel_loop3A_625] {strides = array<i32>} : memref<2x20x8x128xf32, #tpu.memory_space<vmem>>, vector<16xf32>,
        tpu.vector_store %arg8[%parallel_loop3A_622, %parallel_loop3A_623, %parallel_loop3A_624, %parallel_loop3A_625], %parallel_loop3A_619 {strides = array<i32>} : memref<2x20x8x128xf32, #tpu.memory_space<vmem>>, vector<16xf32>,
        %parallel_loop3A_627 = arith.constant 160 : i32
        %parallel_loop3A_628 = vector.broadcast %parallel_loop3A_627 : i32 to vector<16xi32>
        %parallel_loop3A_629 = arith.addi %parallel_loop3A_474, %parallel_loop3A_628 : vector<16xi32>
        %parallel_loop3A_630 = tpu.vector_load_idx %arg5[%parallel_loop3A_629] : memref<2560xf32, #tpu.memory_space<vmem>>[vector<16xi32>], vector<16xf32>,
        %parallel_loop3A_631 = arith.constant 1 : i32
        %parallel_loop3A_632 = arith.constant 2 : i32
        %parallel_loop3A_633 = arith.index_cast %parallel_loop3A_631 : i32 to index
        %parallel_loop3A_634 = arith.index_cast %parallel_loop3A_498 : i32 to index
        %parallel_loop3A_635 = arith.index_cast %parallel_loop3A_632 : i32 to index
        %parallel_loop3A_636 = arith.index_cast %parallel_loop3A_516 : i32 to index
        %parallel_loop3A_637 = tpu.vector_load %arg8[%parallel_loop3A_633, %parallel_loop3A_634, %parallel_loop3A_635, %parallel_loop3A_636] {strides = array<i32>} : memref<2x20x8x128xf32, #tpu.memory_space<vmem>>, vector<16xf32>,
        tpu.vector_store %arg8[%parallel_loop3A_633, %parallel_loop3A_634, %parallel_loop3A_635, %parallel_loop3A_636], %parallel_loop3A_630 {strides = array<i32>} : memref<2x20x8x128xf32, #tpu.memory_space<vmem>>, vector<16xf32>,
        %parallel_loop3A_638 = arith.constant 176 : i32
        %parallel_loop3A_639 = vector.broadcast %parallel_loop3A_638 : i32 to vector<16xi32>
        %parallel_loop3A_640 = arith.addi %parallel_loop3A_474, %parallel_loop3A_639 : vector<16xi32>
        %parallel_loop3A_641 = tpu.vector_load_idx %arg5[%parallel_loop3A_640] : memref<2560xf32, #tpu.memory_space<vmem>>[vector<16xi32>], vector<16xf32>,
        %parallel_loop3A_642 = arith.constant 1 : i32
        %parallel_loop3A_643 = arith.constant 3 : i32
        %parallel_loop3A_644 = arith.index_cast %parallel_loop3A_642 : i32 to index
        %parallel_loop3A_645 = arith.index_cast %parallel_loop3A_498 : i32 to index
        %parallel_loop3A_646 = arith.index_cast %parallel_loop3A_643 : i32 to index
        %parallel_loop3A_647 = arith.index_cast %parallel_loop3A_516 : i32 to index
        %parallel_loop3A_648 = tpu.vector_load %arg8[%parallel_loop3A_644, %parallel_loop3A_645, %parallel_loop3A_646, %parallel_loop3A_647] {strides = array<i32>} : memref<2x20x8x128xf32, #tpu.memory_space<vmem>>, vector<16xf32>,
        tpu.vector_store %arg8[%parallel_loop3A_644, %parallel_loop3A_645, %parallel_loop3A_646, %parallel_loop3A_647], %parallel_loop3A_641 {strides = array<i32>} : memref<2x20x8x128xf32, #tpu.memory_space<vmem>>, vector<16xf32>,
        %parallel_loop3A_649 = arith.constant 192 : i32
        %parallel_loop3A_650 = vector.broadcast %parallel_loop3A_649 : i32 to vector<16xi32>
        %parallel_loop3A_651 = arith.addi %parallel_loop3A_474, %parallel_loop3A_650 : vector<16xi32>
        %parallel_loop3A_652 = tpu.vector_load_idx %arg5[%parallel_loop3A_651] : memref<2560xf32, #tpu.memory_space<vmem>>[vector<16xi32>], vector<16xf32>,
        %parallel_loop3A_653 = arith.constant 1 : i32
        %parallel_loop3A_654 = arith.constant 4 : i32
        %parallel_loop3A_655 = arith.index_cast %parallel_loop3A_653 : i32 to index
        %parallel_loop3A_656 = arith.index_cast %parallel_loop3A_498 : i32 to index
        %parallel_loop3A_657 = arith.index_cast %parallel_loop3A_654 : i32 to index
        %parallel_loop3A_658 = arith.index_cast %parallel_loop3A_516 : i32 to index
        %parallel_loop3A_659 = tpu.vector_load %arg8[%parallel_loop3A_655, %parallel_loop3A_656, %parallel_loop3A_657, %parallel_loop3A_658] {strides = array<i32>} : memref<2x20x8x128xf32, #tpu.memory_space<vmem>>, vector<16xf32>,
        tpu.vector_store %arg8[%parallel_loop3A_655, %parallel_loop3A_656, %parallel_loop3A_657, %parallel_loop3A_658], %parallel_loop3A_652 {strides = array<i32>} : memref<2x20x8x128xf32, #tpu.memory_space<vmem>>, vector<16xf32>,
        %parallel_loop3A_660 = arith.constant 208 : i32
        %parallel_loop3A_661 = vector.broadcast %parallel_loop3A_660 : i32 to vector<16xi32>
        %parallel_loop3A_662 = arith.addi %parallel_loop3A_474, %parallel_loop3A_661 : vector<16xi32>
        %parallel_loop3A_663 = tpu.vector_load_idx %arg5[%parallel_loop3A_662] : memref<2560xf32, #tpu.memory_space<vmem>>[vector<16xi32>], vector<16xf32>,
        %parallel_loop3A_664 = arith.constant 1 : i32
        %parallel_loop3A_665 = arith.constant 5 : i32
        %parallel_loop3A_666 = arith.index_cast %parallel_loop3A_664 : i32 to index
        %parallel_loop3A_667 = arith.index_cast %parallel_loop3A_498 : i32 to index
        %parallel_loop3A_668 = arith.index_cast %parallel_loop3A_665 : i32 to index
        %parallel_loop3A_669 = arith.index_cast %parallel_loop3A_516 : i32 to index
        %parallel_loop3A_670 = tpu.vector_load %arg8[%parallel_loop3A_666, %parallel_loop3A_667, %parallel_loop3A_668, %parallel_loop3A_669] {strides = array<i32>} : memref<2x20x8x128xf32, #tpu.memory_space<vmem>>, vector<16xf32>,
        tpu.vector_store %arg8[%parallel_loop3A_666, %parallel_loop3A_667, %parallel_loop3A_668, %parallel_loop3A_669], %parallel_loop3A_663 {strides = array<i32>} : memref<2x20x8x128xf32, #tpu.memory_space<vmem>>, vector<16xf32>,
        %parallel_loop3A_671 = arith.constant 224 : i32
        %parallel_loop3A_672 = vector.broadcast %parallel_loop3A_671 : i32 to vector<16xi32>
        %parallel_loop3A_673 = arith.addi %parallel_loop3A_474, %parallel_loop3A_672 : vector<16xi32>
        %parallel_loop3A_674 = tpu.vector_load_idx %arg5[%parallel_loop3A_673] : memref<2560xf32, #tpu.memory_space<vmem>>[vector<16xi32>], vector<16xf32>,
        %parallel_loop3A_675 = arith.constant 1 : i32
        %parallel_loop3A_676 = arith.constant 6 : i32
        %parallel_loop3A_677 = arith.index_cast %parallel_loop3A_675 : i32 to index
        %parallel_loop3A_678 = arith.index_cast %parallel_loop3A_498 : i32 to index
        %parallel_loop3A_679 = arith.index_cast %parallel_loop3A_676 : i32 to index
        %parallel_loop3A_680 = arith.index_cast %parallel_loop3A_516 : i32 to index
        %parallel_loop3A_681 = tpu.vector_load %arg8[%parallel_loop3A_677, %parallel_loop3A_678, %parallel_loop3A_679, %parallel_loop3A_680] {strides = array<i32>} : memref<2x20x8x128xf32, #tpu.memory_space<vmem>>, vector<16xf32>,
        tpu.vector_store %arg8[%parallel_loop3A_677, %parallel_loop3A_678, %parallel_loop3A_679, %parallel_loop3A_680], %parallel_loop3A_674 {strides = array<i32>} : memref<2x20x8x128xf32, #tpu.memory_space<vmem>>, vector<16xf32>,
        %parallel_loop3A_682 = arith.constant 240 : i32
        %parallel_loop3A_683 = vector.broadcast %parallel_loop3A_682 : i32 to vector<16xi32>
        %parallel_loop3A_684 = arith.addi %parallel_loop3A_474, %parallel_loop3A_683 : vector<16xi32>
        %parallel_loop3A_685 = tpu.vector_load_idx %arg5[%parallel_loop3A_684] : memref<2560xf32, #tpu.memory_space<vmem>>[vector<16xi32>], vector<16xf32>,
        %parallel_loop3A_686 = arith.constant 1 : i32
        %parallel_loop3A_687 = arith.constant 7 : i32
        %parallel_loop3A_688 = arith.index_cast %parallel_loop3A_686 : i32 to index
        %parallel_loop3A_689 = arith.index_cast %parallel_loop3A_498 : i32 to index
        %parallel_loop3A_690 = arith.index_cast %parallel_loop3A_687 : i32 to index
        %parallel_loop3A_691 = arith.index_cast %parallel_loop3A_516 : i32 to index
        %parallel_loop3A_692 = tpu.vector_load %arg8[%parallel_loop3A_688, %parallel_loop3A_689, %parallel_loop3A_690, %parallel_loop3A_691] {strides = array<i32>} : memref<2x20x8x128xf32, #tpu.memory_space<vmem>>, vector<16xf32>,
        tpu.vector_store %arg8[%parallel_loop3A_688, %parallel_loop3A_689, %parallel_loop3A_690, %parallel_loop3A_691], %parallel_loop3A_685 {strides = array<i32>} : memref<2x20x8x128xf32, #tpu.memory_space<vmem>>, vector<16xf32>,
      } {sc.loop_unroll_factor = 4 : i64, sc.parallel_access}
      %mul3A_406 = arith.constant 32 : i32
      %mul3A_407 = arith.muli %mul3A_406, %mul3A_201 : i32
      %add3A_408 = arith.addi %add3A, %mul3A_407 : i32
      %min3A_409 = arith.constant 1249 : i32
      %min3A_410 = arith.minsi %add3A_408, %min3A_409 : i32
      %mul3A_411 = arith.constant 20 : i32
      %mul3A_412 = arith.muli %min3A_410, %mul3A_411 : i32
      %mul3A_413 = arith.constant 20 : i32
      %mul3A_414 = arith.muli %min3A_410, %mul3A_413 : i32
      %dma_start3A_415 = arith.constant 0 : i32
      %dma_start3A_416 = arith.constant 0 : i32
      %dma_start3A_417 = arith.constant 0 : i32
      %dma_start3A_418 = arith.constant 0 : i32
      %dma_start3A_419 = arith.constant 0 : i32
      %dma_start3A_420 = tpu.memref_slice %arg8[%dma_start3A_415, %dma_start3A_417, %dma_start3A_418, %dma_start3A_419] : memref<2x20x8x128xf32, #tpu.memory_space<vmem>> -> memref<1x20x8x128xf32, #tpu.memory_space<vmem>>
      %dma_start3A_421 = tpu.memref_squeeze %dma_start3A_420 : memref<1x20x8x128xf32, #tpu.memory_space<vmem>> -> memref<20x8x128xf32, #tpu.memory_space<vmem>>
      %dma_start3A_422 = arith.constant 0 : i32
      %dma_start3A_423 = arith.constant 0 : i32
      %dma_start3A_424 = tpu.memref_slice %arg4[%dma_start3A_416, %mul3A_412, %dma_start3A_422, %dma_start3A_423] : memref<2x25000x8x128xf32, #tpu.memory_space<hbm>> -> memref<1x20x8x128xf32, #tpu.memory_space<hbm>>
      %dma_start3A_425 = tpu.memref_squeeze %dma_start3A_424 : memref<1x20x8x128xf32, #tpu.memory_space<hbm>> -> memref<20x8x128xf32, #tpu.memory_space<hbm>>
      %dma_start3A_426 = arith.constant 0 : i32
      %dma_start3A_427 = arith.constant 0 : i32
      %dma_start3A_428 = tpu.memref_slice %arg4[%dma_start3A_416, %mul3A_412, %dma_start3A_426, %dma_start3A_427] : memref<2x25000x8x128xf32, #tpu.memory_space<hbm>> -> memref<1x20x8x128xf32, #tpu.memory_space<hbm>>
      %dma_start3A_429 = tpu.memref_squeeze %dma_start3A_428 : memref<1x20x8x128xf32, #tpu.memory_space<hbm>> -> memref<20x8x128xf32, #tpu.memory_space<hbm>>
      %dma_start3A_430 = arith.constant 0 : i32
      %dma_start3A_431 = arith.constant 0 : i32
      %dma_start3A_432 = arith.constant 0 : i32
      %dma_start3A_433 = tpu.memref_slice %arg8[%dma_start3A_415, %dma_start3A_430, %dma_start3A_431, %dma_start3A_432] : memref<2x20x8x128xf32, #tpu.memory_space<vmem>> -> memref<1x20x8x128xf32, #tpu.memory_space<vmem>>
      %dma_start3A_434 = tpu.memref_squeeze %dma_start3A_433 : memref<1x20x8x128xf32, #tpu.memory_space<vmem>> -> memref<20x8x128xf32, #tpu.memory_space<vmem>>
      tpu.enqueue_dma source(%dma_start3A_434 : memref<20x8x128xf32, #tpu.memory_space<vmem>>) target(%dma_start3A_429 : memref<20x8x128xf32, #tpu.memory_space<hbm>>) target_semaphore(%arg12 : memref<!tpu.dma_semaphore, #tpu.memory_space<semaphore_mem>>)
      %dma_start3A_435 = arith.constant 1 : i32
      %dma_start3A_436 = arith.constant 1 : i32
      %dma_start3A_437 = arith.constant 0 : i32
      %dma_start3A_438 = arith.constant 0 : i32
      %dma_start3A_439 = arith.constant 0 : i32
      %dma_start3A_440 = tpu.memref_slice %arg8[%dma_start3A_435, %dma_start3A_437, %dma_start3A_438, %dma_start3A_439] : memref<2x20x8x128xf32, #tpu.memory_space<vmem>> -> memref<1x20x8x128xf32, #tpu.memory_space<vmem>>
      %dma_start3A_441 = tpu.memref_squeeze %dma_start3A_440 : memref<1x20x8x128xf32, #tpu.memory_space<vmem>> -> memref<20x8x128xf32, #tpu.memory_space<vmem>>
      %dma_start3A_442 = arith.constant 0 : i32
      %dma_start3A_443 = arith.constant 0 : i32
      %dma_start3A_444 = tpu.memref_slice %arg4[%dma_start3A_436, %mul3A_414, %dma_start3A_442, %dma_start3A_443] : memref<2x25000x8x128xf32, #tpu.memory_space<hbm>> -> memref<1x20x8x128xf32, #tpu.memory_space<hbm>>
      %dma_start3A_445 = tpu.memref_squeeze %dma_start3A_444 : memref<1x20x8x128xf32, #tpu.memory_space<hbm>> -> memref<20x8x128xf32, #tpu.memory_space<hbm>>
      %dma_start3A_446 = arith.constant 0 : i32
      %dma_start3A_447 = arith.constant 0 : i32
      %dma_start3A_448 = tpu.memref_slice %arg4[%dma_start3A_436, %mul3A_414, %dma_start3A_446, %dma_start3A_447] : memref<2x25000x8x128xf32, #tpu.memory_space<hbm>> -> memref<1x20x8x128xf32, #tpu.memory_space<hbm>>
      %dma_start3A_449 = tpu.memref_squeeze %dma_start3A_448 : memref<1x20x8x128xf32, #tpu.memory_space<hbm>> -> memref<20x8x128xf32, #tpu.memory_space<hbm>>
      %dma_start3A_450 = arith.constant 0 : i32
      %dma_start3A_451 = arith.constant 0 : i32
      %dma_start3A_452 = arith.constant 0 : i32
      %dma_start3A_453 = tpu.memref_slice %arg8[%dma_start3A_435, %dma_start3A_450, %dma_start3A_451, %dma_start3A_452] : memref<2x20x8x128xf32, #tpu.memory_space<vmem>> -> memref<1x20x8x128xf32, #tpu.memory_space<vmem>>
      %dma_start3A_454 = tpu.memref_squeeze %dma_start3A_453 : memref<1x20x8x128xf32, #tpu.memory_space<vmem>> -> memref<20x8x128xf32, #tpu.memory_space<vmem>>
      tpu.enqueue_dma source(%dma_start3A_454 : memref<20x8x128xf32, #tpu.memory_space<vmem>>) target(%dma_start3A_449 : memref<20x8x128xf32, #tpu.memory_space<hbm>>) target_semaphore(%arg12 : memref<!tpu.dma_semaphore, #tpu.memory_space<semaphore_mem>>)
      %add3A_455 = arith.constant 1 : i32
      %add3A_456 = arith.addi %mul3A_201, %add3A_455 : i32
      %mul3A_457 = arith.constant 32 : i32
      %mul3A_458 = arith.muli %mul3A_457, %add3A_456 : i32
      %add3A_459 = arith.addi %add3A, %mul3A_458 : i32
      %min3A_460 = arith.constant 1249 : i32
      %min3A_461 = arith.minsi %add3A_459, %min3A_460 : i32
      %mul3A_462 = arith.constant 2560 : i32
      %mul3A_463 = arith.muli %min3A_461, %mul3A_462 : i32
      %dma_wait3A_464 = tpu.memref_slice %arg2[%mul3A_463] : memref<3200000xi32, #tpu.memory_space<hbm>> -> memref<2560xi32, #tpu.memory_space<hbm>>
      %dma_wait3A_465 = tpu.memref_slice %arg2[%mul3A_463] : memref<3200000xi32, #tpu.memory_space<hbm>> -> memref<2560xi32, #tpu.memory_space<hbm>>
      tpu.wait_dma2 semaphore(%arg11 : memref<!tpu.dma_semaphore, #tpu.memory_space<semaphore_mem>>) src(%dma_wait3A_465 : memref<2560xi32, #tpu.memory_space<hbm>>) dst(%arg7 : memref<2560xi32, #tpu.memory_space<vmem>>)
    } else {
    }
    %jit3A_220 = arith.constant 2 : i32
    %eq3A_221 = arith.constant 0 : i32
    %eq3A_222 = arith.cmpi eq, %jit3A_220, %eq3A_221 : i32
    %jit3A_223 = arith.constant 1 : i32
    %select_n3A_224 = arith.select %eq3A_222, %jit3A_223, %jit3A_220 : i32
    %rem3A_225 = arith.remsi %select_n3A, %select_n3A_224 : i32
    %ne3A_226 = arith.constant 0 : i32
    %ne3A_227 = arith.cmpi ne, %rem3A_225, %ne3A_226 : i32
    %lt3A_228 = arith.constant 0 : i32
    %lt3A_229 = arith.cmpi slt, %rem3A_225, %lt3A_228 : i32
    %lt3A_230 = arith.constant 0 : i32
    %lt3A_231 = arith.cmpi slt, %select_n3A_224, %lt3A_230 : i32
    %ne3A_232 = arith.xori %lt3A_229, %lt3A_231 : i1
    %and3A_233 = arith.andi %ne3A_232, %ne3A_227 : i1
    %add3A_234 = arith.addi %rem3A_225, %select_n3A_224 : i32
    %select_n3A_235 = arith.select %and3A_233, %add3A_234, %rem3A_225 : i32
    %eq3A_236 = arith.constant 0 : i32
    %eq3A_237 = arith.cmpi eq, %select_n3A_235, %eq3A_236 : i32
    %convert_element_type3A_238 = arith.extui %eq3A_237 : i1 to i32
    %cond3A_239 = arith.constant 0 : i32
    %cond3A_240 = arith.cmpi ne, %convert_element_type3A_238, %cond3A_239 : i32
    scf.if %cond3A_240 {
      %mul3A_343 = arith.constant 32 : i32
      %mul3A_344 = arith.muli %mul3A_343, %mul3A_201 : i32
      %add3A_345 = arith.addi %add3A, %mul3A_344 : i32
      %min3A_346 = arith.constant 1249 : i32
      %min3A_347 = arith.minsi %add3A_345, %min3A_346 : i32
      %mul3A_348 = arith.constant 2560 : i32
      %mul3A_349 = arith.muli %min3A_347, %mul3A_348 : i32
      %dma_wait3A_350 = tpu.memref_slice %arg2[%mul3A_349] : memref<3200000xi32, #tpu.memory_space<hbm>> -> memref<2560xi32, #tpu.memory_space<hbm>>
      %dma_wait3A_351 = tpu.memref_slice %arg2[%mul3A_349] : memref<3200000xi32, #tpu.memory_space<hbm>> -> memref<2560xi32, #tpu.memory_space<hbm>>
      tpu.wait_dma2 semaphore(%arg10 : memref<!tpu.dma_semaphore, #tpu.memory_space<semaphore_mem>>) src(%dma_wait3A_351 : memref<2560xi32, #tpu.memory_space<hbm>>) dst(%arg6 : memref<2560xi32, #tpu.memory_space<vmem>>)
      %add3A_352 = arith.constant 1 : i32
      %add3A_353 = arith.addi %mul3A_201, %add3A_352 : i32
      %mul3A_354 = arith.constant 32 : i32
      %mul3A_355 = arith.muli %mul3A_354, %add3A_353 : i32
      %add3A_356 = arith.addi %add3A, %mul3A_355 : i32
      %min3A_357 = arith.constant 1249 : i32
      %min3A_358 = arith.minsi %add3A_356, %min3A_357 : i32
      %mul3A_359 = arith.constant 2560 : i32
      %mul3A_360 = arith.muli %min3A_358, %mul3A_359 : i32
      %dma_wait3A_361 = tpu.memref_slice %arg2[%mul3A_360] : memref<3200000xi32, #tpu.memory_space<hbm>> -> memref<2560xi32, #tpu.memory_space<hbm>>
      %dma_wait3A_362 = tpu.memref_slice %arg2[%mul3A_360] : memref<3200000xi32, #tpu.memory_space<hbm>> -> memref<2560xi32, #tpu.memory_space<hbm>>
      tpu.wait_dma2 semaphore(%arg11 : memref<!tpu.dma_semaphore, #tpu.memory_space<semaphore_mem>>) src(%dma_wait3A_362 : memref<2560xi32, #tpu.memory_space<hbm>>) dst(%arg7 : memref<2560xi32, #tpu.memory_space<vmem>>)
    } else {
    }
    %sub3A_241 = arith.constant 2 : i32
    %sub3A_242 = arith.subi %select_n3A, %sub3A_241 : i32
    %mul3A_243 = arith.constant 32 : i32
    %mul3A_244 = arith.muli %mul3A_243, %sub3A_242 : i32
    %add3A_245 = arith.addi %add3A, %mul3A_244 : i32
    %min3A_246 = arith.constant 1249 : i32
    %min3A_247 = arith.minsi %add3A_245, %min3A_246 : i32
    %mul3A_248 = arith.constant 20 : i32
    %mul3A_249 = arith.muli %min3A_247, %mul3A_248 : i32
    %mul3A_250 = arith.constant 20 : i32
    %mul3A_251 = arith.muli %min3A_247, %mul3A_250 : i32
    %dma_wait3A_252 = arith.constant 0 : i32
    %dma_wait3A_253 = arith.constant 0 : i32
    %dma_wait3A_254 = arith.constant 0 : i32
    %dma_wait3A_255 = arith.constant 0 : i32
    %dma_wait3A_256 = arith.constant 0 : i32
    %dma_wait3A_257 = tpu.memref_slice %arg8[%dma_wait3A_252, %dma_wait3A_254, %dma_wait3A_255, %dma_wait3A_256] : memref<2x20x8x128xf32, #tpu.memory_space<vmem>> -> memref<1x20x8x128xf32, #tpu.memory_space<vmem>>
    %dma_wait3A_258 = tpu.memref_squeeze %dma_wait3A_257 : memref<1x20x8x128xf32, #tpu.memory_space<vmem>> -> memref<20x8x128xf32, #tpu.memory_space<vmem>>
    %dma_wait3A_259 = arith.constant 0 : i32
    %dma_wait3A_260 = arith.constant 0 : i32
    %dma_wait3A_261 = tpu.memref_slice %arg4[%dma_wait3A_253, %mul3A_249, %dma_wait3A_259, %dma_wait3A_260] : memref<2x25000x8x128xf32, #tpu.memory_space<hbm>> -> memref<1x20x8x128xf32, #tpu.memory_space<hbm>>
    %dma_wait3A_262 = tpu.memref_squeeze %dma_wait3A_261 : memref<1x20x8x128xf32, #tpu.memory_space<hbm>> -> memref<20x8x128xf32, #tpu.memory_space<hbm>>
    %dma_wait3A_263 = arith.constant 0 : i32
    %dma_wait3A_264 = arith.constant 0 : i32
    %dma_wait3A_265 = tpu.memref_slice %arg4[%dma_wait3A_253, %mul3A_249, %dma_wait3A_263, %dma_wait3A_264] : memref<2x25000x8x128xf32, #tpu.memory_space<hbm>> -> memref<1x20x8x128xf32, #tpu.memory_space<hbm>>
    %dma_wait3A_266 = tpu.memref_squeeze %dma_wait3A_265 : memref<1x20x8x128xf32, #tpu.memory_space<hbm>> -> memref<20x8x128xf32, #tpu.memory_space<hbm>>
    %dma_wait3A_267 = arith.constant 0 : i32
    %dma_wait3A_268 = arith.constant 0 : i32
    %dma_wait3A_269 = arith.constant 0 : i32
    %dma_wait3A_270 = tpu.memref_slice %arg8[%dma_wait3A_252, %dma_wait3A_267, %dma_wait3A_268, %dma_wait3A_269] : memref<2x20x8x128xf32, #tpu.memory_space<vmem>> -> memref<1x20x8x128xf32, #tpu.memory_space<vmem>>
    %dma_wait3A_271 = tpu.memref_squeeze %dma_wait3A_270 : memref<1x20x8x128xf32, #tpu.memory_space<vmem>> -> memref<20x8x128xf32, #tpu.memory_space<vmem>>
    tpu.wait_dma2 semaphore(%arg12 : memref<!tpu.dma_semaphore, #tpu.memory_space<semaphore_mem>>) src(%dma_wait3A_271 : memref<20x8x128xf32, #tpu.memory_space<vmem>>) dst(%dma_wait3A_266 : memref<20x8x128xf32, #tpu.memory_space<hbm>>)
    %dma_wait3A_272 = arith.constant 1 : i32
    %dma_wait3A_273 = arith.constant 1 : i32
    %dma_wait3A_274 = arith.constant 0 : i32
    %dma_wait3A_275 = arith.constant 0 : i32
    %dma_wait3A_276 = arith.constant 0 : i32
    %dma_wait3A_277 = tpu.memref_slice %arg8[%dma_wait3A_272, %dma_wait3A_274, %dma_wait3A_275, %dma_wait3A_276] : memref<2x20x8x128xf32, #tpu.memory_space<vmem>> -> memref<1x20x8x128xf32, #tpu.memory_space<vmem>>
    %dma_wait3A_278 = tpu.memref_squeeze %dma_wait3A_277 : memref<1x20x8x128xf32, #tpu.memory_space<vmem>> -> memref<20x8x128xf32, #tpu.memory_space<vmem>>
    %dma_wait3A_279 = arith.constant 0 : i32
    %dma_wait3A_280 = arith.constant 0 : i32
    %dma_wait3A_281 = tpu.memref_slice %arg4[%dma_wait3A_273, %mul3A_251, %dma_wait3A_279, %dma_wait3A_280] : memref<2x25000x8x128xf32, #tpu.memory_space<hbm>> -> memref<1x20x8x128xf32, #tpu.memory_space<hbm>>
    %dma_wait3A_282 = tpu.memref_squeeze %dma_wait3A_281 : memref<1x20x8x128xf32, #tpu.memory_space<hbm>> -> memref<20x8x128xf32, #tpu.memory_space<hbm>>
    %dma_wait3A_283 = arith.constant 0 : i32
    %dma_wait3A_284 = arith.constant 0 : i32
    %dma_wait3A_285 = tpu.memref_slice %arg4[%dma_wait3A_273, %mul3A_251, %dma_wait3A_283, %dma_wait3A_284] : memref<2x25000x8x128xf32, #tpu.memory_space<hbm>> -> memref<1x20x8x128xf32, #tpu.memory_space<hbm>>
    %dma_wait3A_286 = tpu.memref_squeeze %dma_wait3A_285 : memref<1x20x8x128xf32, #tpu.memory_space<hbm>> -> memref<20x8x128xf32, #tpu.memory_space<hbm>>
    %dma_wait3A_287 = arith.constant 0 : i32
    %dma_wait3A_288 = arith.constant 0 : i32
    %dma_wait3A_289 = arith.constant 0 : i32
    %dma_wait3A_290 = tpu.memref_slice %arg8[%dma_wait3A_272, %dma_wait3A_287, %dma_wait3A_288, %dma_wait3A_289] : memref<2x20x8x128xf32, #tpu.memory_space<vmem>> -> memref<1x20x8x128xf32, #tpu.memory_space<vmem>>
    %dma_wait3A_291 = tpu.memref_squeeze %dma_wait3A_290 : memref<1x20x8x128xf32, #tpu.memory_space<vmem>> -> memref<20x8x128xf32, #tpu.memory_space<vmem>>
    tpu.wait_dma2 semaphore(%arg12 : memref<!tpu.dma_semaphore, #tpu.memory_space<semaphore_mem>>) src(%dma_wait3A_291 : memref<20x8x128xf32, #tpu.memory_space<vmem>>) dst(%dma_wait3A_286 : memref<20x8x128xf32, #tpu.memory_space<hbm>>)
    %sub3A_292 = arith.constant 1 : i32
    %sub3A_293 = arith.subi %select_n3A, %sub3A_292 : i32
    %mul3A_294 = arith.constant 32 : i32
    %mul3A_295 = arith.muli %mul3A_294, %sub3A_293 : i32
    %add3A_296 = arith.addi %add3A, %mul3A_295 : i32
    %min3A_297 = arith.constant 1249 : i32
    %min3A_298 = arith.minsi %add3A_296, %min3A_297 : i32
    %mul3A_299 = arith.constant 20 : i32
    %mul3A_300 = arith.muli %min3A_298, %mul3A_299 : i32
    %mul3A_301 = arith.constant 20 : i32
    %mul3A_302 = arith.muli %min3A_298, %mul3A_301 : i32
    %dma_wait3A_303 = arith.constant 0 : i32
    %dma_wait3A_304 = arith.constant 0 : i32
    %dma_wait3A_305 = arith.constant 0 : i32
    %dma_wait3A_306 = arith.constant 0 : i32
    %dma_wait3A_307 = arith.constant 0 : i32
    %dma_wait3A_308 = tpu.memref_slice %arg9[%dma_wait3A_303, %dma_wait3A_305, %dma_wait3A_306, %dma_wait3A_307] : memref<2x20x8x128xf32, #tpu.memory_space<vmem>> -> memref<1x20x8x128xf32, #tpu.memory_space<vmem>>
    %dma_wait3A_309 = tpu.memref_squeeze %dma_wait3A_308 : memref<1x20x8x128xf32, #tpu.memory_space<vmem>> -> memref<20x8x128xf32, #tpu.memory_space<vmem>>
    %dma_wait3A_310 = arith.constant 0 : i32
    %dma_wait3A_311 = arith.constant 0 : i32
    %dma_wait3A_312 = tpu.memref_slice %arg4[%dma_wait3A_304, %mul3A_300, %dma_wait3A_310, %dma_wait3A_311] : memref<2x25000x8x128xf32, #tpu.memory_space<hbm>> -> memref<1x20x8x128xf32, #tpu.memory_space<hbm>>
    %dma_wait3A_313 = tpu.memref_squeeze %dma_wait3A_312 : memref<1x20x8x128xf32, #tpu.memory_space<hbm>> -> memref<20x8x128xf32, #tpu.memory_space<hbm>>
    %dma_wait3A_314 = arith.constant 0 : i32
    %dma_wait3A_315 = arith.constant 0 : i32
    %dma_wait3A_316 = tpu.memref_slice %arg4[%dma_wait3A_304, %mul3A_300, %dma_wait3A_314, %dma_wait3A_315] : memref<2x25000x8x128xf32, #tpu.memory_space<hbm>> -> memref<1x20x8x128xf32, #tpu.memory_space<hbm>>
    %dma_wait3A_317 = tpu.memref_squeeze %dma_wait3A_316 : memref<1x20x8x128xf32, #tpu.memory_space<hbm>> -> memref<20x8x128xf32, #tpu.memory_space<hbm>>
    %dma_wait3A_318 = arith.constant 0 : i32
    %dma_wait3A_319 = arith.constant 0 : i32
    %dma_wait3A_320 = arith.constant 0 : i32
    %dma_wait3A_321 = tpu.memref_slice %arg9[%dma_wait3A_303, %dma_wait3A_318, %dma_wait3A_319, %dma_wait3A_320] : memref<2x20x8x128xf32, #tpu.memory_space<vmem>> -> memref<1x20x8x128xf32, #tpu.memory_space<vmem>>
    %dma_wait3A_322 = tpu.memref_squeeze %dma_wait3A_321 : memref<1x20x8x128xf32, #tpu.memory_space<vmem>> -> memref<20x8x128xf32, #tpu.memory_space<vmem>>
    tpu.wait_dma2 semaphore(%arg13 : memref<!tpu.dma_semaphore, #tpu.memory_space<semaphore_mem>>) src(%dma_wait3A_322 : memref<20x8x128xf32, #tpu.memory_space<vmem>>) dst(%dma_wait3A_317 : memref<20x8x128xf32, #tpu.memory_space<hbm>>)
    %dma_wait3A_323 = arith.constant 1 : i32
    %dma_wait3A_324 = arith.constant 1 : i32
    %dma_wait3A_325 = arith.constant 0 : i32
    %dma_wait3A_326 = arith.constant 0 : i32
    %dma_wait3A_327 = arith.constant 0 : i32
    %dma_wait3A_328 = tpu.memref_slice %arg9[%dma_wait3A_323, %dma_wait3A_325, %dma_wait3A_326, %dma_wait3A_327] : memref<2x20x8x128xf32, #tpu.memory_space<vmem>> -> memref<1x20x8x128xf32, #tpu.memory_space<vmem>>
    %dma_wait3A_329 = tpu.memref_squeeze %dma_wait3A_328 : memref<1x20x8x128xf32, #tpu.memory_space<vmem>> -> memref<20x8x128xf32, #tpu.memory_space<vmem>>
    %dma_wait3A_330 = arith.constant 0 : i32
    %dma_wait3A_331 = arith.constant 0 : i32
    %dma_wait3A_332 = tpu.memref_slice %arg4[%dma_wait3A_324, %mul3A_302, %dma_wait3A_330, %dma_wait3A_331] : memref<2x25000x8x128xf32, #tpu.memory_space<hbm>> -> memref<1x20x8x128xf32, #tpu.memory_space<hbm>>
    %dma_wait3A_333 = tpu.memref_squeeze %dma_wait3A_332 : memref<1x20x8x128xf32, #tpu.memory_space<hbm>> -> memref<20x8x128xf32, #tpu.memory_space<hbm>>
    %dma_wait3A_334 = arith.constant 0 : i32
    %dma_wait3A_335 = arith.constant 0 : i32
    %dma_wait3A_336 = tpu.memref_slice %arg4[%dma_wait3A_324, %mul3A_302, %dma_wait3A_334, %dma_wait3A_335] : memref<2x25000x8x128xf32, #tpu.memory_space<hbm>> -> memref<1x20x8x128xf32, #tpu.memory_space<hbm>>
    %dma_wait3A_337 = tpu.memref_squeeze %dma_wait3A_336 : memref<1x20x8x128xf32, #tpu.memory_space<hbm>> -> memref<20x8x128xf32, #tpu.memory_space<hbm>>
    %dma_wait3A_338 = arith.constant 0 : i32
    %dma_wait3A_339 = arith.constant 0 : i32
    %dma_wait3A_340 = arith.constant 0 : i32
    %dma_wait3A_341 = tpu.memref_slice %arg9[%dma_wait3A_323, %dma_wait3A_338, %dma_wait3A_339, %dma_wait3A_340] : memref<2x20x8x128xf32, #tpu.memory_space<vmem>> -> memref<1x20x8x128xf32, #tpu.memory_space<vmem>>
    %dma_wait3A_342 = tpu.memref_squeeze %dma_wait3A_341 : memref<1x20x8x128xf32, #tpu.memory_space<vmem>> -> memref<20x8x128xf32, #tpu.memory_space<vmem>>
    tpu.wait_dma2 semaphore(%arg13 : memref<!tpu.dma_semaphore, #tpu.memory_space<semaphore_mem>>) src(%dma_wait3A_342 : memref<20x8x128xf32, #tpu.memory_space<vmem>>) dst(%dma_wait3A_337 : memref<20x8x128xf32, #tpu.memory_space<hbm>>)
    return
  }
}

</mosaic_0001>

<sc_bundles>
// kernel: kernel.3.cloned.1.call-start
scs
__scs_entry_jumppad:
0x0: {  	(pc) =	sbr.rel $0x88, $3  }
0x1: {  	(tag) =	ssettag $0x0;
	lr =	simm.s32 $0x1  }
0x2: {  	[smem:$0x3F9F] =	sst lr;
	_ =	strace $0xD0000000  }
0x3: {  	_ = 	snop  }
0x4: {  	_ = 	snop  }
0x5: {  	_ = 	snop  }
0x6: {  	_ = 	snop  }
0x7: {  	_ = 	snop  }
__scs_overlays_trampoline_lowered:
0x8: {  	[smem:$0x3FAE] =	sst s0  }
0x9: {  	[smem:$0x3FAF] =	sst s1  }
0xa: {  	[smem:$0x3FB0] =	sst s2  }
0xb: {  	[smem:$0x3FB1] =	sst s3  }
0xc: {  	[smem:$0x3FB2] =	sst s4  }
0xd: {  	[smem:$0x3FB3] =	sst s5  }
0xe: {  	[smem:$0x3FB4] =	sst s6  }
0xf: {  	[smem:$0x3FB5] =	sst s7  }
0x10: {  	[smem:$0x3FB6] =	sst s8  }
0x11: {  	[smem:$0x3FB7] =	sst s9;
	s0 =	simm.s32 @!p0 $0x0  }
0x12: {  	s1 =	sld [smem:$0x3F9D];
	s0 =	simm.s32 @p0 $0x1  }
0x13: {  	[smem:$0x3FB8] =	sst s0;
	s0 =	simm.s32 @!p1 $0x0  }
0x14: {  	s2 =	sld [smem:$0x3F9C];
	s0 =	simm.s32 @p1 $0x1  }
0x15: {  	[smem:$0x3FB9] =	sst s0;
	s0 =	simm.s32 @!p2 $0x0  }
0x16: {  	s3 =	sld [smem:$0x3FDB];
	s0 =	simm.s32 @p2 $0x1  }
0x17: {  	s4 =	simm.s32 $0x1BF5;
	[smem:$0x3FBB] =	sst s0  }
0x18: {  	s0 =	sld [smem:$0x3F9E];
	_ =	swait.ge [sflag:s4], $0x0  }
0x19: {  	s7 =	sld [smem:$0x3F9F]  }
0x1a: {  	s8 =	sadd.s32 $0xFFFFE003, lr  }
0x1b: {  	s9 =	sadd.s32 $0xFFFFFEF7, lr;
	s5 =	simm.s32 $0xFFFFFFFF;
	p2 =	slt.u32 s8, $0xFFFFF086  }
0x1c: {  	p1 =	slt.u32 s9, $0xF7A;
	s5 =	simm.s32 @!p2 $0x0  }
0x1d: {  	s5 =	simm.s32 @p1 $0x1;
	p0 =	seq.s32 s7, s2  }
0x1e: {  	s7 =	smul.u32 @!p0 $0xF7A, s2;
	p2 =	seq.s32 @!p0 s5, $0x0  }
0x1f: {  	s9 =	smul.u32 $0xF7A, s1;
	s8 =	simm.s32 @!p0 $0x1BF5;
	p2 =	por !p2, p0  }
0x20: {  	[sflag:s8] =	ssyncset.s32 @!p0 $0xFFFFF086;
	s6 =	sadd.s32 @!p0 s3, s7;
	s7 =	simm.s32 @!p0 $0x108  }
0x21: {  	s3 =	sadd.s32 s3, s9;
	s6 =	sadd.s32 @!p0 $0x88, s6;
	s7 =	simm.s32 @p2 $0x1082  }
0x22: {  	[simem:s7], [sflag:s8] =	dma.local @!p0 [hbm:s6], $0xF7A  }
0x23: {  	s9 =	sor.u32 $0xD0000000, s2;
	s6 =	simm.s32 $0x108;
	_ =	swait.ge @!p0 [sflag:s8], $0x0  }
0x24: {  	s3 =	sadd.s32 $0x88, s3;
	s6 =	simm.s32 @!p1 $0x1082;
	[sflag:s4] =	ssyncset.s32 $0xFFFFF086  }
0x25: {  	[simem:s6], [sflag:s4] =	dma.local [hbm:s3], $0xF7A  }
0x26: {  	[smem:$0x3F9F] =	sst s1;
	(tag) =	ssettag s2;
	_ =	strace s9  }
0x27: {  	s1 =	sld [smem:$0x3FAF]  }
0x28: {  	s2 =	sld [smem:$0x3FB0]  }
0x29: {  	s4 =	sld [smem:$0x3FB2]  }
0x2a: {  	p0 =	seq.s32 s5, $0x0;
	s5 =	sld [smem:$0x3FB3]  }
0x2b: {  	s6 =	sld [smem:$0x3FB4]  }
0x2c: {  	s7 =	sld [smem:$0x3FB5]  }
0x2d: {  	s3 =	simm.s32 $0x108;
	s8 =	sld [smem:$0x3FB6]  }
0x2e: {  	s3 =	simm.s32 @!p0 $0x1082;
	s9 =	sld [smem:$0x3FB7]  }
0x2f: {  	lr =	sadd.s32 s0, s3;
	s0 =	sld [smem:$0x3FAE]  }
0x30: {  	s3 =	sld [smem:$0x3FB1]  }
0x31: {  	[smem:$0x3FBA] =	sst s10  }
0x32: {  	s10 =	sld [smem:$0x3FB8];
	_ =	sdelay $0x3  }
0x33: {  	p0 =	seq.s32 s10, $0x1;
	s10 =	sld [smem:$0x3FBA];
	_ =	sdelay $0x3  }
0x34: {  	[smem:$0x3FBA] =	sst s10  }
0x35: {  	s10 =	sld [smem:$0x3FB9];
	_ =	sdelay $0x3  }
0x36: {  	p1 =	seq.s32 s10, $0x1;
	s10 =	sld [smem:$0x3FBA];
	_ =	sdelay $0x3  }
0x37: {  	[smem:$0x3FBA] =	sst s10  }
0x38: {  	s10 =	sld [smem:$0x3FBB]  }
0x39: {  	_ = 	snop;
	(pc) =	sbr.ind lr, $3  }
0x3a: {  	_ = 	snop  }
0x3b: {  	_ = 	snop  }
0x3c: {  	p2 =	seq.s32 s10, $0x1;
	s10 =	sld [smem:$0x3FBA]  }
0x3d: {  	_ =	shalt  }
0x3e: {  	_ =	shalt  }
0x3f: {  	_ =	shalt  }
0x40: {  	_ =	shalt  }
0x41: {  	_ =	shalt  }
0x42: {  	_ =	shalt  }
0x43: {  	_ =	shalt  }
0x44: {  	_ =	shalt  }
0x45: {  	_ =	shalt  }
0x46: {  	_ =	shalt  }
0x47: {  	_ =	shalt  }
0x48: {  	_ =	shalt  }
0x49: {  	_ =	shalt  }
0x4a: {  	_ =	shalt  }
0x4b: {  	_ =	shalt  }
0x4c: {  	_ =	shalt  }
0x4d: {  	_ =	shalt  }
0x4e: {  	_ =	shalt  }
0x4f: {  	_ =	shalt  }
0x50: {  	_ =	shalt  }
0x51: {  	_ =	shalt  }
0x52: {  	_ =	shalt  }
0x53: {  	_ =	shalt  }
0x54: {  	_ =	shalt  }
0x55: {  	_ =	shalt  }
0x56: {  	_ =	shalt  }
0x57: {  	_ =	shalt  }
0x58: {  	_ =	shalt  }
0x59: {  	_ =	shalt  }
0x5a: {  	_ =	shalt  }
0x5b: {  	_ =	shalt  }
0x5c: {  	_ =	shalt  }
0x5d: {  	_ =	shalt  }
0x5e: {  	_ =	shalt  }
0x5f: {  	_ =	shalt  }
0x60: {  	_ =	shalt  }
0x61: {  	_ =	shalt  }
0x62: {  	_ =	shalt  }
0x63: {  	_ =	shalt  }
0x64: {  	_ =	shalt  }
0x65: {  	_ =	shalt  }
0x66: {  	_ =	shalt  }
0x67: {  	_ =	shalt  }
0x68: {  	_ =	shalt  }
0x69: {  	_ =	shalt  }
0x6a: {  	_ =	shalt  }
0x6b: {  	_ =	shalt  }
0x6c: {  	_ =	shalt  }
0x6d: {  	_ =	shalt  }
0x6e: {  	_ =	shalt  }
0x6f: {  	_ =	shalt  }
0x70: {  	_ =	shalt  }
0x71: {  	_ =	shalt  }
0x72: {  	_ =	shalt  }
0x73: {  	_ =	shalt  }
0x74: {  	_ =	shalt  }
0x75: {  	_ =	shalt  }
0x76: {  	_ =	shalt  }
0x77: {  	_ =	shalt  }
0x78: {  	_ =	shalt  }
0x79: {  	_ =	shalt  }
0x7a: {  	_ =	shalt  }
0x7b: {  	_ =	shalt  }
0x7c: {  	_ =	shalt  }
0x7d: {  	_ =	shalt  }
0x7e: {  	_ =	shalt  }
0x7f: {  	_ =	shalt  }
0x80: {  	_ =	shalt  }
0x81: {  	_ =	shalt  }
0x82: {  	_ =	shalt  }
0x83: {  	_ =	shalt  }
0x84: {  	_ =	shalt  }
0x85: {  	_ =	shalt  }
0x86: {  	_ =	shalt  }
0x87: {  	_ =	shalt  }
.Lfunc_end0:
.L_simem_size_0:
called_computation_lowered:
.L_overlay_start_0:
0x88: {  	s2 =	sld [smem:$0x3FD9]  }
0x89: {  	s3 =	sld [smem:$0x3FFE];
	_ =	sdelay $0x1  }
0x8a: {  	s1 =	srdreg.scid  }
0x8b: {  	s0 =	sand.u32 $0x1, s1  }
0x8c: {  	s17 =	sshll.u32 s0, $0xA;
	s2 =	sadd.s32 s3, s2  }
0x8d: {  	s2 =	sadd.s32 s2, s17  }
0x8e: {  	[smem:$0x3FC6] =	sst s2  }
0x8f: {  	_ = 	snop  }
0x90: {  	s2 =	sld [smem:$0x3FC9]  }
0x91: {  	s18 =	sld [smem:$0x3FD0];
	(tm) =	ssettm $0x1  }
0x92: {  	s4 =	sld [smem:$0x3FFB];
	_ =	sdelay $0x3  }
0x93: {  	_ =	strace s4  }
0x94: {  	s4 =	sld [smem:$0x3FFC];
	_ =	sdelay $0x3  }
0x95: {  	_ =	strace s4  }
0x96: {  	s4 =	sld [smem:$0x3FFD];
	_ =	sdelay $0x3  }
0x97: {  	_ =	strace s4  }
0x98: {  	_ =	strace $0x8FFFFFFF  }
0x99: {  	s19 =	sld [smem:$0x3FDB];
	_ =	sdelay $0x1  }
0x9a: {  	s5 =	simm.s32 $_scs_section_size  }
0x9b: {  	s6 =	simm.s32 $_size__tile_overlayer_lowered;
	s7 =	simm.s32 $_tile_overlayer_lowered  }
0x9c: {  	s22 =	simm.s32 $0x1BFF;
	s21 =	sshll.u32 s7, $0x1;
	s4 =	sadd.s32 s5, s19  }
0x9d: {  	s8 =	simm.s32 $0x0;
	s20 =	sshll.u32 s6, $0x1;
	s6 =	sadd.s32 s21, s4  }
0x9e: {  	[timem:s8], [sflag:s22] =	dma.local [hbm:s6], s20  }
0x9f: {  	_ =	swait.ge [sflag:s22], s20  }
0xa0: {  	s5 =	ssub.s32 $0x0, s20;
	[sflag:s22] =	ssyncset.done $0x0  }
0xa1: {  	[sflag:s22] =	ssyncadd.s32 s5;
	_ =	sdelay $0x1  }
0xa2: {  	s23 =	simm.s32 $0x1B8B  }
0xa3: {  	_ =	swait.ge [sflag:s23], $0x1  }
0xa4: {  	[sflag:s23] =	ssyncset.done $0x0  }
0xa5: {  	s25 =	simm.s32 $0x1B8E;
	s24 =	sld [smem:$0x3FFE];
	[sflag:s23] =	ssyncadd.s32 $0xFFFFFFFF  }
0xa6: {  	s26 =	simm.s32 $execute0_lowered;
	[smem:$0x3FD2] =	sst s25  }
0xa7: {  	s6 =	sshll.u32 s26, $0x1;
	_ =	strace $0x80000046;
	[dreg:$0x1] =	wrdreg $0xFFFFFFFF  }
0xa8: {  	s28 =	simm.s32 $_size_execute0_lowered;
	s4 =	sadd.s32 s4, s6;
	[dreg:$0x0] =	wrdreg $0x0  }
0xa9: {  	s6 =	sshll.u32 s28, $0x1;
	[dreg:$0x2] =	wrdreg s4  }
0xaa: {  	[dreg:$0x3] =	wrdreg s6  }
0xab: {  	[dreg:$0x4] =	wrdreg $0xC0  }
0xac: {  	_ =	task [dreg:s8], $0x5FFFF  }
0xad: {  	[dreg:$0x1] =	wrdreg $0xFFFFFFFF  }
0xae: {  	[dreg:$0x0] =	wrdreg $0x60  }
0xaf: {  	[dreg:$0x2] =	wrdreg s2  }
0xb0: {  	[dreg:$0x3] =	wrdreg s24  }
0xb1: {  	[dreg:$0x4] =	wrdreg s18  }
0xb2: {  	[dreg:$0x5] =	wrdreg $0x9  }
0xb3: {  	_ =	task.clear_ibuf [dreg:s8], $0x6FFFF;
	_ =	strace $0x90000046  }
0xb4: {  	s29 =	simm.s32 $0x9;
	_ =	strace $0x80000048  }
0xb5: {  	_ =	swait.ge [sflag:s29], $0x1  }
0xb6: {  	[sflag:s29] =	ssyncadd.s32 $0xFFFFFFFF  }
0xb7: {  	_ =	strace $0x90000048  }
0xb8: {  	_ =	sfence  }
0xb9: {  	s30 =	sld [smem:$0x0];
	_ =	sdelay $0x2  }
0xba: {  	s31 =	sshll.u32 s1, $0xD;
	s1 =	sshrl.u32 s1, $0x2  }
0xbb: {  	s3 =	sand.u32 $0x4000, s31;
	s1 =	sadd.s32 s1, s30  }
0xbc: {  	s0 =	sor.u32 s3, s0;
	s1 =	sshll.u32 s1, $0x11  }
0xbd: {  	s0 =	sor.u32 s1, s0  }
0xbe: {  	s0 =	sadd.s32 $0x8F2B, s0  }
0xbf: {  	[sflag:s0] =	ssyncadd.remote.s32 $0x1  }
0xc0: {  	_ =	sfence.sel $0xFFFF  }
0xc1: {  	[dreg:$0x0] =	wrdreg $0xFFFFFFFF;
	(pc) =	sbr.abs _section_cstart, $3  }
0xc2: {  	[dreg:$0x1] =	wrdreg $0xFFFFFFFF  }
0xc3: {  	_ =	task.clear_ibuf [dreg:s8], $0x2FFFF;
	_ =	strace $0x9FFFFFFF  }
0xc4: {  	(tm) =	ssettm $0x7FFFFFFF  }
0xc5: {  	_ =	shalt  }
tec
execute0_lowered:
.L_overlay_start_1:
0x0: {  	(tag) =	ssettag $0x1  }
0x1: {  	s31 =	rddreg [dreg:$0x0]  }
0x2: {  	s0 =	rddreg [dreg:$0x1]  }
0x3: {  	s8 =	rddreg [dreg:$0x2];
	s4 =	simm.s32 $0x0;
	s1 =	srdreg.scid  }
0x4: {  	s5 =	stileid.u32;
	[smem:$0x7FF] =	sst s4;
	s1 =	sand.u32 $0x1, s1  }
0x5: {  	s2 =	sshll.u32 s5, $0x1;
	s0 =	sadd.s32 $0x400, s0;
	p0 =	seq.s32 s5, $0x0  }
0x6: {  	s5 =	simm.s32 $0x28;
	_ =	strace $0x80000047;
	s9 =	sor.u32 s1, s2  }
0x7: {  	[dreg:$0x4] =	wrdreg s0;
	s20 =	ssub.s32 $0x2, s1;
	s2 =	smul.u32 $0x140, s9  }
0x8: {  	s5 =	simm.s32 @!p0 $0x27;
	s21 =	sshrl.u32 s20, $0x1;
	s22 =	smul.u32 $0x5000, s9  }
0x9: {  	s3 =	sor.u32 $0x20, s9;
	s23 =	smul.u32 $0xA00, s9;
	s7 =	sshrl.u32 s5, $0x1  }
0xa: {  	s28 =	sor.u32 $0x40, s9;
	[dreg:$0x5] =	wrdreg s9;
	s29 =	sor.u32 $0x60, s9  }
0xb: {  	s6 =	smul.u32 $0x140, s3;
	s0 =	ssub.s32 s20, s21;
	[dreg:$0x7] =	wrdreg s7  }
0xc: {  	s3 =	smul.u32 $0x5000, s3;
	s7 =	sshll.u32 s7, $0x6;
	[dreg:$0xf] =	wrdreg s28  }
0xd: {  	[dreg:$0x10] =	wrdreg s29;
	s2 =	sadd.s32 s31, s2;
	s1 =	sshrl.u32 s22, $0x3  }
0xe: {  	s25 =	sor.u32 s9, s7;
	s0 =	smax.u32 s0, $0x1;
	[dreg:$0x6] =	wrdreg s2  }
0xf: {  	s6 =	sadd.s32 s31, s6;
	s24 =	sadd.s32 s8, s1;
	[dreg:$0x13] =	wrdreg s0  }
0x10: {  	s2 =	sshrl.u32 s23, $0x3;
	s3 =	sshrl.u32 s3, $0x3;
	[dreg:$0x8] =	wrdreg s6  }
0x11: {  	s1 =	smin.u32 s25, $0x4E1;
	[dreg:$0x9] =	wrdreg s24;
	s6 =	sadd.s32 $0x30D400, s24  }
0x12: {  	s2 =	sadd.s32 s31, s2;
	s3 =	sadd.s32 s8, s3;
	[dreg:$0xb] =	wrdreg s6  }
0x13: {  	v0 =	vlaneseq.u32;
	s1 =	smul.u32 $0x5000, s1;
	s26 =	sadd.s32 $0x5000, s2;
	[dreg:$0xa] =	wrdreg s3  }
.Ltmp0:
0x14: {  	v1 =	vor.u32 $0x10, v0;
	v2 =	vor.u32 $0x20, v0;
	v3 =	vor.u32 $0x30, v0;
	s3 =	sadd.s32 $0x30D400, s3;
	[dreg:$0xc] =	wrdreg s26;
	(pc) =	sbr.rel .LBB2_1-.Ltmp0, $4  }
0x15: {  	v4 =	vor.u32 $0x40, v0;
	v5 =	vor.u32 $0x50, v0;
	v6 =	vor.u32 $0x60, v0;
	s2 =	sadd.s32 $0x7800, s2;
	[dreg:$0xd] =	wrdreg s3;
	s1 =	sshrl.u32 s1, $0x3  }
0x16: {  	v7 =	vor.u32 $0x70, v0;
	v8 =	vor.u32 $0x80, v0;
	v9 =	vor.u32 $0x90, v0;
	[dreg:$0xe] =	wrdreg s2;
	s1 =	sadd.s32 s8, s1  }
0x17: {  	v10 =	vor.u32 $0xA0, v0;
	v11 =	vor.u32 $0xB0, v0;
	v12 =	vor.u32 $0xC0, v0;
	s30 =	sand.u32 $0x1, s5;
	[dreg:$0x11] =	wrdreg s1;
	s1 =	sadd.s32 $0x30D400, s1  }
0x18: {  	v13 =	vor.u32 $0xD0, v0;
	v14 =	vor.u32 $0xE0, v0;
	v15 =	vor.u32 $0xF0, v0;
	p0 =	seq.s32 s30, $0x1;
	s2 =	simm.s32 $0x0;
	[dreg:$0x12] =	wrdreg s1  }
.LBB2_15:
0x19: {  	s0 =	simm.s32 $0x2  }
0x1a: {  	_ =	swait.ge [sflag:s0], $0xA00  }
0x1b: {  	[sflag:s0] =	ssyncset.done $0x0  }
0x1c: {  	s29 =	simm.s32 $0x3;
	[sflag:s0] =	ssyncadd.s32 $0xFFFFF600  }
0x1d: {  	_ =	swait.ge [sflag:s29], $0x5000  }
0x1e: {  	[sflag:s29] =	ssyncset.done $0x0  }
0x1f: {  	[sflag:s29] =	ssyncadd.s32 $0xFFFFB000  }
0x20: {  	_ =	swait.ge [sflag:s29], $0x5000  }
0x21: {  	[sflag:s29] =	ssyncset.done $0x0  }
0x22: {  	s1 =	simm.s32 $0x4;
	[sflag:s29] =	ssyncadd.s32 $0xFFFFB000  }
0x23: {  	_ =	swait.ge [sflag:s1], $0x5000  }
0x24: {  	[sflag:s1] =	ssyncset.done $0x0  }
0x25: {  	[sflag:s1] =	ssyncadd.s32 $0xFFFFB000  }
0x26: {  	_ =	swait.ge [sflag:s1], $0x5000  }
0x27: {  	s2 =	sadd.s32 $0x1, s2;
	s30 =	rddreg [dreg:$0x13]  }
0x28: {  	p1 =	sne.s32 s2, s30  }
.Ltmp1:
0x29: {  	_ = 	snop;
	(pc) =	sbr.rel @!p1 .LBB2_16-.Ltmp1, $3  }
0x2a: {  	_ =	sdelay $0x1  }
0x2b: {  	[sflag:s1] =	ssyncset.done $0x0  }
0x2c: {  	[sflag:s1] =	ssyncadd.s32 $0xFFFFB000  }
.LBB2_1:
0x2d: {  	[dreg:$0x14] =	wrdreg s2  }
0x2e: {  	s0 =	rddreg [dreg:$0x4];
	s29 =	simm.s32 $0x5  }
0x2f: {  	[tilespmem:s4], [sflag:$0x5] =	stream.linear.gather [hbm4b:s0+s4], $0xA00, $0x38;
	[tilespmem:$0x15E00] =	vst v63  }
0x30: {  	_ =	swait.ge [sflag:s29], $0xA00  }
0x31: {  	[sflag:s29] =	ssyncset.done $0x0  }
0x32: {  	s1 =	simm.s32 $0xA00;
	s30 =	rddreg [dreg:$0x6];
	[sflag:s29] =	ssyncadd.s32 $0xFFFFF600  }
0x33: {  	[tilespmem:s1], [sflag:$0x1] =	stream.linear.gather [hbm4b:s30+s4], $0xA00, $0x38;
	[tilespmem:$0x15E00] =	vst v63  }
0x34: {  	s3 =	simm.s32 $0x1400;
	s5 =	simm.s32 $0x1;
	s2 =	rddreg [dreg:$0x8]  }
0x35: {  	[tilespmem:s3], [sflag:$0x2] =	stream.linear.gather [hbm4b:s2+s4], $0xA00, $0x38;
	[tilespmem:$0x15E00] =	vst v63  }
0x36: {  	_ =	swait.ge [sflag:s5], $0xA00  }
0x37: {  	[sflag:s5] =	ssyncset.done $0x0  }
0x38: {  	s6 =	simm.s32 $0xA20;
	[sflag:s5] =	ssyncadd.s32 $0xFFFFF600  }
0x39: {  	v16 =	vld [tilespmem:s6+$0xFFFFFFE0];
	_ =	sdelay $0x1  }
0x3a: {  	v17 =	vld [tilespmem:s6+$0x10];
	_ =	sdelay $0x1  }
0x3b: {  	v18 =	vld [tilespmem:s6+$0xFFFFFFF0]  }
0x3c: {  	v19 =	vld [tilespmem:s6+$0x0];
	v23 =	vshll.u32 v16, $0x8  }
0x3d: {  	v20 =	vor.u32 v0, v23  }
0x3e: {  	v21 =	vshll.u32 v17, $0x8  }
0x3f: {  	v17 =	vor.u32 v0, v21  }
0x40: {  	v16 =	vshll.u32 v18, $0x8  }
0x41: {  	v22 =	vshll.u32 v19, $0x8;
	v18 =	vor.u32 v0, v16  }
0x42: {  	v19 =	vor.u32 v0, v22;
	v20 =	vld.idx.msk [tilespmem:v20+s4+$0x0], $0xffff  }
0x43: {  	v24 =	vor.u32 v1, v23  }
0x44: {  	s7 =	simm.s32 $0x0;
	s12 =	sand.u32 $0x7C00, s4;
	v17 =	vld.idx.msk [tilespmem:v17+s4+$0x0], $0xffff  }
0x45: {  	s13 =	sand.u32 $0x40, s7;
	s8 =	sadd.s32 $0x1E00, s12;
	v25 =	vor.u32 v1, v21  }
0x46: {  	s10 =	simm.s32 $0x30;
	s11 =	sor.u32 s13, s8;
	v18 =	vld.idx.msk [tilespmem:v18+s4+$0x0], $0xffff  }
0x47: {  	s5 =	sand.u32 $0x70, s10;
	v19 =	vld.idx.msk [tilespmem:v19+s4+$0x0], $0xffff;
	[tilespmem:s11+$0x0] =	vst v20;
	v20 =	vor.u32 v1, v16  }
0x48: {  	s3 =	simm.s32 $0x10;
	s0 =	sor.u32 s5, s8;
	v26 =	vor.u32 v1, v22;
	v24 =	vld.idx.msk [tilespmem:v24+s4+$0x0], $0xffff  }
0x49: {  	s7 =	sand.u32 $0x50, s3;
	s6 =	simm.s32 $0x20;
	[tilespmem:s0+$0x0] =	vst v17;
	v17 =	vor.u32 v2, v23  }
0x4a: {  	s3 =	sor.u32 s7, s8;
	s9 =	sand.u32 $0x60, s6;
	v25 =	vld.idx.msk [tilespmem:v25+s4+$0x0], $0xffff  }
0x4b: {  	s2 =	sor.u32 s9, s8;
	[tilespmem:s3+$0x0] =	vst v18;
	v18 =	vor.u32 v2, v21  }
0x4c: {  	[tilespmem:s2+$0x0] =	vst v19;
	v20 =	vld.idx.msk [tilespmem:v20+s4+$0x0], $0xffff  }
0x4d: {  	v19 =	vor.u32 v2, v16;
	[tilespmem:s11+$0x80] =	vst v24;
	v24 =	vld.idx.msk [tilespmem:v26+s4+$0x0], $0xffff  }
0x4e: {  	v26 =	vor.u32 v2, v22;
	v17 =	vld.idx.msk [tilespmem:v17+s4+$0x0], $0xffff  }
0x4f: {  	[tilespmem:s0+$0x80] =	vst v25;
	v25 =	vor.u32 v3, v23  }
0x50: {  	v18 =	vld.idx.msk [tilespmem:v18+s4+$0x0], $0xffff  }
0x51: {  	[tilespmem:s3+$0x80] =	vst v20;
	v20 =	vor.u32 v3, v21  }
0x52: {  	v19 =	vld.idx.msk [tilespmem:v19+s4+$0x0], $0xffff;
	[tilespmem:s2+$0x80] =	vst v24  }
0x53: {  	v24 =	vor.u32 v3, v16;
	[tilespmem:s11+$0x100] =	vst v17;
	v17 =	vld.idx.msk [tilespmem:v26+s4+$0x0], $0xffff  }
0x54: {  	v26 =	vor.u32 v3, v22;
	v25 =	vld.idx.msk [tilespmem:v25+s4+$0x0], $0xffff  }
0x55: {  	[tilespmem:s0+$0x100] =	vst v18;
	v18 =	vor.u32 v4, v23  }
0x56: {  	v20 =	vld.idx.msk [tilespmem:v20+s4+$0x0], $0xffff  }
0x57: {  	[tilespmem:s3+$0x100] =	vst v19;
	v19 =	vor.u32 v4, v21  }
0x58: {  	v24 =	vld.idx.msk [tilespmem:v24+s4+$0x0], $0xffff;
	[tilespmem:s2+$0x100] =	vst v17  }
0x59: {  	v17 =	vor.u32 v4, v16;
	[tilespmem:s11+$0x180] =	vst v25;
	v25 =	vld.idx.msk [tilespmem:v26+s4+$0x0], $0xffff  }
0x5a: {  	v26 =	vor.u32 v4, v22;
	v18 =	vld.idx.msk [tilespmem:v18+s4+$0x0], $0xffff  }
0x5b: {  	[tilespmem:s0+$0x180] =	vst v20;
	v20 =	vor.u32 v5, v23  }
0x5c: {  	v19 =	vld.idx.msk [tilespmem:v19+s4+$0x0], $0xffff  }
0x5d: {  	[tilespmem:s3+$0x180] =	vst v24;
	v24 =	vor.u32 v5, v21  }
0x5e: {  	v17 =	vld.idx.msk [tilespmem:v17+s4+$0x0], $0xffff;
	[tilespmem:s2+$0x180] =	vst v25  }
0x5f: {  	v25 =	vor.u32 v5, v16;
	[tilespmem:s11+$0x200] =	vst v18;
	v18 =	vld.idx.msk [tilespmem:v26+s4+$0x0], $0xffff  }
0x60: {  	v26 =	vor.u32 v5, v22;
	v20 =	vld.idx.msk [tilespmem:v20+s4+$0x0], $0xffff  }
0x61: {  	[tilespmem:s0+$0x200] =	vst v19;
	v19 =	vor.u32 v6, v23  }
0x62: {  	v24 =	vld.idx.msk [tilespmem:v24+s4+$0x0], $0xffff  }
0x63: {  	[tilespmem:s3+$0x200] =	vst v17;
	v17 =	vor.u32 v6, v21  }
0x64: {  	v25 =	vld.idx.msk [tilespmem:v25+s4+$0x0], $0xffff;
	[tilespmem:s2+$0x200] =	vst v18  }
0x65: {  	v18 =	vor.u32 v6, v16;
	[tilespmem:s11+$0x280] =	vst v20;
	v20 =	vld.idx.msk [tilespmem:v26+s4+$0x0], $0xffff  }
0x66: {  	v26 =	vor.u32 v6, v22;
	v19 =	vld.idx.msk [tilespmem:v19+s4+$0x0], $0xffff  }
0x67: {  	[tilespmem:s0+$0x280] =	vst v24;
	v24 =	vor.u32 v7, v23  }
0x68: {  	v17 =	vld.idx.msk [tilespmem:v17+s4+$0x0], $0xffff  }
0x69: {  	[tilespmem:s3+$0x280] =	vst v25  }
0x6a: {  	v25 =	vor.u32 v7, v21;
	v18 =	vld.idx.msk [tilespmem:v18+s4+$0x0], $0xffff;
	[tilespmem:s2+$0x280] =	vst v20  }
0x6b: {  	v20 =	vor.u32 v7, v16;
	[tilespmem:s11+$0x300] =	vst v19;
	v19 =	vld.idx.msk [tilespmem:v26+s4+$0x0], $0xffff  }
0x6c: {  	s18 =	simm.s32 $0xA60;
	v26 =	vor.u32 v7, v22;
	v24 =	vld.idx.msk [tilespmem:v24+s4+$0x0], $0xffff  }
0x6d: {  	[tilespmem:s0+$0x300] =	vst v17;
	v17 =	vld [tilespmem:s18+$0xFFFFFFE0]  }
0x6e: {  	v28 =	vld [tilespmem:s18+$0x10];
	v27 =	vor.u32 v8, v23  }
0x6f: {  	v25 =	vld.idx.msk [tilespmem:v25+s4+$0x0], $0xffff;
	[tilespmem:s3+$0x300] =	vst v18  }
0x70: {  	v20 =	vld.idx.msk [tilespmem:v20+s4+$0x0], $0xffff;
	[tilespmem:s2+$0x300] =	vst v19;
	v19 =	vor.u32 v8, v21  }
0x71: {  	v29 =	vor.u32 v8, v16;
	v26 =	vld.idx.msk [tilespmem:v26+s4+$0x0], $0xffff  }
0x72: {  	v30 =	vld [tilespmem:s18+$0xFFFFFFF0];
	[tilespmem:s11+$0x380] =	vst v24;
	v24 =	vor.u32 v8, v22;
	v18 =	vshll.u32 v17, $0x8  }
0x73: {  	v27 =	vld.idx.msk [tilespmem:v27+s4+$0x0], $0xffff;
	v31 =	vor.u32 v0, v18  }
0x74: {  	v32 =	vld [tilespmem:s18+$0x0];
	v17 =	vshll.u32 v28, $0x8;
	v28 =	vor.u32 v9, v23;
	[tilespmem:s0+$0x380] =	vst v25  }
0x75: {  	v25 =	vor.u32 v0, v17;
	[tilespmem:s3+$0x380] =	vst v20;
	v33 =	vld.idx.msk [tilespmem:v19+s4+$0x0], $0xffff  }
0x76: {  	s14 =	sadd.s32 $0x6E00, s12;
	v29 =	vld.idx.msk [tilespmem:v29+s4+$0x0], $0xffff;
	[tilespmem:s2+$0x380] =	vst v26;
	v26 =	vor.u32 v9, v21  }
0x77: {  	s16 =	sor.u32 s13, s14;
	v34 =	vor.u32 v9, v16;
	v24 =	vld.idx.msk [tilespmem:v24+s4+$0x0], $0xffff  }
0x78: {  	v19 =	vshll.u32 v30, $0x8;
	[tilespmem:s16+$0x0] =	vst v27;
	v27 =	vor.u32 v9, v22;
	v30 =	vld.idx.msk [tilespmem:v31+s4+$0x0], $0xffff  }
0x79: {  	s17 =	sor.u32 s5, s14;
	v20 =	vshll.u32 v32, $0x8;
	v31 =	vor.u32 v0, v19;
	v28 =	vld.idx.msk [tilespmem:v28+s4+$0x0], $0xffff  }
0x7a: {  	s19 =	simm.s32 $0x200;
	s20 =	sor.u32 s7, s14;
	v32 =	vor.u32 v0, v20;
	v25 =	vld.idx.msk [tilespmem:v25+s4+$0x0], $0xffff;
	[tilespmem:s17+$0x0] =	vst v33  }
0x7b: {  	s21 =	simm.s32 $0x40;
	s15 =	sand.u32 $0x7C00, s19;
	v49 =	vor.u32 v10, v23;
	s0 =	sor.u32 s9, s14;
	[tilespmem:s20+$0x0] =	vst v29;
	v26 =	vld.idx.msk [tilespmem:v26+s4+$0x0], $0xffff  }
0x7c: {  	s22 =	sadd.s32 $0x1E00, s15;
	s14 =	sand.u32 $0x40, s21;
	v29 =	vor.u32 v1, v18;
	v34 =	vld.idx.msk [tilespmem:v34+s4+$0x0], $0xffff;
	[tilespmem:s0+$0x0] =	vst v24  }
0x7d: {  	s23 =	sadd.s32 $0x6E80, s12;
	s25 =	sor.u32 s14, s22;
	s20 =	simm.s32 $0x70;
	v27 =	vld.idx.msk [tilespmem:v27+s4+$0x0], $0xffff  }
0x7e: {  	s24 =	sor.u32 s13, s23;
	v24 =	vor.u32 v1, v17;
	s10 =	sand.u32 $0x70, s20;
	[tilespmem:s25+$0x0] =	vst v30;
	v30 =	vld.idx.msk [tilespmem:v31+s4+$0x0], $0xffff  }
0x7f: {  	v31 =	vor.u32 v10, v21;
	s21 =	sor.u32 s10, s22;
	[tilespmem:s24+$0x0] =	vst v28;
	v28 =	vld.idx.msk [tilespmem:v32+s4+$0x0], $0xffff  }
0x80: {  	s26 =	sor.u32 s5, s23;
	v50 =	vor.u32 v10, v22;
	[tilespmem:s21+$0x0] =	vst v25;
	v33 =	vld.idx.msk [tilespmem:v49+s4+$0x0], $0xffff  }
0x81: {  	s30 =	simm.s32 $0x50;
	s29 =	sor.u32 s7, s23;
	v25 =	vld.idx.msk [tilespmem:v29+s4+$0x0], $0xffff;
	v29 =	vor.u32 v1, v19;
	[tilespmem:s26+$0x0] =	vst v26  }
0x82: {  	s8 =	simm.s32 $0x60;
	v35 =	vor.u32 v10, v16;
	s11 =	sand.u32 $0x50, s30;
	s0 =	sor.u32 s9, s23;
	[tilespmem:s29+$0x0] =	vst v34  }
0x83: {  	s3 =	sand.u32 $0x60, s8;
	s23 =	sor.u32 s11, s22;
	v26 =	vor.u32 v1, v20;
	v24 =	vld.idx.msk [tilespmem:v24+s4+$0x0], $0xffff;
	[tilespmem:s0+$0x0] =	vst v27  }
0x84: {  	v51 =	vor.u32 v11, v23;
	s16 =	sadd.s32 $0x6F00, s12;
	s26 =	sor.u32 s3, s22;
	v27 =	vld.idx.msk [tilespmem:v31+s4+$0x0], $0xffff;
	[tilespmem:s23+$0x0] =	vst v30  }
0x85: {  	s17 =	sor.u32 s13, s16;
	v31 =	vor.u32 v2, v18;
	[tilespmem:s26+$0x0] =	vst v28;
	v30 =	vld.idx.msk [tilespmem:v50+s4+$0x0], $0xffff  }
0x86: {  	v28 =	vor.u32 v2, v17;
	[tilespmem:s17+$0x0] =	vst v33;
	v29 =	vld.idx.msk [tilespmem:v29+s4+$0x0], $0xffff  }
0x87: {  	v52 =	vor.u32 v11, v22;
	[tilespmem:s25+$0x80] =	vst v25;
	v25 =	vld.idx.msk [tilespmem:v35+s4+$0x0], $0xffff  }
0x88: {  	v53 =	vor.u32 v2, v19;
	s22 =	sor.u32 s5, s16;
	v26 =	vld.idx.msk [tilespmem:v26+s4+$0x0], $0xffff;
	[tilespmem:s21+$0x80] =	vst v24  }
0x89: {  	v54 =	vor.u32 v11, v16;
	s24 =	sor.u32 s9, s16;
	v24 =	vld.idx.msk [tilespmem:v51+s4+$0x0], $0xffff;
	[tilespmem:s22+$0x0] =	vst v27  }
0x8a: {  	v55 =	vor.u32 v11, v21;
	v31 =	vld.idx.msk [tilespmem:v31+s4+$0x0], $0xffff;
	[tilespmem:s24+$0x0] =	vst v30  }
0x8b: {  	s0 =	sor.u32 s7, s16;
	v27 =	vld.idx.msk [tilespmem:v28+s4+$0x0], $0xffff;
	v28 =	vor.u32 v12, v23;
	[tilespmem:s23+$0x80] =	vst v29  }
0x8c: {  	v56 =	vor.u32 v3, v18;
	s29 =	sadd.s32 $0x6F80, s12;
	v30 =	vld.idx.msk [tilespmem:v52+s4+$0x0], $0xffff;
	[tilespmem:s0+$0x0] =	vst v25  }
0x8d: {  	s30 =	sor.u32 s13, s29;
	v29 =	vor.u32 v2, v20;
	[tilespmem:s26+$0x80] =	vst v26;
	v35 =	vld.idx.msk [tilespmem:v53+s4+$0x0], $0xffff  }
0x8e: {  	v25 =	vor.u32 v3, v17;
	v26 =	vld.idx.msk [tilespmem:v54+s4+$0x0], $0xffff;
	[tilespmem:s30+$0x0] =	vst v24  }
0x8f: {  	v57 =	vor.u32 v3, v19;
	v24 =	vld.idx.msk [tilespmem:v55+s4+$0x0], $0xffff;
	[tilespmem:s25+$0x100] =	vst v31  }
0x90: {  	s2 =	sor.u32 s9, s29;
	v28 =	vld.idx.msk [tilespmem:v28+s4+$0x0], $0xffff;
	v31 =	vor.u32 v12, v16;
	[tilespmem:s21+$0x100] =	vst v27  }
0x91: {  	v27 =	vor.u32 v12, v22;
	v32 =	vld.idx.msk [tilespmem:v56+s4+$0x0], $0xffff;
	[tilespmem:s2+$0x0] =	vst v30  }
0x92: {  	v58 =	vor.u32 v13, v23;
	s6 =	sor.u32 s7, s29;
	v29 =	vld.idx.msk [tilespmem:v29+s4+$0x0], $0xffff;
	[tilespmem:s23+$0x100] =	vst v35  }
0x93: {  	v59 =	vor.u32 v4, v18;
	s1 =	sor.u32 s5, s29;
	s2 =	sadd.s32 $0x7000, s12;
	v25 =	vld.idx.msk [tilespmem:v25+s4+$0x0], $0xffff;
	[tilespmem:s6+$0x0] =	vst v26  }
0x94: {  	v30 =	vor.u32 v3, v20;
	s8 =	sor.u32 s13, s2;
	[tilespmem:s1+$0x0] =	vst v24;
	v33 =	vld.idx.msk [tilespmem:v57+s4+$0x0], $0xffff  }
0x95: {  	v26 =	vor.u32 v4, v17;
	v31 =	vld.idx.msk [tilespmem:v31+s4+$0x0], $0xffff;
	[tilespmem:s8+$0x0] =	vst v28  }
0x96: {  	v24 =	vor.u32 v4, v19;
	v27 =	vld.idx.msk [tilespmem:v27+s4+$0x0], $0xffff;
	[tilespmem:s25+$0x180] =	vst v32  }
0x97: {  	v60 =	vor.u32 v13, v22;
	v28 =	vld.idx.msk [tilespmem:v58+s4+$0x0], $0xffff;
	[tilespmem:s26+$0x100] =	vst v29  }
0x98: {  	v61 =	vld.idx.msk [tilespmem:v59+s4+$0x0], $0xffff;
	v29 =	vor.u32 v13, v16;
	[tilespmem:s21+$0x180] =	vst v25  }
0x99: {  	s16 =	sor.u32 s7, s2;
	v25 =	vor.u32 v14, v23;
	v30 =	vld.idx.msk [tilespmem:v30+s4+$0x0], $0xffff;
	[tilespmem:s23+$0x180] =	vst v33  }
0x9a: {  	v63 =	vor.u32 v5, v18;
	s17 =	sadd.s32 $0x7080, s12;
	s22 =	sor.u32 s9, s2;
	v26 =	vld.idx.msk [tilespmem:v26+s4+$0x0], $0xffff;
	[tilespmem:s16+$0x0] =	vst v31  }
0x9b: {  	v62 =	vor.u32 v4, v20;
	s24 =	sor.u32 s13, s17;
	[tilespmem:s22+$0x0] =	vst v27;
	v24 =	vld.idx.msk [tilespmem:v24+s4+$0x0], $0xffff  }
0x9c: {  	v31 =	vor.u32 v5, v17;
	[tilespmem:s24+$0x0] =	vst v28;
	v28 =	vld.idx.msk [tilespmem:v60+s4+$0x0], $0xffff  }
0x9d: {  	v27 =	vor.u32 v5, v19;
	v29 =	vld.idx.msk [tilespmem:v29+s4+$0x0], $0xffff  }
0x9e: {  	v37 =	vor.u32 v14, v22;
	[tilespmem:s25+$0x200] =	vst v61;
	v25 =	vld.idx.msk [tilespmem:v25+s4+$0x0], $0xffff  }
0x9f: {  	v38 =	vld.idx.msk [tilespmem:v63+s4+$0x0], $0xffff;
	[tilespmem:s26+$0x180] =	vst v30;
	v30 =	vor.u32 v14, v16  }
0xa0: {  	[tilespmem:s21+$0x200] =	vst v26;
	v26 =	vor.u32 v15, v23;
	v36 =	vld.idx.msk [tilespmem:v62+s4+$0x0], $0xffff  }
0xa1: {  	v39 =	vor.u32 v5, v20;
	s30 =	sor.u32 s9, s17;
	v31 =	vld.idx.msk [tilespmem:v31+s4+$0x0], $0xffff;
	[tilespmem:s23+$0x200] =	vst v24  }
0xa2: {  	v34 =	vor.u32 v6, v18;
	s29 =	sor.u32 s7, s17;
	s0 =	sadd.s32 $0x7100, s12;
	[tilespmem:s30+$0x0] =	vst v28;
	v32 =	vld.idx.msk [tilespmem:v27+s4+$0x0], $0xffff  }
0xa3: {  	s28 =	sor.u32 s7, s0;
	s8 =	sor.u32 s13, s0;
	v33 =	vor.u32 v6, v17;
	v28 =	vld.idx.msk [tilespmem:v37+s4+$0x0], $0xffff;
	[tilespmem:s29+$0x0] =	vst v29  }
0xa4: {  	s2 =	sor.u32 s5, s2;
	s6 =	simm.s32 $0x4;
	v35 =	vor.u32 v6, v19;
	s16 =	sadd.s32 $0x6E80, s15;
	v23 =	vor.u32 v14, v21;
	[tilespmem:s8+$0x0] =	vst v25;
	v29 =	vld.idx.msk [tilespmem:v30+s4+$0x0], $0xffff  }
0xa5: {  	s1 =	sor.u32 s14, s16;
	s22 =	sor.u32 s10, s16;
	s24 =	sor.u32 s5, s17;
	v24 =	vor.u32 v13, v21;
	v30 =	vor.u32 v12, v21;
	v26 =	vld.idx.msk [tilespmem:v26+s4+$0x0], $0xffff;
	[tilespmem:s26+$0x200] =	vst v36  }
0xa6: {  	s17 =	sor.u32 s5, s0;
	v27 =	vor.u32 v15, v22;
	v22 =	vor.u32 v15, v21;
	s8 =	sor.u32 s11, s16;
	s16 =	sor.u32 s3, s16;
	[tilespmem:s25+$0x280] =	vst v38;
	v36 =	vld.idx.msk [tilespmem:v39+s4+$0x0], $0xffff  }
.LBB2_2:
0xa7: {  	s6 =	sadd.s32 $0x4, s6;
	v25 =	vld.idx.msk [tilespmem:v34+s4+$0x0], $0xffff;
	[tilespmem:s21+$0x280] =	vst v31;
	v21 =	vmov v20  }
0xa8: {  	p1 =	slt.u32 s6, $0x9C;
	[tilespmem:s23+$0x280] =	vst v32;
	v20 =	vor.u32 v6, v21;
	v31 =	vld.idx.msk [tilespmem:v33+s4+$0x0], $0xffff  }
0xa9: {  	s29 =	sadd.s32 $0x7180, s12;
	s0 =	sor.u32 s9, s0;
	s12 =	smov.u32 s15;
	v32 =	vor.u32 v7, v18;
	v33 =	vld.idx.msk [tilespmem:v35+s4+$0x0], $0xffff;
	[tilespmem:s28+$0x0] =	vst v29  }
0xaa: {  	s13 =	sor.u32 s13, s29;
	s28 =	sor.u32 s7, s29;
	[tilespmem:s0+$0x0] =	vst v28;
	v28 =	vld.idx.msk [tilespmem:v30+s4+$0x0], $0xffff;
	s0 =	sor.u32 s5, s29  }
0xab: {  	s18 =	sadd.s32 $0x40, s18;
	v29 =	vor.u32 v7, v19;
	s5 =	smov.u32 s10;
	[tilespmem:s13+$0x0] =	vst v26;
	v26 =	vld.idx.msk [tilespmem:v27+s4+$0x0], $0xffff;
	s13 =	smov.u32 s14  }
0xac: {  	s7 =	smov.u32 s11;
	v27 =	vld [tilespmem:s18+$0x0];
	[tilespmem:s26+$0x280] =	vst v36  }
0xad: {  	[tilespmem:s25+$0x300] =	vst v25;
	v20 =	vld.idx.msk [tilespmem:v20+s4+$0x0], $0xffff;
	v25 =	vor.u32 v7, v17  }
0xae: {  	v30 =	vld.idx.msk [tilespmem:v32+s4+$0x0], $0xffff;
	[tilespmem:s21+$0x300] =	vst v31  }
0xaf: {  	v32 =	vor.u32 v7, v21;
	v31 =	vld [tilespmem:s18+$0xFFFFFFE0];
	[tilespmem:s23+$0x300] =	vst v33  }
0xb0: {  	s10 =	sor.u32 s9, s29;
	s9 =	smov.u32 s3;
	v29 =	vld.idx.msk [tilespmem:v29+s4+$0x0], $0xffff;
	[tilespmem:s2+$0x0] =	vst v28  }
0xb1: {  	v28 =	vor.u32 v8, v18;
	[tilespmem:s10+$0x0] =	vst v26;
	v24 =	vld.idx.msk [tilespmem:v24+s4+$0x0], $0xffff  }
0xb2: {  	v33 =	vor.u32 v8, v19;
	v34 =	vld.idx.msk [tilespmem:v25+s4+$0x0], $0xffff  }
0xb3: {  	v25 =	vld [tilespmem:s18+$0x10];
	[tilespmem:s26+$0x300] =	vst v20  }
0xb4: {  	v35 =	vor.u32 v8, v17;
	v32 =	vld.idx.msk [tilespmem:v32+s4+$0x0], $0xffff  }
0xb5: {  	v36 =	vld [tilespmem:s18+$0xFFFFFFF0];
	[tilespmem:s25+$0x380] =	vst v30;
	v30 =	vor.u32 v15, v16;
	v16 =	vmov v19  }
0xb6: {  	v26 =	vshll.u32 v31, $0x8;
	v28 =	vld.idx.msk [tilespmem:v28+s4+$0x0], $0xffff;
	[tilespmem:s23+$0x380] =	vst v29;
	v29 =	vor.u32 v8, v21  }
0xb7: {  	v31 =	vor.u32 v0, v26;
	v33 =	vld.idx.msk [tilespmem:v33+s4+$0x0], $0xffff;
	[tilespmem:s24+$0x0] =	vst v24  }
0xb8: {  	v24 =	vor.u32 v9, v18;
	v25 =	vshll.u32 v25, $0x8;
	[tilespmem:s21+$0x380] =	vst v34;
	v23 =	vld.idx.msk [tilespmem:v23+s4+$0x0], $0xffff  }
0xb9: {  	v20 =	vshll.u32 v27, $0x8;
	v27 =	vor.u32 v0, v25;
	v34 =	vld.idx.msk [tilespmem:v35+s4+$0x0], $0xffff  }
0xba: {  	s2 =	sadd.s32 $0x6E00, s12;
	v35 =	vor.u32 v0, v20;
	v19 =	vshll.u32 v36, $0x8;
	[tilespmem:s26+$0x380] =	vst v32;
	v30 =	vld.idx.msk [tilespmem:v30+s4+$0x0], $0xffff  }
0xbb: {  	s3 =	sor.u32 s13, s2;
	s10 =	sor.u32 s7, s2;
	v36 =	vor.u32 v9, v17;
	v32 =	vor.u32 v0, v19;
	v29 =	vld.idx.msk [tilespmem:v29+s4+$0x0], $0xffff  }
0xbc: {  	v31 =	vld.idx.msk [tilespmem:v31+s4+$0x0], $0xffff;
	[tilespmem:s3+$0x0] =	vst v28;
	v28 =	vor.u32 v9, v16  }
0xbd: {  	v24 =	vld.idx.msk [tilespmem:v24+s4+$0x0], $0xffff;
	[tilespmem:s10+$0x0] =	vst v33;
	v33 =	vor.u32 v9, v21  }
0xbe: {  	s20 =	sadd.s32 $0x40, s20;
	s19 =	sadd.s32 $0x200, s19;
	s3 =	sor.u32 s5, s2;
	v27 =	vld.idx.msk [tilespmem:v27+s4+$0x0], $0xffff;
	[tilespmem:s17+$0x0] =	vst v23  }
0xbf: {  	s15 =	sand.u32 $0x7C00, s19;
	s10 =	sadd.s32 $0xFFFFFFD0, s20;
	[tilespmem:s3+$0x0] =	vst v34;
	v22 =	vld.idx.msk [tilespmem:v22+s4+$0x0], $0xffff  }
0xc0: {  	s2 =	sor.u32 s9, s2;
	s14 =	sand.u32 $0x40, s10;
	s17 =	sadd.s32 $0x1E00, s15;
	v23 =	vor.u32 v1, v26;
	v34 =	vld.idx.msk [tilespmem:v36+s4+$0x0], $0xffff;
	[tilespmem:s28+$0x0] =	vst v30  }
0xc1: {  	s24 =	sadd.s32 $0x6E80, s15;
	s25 =	sor.u32 s14, s17;
	v30 =	vor.u32 v10, v18;
	v28 =	vld.idx.msk [tilespmem:v28+s4+$0x0], $0xffff;
	[tilespmem:s2+$0x0] =	vst v29  }
0xc2: {  	s10 =	sand.u32 $0x70, s20;
	s2 =	sor.u32 s14, s24;
	v29 =	vor.u32 v1, v25;
	[tilespmem:s25+$0x0] =	vst v31;
	v31 =	vld.idx.msk [tilespmem:v33+s4+$0x0], $0xffff  }
0xc3: {  	s21 =	sor.u32 s10, s17;
	s3 =	sor.u32 s10, s24;
	v32 =	vld.idx.msk [tilespmem:v32+s4+$0x0], $0xffff;
	[tilespmem:s1+$0x0] =	vst v24;
	v24 =	vor.u32 v10, v17;
	s1 =	smov.u32 s2  }
0xc4: {  	v33 =	vld.idx.msk [tilespmem:v35+s4+$0x0], $0xffff;
	[tilespmem:s21+$0x0] =	vst v27;
	v27 =	vor.u32 v10, v21  }
0xc5: {  	v36 =	vor.u32 v10, v16;
	v35 =	vor.u32 v1, v19;
	v23 =	vld.idx.msk [tilespmem:v23+s4+$0x0], $0xffff;
	[tilespmem:s0+$0x0] =	vst v22  }
0xc6: {  	s0 =	sadd.s32 $0xFFFFFFE0, s20;
	v22 =	vld.idx.msk [tilespmem:v30+s4+$0x0], $0xffff;
	[tilespmem:s22+$0x0] =	vst v34;
	s22 =	smov.u32 s3  }
0xc7: {  	s11 =	sand.u32 $0x50, s0;
	s0 =	sadd.s32 $0xFFFFFFF0, s20;
	v30 =	vor.u32 v1, v20;
	v29 =	vld.idx.msk [tilespmem:v29+s4+$0x0], $0xffff;
	[tilespmem:s8+$0x0] =	vst v28  }
0xc8: {  	s23 =	sor.u32 s11, s17;
	s8 =	sor.u32 s11, s24;
	s3 =	sand.u32 $0x60, s0;
	v28 =	vor.u32 v11, v18;
	[tilespmem:s16+$0x0] =	vst v31;
	v24 =	vld.idx.msk [tilespmem:v24+s4+$0x0], $0xffff  }
0xc9: {  	v31 =	vor.u32 v2, v26;
	s26 =	sor.u32 s3, s17;
	s16 =	sor.u32 s3, s24;
	[tilespmem:s23+$0x0] =	vst v32;
	v27 =	vld.idx.msk [tilespmem:v27+s4+$0x0], $0xffff  }
0xca: {  	s0 =	sadd.s32 $0x6F00, s12;
	v32 =	vld.idx.msk [tilespmem:v35+s4+$0x0], $0xffff;
	[tilespmem:s26+$0x0] =	vst v33;
	v33 =	vor.u32 v2, v25  }
0xcb: {  	v34 =	vor.u32 v11, v21;
	s2 =	sor.u32 s13, s0;
	s17 =	sor.u32 s5, s0;
	[tilespmem:s25+$0x80] =	vst v23;
	v23 =	vld.idx.msk [tilespmem:v36+s4+$0x0], $0xffff  }
0xcc: {  	v35 =	vor.u32 v2, v19;
	v30 =	vld.idx.msk [tilespmem:v30+s4+$0x0], $0xffff;
	[tilespmem:s2+$0x0] =	vst v22  }
0xcd: {  	[tilespmem:s21+$0x80] =	vst v29;
	v22 =	vld.idx.msk [tilespmem:v28+s4+$0x0], $0xffff;
	v28 =	vor.u32 v11, v16;
	v29 =	vor.u32 v11, v17  }
0xce: {  	s2 =	sor.u32 s7, s0;
	s0 =	sor.u32 s9, s0;
	v31 =	vld.idx.msk [tilespmem:v31+s4+$0x0], $0xffff;
	[tilespmem:s17+$0x0] =	vst v24  }
0xcf: {  	v24 =	vld.idx.msk [tilespmem:v33+s4+$0x0], $0xffff;
	v33 =	vor.u32 v12, v18;
	[tilespmem:s0+$0x0] =	vst v27  }
0xd0: {  	v27 =	vor.u32 v2, v20;
	[tilespmem:s23+$0x80] =	vst v32;
	v32 =	vld.idx.msk [tilespmem:v34+s4+$0x0], $0xffff  }
0xd1: {  	s0 =	sadd.s32 $0x6F80, s12;
	v34 =	vor.u32 v3, v26;
	v35 =	vld.idx.msk [tilespmem:v35+s4+$0x0], $0xffff;
	[tilespmem:s2+$0x0] =	vst v23  }
0xd2: {  	s17 =	sor.u32 s5, s0;
	v23 =	vor.u32 v3, v25;
	s2 =	sor.u32 s13, s0;
	[tilespmem:s26+$0x80] =	vst v30;
	v28 =	vld.idx.msk [tilespmem:v28+s4+$0x0], $0xffff  }
0xd3: {  	v30 =	vor.u32 v3, v19;
	[tilespmem:s2+$0x0] =	vst v22;
	v22 =	vld.idx.msk [tilespmem:v29+s4+$0x0], $0xffff  }
0xd4: {  	[tilespmem:s25+$0x100] =	vst v31;
	v29 =	vld.idx.msk [tilespmem:v33+s4+$0x0], $0xffff;
	v31 =	vor.u32 v12, v16  }
0xd5: {  	s2 =	sor.u32 s7, s0;
	s0 =	sor.u32 s9, s0;
	v27 =	vld.idx.msk [tilespmem:v27+s4+$0x0], $0xffff;
	[tilespmem:s21+$0x100] =	vst v24;
	v24 =	vor.u32 v12, v21  }
0xd6: {  	v33 =	vld.idx.msk [tilespmem:v34+s4+$0x0], $0xffff;
	v34 =	vor.u32 v13, v18;
	[tilespmem:s0+$0x0] =	vst v32  }
0xd7: {  	v32 =	vor.u32 v3, v20;
	[tilespmem:s23+$0x100] =	vst v35;
	v23 =	vld.idx.msk [tilespmem:v23+s4+$0x0], $0xffff  }
0xd8: {  	s0 =	sadd.s32 $0x7000, s12;
	v35 =	vor.u32 v4, v26;
	v30 =	vld.idx.msk [tilespmem:v30+s4+$0x0], $0xffff;
	[tilespmem:s2+$0x0] =	vst v28  }
0xd9: {  	s24 =	sor.u32 s13, s0;
	v28 =	vor.u32 v4, v25;
	s2 =	sor.u32 s5, s0;
	v31 =	vld.idx.msk [tilespmem:v31+s4+$0x0], $0xffff;
	[tilespmem:s17+$0x0] =	vst v22  }
0xda: {  	v22 =	vor.u32 v4, v19;
	[tilespmem:s24+$0x0] =	vst v29;
	v29 =	vld.idx.msk [tilespmem:v24+s4+$0x0], $0xffff  }
0xdb: {  	[tilespmem:s26+$0x100] =	vst v27;
	v27 =	vld.idx.msk [tilespmem:v34+s4+$0x0], $0xffff;
	v34 =	vor.u32 v13, v16  }
0xdc: {  	s17 =	sor.u32 s7, s0;
	v24 =	vor.u32 v13, v17;
	[tilespmem:s25+$0x180] =	vst v33;
	v32 =	vld.idx.msk [tilespmem:v32+s4+$0x0], $0xffff;
	v33 =	vor.u32 v13, v21  }
0xdd: {  	v35 =	vld.idx.msk [tilespmem:v35+s4+$0x0], $0xffff;
	[tilespmem:s21+$0x180] =	vst v23;
	v23 =	vor.u32 v14, v18  }
0xde: {  	[tilespmem:s23+$0x180] =	vst v30;
	v30 =	vor.u32 v4, v20;
	v28 =	vld.idx.msk [tilespmem:v28+s4+$0x0], $0xffff  }
0xdf: {  	s28 =	sadd.s32 $0x7080, s12;
	v36 =	vor.u32 v5, v26;
	s0 =	sor.u32 s9, s0;
	v22 =	vld.idx.msk [tilespmem:v22+s4+$0x0], $0xffff;
	[tilespmem:s17+$0x0] =	vst v31  }
0xe0: {  	s24 =	sor.u32 s5, s28;
	v31 =	vor.u32 v5, v25;
	s17 =	sor.u32 s13, s28;
	v37 =	vld.idx.msk [tilespmem:v34+s4+$0x0], $0xffff;
	[tilespmem:s0+$0x0] =	vst v29  }
0xe1: {  	v29 =	vor.u32 v5, v19;
	[tilespmem:s17+$0x0] =	vst v27;
	v27 =	vld.idx.msk [tilespmem:v33+s4+$0x0], $0xffff  }
0xe2: {  	v39 =	vor.u32 v14, v16;
	[tilespmem:s26+$0x180] =	vst v32;
	v38 =	vld.idx.msk [tilespmem:v23+s4+$0x0], $0xffff  }
0xe3: {  	s17 =	sor.u32 s7, s28;
	v23 =	vor.u32 v14, v17;
	[tilespmem:s25+$0x200] =	vst v35;
	v40 =	vld.idx.msk [tilespmem:v30+s4+$0x0], $0xffff;
	v30 =	vor.u32 v14, v21  }
0xe4: {  	v41 =	vor.u32 v15, v18;
	v18 =	vmov v26;
	v36 =	vld.idx.msk [tilespmem:v36+s4+$0x0], $0xffff;
	[tilespmem:s21+$0x200] =	vst v28  }
0xe5: {  	[tilespmem:s23+$0x200] =	vst v22;
	v22 =	vor.u32 v5, v20;
	v31 =	vld.idx.msk [tilespmem:v31+s4+$0x0], $0xffff  }
.Ltmp2:
0xe6: {  	v34 =	vor.u32 v6, v18;
	s0 =	sadd.s32 $0x7100, s12;
	v32 =	vld.idx.msk [tilespmem:v29+s4+$0x0], $0xffff;
	[tilespmem:s17+$0x0] =	vst v37;
	s17 =	sor.u32 s9, s28;
	(pc) =	sbr.rel @p1 .LBB2_2-.Ltmp2, $4  }
0xe7: {  	v33 =	vor.u32 v6, v25;
	s28 =	sor.u32 s13, s0;
	v29 =	vld.idx.msk [tilespmem:v39+s4+$0x0], $0xffff;
	[tilespmem:s17+$0x0] =	vst v27;
	s17 =	sor.u32 s5, s0  }
0xe8: {  	v35 =	vor.u32 v6, v19;
	[tilespmem:s28+$0x0] =	vst v38;
	v28 =	vld.idx.msk [tilespmem:v30+s4+$0x0], $0xffff;
	v30 =	vor.u32 v12, v17  }
0xe9: {  	[tilespmem:s26+$0x200] =	vst v40;
	v26 =	vld.idx.msk [tilespmem:v41+s4+$0x0], $0xffff  }
0xea: {  	v27 =	vor.u32 v15, v21;
	s28 =	sor.u32 s7, s0;
	[tilespmem:s25+$0x280] =	vst v36;
	v36 =	vld.idx.msk [tilespmem:v22+s4+$0x0], $0xffff;
	v22 =	vor.u32 v15, v17;
	v17 =	vmov v25  }
0xeb: {  	_ =	sdelay $0x1  }
0xec: {  	v21 =	vor.u32 v6, v20  }
0xed: {  	[tilespmem:s23+$0x280] =	vst v32  }
0xee: {  	[tilespmem:s21+$0x280] =	vst v31;
	v31 =	vld.idx.msk [tilespmem:v35+s4+$0x0], $0xffff  }
0xef: {  	v47 =	vor.u32 v7, v19;
	v33 =	vld.idx.msk [tilespmem:v33+s4+$0x0], $0xffff  }
0xf0: {  	v25 =	vld.idx.msk [tilespmem:v34+s4+$0x0], $0xffff;
	v48 =	vor.u32 v7, v17;
	[tilespmem:s26+$0x280] =	vst v36  }
0xf1: {  	v45 =	vor.u32 v7, v18;
	v21 =	vld.idx.msk [tilespmem:v21+s4+$0x0], $0xffff  }
0xf2: {  	v46 =	vor.u32 v7, v20  }
0xf3: {  	[tilespmem:s23+$0x300] =	vst v31  }
0xf4: {  	[tilespmem:s21+$0x300] =	vst v33;
	v49 =	vld.idx.msk [tilespmem:v47+s4+$0x0], $0xffff  }
0xf5: {  	v51 =	vor.u32 v8, v19;
	[tilespmem:s25+$0x300] =	vst v25;
	v52 =	vld.idx.msk [tilespmem:v48+s4+$0x0], $0xffff  }
0xf6: {  	v53 =	vor.u32 v8, v17;
	v25 =	vld.idx.msk [tilespmem:v45+s4+$0x0], $0xffff;
	[tilespmem:s26+$0x300] =	vst v21  }
0xf7: {  	v21 =	vor.u32 v8, v18;
	v31 =	vld.idx.msk [tilespmem:v46+s4+$0x0], $0xffff  }
0xf8: {  	v50 =	vor.u32 v8, v20  }
0xf9: {  	[tilespmem:s23+$0x380] =	vst v49  }
0xfa: {  	[tilespmem:s21+$0x380] =	vst v52;
	v32 =	vld.idx.msk [tilespmem:v51+s4+$0x0], $0xffff  }
0xfb: {  	v56 =	vor.u32 v9, v19;
	[tilespmem:s25+$0x380] =	vst v25;
	v55 =	vld.idx.msk [tilespmem:v53+s4+$0x0], $0xffff  }
0xfc: {  	v57 =	vor.u32 v9, v17;
	v21 =	vld.idx.msk [tilespmem:v21+s4+$0x0], $0xffff;
	[tilespmem:s26+$0x380] =	vst v31  }
0xfd: {  	s6 =	sadd.s32 $0x6E00, s15;
	v25 =	vor.u32 v9, v18;
	v31 =	vld.idx.msk [tilespmem:v50+s4+$0x0], $0xffff  }
0xfe: {  	v54 =	vor.u32 v9, v20;
	s19 =	sor.u32 s11, s6  }
0xff: {  	s18 =	sor.u32 s14, s6;
	s30 =	sor.u32 s3, s6;
	s6 =	sor.u32 s10, s6;
	[tilespmem:s19+$0x0] =	vst v32  }
0x100: {  	[tilespmem:s6+$0x0] =	vst v55;
	v32 =	vld.idx.msk [tilespmem:v56+s4+$0x0], $0xffff  }
0x101: {  	v59 =	vor.u32 v10, v19;
	v34 =	vld.idx.msk [tilespmem:v57+s4+$0x0], $0xffff;
	[tilespmem:s18+$0x0] =	vst v21  }
0x102: {  	v60 =	vor.u32 v10, v17;
	v21 =	vld.idx.msk [tilespmem:v25+s4+$0x0], $0xffff;
	[tilespmem:s30+$0x0] =	vst v31  }
0x103: {  	v25 =	vor.u32 v10, v18;
	v31 =	vld.idx.msk [tilespmem:v54+s4+$0x0], $0xffff  }
0x104: {  	v58 =	vor.u32 v10, v20  }
0x105: {  	[tilespmem:s8+$0x0] =	vst v32  }
0x106: {  	[tilespmem:s22+$0x0] =	vst v34;
	v32 =	vld.idx.msk [tilespmem:v59+s4+$0x0], $0xffff  }
0x107: {  	v62 =	vor.u32 v11, v19;
	v34 =	vld.idx.msk [tilespmem:v60+s4+$0x0], $0xffff;
	[tilespmem:s1+$0x0] =	vst v21  }
0x108: {  	v63 =	vor.u32 v11, v17;
	v21 =	vld.idx.msk [tilespmem:v25+s4+$0x0], $0xffff;
	[tilespmem:s16+$0x0] =	vst v31  }
0x109: {  	s19 =	sadd.s32 $0x6F00, s15;
	v25 =	vor.u32 v11, v18;
	v31 =	vld.idx.msk [tilespmem:v58+s4+$0x0], $0xffff  }
0x10a: {  	v61 =	vor.u32 v11, v20;
	v30 =	vld.idx.msk [tilespmem:v30+s4+$0x0], $0xffff;
	[tilespmem:s28+$0x0] =	vst v29;
	s22 =	sor.u32 s11, s19  }
0x10b: {  	s1 =	sor.u32 s10, s19;
	[tilespmem:s22+$0x0] =	vst v32  }
0x10c: {  	s20 =	sor.u32 s14, s19;
	[tilespmem:s1+$0x0] =	vst v34;
	v32 =	vld.idx.msk [tilespmem:v62+s4+$0x0], $0xffff  }
0x10d: {  	v41 =	vor.u32 v12, v19;
	s21 =	sor.u32 s3, s19;
	v34 =	vld.idx.msk [tilespmem:v63+s4+$0x0], $0xffff;
	[tilespmem:s20+$0x0] =	vst v21  }
0x10e: {  	v29 =	vor.u32 v12, v17;
	v21 =	vld.idx.msk [tilespmem:v25+s4+$0x0], $0xffff;
	[tilespmem:s21+$0x0] =	vst v31  }
0x10f: {  	s0 =	sor.u32 s9, s0;
	[tilespmem:s2+$0x0] =	vst v30;
	s23 =	sadd.s32 $0x6F80, s15;
	v25 =	vor.u32 v12, v18;
	v31 =	vld.idx.msk [tilespmem:v61+s4+$0x0], $0xffff  }
0x110: {  	v40 =	vor.u32 v12, v20;
	[tilespmem:s0+$0x0] =	vst v28;
	v24 =	vld.idx.msk [tilespmem:v24+s4+$0x0], $0xffff;
	s29 =	sor.u32 s11, s23  }
0x111: {  	s1 =	sor.u32 s10, s23;
	[tilespmem:s29+$0x0] =	vst v32  }
0x112: {  	s25 =	sor.u32 s14, s23;
	[tilespmem:s1+$0x0] =	vst v34;
	v32 =	vld.idx.msk [tilespmem:v41+s4+$0x0], $0xffff  }
0x113: {  	v28 =	vor.u32 v13, v19;
	s26 =	sor.u32 s3, s23;
	v29 =	vld.idx.msk [tilespmem:v29+s4+$0x0], $0xffff;
	[tilespmem:s25+$0x0] =	vst v21  }
0x114: {  	v30 =	vor.u32 v13, v17;
	s18 =	sadd.s32 $0x7180, s12;
	v21 =	vld.idx.msk [tilespmem:v25+s4+$0x0], $0xffff;
	[tilespmem:s26+$0x0] =	vst v31  }
0x115: {  	[tilespmem:s24+$0x0] =	vst v24;
	s30 =	sadd.s32 $0x7000, s15;
	s19 =	sor.u32 s13, s18;
	v25 =	vor.u32 v13, v18;
	v31 =	vld.idx.msk [tilespmem:v40+s4+$0x0], $0xffff  }
0x116: {  	v42 =	vor.u32 v13, v20;
	[tilespmem:s19+$0x0] =	vst v26;
	s16 =	sor.u32 s11, s30  }
0x117: {  	s0 =	sor.u32 s10, s30;
	[tilespmem:s16+$0x0] =	vst v32  }
0x118: {  	v16 =	vor.u32 v15, v16;
	s6 =	sor.u32 s14, s30;
	[tilespmem:s0+$0x0] =	vst v29;
	v28 =	vld.idx.msk [tilespmem:v28+s4+$0x0], $0xffff  }
0x119: {  	s8 =	sor.u32 s3, s30;
	v26 =	vor.u32 v14, v19;
	v29 =	vld.idx.msk [tilespmem:v30+s4+$0x0], $0xffff;
	[tilespmem:s6+$0x0] =	vst v21  }
0x11a: {  	v24 =	vor.u32 v14, v17;
	v21 =	vld.idx.msk [tilespmem:v25+s4+$0x0], $0xffff;
	[tilespmem:s8+$0x0] =	vst v31  }
0x11b: {  	s20 =	sadd.s32 $0x7080, s15;
	v25 =	vor.u32 v14, v18;
	v31 =	vld.idx.msk [tilespmem:v42+s4+$0x0], $0xffff  }
0x11c: {  	v43 =	vor.u32 v14, v20;
	v23 =	vld.idx.msk [tilespmem:v23+s4+$0x0], $0xffff;
	s23 =	sor.u32 s11, s20  }
0x11d: {  	v16 =	vld.idx.msk [tilespmem:v16+s4+$0x0], $0xffff;
	s0 =	sor.u32 s10, s20;
	[tilespmem:s23+$0x0] =	vst v28  }
0x11e: {  	s21 =	sor.u32 s14, s20;
	[tilespmem:s0+$0x0] =	vst v29;
	v26 =	vld.idx.msk [tilespmem:v26+s4+$0x0], $0xffff  }
0x11f: {  	v19 =	vor.u32 v15, v19;
	s22 =	sor.u32 s3, s20;
	v24 =	vld.idx.msk [tilespmem:v24+s4+$0x0], $0xffff;
	[tilespmem:s21+$0x0] =	vst v21  }
0x120: {  	v17 =	vor.u32 v15, v17;
	v21 =	vld.idx.msk [tilespmem:v25+s4+$0x0], $0xffff;
	[tilespmem:s22+$0x0] =	vst v31  }
0x121: {  	[tilespmem:s17+$0x0] =	vst v23;
	s25 =	sadd.s32 $0x7100, s15;
	s6 =	sor.u32 s7, s18;
	v18 =	vor.u32 v15, v18;
	v25 =	vld.idx.msk [tilespmem:v43+s4+$0x0], $0xffff  }
0x122: {  	v20 =	vor.u32 v15, v20;
	v27 =	vld.idx.msk [tilespmem:v27+s4+$0x0], $0xffff;
	s30 =	sor.u32 s11, s25;
	[tilespmem:s6+$0x0] =	vst v16  }
0x123: {  	v22 =	vld.idx.msk [tilespmem:v22+s4+$0x0], $0xffff;
	s0 =	sor.u32 s10, s25;
	[tilespmem:s30+$0x0] =	vst v26  }
0x124: {  	s26 =	sor.u32 s14, s25;
	[tilespmem:s0+$0x0] =	vst v24;
	v19 =	vld.idx.msk [tilespmem:v19+s4+$0x0], $0xffff  }
0x125: {  	s29 =	sor.u32 s3, s25;
	v16 =	vld.idx.msk [tilespmem:v17+s4+$0x0], $0xffff;
	[tilespmem:s26+$0x0] =	vst v21  }
0x126: {  	s24 =	sor.u32 s9, s18;
	v18 =	vld.idx.msk [tilespmem:v18+s4+$0x0], $0xffff;
	[tilespmem:s29+$0x0] =	vst v25  }
0x127: {  	[tilespmem:s24+$0x0] =	vst v27;
	s7 =	sor.u32 s5, s18;
	s8 =	sadd.s32 $0x7180, s15;
	v20 =	vld.idx.msk [tilespmem:v20+s4+$0x0], $0xffff  }
0x128: {  	[tilespmem:s7+$0x0] =	vst v22;
	s13 =	sor.u32 s11, s8  }
0x129: {  	s9 =	sor.u32 s14, s8;
	s14 =	sor.u32 s10, s8;
	[tilespmem:s13+$0x0] =	vst v19  }
0x12a: {  	[tilespmem:s14+$0x0] =	vst v16  }
0x12b: {  	s12 =	sor.u32 s3, s8;
	[tilespmem:s9+$0x0] =	vst v18  }
0x12c: {  	[tilespmem:s12+$0x0] =	vst v20  }
0x12d: {  	s17 =	simm.s32 $0x1E00;
	s15 =	simm.s32 $0x0;
	s16 =	rddreg [dreg:$0x9]  }
0x12e: {  	[hbm4b:s16+s15] =	stream.linear.scatter [tilespmem:s17], [sflag:$0x3], $0x5000, $0x38;
	[tilespmem:$0x15E00] =	vst v63  }
0x12f: {  	s19 =	simm.s32 $0x6E00;
	s18 =	rddreg [dreg:$0xb]  }
0x130: {  	[hbm4b:s18+s15] =	stream.linear.scatter [tilespmem:s19], [sflag:$0x3], $0x5000, $0x38;
	[tilespmem:$0x15E00] =	vst v63  }
0x131: {  	s21 =	simm.s32 $0xA00;
	s22 =	simm.s32 $0x2;
	s20 =	rddreg [dreg:$0xc]  }
0x132: {  	[tilespmem:s21], [sflag:$0x1] =	stream.linear.gather [hbm4b:s20+s15], $0xA00, $0x38;
	[tilespmem:$0x15E00] =	vst v63  }
0x133: {  	_ =	swait.ge [sflag:s22], $0xA00  }
0x134: {  	[sflag:s22] =	ssyncset.done $0x0  }
0x135: {  	s23 =	simm.s32 $0x1420;
	[sflag:s22] =	ssyncadd.s32 $0xFFFFF600  }
0x136: {  	v16 =	vld [tilespmem:s23+$0xFFFFFFE0];
	_ =	sdelay $0x1  }
0x137: {  	v17 =	vld [tilespmem:s23+$0x10];
	_ =	sdelay $0x1  }
0x138: {  	v18 =	vld [tilespmem:s23+$0xFFFFFFF0]  }
0x139: {  	v19 =	vld [tilespmem:s23+$0x0];
	v23 =	vshll.u32 v16, $0x8  }
0x13a: {  	v20 =	vor.u32 v0, v23  }
0x13b: {  	v21 =	vshll.u32 v17, $0x8  }
0x13c: {  	v17 =	vor.u32 v0, v21  }
0x13d: {  	v16 =	vshll.u32 v18, $0x8  }
0x13e: {  	v22 =	vshll.u32 v19, $0x8;
	v18 =	vor.u32 v0, v16  }
0x13f: {  	v19 =	vor.u32 v0, v22;
	v20 =	vld.idx.msk [tilespmem:v20+s4+$0x0], $0xffff  }
0x140: {  	v24 =	vor.u32 v1, v23  }
0x141: {  	s24 =	simm.s32 $0x0;
	s12 =	sand.u32 $0x7C00, s15;
	v17 =	vld.idx.msk [tilespmem:v17+s4+$0x0], $0xffff  }
0x142: {  	s13 =	sand.u32 $0x40, s24;
	s25 =	sadd.s32 $0xBE00, s12;
	v25 =	vor.u32 v1, v21  }
0x143: {  	s26 =	simm.s32 $0x30;
	s1 =	sor.u32 s13, s25;
	v18 =	vld.idx.msk [tilespmem:v18+s4+$0x0], $0xffff  }
0x144: {  	s5 =	sand.u32 $0x70, s26;
	v19 =	vld.idx.msk [tilespmem:v19+s4+$0x0], $0xffff;
	[tilespmem:s1+$0x0] =	vst v20;
	v20 =	vor.u32 v1, v16  }
0x145: {  	s29 =	simm.s32 $0x10;
	s0 =	sor.u32 s5, s25;
	v26 =	vor.u32 v1, v22;
	v24 =	vld.idx.msk [tilespmem:v24+s4+$0x0], $0xffff  }
0x146: {  	s30 =	simm.s32 $0x20;
	s7 =	sand.u32 $0x50, s29;
	[tilespmem:s0+$0x0] =	vst v17;
	v17 =	vor.u32 v2, v23  }
0x147: {  	s9 =	sand.u32 $0x60, s30;
	s3 =	sor.u32 s7, s25;
	v25 =	vld.idx.msk [tilespmem:v25+s4+$0x0], $0xffff  }
0x148: {  	s2 =	sor.u32 s9, s25;
	[tilespmem:s3+$0x0] =	vst v18;
	v18 =	vor.u32 v2, v21  }
0x149: {  	[tilespmem:s2+$0x0] =	vst v19;
	v20 =	vld.idx.msk [tilespmem:v20+s4+$0x0], $0xffff  }
0x14a: {  	v19 =	vor.u32 v2, v16;
	[tilespmem:s1+$0x80] =	vst v24;
	v24 =	vld.idx.msk [tilespmem:v26+s4+$0x0], $0xffff  }
0x14b: {  	v26 =	vor.u32 v2, v22;
	v17 =	vld.idx.msk [tilespmem:v17+s4+$0x0], $0xffff  }
0x14c: {  	[tilespmem:s0+$0x80] =	vst v25;
	v25 =	vor.u32 v3, v23  }
0x14d: {  	v18 =	vld.idx.msk [tilespmem:v18+s4+$0x0], $0xffff  }
0x14e: {  	[tilespmem:s3+$0x80] =	vst v20;
	v20 =	vor.u32 v3, v21  }
0x14f: {  	v19 =	vld.idx.msk [tilespmem:v19+s4+$0x0], $0xffff;
	[tilespmem:s2+$0x80] =	vst v24  }
0x150: {  	v24 =	vor.u32 v3, v16;
	[tilespmem:s1+$0x100] =	vst v17;
	v17 =	vld.idx.msk [tilespmem:v26+s4+$0x0], $0xffff  }
0x151: {  	v26 =	vor.u32 v3, v22;
	v25 =	vld.idx.msk [tilespmem:v25+s4+$0x0], $0xffff  }
0x152: {  	[tilespmem:s0+$0x100] =	vst v18;
	v18 =	vor.u32 v4, v23  }
0x153: {  	v20 =	vld.idx.msk [tilespmem:v20+s4+$0x0], $0xffff  }
0x154: {  	[tilespmem:s3+$0x100] =	vst v19;
	v19 =	vor.u32 v4, v21  }
0x155: {  	v24 =	vld.idx.msk [tilespmem:v24+s4+$0x0], $0xffff;
	[tilespmem:s2+$0x100] =	vst v17  }
0x156: {  	v17 =	vor.u32 v4, v16;
	[tilespmem:s1+$0x180] =	vst v25;
	v25 =	vld.idx.msk [tilespmem:v26+s4+$0x0], $0xffff  }
0x157: {  	v26 =	vor.u32 v4, v22;
	v18 =	vld.idx.msk [tilespmem:v18+s4+$0x0], $0xffff  }
0x158: {  	[tilespmem:s0+$0x180] =	vst v20;
	v20 =	vor.u32 v5, v23  }
0x159: {  	v19 =	vld.idx.msk [tilespmem:v19+s4+$0x0], $0xffff  }
0x15a: {  	[tilespmem:s3+$0x180] =	vst v24;
	v24 =	vor.u32 v5, v21  }
0x15b: {  	v17 =	vld.idx.msk [tilespmem:v17+s4+$0x0], $0xffff;
	[tilespmem:s2+$0x180] =	vst v25  }
0x15c: {  	v25 =	vor.u32 v5, v16;
	[tilespmem:s1+$0x200] =	vst v18;
	v18 =	vld.idx.msk [tilespmem:v26+s4+$0x0], $0xffff  }
0x15d: {  	v26 =	vor.u32 v5, v22;
	v20 =	vld.idx.msk [tilespmem:v20+s4+$0x0], $0xffff  }
0x15e: {  	[tilespmem:s0+$0x200] =	vst v19;
	v19 =	vor.u32 v6, v23  }
0x15f: {  	v24 =	vld.idx.msk [tilespmem:v24+s4+$0x0], $0xffff  }
0x160: {  	[tilespmem:s3+$0x200] =	vst v17;
	v17 =	vor.u32 v6, v21  }
0x161: {  	v25 =	vld.idx.msk [tilespmem:v25+s4+$0x0], $0xffff;
	[tilespmem:s2+$0x200] =	vst v18  }
0x162: {  	v18 =	vor.u32 v6, v16;
	[tilespmem:s1+$0x280] =	vst v20;
	v20 =	vld.idx.msk [tilespmem:v26+s4+$0x0], $0xffff  }
0x163: {  	v26 =	vor.u32 v6, v22;
	v19 =	vld.idx.msk [tilespmem:v19+s4+$0x0], $0xffff  }
0x164: {  	[tilespmem:s0+$0x280] =	vst v24;
	v24 =	vor.u32 v7, v23  }
0x165: {  	v17 =	vld.idx.msk [tilespmem:v17+s4+$0x0], $0xffff  }
0x166: {  	[tilespmem:s3+$0x280] =	vst v25  }
0x167: {  	v25 =	vor.u32 v7, v21;
	v18 =	vld.idx.msk [tilespmem:v18+s4+$0x0], $0xffff;
	[tilespmem:s2+$0x280] =	vst v20  }
0x168: {  	v20 =	vor.u32 v7, v16;
	[tilespmem:s1+$0x300] =	vst v19;
	v19 =	vld.idx.msk [tilespmem:v26+s4+$0x0], $0xffff  }
0x169: {  	s18 =	simm.s32 $0x1460;
	v26 =	vor.u32 v7, v22;
	v24 =	vld.idx.msk [tilespmem:v24+s4+$0x0], $0xffff  }
0x16a: {  	[tilespmem:s0+$0x300] =	vst v17;
	v17 =	vld [tilespmem:s18+$0xFFFFFFE0]  }
0x16b: {  	v28 =	vld [tilespmem:s18+$0x10];
	v27 =	vor.u32 v8, v23  }
0x16c: {  	v25 =	vld.idx.msk [tilespmem:v25+s4+$0x0], $0xffff;
	[tilespmem:s3+$0x300] =	vst v18  }
0x16d: {  	v20 =	vld.idx.msk [tilespmem:v20+s4+$0x0], $0xffff;
	[tilespmem:s2+$0x300] =	vst v19;
	v19 =	vor.u32 v8, v21  }
0x16e: {  	v29 =	vor.u32 v8, v16;
	v26 =	vld.idx.msk [tilespmem:v26+s4+$0x0], $0xffff  }
0x16f: {  	v30 =	vld [tilespmem:s18+$0xFFFFFFF0];
	[tilespmem:s1+$0x380] =	vst v24;
	v24 =	vor.u32 v8, v22;
	v18 =	vshll.u32 v17, $0x8  }
0x170: {  	v27 =	vld.idx.msk [tilespmem:v27+s4+$0x0], $0xffff;
	v31 =	vor.u32 v0, v18  }
0x171: {  	v44 =	vld [tilespmem:s18+$0x0];
	v17 =	vshll.u32 v28, $0x8;
	v28 =	vor.u32 v9, v23;
	[tilespmem:s0+$0x380] =	vst v25  }
0x172: {  	v25 =	vor.u32 v0, v17;
	[tilespmem:s3+$0x380] =	vst v20;
	v45 =	vld.idx.msk [tilespmem:v19+s4+$0x0], $0xffff  }
0x173: {  	s6 =	sadd.s32 $0x10E00, s12;
	v29 =	vld.idx.msk [tilespmem:v29+s4+$0x0], $0xffff;
	[tilespmem:s2+$0x380] =	vst v26;
	v26 =	vor.u32 v9, v21  }
0x174: {  	s8 =	sor.u32 s13, s6;
	v46 =	vor.u32 v9, v16;
	v24 =	vld.idx.msk [tilespmem:v24+s4+$0x0], $0xffff  }
0x175: {  	v19 =	vshll.u32 v30, $0x8;
	[tilespmem:s8+$0x0] =	vst v27;
	v27 =	vor.u32 v9, v22;
	v30 =	vld.idx.msk [tilespmem:v31+s4+$0x0], $0xffff  }
0x176: {  	s10 =	sor.u32 s5, s6;
	v20 =	vshll.u32 v44, $0x8;
	v31 =	vor.u32 v0, v19;
	v28 =	vld.idx.msk [tilespmem:v28+s4+$0x0], $0xffff  }
0x177: {  	s11 =	sor.u32 s7, s6;
	s19 =	simm.s32 $0x200;
	v32 =	vor.u32 v0, v20;
	v25 =	vld.idx.msk [tilespmem:v25+s4+$0x0], $0xffff;
	[tilespmem:s10+$0x0] =	vst v45  }
0x178: {  	s14 =	simm.s32 $0x40;
	s15 =	sand.u32 $0x7C00, s19;
	v47 =	vor.u32 v10, v23;
	s0 =	sor.u32 s9, s6;
	[tilespmem:s11+$0x0] =	vst v29;
	v26 =	vld.idx.msk [tilespmem:v26+s4+$0x0], $0xffff  }
0x179: {  	s14 =	sand.u32 $0x40, s14;
	s16 =	sadd.s32 $0xBE00, s15;
	v29 =	vor.u32 v1, v18;
	v34 =	vld.idx.msk [tilespmem:v46+s4+$0x0], $0xffff;
	[tilespmem:s0+$0x0] =	vst v24  }
0x17a: {  	s17 =	sadd.s32 $0x10E80, s12;
	s20 =	simm.s32 $0x70;
	s25 =	sor.u32 s14, s16;
	v27 =	vld.idx.msk [tilespmem:v27+s4+$0x0], $0xffff  }
0x17b: {  	s22 =	sor.u32 s13, s17;
	s10 =	sand.u32 $0x70, s20;
	v24 =	vor.u32 v1, v17;
	[tilespmem:s25+$0x0] =	vst v30;
	v30 =	vld.idx.msk [tilespmem:v31+s4+$0x0], $0xffff  }
0x17c: {  	s21 =	sor.u32 s10, s16;
	v31 =	vor.u32 v10, v21;
	[tilespmem:s22+$0x0] =	vst v28;
	v28 =	vld.idx.msk [tilespmem:v32+s4+$0x0], $0xffff  }
0x17d: {  	s23 =	sor.u32 s5, s17;
	v48 =	vor.u32 v10, v22;
	[tilespmem:s21+$0x0] =	vst v25;
	v33 =	vld.idx.msk [tilespmem:v47+s4+$0x0], $0xffff  }
0x17e: {  	s26 =	simm.s32 $0x50;
	s24 =	sor.u32 s7, s17;
	v25 =	vld.idx.msk [tilespmem:v29+s4+$0x0], $0xffff;
	v29 =	vor.u32 v1, v19;
	[tilespmem:s23+$0x0] =	vst v26  }
0x17f: {  	s29 =	simm.s32 $0x60;
	v49 =	vor.u32 v10, v16;
	s3 =	sand.u32 $0x50, s26;
	s0 =	sor.u32 s9, s17;
	[tilespmem:s24+$0x0] =	vst v34  }
0x180: {  	s26 =	sor.u32 s3, s16;
	s11 =	sand.u32 $0x60, s29;
	v26 =	vor.u32 v1, v20;
	v24 =	vld.idx.msk [tilespmem:v24+s4+$0x0], $0xffff;
	[tilespmem:s0+$0x0] =	vst v27  }
0x181: {  	s30 =	sadd.s32 $0x10F00, s12;
	v50 =	vor.u32 v11, v23;
	s23 =	sor.u32 s11, s16;
	v27 =	vld.idx.msk [tilespmem:v31+s4+$0x0], $0xffff;
	[tilespmem:s26+$0x0] =	vst v30  }
0x182: {  	s6 =	sor.u32 s13, s30;
	v31 =	vor.u32 v2, v18;
	[tilespmem:s23+$0x0] =	vst v28;
	v30 =	vld.idx.msk [tilespmem:v48+s4+$0x0], $0xffff  }
0x183: {  	v28 =	vor.u32 v2, v17;
	[tilespmem:s6+$0x0] =	vst v33;
	v29 =	vld.idx.msk [tilespmem:v29+s4+$0x0], $0xffff  }
0x184: {  	v51 =	vor.u32 v11, v22;
	[tilespmem:s25+$0x80] =	vst v25;
	v25 =	vld.idx.msk [tilespmem:v49+s4+$0x0], $0xffff  }
0x185: {  	v52 =	vor.u32 v2, v19;
	s8 =	sor.u32 s5, s30;
	v26 =	vld.idx.msk [tilespmem:v26+s4+$0x0], $0xffff;
	[tilespmem:s21+$0x80] =	vst v24  }
0x186: {  	v53 =	vor.u32 v11, v16;
	s16 =	sor.u32 s9, s30;
	v24 =	vld.idx.msk [tilespmem:v50+s4+$0x0], $0xffff;
	[tilespmem:s8+$0x0] =	vst v27  }
0x187: {  	v54 =	vor.u32 v11, v21;
	v31 =	vld.idx.msk [tilespmem:v31+s4+$0x0], $0xffff;
	[tilespmem:s16+$0x0] =	vst v30  }
0x188: {  	s0 =	sor.u32 s7, s30;
	v27 =	vld.idx.msk [tilespmem:v28+s4+$0x0], $0xffff;
	v28 =	vor.u32 v12, v23;
	[tilespmem:s26+$0x80] =	vst v29  }
0x189: {  	v55 =	vor.u32 v3, v18;
	s17 =	sadd.s32 $0x10F80, s12;
	v30 =	vld.idx.msk [tilespmem:v51+s4+$0x0], $0xffff;
	[tilespmem:s0+$0x0] =	vst v25  }
0x18a: {  	s22 =	sor.u32 s13, s17;
	v29 =	vor.u32 v2, v20;
	[tilespmem:s23+$0x80] =	vst v26;
	v35 =	vld.idx.msk [tilespmem:v52+s4+$0x0], $0xffff  }
0x18b: {  	v25 =	vor.u32 v3, v17;
	v26 =	vld.idx.msk [tilespmem:v53+s4+$0x0], $0xffff;
	[tilespmem:s22+$0x0] =	vst v24  }
0x18c: {  	v56 =	vor.u32 v3, v19;
	v24 =	vld.idx.msk [tilespmem:v54+s4+$0x0], $0xffff;
	[tilespmem:s25+$0x100] =	vst v31  }
0x18d: {  	s24 =	sor.u32 s9, s17;
	v28 =	vld.idx.msk [tilespmem:v28+s4+$0x0], $0xffff;
	v31 =	vor.u32 v12, v16;
	[tilespmem:s21+$0x100] =	vst v27  }
0x18e: {  	v27 =	vor.u32 v12, v22;
	v32 =	vld.idx.msk [tilespmem:v55+s4+$0x0], $0xffff;
	[tilespmem:s24+$0x0] =	vst v30  }
0x18f: {  	v57 =	vor.u32 v13, v23;
	s29 =	sor.u32 s7, s17;
	v29 =	vld.idx.msk [tilespmem:v29+s4+$0x0], $0xffff;
	[tilespmem:s26+$0x100] =	vst v35  }
0x190: {  	v58 =	vor.u32 v4, v18;
	s2 =	sadd.s32 $0x11000, s12;
	s1 =	sor.u32 s5, s17;
	v25 =	vld.idx.msk [tilespmem:v25+s4+$0x0], $0xffff;
	[tilespmem:s29+$0x0] =	vst v26  }
0x191: {  	s30 =	sor.u32 s13, s2;
	v30 =	vor.u32 v3, v20;
	[tilespmem:s1+$0x0] =	vst v24;
	v33 =	vld.idx.msk [tilespmem:v56+s4+$0x0], $0xffff  }
0x192: {  	v26 =	vor.u32 v4, v17;
	v31 =	vld.idx.msk [tilespmem:v31+s4+$0x0], $0xffff;
	[tilespmem:s30+$0x0] =	vst v28  }
0x193: {  	v24 =	vor.u32 v4, v19;
	v27 =	vld.idx.msk [tilespmem:v27+s4+$0x0], $0xffff;
	[tilespmem:s25+$0x180] =	vst v32  }
0x194: {  	v59 =	vor.u32 v13, v22;
	v28 =	vld.idx.msk [tilespmem:v57+s4+$0x0], $0xffff;
	[tilespmem:s23+$0x100] =	vst v29  }
0x195: {  	v60 =	vld.idx.msk [tilespmem:v58+s4+$0x0], $0xffff;
	v29 =	vor.u32 v13, v16;
	[tilespmem:s21+$0x180] =	vst v25  }
0x196: {  	s6 =	sor.u32 s7, s2;
	v25 =	vor.u32 v14, v23;
	v30 =	vld.idx.msk [tilespmem:v30+s4+$0x0], $0xffff;
	[tilespmem:s26+$0x180] =	vst v33  }
0x197: {  	v62 =	vor.u32 v5, v18;
	s17 =	sadd.s32 $0x11080, s12;
	s8 =	sor.u32 s9, s2;
	v26 =	vld.idx.msk [tilespmem:v26+s4+$0x0], $0xffff;
	[tilespmem:s6+$0x0] =	vst v31  }
0x198: {  	v61 =	vor.u32 v4, v20;
	s16 =	sor.u32 s13, s17;
	[tilespmem:s8+$0x0] =	vst v27;
	v24 =	vld.idx.msk [tilespmem:v24+s4+$0x0], $0xffff  }
0x199: {  	v31 =	vor.u32 v5, v17;
	[tilespmem:s16+$0x0] =	vst v28;
	v28 =	vld.idx.msk [tilespmem:v59+s4+$0x0], $0xffff  }
0x19a: {  	v27 =	vor.u32 v5, v19;
	v29 =	vld.idx.msk [tilespmem:v29+s4+$0x0], $0xffff  }
0x19b: {  	v37 =	vor.u32 v14, v22;
	[tilespmem:s25+$0x200] =	vst v60;
	v25 =	vld.idx.msk [tilespmem:v25+s4+$0x0], $0xffff  }
0x19c: {  	v38 =	vld.idx.msk [tilespmem:v62+s4+$0x0], $0xffff;
	[tilespmem:s23+$0x180] =	vst v30;
	v30 =	vor.u32 v14, v16  }
0x19d: {  	[tilespmem:s21+$0x200] =	vst v26;
	v26 =	vor.u32 v15, v23;
	v63 =	vld.idx.msk [tilespmem:v61+s4+$0x0], $0xffff  }
0x19e: {  	v39 =	vor.u32 v5, v20;
	s24 =	sor.u32 s9, s17;
	v31 =	vld.idx.msk [tilespmem:v31+s4+$0x0], $0xffff;
	[tilespmem:s26+$0x200] =	vst v24  }
0x19f: {  	v34 =	vor.u32 v6, v18;
	s0 =	sadd.s32 $0x11100, s12;
	s22 =	sor.u32 s7, s17;
	[tilespmem:s24+$0x0] =	vst v28;
	v32 =	vld.idx.msk [tilespmem:v27+s4+$0x0], $0xffff  }
0x1a0: {  	s29 =	sadd.s32 $0x10E80, s15;
	s30 =	sor.u32 s13, s0;
	v33 =	vor.u32 v6, v17;
	v28 =	vld.idx.msk [tilespmem:v37+s4+$0x0], $0xffff;
	[tilespmem:s22+$0x0] =	vst v29  }
0x1a1: {  	s2 =	sor.u32 s5, s2;
	s28 =	sor.u32 s7, s0;
	v35 =	vor.u32 v6, v19;
	s1 =	sor.u32 s14, s29;
	v23 =	vor.u32 v14, v21;
	[tilespmem:s30+$0x0] =	vst v25;
	v29 =	vld.idx.msk [tilespmem:v30+s4+$0x0], $0xffff  }
0x1a2: {  	s8 =	sor.u32 s3, s29;
	s6 =	sor.u32 s11, s29;
	s16 =	simm.s32 $0x4;
	v24 =	vor.u32 v13, v21;
	v30 =	vor.u32 v12, v21;
	v26 =	vld.idx.msk [tilespmem:v26+s4+$0x0], $0xffff;
	[tilespmem:s23+$0x200] =	vst v63  }
0x1a3: {  	s24 =	sor.u32 s5, s17;
	s17 =	sor.u32 s5, s0;
	v27 =	vor.u32 v15, v22;
	v22 =	vor.u32 v15, v21;
	s22 =	sor.u32 s10, s29;
	[tilespmem:s25+$0x280] =	vst v38;
	v36 =	vld.idx.msk [tilespmem:v39+s4+$0x0], $0xffff  }
.LBB2_4:
0x1a4: {  	s16 =	sadd.s32 $0x4, s16;
	v25 =	vld.idx.msk [tilespmem:v34+s4+$0x0], $0xffff;
	[tilespmem:s21+$0x280] =	vst v31;
	v21 =	vmov v20  }
0x1a5: {  	p1 =	slt.u32 s16, $0x9C;
	[tilespmem:s26+$0x280] =	vst v32;
	v20 =	vor.u32 v6, v21;
	v31 =	vld.idx.msk [tilespmem:v33+s4+$0x0], $0xffff  }
0x1a6: {  	s29 =	sadd.s32 $0x11180, s12;
	s0 =	sor.u32 s9, s0;
	s12 =	smov.u32 s15;
	v32 =	vor.u32 v7, v18;
	v33 =	vld.idx.msk [tilespmem:v35+s4+$0x0], $0xffff;
	[tilespmem:s28+$0x0] =	vst v29  }
0x1a7: {  	s13 =	sor.u32 s13, s29;
	s28 =	sor.u32 s7, s29;
	[tilespmem:s0+$0x0] =	vst v28;
	v28 =	vld.idx.msk [tilespmem:v30+s4+$0x0], $0xffff;
	s0 =	sor.u32 s5, s29  }
0x1a8: {  	s18 =	sadd.s32 $0x40, s18;
	v29 =	vor.u32 v7, v19;
	s5 =	smov.u32 s10;
	[tilespmem:s13+$0x0] =	vst v26;
	v26 =	vld.idx.msk [tilespmem:v27+s4+$0x0], $0xffff;
	s13 =	smov.u32 s14  }
0x1a9: {  	s7 =	smov.u32 s3;
	v27 =	vld [tilespmem:s18+$0x0];
	[tilespmem:s23+$0x280] =	vst v36  }
0x1aa: {  	[tilespmem:s25+$0x300] =	vst v25;
	v20 =	vld.idx.msk [tilespmem:v20+s4+$0x0], $0xffff;
	v25 =	vor.u32 v7, v17  }
0x1ab: {  	v30 =	vld.idx.msk [tilespmem:v32+s4+$0x0], $0xffff;
	[tilespmem:s21+$0x300] =	vst v31  }
0x1ac: {  	v32 =	vor.u32 v7, v21;
	v31 =	vld [tilespmem:s18+$0xFFFFFFE0];
	[tilespmem:s26+$0x300] =	vst v33  }
0x1ad: {  	s3 =	sor.u32 s9, s29;
	s9 =	smov.u32 s11;
	v29 =	vld.idx.msk [tilespmem:v29+s4+$0x0], $0xffff;
	[tilespmem:s2+$0x0] =	vst v28  }
0x1ae: {  	v28 =	vor.u32 v8, v18;
	[tilespmem:s3+$0x0] =	vst v26;
	v24 =	vld.idx.msk [tilespmem:v24+s4+$0x0], $0xffff  }
0x1af: {  	v33 =	vor.u32 v8, v19;
	v34 =	vld.idx.msk [tilespmem:v25+s4+$0x0], $0xffff  }
0x1b0: {  	v25 =	vld [tilespmem:s18+$0x10];
	[tilespmem:s23+$0x300] =	vst v20  }
0x1b1: {  	v35 =	vor.u32 v8, v17;
	v32 =	vld.idx.msk [tilespmem:v32+s4+$0x0], $0xffff  }
0x1b2: {  	v36 =	vld [tilespmem:s18+$0xFFFFFFF0];
	[tilespmem:s25+$0x380] =	vst v30;
	v30 =	vor.u32 v15, v16;
	v16 =	vmov v19  }
0x1b3: {  	v26 =	vshll.u32 v31, $0x8;
	v28 =	vld.idx.msk [tilespmem:v28+s4+$0x0], $0xffff;
	[tilespmem:s26+$0x380] =	vst v29;
	v29 =	vor.u32 v8, v21  }
0x1b4: {  	v31 =	vor.u32 v0, v26;
	v33 =	vld.idx.msk [tilespmem:v33+s4+$0x0], $0xffff;
	[tilespmem:s24+$0x0] =	vst v24  }
0x1b5: {  	v24 =	vor.u32 v9, v18;
	v25 =	vshll.u32 v25, $0x8;
	[tilespmem:s21+$0x380] =	vst v34;
	v23 =	vld.idx.msk [tilespmem:v23+s4+$0x0], $0xffff  }
0x1b6: {  	v20 =	vshll.u32 v27, $0x8;
	v27 =	vor.u32 v0, v25;
	v34 =	vld.idx.msk [tilespmem:v35+s4+$0x0], $0xffff  }
0x1b7: {  	s2 =	sadd.s32 $0x10E00, s12;
	v35 =	vor.u32 v0, v20;
	v19 =	vshll.u32 v36, $0x8;
	[tilespmem:s23+$0x380] =	vst v32;
	v30 =	vld.idx.msk [tilespmem:v30+s4+$0x0], $0xffff  }
0x1b8: {  	s3 =	sor.u32 s13, s2;
	s10 =	sor.u32 s7, s2;
	v36 =	vor.u32 v9, v17;
	v32 =	vor.u32 v0, v19;
	v29 =	vld.idx.msk [tilespmem:v29+s4+$0x0], $0xffff  }
0x1b9: {  	v31 =	vld.idx.msk [tilespmem:v31+s4+$0x0], $0xffff;
	[tilespmem:s3+$0x0] =	vst v28;
	v28 =	vor.u32 v9, v16  }
0x1ba: {  	v24 =	vld.idx.msk [tilespmem:v24+s4+$0x0], $0xffff;
	[tilespmem:s10+$0x0] =	vst v33;
	v33 =	vor.u32 v9, v21  }
0x1bb: {  	s20 =	sadd.s32 $0x40, s20;
	s19 =	sadd.s32 $0x200, s19;
	s3 =	sor.u32 s5, s2;
	v27 =	vld.idx.msk [tilespmem:v27+s4+$0x0], $0xffff;
	[tilespmem:s17+$0x0] =	vst v23  }
0x1bc: {  	s15 =	sand.u32 $0x7C00, s19;
	s10 =	sadd.s32 $0xFFFFFFD0, s20;
	[tilespmem:s3+$0x0] =	vst v34;
	v22 =	vld.idx.msk [tilespmem:v22+s4+$0x0], $0xffff  }
0x1bd: {  	s2 =	sor.u32 s9, s2;
	s14 =	sand.u32 $0x40, s10;
	s17 =	sadd.s32 $0xBE00, s15;
	v23 =	vor.u32 v1, v26;
	v34 =	vld.idx.msk [tilespmem:v36+s4+$0x0], $0xffff;
	[tilespmem:s28+$0x0] =	vst v30  }
0x1be: {  	s24 =	sadd.s32 $0x10E80, s15;
	s25 =	sor.u32 s14, s17;
	v30 =	vor.u32 v10, v18;
	v28 =	vld.idx.msk [tilespmem:v28+s4+$0x0], $0xffff;
	[tilespmem:s2+$0x0] =	vst v29  }
0x1bf: {  	s10 =	sand.u32 $0x70, s20;
	s2 =	sor.u32 s14, s24;
	v29 =	vor.u32 v1, v25;
	[tilespmem:s25+$0x0] =	vst v31;
	v31 =	vld.idx.msk [tilespmem:v33+s4+$0x0], $0xffff  }
0x1c0: {  	s21 =	sor.u32 s10, s17;
	s3 =	sor.u32 s10, s24;
	v32 =	vld.idx.msk [tilespmem:v32+s4+$0x0], $0xffff;
	[tilespmem:s1+$0x0] =	vst v24;
	v24 =	vor.u32 v10, v17;
	s1 =	smov.u32 s2  }
0x1c1: {  	v33 =	vld.idx.msk [tilespmem:v35+s4+$0x0], $0xffff;
	[tilespmem:s21+$0x0] =	vst v27;
	v27 =	vor.u32 v10, v21  }
0x1c2: {  	v36 =	vor.u32 v10, v16;
	v35 =	vor.u32 v1, v19;
	v23 =	vld.idx.msk [tilespmem:v23+s4+$0x0], $0xffff;
	[tilespmem:s0+$0x0] =	vst v22  }
0x1c3: {  	s0 =	sadd.s32 $0xFFFFFFE0, s20;
	v22 =	vld.idx.msk [tilespmem:v30+s4+$0x0], $0xffff;
	[tilespmem:s22+$0x0] =	vst v34;
	s22 =	smov.u32 s3  }
0x1c4: {  	s3 =	sand.u32 $0x50, s0;
	s0 =	sadd.s32 $0xFFFFFFF0, s20;
	v30 =	vor.u32 v1, v20;
	v29 =	vld.idx.msk [tilespmem:v29+s4+$0x0], $0xffff;
	[tilespmem:s8+$0x0] =	vst v28  }
0x1c5: {  	s26 =	sor.u32 s3, s17;
	s8 =	sor.u32 s3, s24;
	s11 =	sand.u32 $0x60, s0;
	v28 =	vor.u32 v11, v18;
	[tilespmem:s6+$0x0] =	vst v31;
	v24 =	vld.idx.msk [tilespmem:v24+s4+$0x0], $0xffff  }
0x1c6: {  	v31 =	vor.u32 v2, v26;
	s23 =	sor.u32 s11, s17;
	s6 =	sor.u32 s11, s24;
	[tilespmem:s26+$0x0] =	vst v32;
	v27 =	vld.idx.msk [tilespmem:v27+s4+$0x0], $0xffff  }
0x1c7: {  	s0 =	sadd.s32 $0x10F00, s12;
	v32 =	vld.idx.msk [tilespmem:v35+s4+$0x0], $0xffff;
	[tilespmem:s23+$0x0] =	vst v33;
	v33 =	vor.u32 v2, v25  }
0x1c8: {  	v34 =	vor.u32 v11, v21;
	s2 =	sor.u32 s13, s0;
	s17 =	sor.u32 s5, s0;
	[tilespmem:s25+$0x80] =	vst v23;
	v23 =	vld.idx.msk [tilespmem:v36+s4+$0x0], $0xffff  }
0x1c9: {  	v35 =	vor.u32 v2, v19;
	v30 =	vld.idx.msk [tilespmem:v30+s4+$0x0], $0xffff;
	[tilespmem:s2+$0x0] =	vst v22  }
0x1ca: {  	[tilespmem:s21+$0x80] =	vst v29;
	v22 =	vld.idx.msk [tilespmem:v28+s4+$0x0], $0xffff;
	v28 =	vor.u32 v11, v16;
	v29 =	vor.u32 v11, v17  }
0x1cb: {  	s2 =	sor.u32 s7, s0;
	s0 =	sor.u32 s9, s0;
	v31 =	vld.idx.msk [tilespmem:v31+s4+$0x0], $0xffff;
	[tilespmem:s17+$0x0] =	vst v24  }
0x1cc: {  	v24 =	vld.idx.msk [tilespmem:v33+s4+$0x0], $0xffff;
	v33 =	vor.u32 v12, v18;
	[tilespmem:s0+$0x0] =	vst v27  }
0x1cd: {  	v27 =	vor.u32 v2, v20;
	[tilespmem:s26+$0x80] =	vst v32;
	v32 =	vld.idx.msk [tilespmem:v34+s4+$0x0], $0xffff  }
0x1ce: {  	s0 =	sadd.s32 $0x10F80, s12;
	v34 =	vor.u32 v3, v26;
	v35 =	vld.idx.msk [tilespmem:v35+s4+$0x0], $0xffff;
	[tilespmem:s2+$0x0] =	vst v23  }
0x1cf: {  	s17 =	sor.u32 s5, s0;
	v23 =	vor.u32 v3, v25;
	s2 =	sor.u32 s13, s0;
	[tilespmem:s23+$0x80] =	vst v30;
	v28 =	vld.idx.msk [tilespmem:v28+s4+$0x0], $0xffff  }
0x1d0: {  	v30 =	vor.u32 v3, v19;
	[tilespmem:s2+$0x0] =	vst v22;
	v22 =	vld.idx.msk [tilespmem:v29+s4+$0x0], $0xffff  }
0x1d1: {  	[tilespmem:s25+$0x100] =	vst v31;
	v29 =	vld.idx.msk [tilespmem:v33+s4+$0x0], $0xffff;
	v31 =	vor.u32 v12, v16  }
0x1d2: {  	s2 =	sor.u32 s7, s0;
	s0 =	sor.u32 s9, s0;
	v27 =	vld.idx.msk [tilespmem:v27+s4+$0x0], $0xffff;
	[tilespmem:s21+$0x100] =	vst v24;
	v24 =	vor.u32 v12, v21  }
0x1d3: {  	v33 =	vld.idx.msk [tilespmem:v34+s4+$0x0], $0xffff;
	v34 =	vor.u32 v13, v18;
	[tilespmem:s0+$0x0] =	vst v32  }
0x1d4: {  	v32 =	vor.u32 v3, v20;
	[tilespmem:s26+$0x100] =	vst v35;
	v23 =	vld.idx.msk [tilespmem:v23+s4+$0x0], $0xffff  }
0x1d5: {  	s0 =	sadd.s32 $0x11000, s12;
	v35 =	vor.u32 v4, v26;
	v30 =	vld.idx.msk [tilespmem:v30+s4+$0x0], $0xffff;
	[tilespmem:s2+$0x0] =	vst v28  }
0x1d6: {  	s24 =	sor.u32 s13, s0;
	v28 =	vor.u32 v4, v25;
	s2 =	sor.u32 s5, s0;
	v31 =	vld.idx.msk [tilespmem:v31+s4+$0x0], $0xffff;
	[tilespmem:s17+$0x0] =	vst v22  }
0x1d7: {  	v22 =	vor.u32 v4, v19;
	[tilespmem:s24+$0x0] =	vst v29;
	v29 =	vld.idx.msk [tilespmem:v24+s4+$0x0], $0xffff  }
0x1d8: {  	[tilespmem:s23+$0x100] =	vst v27;
	v27 =	vld.idx.msk [tilespmem:v34+s4+$0x0], $0xffff;
	v34 =	vor.u32 v13, v16  }
0x1d9: {  	s17 =	sor.u32 s7, s0;
	v24 =	vor.u32 v13, v17;
	[tilespmem:s25+$0x180] =	vst v33;
	v32 =	vld.idx.msk [tilespmem:v32+s4+$0x0], $0xffff;
	v33 =	vor.u32 v13, v21  }
0x1da: {  	v35 =	vld.idx.msk [tilespmem:v35+s4+$0x0], $0xffff;
	[tilespmem:s21+$0x180] =	vst v23;
	v23 =	vor.u32 v14, v18  }
0x1db: {  	[tilespmem:s26+$0x180] =	vst v30;
	v30 =	vor.u32 v4, v20;
	v28 =	vld.idx.msk [tilespmem:v28+s4+$0x0], $0xffff  }
0x1dc: {  	s28 =	sadd.s32 $0x11080, s12;
	v36 =	vor.u32 v5, v26;
	s0 =	sor.u32 s9, s0;
	v22 =	vld.idx.msk [tilespmem:v22+s4+$0x0], $0xffff;
	[tilespmem:s17+$0x0] =	vst v31  }
0x1dd: {  	s24 =	sor.u32 s5, s28;
	v31 =	vor.u32 v5, v25;
	s17 =	sor.u32 s13, s28;
	v37 =	vld.idx.msk [tilespmem:v34+s4+$0x0], $0xffff;
	[tilespmem:s0+$0x0] =	vst v29  }
0x1de: {  	v29 =	vor.u32 v5, v19;
	[tilespmem:s17+$0x0] =	vst v27;
	v27 =	vld.idx.msk [tilespmem:v33+s4+$0x0], $0xffff  }
0x1df: {  	v39 =	vor.u32 v14, v16;
	[tilespmem:s23+$0x180] =	vst v32;
	v38 =	vld.idx.msk [tilespmem:v23+s4+$0x0], $0xffff  }
0x1e0: {  	s17 =	sor.u32 s7, s28;
	v23 =	vor.u32 v14, v17;
	[tilespmem:s25+$0x200] =	vst v35;
	v40 =	vld.idx.msk [tilespmem:v30+s4+$0x0], $0xffff;
	v30 =	vor.u32 v14, v21  }
0x1e1: {  	v41 =	vor.u32 v15, v18;
	v18 =	vmov v26;
	v36 =	vld.idx.msk [tilespmem:v36+s4+$0x0], $0xffff;
	[tilespmem:s21+$0x200] =	vst v28  }
0x1e2: {  	[tilespmem:s26+$0x200] =	vst v22;
	v22 =	vor.u32 v5, v20;
	v31 =	vld.idx.msk [tilespmem:v31+s4+$0x0], $0xffff  }
.Ltmp3:
0x1e3: {  	v34 =	vor.u32 v6, v18;
	s0 =	sadd.s32 $0x11100, s12;
	v32 =	vld.idx.msk [tilespmem:v29+s4+$0x0], $0xffff;
	[tilespmem:s17+$0x0] =	vst v37;
	s17 =	sor.u32 s9, s28;
	(pc) =	sbr.rel @p1 .LBB2_4-.Ltmp3, $4  }
0x1e4: {  	v33 =	vor.u32 v6, v25;
	s28 =	sor.u32 s13, s0;
	v29 =	vld.idx.msk [tilespmem:v39+s4+$0x0], $0xffff;
	[tilespmem:s17+$0x0] =	vst v27;
	s17 =	sor.u32 s5, s0  }
0x1e5: {  	v35 =	vor.u32 v6, v19;
	[tilespmem:s28+$0x0] =	vst v38;
	v28 =	vld.idx.msk [tilespmem:v30+s4+$0x0], $0xffff;
	v30 =	vor.u32 v12, v17  }
0x1e6: {  	[tilespmem:s23+$0x200] =	vst v40;
	v26 =	vld.idx.msk [tilespmem:v41+s4+$0x0], $0xffff  }
0x1e7: {  	v27 =	vor.u32 v15, v21;
	s28 =	sor.u32 s7, s0;
	[tilespmem:s25+$0x280] =	vst v36;
	v36 =	vld.idx.msk [tilespmem:v22+s4+$0x0], $0xffff;
	v22 =	vor.u32 v15, v17;
	v17 =	vmov v25  }
0x1e8: {  	_ =	sdelay $0x1  }
0x1e9: {  	v21 =	vor.u32 v6, v20;
	_ =	sdelay $0x1  }
0x1ea: {  	v25 =	vld.idx.msk [tilespmem:v34+s4+$0x0], $0xffff;
	[tilespmem:s26+$0x280] =	vst v32  }
0x1eb: {  	v45 =	vor.u32 v7, v18;
	[tilespmem:s21+$0x280] =	vst v31;
	v46 =	vld.idx.msk [tilespmem:v35+s4+$0x0], $0xffff  }
0x1ec: {  	v48 =	vor.u32 v7, v19;
	v33 =	vld.idx.msk [tilespmem:v33+s4+$0x0], $0xffff;
	[tilespmem:s23+$0x280] =	vst v36  }
0x1ed: {  	v49 =	vor.u32 v7, v17;
	v21 =	vld.idx.msk [tilespmem:v21+s4+$0x0], $0xffff  }
0x1ee: {  	v47 =	vor.u32 v7, v20  }
0x1ef: {  	[tilespmem:s25+$0x300] =	vst v25  }
0x1f0: {  	v25 =	vld.idx.msk [tilespmem:v45+s4+$0x0], $0xffff;
	[tilespmem:s26+$0x300] =	vst v46  }
0x1f1: {  	v50 =	vor.u32 v8, v18;
	[tilespmem:s21+$0x300] =	vst v33;
	v52 =	vld.idx.msk [tilespmem:v48+s4+$0x0], $0xffff  }
0x1f2: {  	v54 =	vor.u32 v8, v19;
	v55 =	vld.idx.msk [tilespmem:v49+s4+$0x0], $0xffff;
	[tilespmem:s23+$0x300] =	vst v21  }
0x1f3: {  	v56 =	vor.u32 v8, v17;
	v51 =	vld.idx.msk [tilespmem:v47+s4+$0x0], $0xffff  }
0x1f4: {  	v53 =	vor.u32 v8, v20  }
0x1f5: {  	[tilespmem:s25+$0x380] =	vst v25  }
0x1f6: {  	v21 =	vld.idx.msk [tilespmem:v50+s4+$0x0], $0xffff;
	[tilespmem:s26+$0x380] =	vst v52  }
0x1f7: {  	v57 =	vor.u32 v9, v18;
	[tilespmem:s21+$0x380] =	vst v55;
	v32 =	vld.idx.msk [tilespmem:v54+s4+$0x0], $0xffff  }
0x1f8: {  	v60 =	vor.u32 v9, v19;
	v59 =	vld.idx.msk [tilespmem:v56+s4+$0x0], $0xffff;
	[tilespmem:s23+$0x380] =	vst v51  }
0x1f9: {  	s16 =	sadd.s32 $0x10E00, s15;
	v61 =	vor.u32 v9, v17;
	v31 =	vld.idx.msk [tilespmem:v53+s4+$0x0], $0xffff  }
0x1fa: {  	v58 =	vor.u32 v9, v20;
	s18 =	sor.u32 s14, s16  }
0x1fb: {  	s26 =	sor.u32 s3, s16;
	[tilespmem:s18+$0x0] =	vst v21  }
0x1fc: {  	s25 =	sor.u32 s11, s16;
	s16 =	sor.u32 s10, s16;
	v21 =	vld.idx.msk [tilespmem:v57+s4+$0x0], $0xffff;
	[tilespmem:s26+$0x0] =	vst v32  }
0x1fd: {  	v62 =	vor.u32 v10, v18;
	[tilespmem:s16+$0x0] =	vst v59;
	v32 =	vld.idx.msk [tilespmem:v60+s4+$0x0], $0xffff  }
0x1fe: {  	v40 =	vor.u32 v10, v19;
	v34 =	vld.idx.msk [tilespmem:v61+s4+$0x0], $0xffff;
	[tilespmem:s25+$0x0] =	vst v31  }
0x1ff: {  	v41 =	vor.u32 v10, v17;
	v31 =	vld.idx.msk [tilespmem:v58+s4+$0x0], $0xffff  }
0x200: {  	v63 =	vor.u32 v10, v20  }
0x201: {  	[tilespmem:s1+$0x0] =	vst v21  }
0x202: {  	v21 =	vld.idx.msk [tilespmem:v62+s4+$0x0], $0xffff;
	[tilespmem:s8+$0x0] =	vst v32  }
0x203: {  	v42 =	vor.u32 v11, v18;
	[tilespmem:s22+$0x0] =	vst v34;
	v32 =	vld.idx.msk [tilespmem:v40+s4+$0x0], $0xffff  }
0x204: {  	v44 =	vor.u32 v11, v19;
	v34 =	vld.idx.msk [tilespmem:v41+s4+$0x0], $0xffff;
	[tilespmem:s6+$0x0] =	vst v31  }
0x205: {  	s29 =	sadd.s32 $0x10F00, s15;
	v45 =	vor.u32 v11, v17;
	v31 =	vld.idx.msk [tilespmem:v63+s4+$0x0], $0xffff  }
0x206: {  	v43 =	vor.u32 v11, v20;
	s30 =	sor.u32 s14, s29  }
0x207: {  	s16 =	sor.u32 s3, s29;
	[tilespmem:s30+$0x0] =	vst v21  }
0x208: {  	s1 =	sor.u32 s10, s29;
	v21 =	vld.idx.msk [tilespmem:v42+s4+$0x0], $0xffff;
	[tilespmem:s16+$0x0] =	vst v32  }
0x209: {  	v46 =	vor.u32 v12, v18;
	s8 =	sor.u32 s11, s29;
	[tilespmem:s1+$0x0] =	vst v34;
	v32 =	vld.idx.msk [tilespmem:v44+s4+$0x0], $0xffff  }
0x20a: {  	v48 =	vor.u32 v12, v19;
	v34 =	vld.idx.msk [tilespmem:v45+s4+$0x0], $0xffff;
	[tilespmem:s8+$0x0] =	vst v31  }
0x20b: {  	v49 =	vor.u32 v12, v17;
	s18 =	sadd.s32 $0x10F80, s15;
	v31 =	vld.idx.msk [tilespmem:v43+s4+$0x0], $0xffff  }
0x20c: {  	[tilespmem:s28+$0x0] =	vst v29;
	v47 =	vor.u32 v12, v20;
	v50 =	vld.idx.msk [tilespmem:v30+s4+$0x0], $0xffff;
	s19 =	sor.u32 s14, s18  }
0x20d: {  	s21 =	sor.u32 s3, s18;
	[tilespmem:s19+$0x0] =	vst v21  }
0x20e: {  	s1 =	sor.u32 s10, s18;
	v25 =	vld.idx.msk [tilespmem:v46+s4+$0x0], $0xffff;
	[tilespmem:s21+$0x0] =	vst v32  }
0x20f: {  	v51 =	vor.u32 v13, v18;
	s20 =	sor.u32 s11, s18;
	[tilespmem:s1+$0x0] =	vst v34;
	v32 =	vld.idx.msk [tilespmem:v48+s4+$0x0], $0xffff  }
0x210: {  	v53 =	vor.u32 v13, v19;
	v29 =	vld.idx.msk [tilespmem:v49+s4+$0x0], $0xffff;
	[tilespmem:s20+$0x0] =	vst v31  }
0x211: {  	s0 =	sor.u32 s9, s0;
	v54 =	vor.u32 v13, v17;
	[tilespmem:s2+$0x0] =	vst v50;
	s22 =	sadd.s32 $0x11000, s15;
	v31 =	vld.idx.msk [tilespmem:v47+s4+$0x0], $0xffff  }
0x212: {  	[tilespmem:s0+$0x0] =	vst v28;
	v52 =	vor.u32 v13, v20;
	v24 =	vld.idx.msk [tilespmem:v24+s4+$0x0], $0xffff;
	s23 =	sor.u32 s14, s22  }
0x213: {  	s26 =	sor.u32 s3, s22;
	[tilespmem:s23+$0x0] =	vst v25  }
0x214: {  	v16 =	vor.u32 v15, v16;
	s0 =	sor.u32 s10, s22;
	v25 =	vld.idx.msk [tilespmem:v51+s4+$0x0], $0xffff;
	[tilespmem:s26+$0x0] =	vst v32  }
0x215: {  	v55 =	vor.u32 v14, v18;
	s25 =	sor.u32 s11, s22;
	[tilespmem:s0+$0x0] =	vst v29;
	v28 =	vld.idx.msk [tilespmem:v53+s4+$0x0], $0xffff  }
0x216: {  	s28 =	sadd.s32 $0x11180, s12;
	v57 =	vor.u32 v14, v19;
	v21 =	vld.idx.msk [tilespmem:v54+s4+$0x0], $0xffff;
	[tilespmem:s25+$0x0] =	vst v31  }
0x217: {  	[tilespmem:s24+$0x0] =	vst v24;
	v58 =	vor.u32 v14, v17;
	s29 =	sor.u32 s13, s28;
	s30 =	sadd.s32 $0x11080, s15;
	v31 =	vld.idx.msk [tilespmem:v52+s4+$0x0], $0xffff  }
0x218: {  	v56 =	vor.u32 v14, v20;
	v23 =	vld.idx.msk [tilespmem:v23+s4+$0x0], $0xffff;
	[tilespmem:s29+$0x0] =	vst v26;
	s6 =	sor.u32 s14, s30  }
0x219: {  	v16 =	vld.idx.msk [tilespmem:v16+s4+$0x0], $0xffff;
	s12 =	sor.u32 s3, s30;
	[tilespmem:s6+$0x0] =	vst v25  }
0x21a: {  	s0 =	sor.u32 s10, s30;
	v25 =	vld.idx.msk [tilespmem:v55+s4+$0x0], $0xffff;
	[tilespmem:s12+$0x0] =	vst v28  }
0x21b: {  	v59 =	vor.u32 v15, v18;
	s8 =	sor.u32 s11, s30;
	[tilespmem:s0+$0x0] =	vst v21;
	v61 =	vld.idx.msk [tilespmem:v57+s4+$0x0], $0xffff  }
0x21c: {  	v63 =	vor.u32 v15, v19;
	v24 =	vld.idx.msk [tilespmem:v58+s4+$0x0], $0xffff;
	[tilespmem:s8+$0x0] =	vst v31  }
0x21d: {  	v17 =	vor.u32 v15, v17;
	[tilespmem:s17+$0x0] =	vst v23;
	s16 =	sadd.s32 $0x11100, s15;
	s20 =	sor.u32 s7, s28;
	v60 =	vld.idx.msk [tilespmem:v56+s4+$0x0], $0xffff  }
0x21e: {  	v27 =	vld.idx.msk [tilespmem:v27+s4+$0x0], $0xffff;
	v62 =	vor.u32 v15, v20;
	s17 =	sor.u32 s14, s16;
	[tilespmem:s20+$0x0] =	vst v16  }
0x21f: {  	v22 =	vld.idx.msk [tilespmem:v22+s4+$0x0], $0xffff;
	s19 =	sor.u32 s3, s16;
	[tilespmem:s17+$0x0] =	vst v25  }
0x220: {  	s0 =	sor.u32 s10, s16;
	v18 =	vld.idx.msk [tilespmem:v59+s4+$0x0], $0xffff;
	[tilespmem:s19+$0x0] =	vst v61  }
0x221: {  	s18 =	sor.u32 s11, s16;
	[tilespmem:s0+$0x0] =	vst v24;
	v19 =	vld.idx.msk [tilespmem:v63+s4+$0x0], $0xffff  }
0x222: {  	s13 =	sor.u32 s9, s28;
	v16 =	vld.idx.msk [tilespmem:v17+s4+$0x0], $0xffff;
	[tilespmem:s18+$0x0] =	vst v60  }
0x223: {  	[tilespmem:s13+$0x0] =	vst v27;
	s1 =	sor.u32 s5, s28;
	s21 =	sadd.s32 $0x11180, s15;
	v20 =	vld.idx.msk [tilespmem:v62+s4+$0x0], $0xffff  }
0x224: {  	[tilespmem:s1+$0x0] =	vst v22;
	s22 =	sor.u32 s14, s21  }
0x225: {  	s24 =	sor.u32 s3, s21;
	[tilespmem:s22+$0x0] =	vst v18  }
0x226: {  	s0 =	sor.u32 s10, s21;
	[tilespmem:s24+$0x0] =	vst v19  }
0x227: {  	s23 =	sor.u32 s11, s21;
	[tilespmem:s0+$0x0] =	vst v16  }
0x228: {  	[tilespmem:s23+$0x0] =	vst v20  }
0x229: {  	s25 =	simm.s32 $0xBE00;
	s0 =	rddreg [dreg:$0xa]  }
0x22a: {  	[hbm4b:s0+s4] =	stream.linear.scatter [tilespmem:s25], [sflag:$0x4], $0x5000, $0x38;
	[tilespmem:$0x15E00] =	vst v63  }
0x22b: {  	s28 =	simm.s32 $0x10E00;
	s26 =	rddreg [dreg:$0xd]  }
0x22c: {  	[hbm4b:s26+s4] =	stream.linear.scatter [tilespmem:s28], [sflag:$0x4], $0x5000, $0x38;
	[tilespmem:$0x15E00] =	vst v63  }
0x22d: {  	s30 =	simm.s32 $0x1400;
	s19 =	simm.s32 $0x1;
	s29 =	rddreg [dreg:$0xe]  }
0x22e: {  	[tilespmem:s30], [sflag:$0x2] =	stream.linear.gather [hbm4b:s29+s4], $0xA00, $0x38;
	[tilespmem:$0x15E00] =	vst v63  }
.LBB2_6:
0x22f: {  	s0 =	simm.s32 $0x1  }
0x230: {  	_ =	swait.ge [sflag:s0], $0xA00  }
0x231: {  	[sflag:s0] =	ssyncset.done $0x0  }
0x232: {  	s23 =	simm.s32 $0x3;
	[sflag:s0] =	ssyncadd.s32 $0xFFFFF600  }
0x233: {  	_ =	swait.ge [sflag:s23], $0x5000  }
0x234: {  	[sflag:s23] =	ssyncset.done $0x0  }
0x235: {  	[sflag:s23] =	ssyncadd.s32 $0xFFFFB000  }
0x236: {  	_ =	swait.ge [sflag:s23], $0x5000  }
0x237: {  	[sflag:s23] =	ssyncset.done $0x0  }
0x238: {  	s24 =	simm.s32 $0xA20;
	[sflag:s23] =	ssyncadd.s32 $0xFFFFB000  }
0x239: {  	v16 =	vld [tilespmem:s24+$0xFFFFFFE0];
	_ =	sdelay $0x1  }
0x23a: {  	v17 =	vld [tilespmem:s24+$0x10];
	_ =	sdelay $0x1  }
0x23b: {  	v18 =	vld [tilespmem:s24+$0xFFFFFFF0]  }
0x23c: {  	v19 =	vld [tilespmem:s24+$0x0];
	v23 =	vshll.u32 v16, $0x8  }
0x23d: {  	v20 =	vor.u32 v0, v23  }
0x23e: {  	v21 =	vshll.u32 v17, $0x8  }
0x23f: {  	v17 =	vor.u32 v0, v21  }
0x240: {  	v16 =	vshll.u32 v18, $0x8  }
0x241: {  	v22 =	vshll.u32 v19, $0x8;
	v18 =	vor.u32 v0, v16  }
0x242: {  	v19 =	vor.u32 v0, v22;
	v20 =	vld.idx.msk [tilespmem:v20+s4+$0x0], $0xffff  }
0x243: {  	s25 =	simm.s32 $0x0;
	v24 =	vor.u32 v1, v23  }
0x244: {  	s1 =	simm.s32 $0x0;
	s12 =	sand.u32 $0x7C00, s25;
	v17 =	vld.idx.msk [tilespmem:v17+s4+$0x0], $0xffff  }
0x245: {  	s13 =	sand.u32 $0x40, s1;
	s2 =	sadd.s32 $0x1E00, s12;
	v25 =	vor.u32 v1, v21  }
0x246: {  	s26 =	simm.s32 $0x30;
	s1 =	sor.u32 s13, s2;
	v18 =	vld.idx.msk [tilespmem:v18+s4+$0x0], $0xffff  }
0x247: {  	s7 =	sand.u32 $0x70, s26;
	v19 =	vld.idx.msk [tilespmem:v19+s4+$0x0], $0xffff;
	[tilespmem:s1+$0x0] =	vst v20;
	v20 =	vor.u32 v1, v16  }
0x248: {  	s3 =	simm.s32 $0x10;
	s0 =	sor.u32 s7, s2;
	v26 =	vor.u32 v1, v22;
	v24 =	vld.idx.msk [tilespmem:v24+s4+$0x0], $0xffff  }
0x249: {  	s6 =	simm.s32 $0x20;
	s5 =	sand.u32 $0x50, s3;
	[tilespmem:s0+$0x0] =	vst v17;
	v17 =	vor.u32 v2, v23  }
0x24a: {  	s9 =	sand.u32 $0x60, s6;
	s3 =	sor.u32 s5, s2;
	v25 =	vld.idx.msk [tilespmem:v25+s4+$0x0], $0xffff  }
0x24b: {  	s2 =	sor.u32 s9, s2;
	[tilespmem:s3+$0x0] =	vst v18;
	v18 =	vor.u32 v2, v21  }
0x24c: {  	[tilespmem:s2+$0x0] =	vst v19;
	v20 =	vld.idx.msk [tilespmem:v20+s4+$0x0], $0xffff  }
0x24d: {  	v19 =	vor.u32 v2, v16;
	[tilespmem:s1+$0x80] =	vst v24;
	v24 =	vld.idx.msk [tilespmem:v26+s4+$0x0], $0xffff  }
0x24e: {  	v26 =	vor.u32 v2, v22;
	v17 =	vld.idx.msk [tilespmem:v17+s4+$0x0], $0xffff  }
0x24f: {  	[tilespmem:s0+$0x80] =	vst v25;
	v25 =	vor.u32 v3, v23  }
0x250: {  	v18 =	vld.idx.msk [tilespmem:v18+s4+$0x0], $0xffff  }
0x251: {  	[tilespmem:s3+$0x80] =	vst v20;
	v20 =	vor.u32 v3, v21  }
0x252: {  	v19 =	vld.idx.msk [tilespmem:v19+s4+$0x0], $0xffff;
	[tilespmem:s2+$0x80] =	vst v24  }
0x253: {  	v24 =	vor.u32 v3, v16;
	[tilespmem:s1+$0x100] =	vst v17;
	v17 =	vld.idx.msk [tilespmem:v26+s4+$0x0], $0xffff  }
0x254: {  	v26 =	vor.u32 v3, v22;
	v25 =	vld.idx.msk [tilespmem:v25+s4+$0x0], $0xffff  }
0x255: {  	[tilespmem:s0+$0x100] =	vst v18;
	v18 =	vor.u32 v4, v23  }
0x256: {  	v20 =	vld.idx.msk [tilespmem:v20+s4+$0x0], $0xffff  }
0x257: {  	[tilespmem:s3+$0x100] =	vst v19;
	v19 =	vor.u32 v4, v21  }
0x258: {  	v24 =	vld.idx.msk [tilespmem:v24+s4+$0x0], $0xffff;
	[tilespmem:s2+$0x100] =	vst v17  }
0x259: {  	v17 =	vor.u32 v4, v16;
	[tilespmem:s1+$0x180] =	vst v25;
	v25 =	vld.idx.msk [tilespmem:v26+s4+$0x0], $0xffff  }
0x25a: {  	v26 =	vor.u32 v4, v22;
	v18 =	vld.idx.msk [tilespmem:v18+s4+$0x0], $0xffff  }
0x25b: {  	[tilespmem:s0+$0x180] =	vst v20;
	v20 =	vor.u32 v5, v23  }
0x25c: {  	v19 =	vld.idx.msk [tilespmem:v19+s4+$0x0], $0xffff  }
0x25d: {  	[tilespmem:s3+$0x180] =	vst v24;
	v24 =	vor.u32 v5, v21  }
0x25e: {  	v17 =	vld.idx.msk [tilespmem:v17+s4+$0x0], $0xffff;
	[tilespmem:s2+$0x180] =	vst v25  }
0x25f: {  	v25 =	vor.u32 v5, v16;
	[tilespmem:s1+$0x200] =	vst v18;
	v18 =	vld.idx.msk [tilespmem:v26+s4+$0x0], $0xffff  }
0x260: {  	v26 =	vor.u32 v5, v22;
	v20 =	vld.idx.msk [tilespmem:v20+s4+$0x0], $0xffff  }
0x261: {  	[tilespmem:s0+$0x200] =	vst v19;
	v19 =	vor.u32 v6, v23  }
0x262: {  	v24 =	vld.idx.msk [tilespmem:v24+s4+$0x0], $0xffff  }
0x263: {  	[tilespmem:s3+$0x200] =	vst v17;
	v17 =	vor.u32 v6, v21  }
0x264: {  	v25 =	vld.idx.msk [tilespmem:v25+s4+$0x0], $0xffff;
	[tilespmem:s2+$0x200] =	vst v18  }
0x265: {  	v18 =	vor.u32 v6, v16;
	[tilespmem:s1+$0x280] =	vst v20;
	v20 =	vld.idx.msk [tilespmem:v26+s4+$0x0], $0xffff  }
0x266: {  	v26 =	vor.u32 v6, v22;
	v19 =	vld.idx.msk [tilespmem:v19+s4+$0x0], $0xffff  }
0x267: {  	[tilespmem:s0+$0x280] =	vst v24;
	v24 =	vor.u32 v7, v23  }
0x268: {  	v17 =	vld.idx.msk [tilespmem:v17+s4+$0x0], $0xffff  }
0x269: {  	[tilespmem:s3+$0x280] =	vst v25  }
0x26a: {  	v25 =	vor.u32 v7, v21;
	v18 =	vld.idx.msk [tilespmem:v18+s4+$0x0], $0xffff;
	[tilespmem:s2+$0x280] =	vst v20  }
0x26b: {  	v20 =	vor.u32 v7, v16;
	[tilespmem:s1+$0x300] =	vst v19;
	v19 =	vld.idx.msk [tilespmem:v26+s4+$0x0], $0xffff  }
0x26c: {  	s10 =	simm.s32 $0xA60;
	v26 =	vor.u32 v7, v22;
	v24 =	vld.idx.msk [tilespmem:v24+s4+$0x0], $0xffff  }
0x26d: {  	[tilespmem:s0+$0x300] =	vst v17;
	v17 =	vld [tilespmem:s10+$0xFFFFFFE0]  }
0x26e: {  	v28 =	vld [tilespmem:s10+$0x10];
	v27 =	vor.u32 v8, v23  }
0x26f: {  	v25 =	vld.idx.msk [tilespmem:v25+s4+$0x0], $0xffff;
	[tilespmem:s3+$0x300] =	vst v18  }
0x270: {  	v20 =	vld.idx.msk [tilespmem:v20+s4+$0x0], $0xffff;
	[tilespmem:s2+$0x300] =	vst v19;
	v19 =	vor.u32 v8, v21  }
0x271: {  	v29 =	vor.u32 v8, v16;
	v26 =	vld.idx.msk [tilespmem:v26+s4+$0x0], $0xffff  }
0x272: {  	v30 =	vld [tilespmem:s10+$0xFFFFFFF0];
	[tilespmem:s1+$0x380] =	vst v24;
	v24 =	vor.u32 v8, v22;
	v18 =	vshll.u32 v17, $0x8  }
0x273: {  	v27 =	vld.idx.msk [tilespmem:v27+s4+$0x0], $0xffff;
	v31 =	vor.u32 v0, v18  }
0x274: {  	v32 =	vld [tilespmem:s10+$0x0];
	v17 =	vshll.u32 v28, $0x8;
	v28 =	vor.u32 v9, v23;
	[tilespmem:s0+$0x380] =	vst v25  }
0x275: {  	v25 =	vor.u32 v0, v17;
	[tilespmem:s3+$0x380] =	vst v20;
	v33 =	vld.idx.msk [tilespmem:v19+s4+$0x0], $0xffff  }
0x276: {  	s30 =	sadd.s32 $0x6E00, s12;
	v29 =	vld.idx.msk [tilespmem:v29+s4+$0x0], $0xffff;
	[tilespmem:s2+$0x380] =	vst v26;
	v26 =	vor.u32 v9, v21  }
0x277: {  	s6 =	sor.u32 s13, s30;
	v34 =	vor.u32 v9, v16;
	v24 =	vld.idx.msk [tilespmem:v24+s4+$0x0], $0xffff  }
0x278: {  	v19 =	vshll.u32 v30, $0x8;
	[tilespmem:s6+$0x0] =	vst v27;
	v27 =	vor.u32 v9, v22;
	v30 =	vld.idx.msk [tilespmem:v31+s4+$0x0], $0xffff  }
0x279: {  	s8 =	sor.u32 s7, s30;
	v20 =	vshll.u32 v32, $0x8;
	v31 =	vor.u32 v0, v19;
	v28 =	vld.idx.msk [tilespmem:v28+s4+$0x0], $0xffff  }
0x27a: {  	s11 =	sor.u32 s5, s30;
	s3 =	simm.s32 $0x200;
	v32 =	vor.u32 v0, v20;
	v25 =	vld.idx.msk [tilespmem:v25+s4+$0x0], $0xffff;
	[tilespmem:s8+$0x0] =	vst v33  }
0x27b: {  	s14 =	simm.s32 $0x40;
	v49 =	vor.u32 v10, v23;
	s0 =	sor.u32 s9, s30;
	s15 =	sand.u32 $0x7C00, s3;
	[tilespmem:s11+$0x0] =	vst v29;
	v26 =	vld.idx.msk [tilespmem:v26+s4+$0x0], $0xffff  }
0x27c: {  	s14 =	sand.u32 $0x40, s14;
	s16 =	sadd.s32 $0x1E00, s15;
	v29 =	vor.u32 v1, v18;
	v34 =	vld.idx.msk [tilespmem:v34+s4+$0x0], $0xffff;
	[tilespmem:s0+$0x0] =	vst v24  }
0x27d: {  	s18 =	simm.s32 $0x70;
	s17 =	sadd.s32 $0x6E80, s12;
	s26 =	sor.u32 s14, s16;
	v27 =	vld.idx.msk [tilespmem:v27+s4+$0x0], $0xffff  }
0x27e: {  	s20 =	sand.u32 $0x70, s18;
	s21 =	sor.u32 s13, s17;
	v24 =	vor.u32 v1, v17;
	[tilespmem:s26+$0x0] =	vst v30;
	v30 =	vld.idx.msk [tilespmem:v31+s4+$0x0], $0xffff  }
0x27f: {  	s25 =	sor.u32 s20, s16;
	v31 =	vor.u32 v10, v21;
	[tilespmem:s21+$0x0] =	vst v28;
	v28 =	vld.idx.msk [tilespmem:v32+s4+$0x0], $0xffff  }
0x280: {  	s22 =	sor.u32 s7, s17;
	v50 =	vor.u32 v10, v22;
	[tilespmem:s25+$0x0] =	vst v25;
	v33 =	vld.idx.msk [tilespmem:v49+s4+$0x0], $0xffff  }
0x281: {  	s23 =	sor.u32 s5, s17;
	s8 =	simm.s32 $0x50;
	v25 =	vld.idx.msk [tilespmem:v29+s4+$0x0], $0xffff;
	v29 =	vor.u32 v1, v19;
	[tilespmem:s22+$0x0] =	vst v26  }
0x282: {  	s24 =	simm.s32 $0x60;
	v35 =	vor.u32 v10, v16;
	s11 =	sand.u32 $0x50, s8;
	s0 =	sor.u32 s9, s17;
	[tilespmem:s23+$0x0] =	vst v34  }
0x283: {  	s21 =	sand.u32 $0x60, s24;
	v26 =	vor.u32 v1, v20;
	v24 =	vld.idx.msk [tilespmem:v24+s4+$0x0], $0xffff;
	s23 =	sor.u32 s11, s16;
	[tilespmem:s0+$0x0] =	vst v27  }
0x284: {  	v51 =	vor.u32 v11, v23;
	s30 =	sadd.s32 $0x6F00, s12;
	s29 =	sor.u32 s21, s16;
	v27 =	vld.idx.msk [tilespmem:v31+s4+$0x0], $0xffff;
	[tilespmem:s23+$0x0] =	vst v30  }
0x285: {  	s2 =	sor.u32 s13, s30;
	v31 =	vor.u32 v2, v18;
	[tilespmem:s29+$0x0] =	vst v28;
	v30 =	vld.idx.msk [tilespmem:v50+s4+$0x0], $0xffff  }
0x286: {  	v28 =	vor.u32 v2, v17;
	[tilespmem:s2+$0x0] =	vst v33;
	v29 =	vld.idx.msk [tilespmem:v29+s4+$0x0], $0xffff  }
0x287: {  	v52 =	vor.u32 v11, v22;
	[tilespmem:s26+$0x80] =	vst v25;
	v25 =	vld.idx.msk [tilespmem:v35+s4+$0x0], $0xffff  }
0x288: {  	v53 =	vor.u32 v2, v19;
	s6 =	sor.u32 s7, s30;
	v26 =	vld.idx.msk [tilespmem:v26+s4+$0x0], $0xffff;
	[tilespmem:s25+$0x80] =	vst v24  }
0x289: {  	v54 =	vor.u32 v11, v16;
	s8 =	sor.u32 s9, s30;
	v24 =	vld.idx.msk [tilespmem:v51+s4+$0x0], $0xffff;
	[tilespmem:s6+$0x0] =	vst v27  }
0x28a: {  	v55 =	vor.u32 v11, v21;
	v31 =	vld.idx.msk [tilespmem:v31+s4+$0x0], $0xffff;
	[tilespmem:s8+$0x0] =	vst v30  }
0x28b: {  	s0 =	sor.u32 s5, s30;
	v27 =	vld.idx.msk [tilespmem:v28+s4+$0x0], $0xffff;
	v28 =	vor.u32 v12, v23;
	[tilespmem:s23+$0x80] =	vst v29  }
0x28c: {  	v56 =	vor.u32 v3, v18;
	s16 =	sadd.s32 $0x6F80, s12;
	v30 =	vld.idx.msk [tilespmem:v52+s4+$0x0], $0xffff;
	[tilespmem:s0+$0x0] =	vst v25  }
0x28d: {  	s17 =	sor.u32 s13, s16;
	v29 =	vor.u32 v2, v20;
	[tilespmem:s29+$0x80] =	vst v26;
	v35 =	vld.idx.msk [tilespmem:v53+s4+$0x0], $0xffff  }
0x28e: {  	v25 =	vor.u32 v3, v17;
	v26 =	vld.idx.msk [tilespmem:v54+s4+$0x0], $0xffff;
	[tilespmem:s17+$0x0] =	vst v24  }
0x28f: {  	v57 =	vor.u32 v3, v19;
	v24 =	vld.idx.msk [tilespmem:v55+s4+$0x0], $0xffff;
	[tilespmem:s26+$0x100] =	vst v31  }
0x290: {  	s22 =	sor.u32 s9, s16;
	v28 =	vld.idx.msk [tilespmem:v28+s4+$0x0], $0xffff;
	v31 =	vor.u32 v12, v16;
	[tilespmem:s25+$0x100] =	vst v27  }
0x291: {  	v27 =	vor.u32 v12, v22;
	v32 =	vld.idx.msk [tilespmem:v56+s4+$0x0], $0xffff;
	[tilespmem:s22+$0x0] =	vst v30  }
0x292: {  	v58 =	vor.u32 v13, v23;
	s24 =	sor.u32 s5, s16;
	v29 =	vld.idx.msk [tilespmem:v29+s4+$0x0], $0xffff;
	[tilespmem:s23+$0x100] =	vst v35  }
0x293: {  	v59 =	vor.u32 v4, v18;
	s1 =	sor.u32 s7, s16;
	s2 =	sadd.s32 $0x7000, s12;
	v25 =	vld.idx.msk [tilespmem:v25+s4+$0x0], $0xffff;
	[tilespmem:s24+$0x0] =	vst v26  }
0x294: {  	s30 =	sor.u32 s13, s2;
	v30 =	vor.u32 v3, v20;
	[tilespmem:s1+$0x0] =	vst v24;
	v33 =	vld.idx.msk [tilespmem:v57+s4+$0x0], $0xffff  }
0x295: {  	v26 =	vor.u32 v4, v17;
	v31 =	vld.idx.msk [tilespmem:v31+s4+$0x0], $0xffff;
	[tilespmem:s30+$0x0] =	vst v28  }
0x296: {  	v24 =	vor.u32 v4, v19;
	v27 =	vld.idx.msk [tilespmem:v27+s4+$0x0], $0xffff;
	[tilespmem:s26+$0x180] =	vst v32  }
0x297: {  	v60 =	vor.u32 v13, v22;
	v28 =	vld.idx.msk [tilespmem:v58+s4+$0x0], $0xffff;
	[tilespmem:s29+$0x100] =	vst v29  }
0x298: {  	v61 =	vld.idx.msk [tilespmem:v59+s4+$0x0], $0xffff;
	v29 =	vor.u32 v13, v16;
	[tilespmem:s25+$0x180] =	vst v25  }
0x299: {  	s6 =	sor.u32 s5, s2;
	v25 =	vor.u32 v14, v23;
	v30 =	vld.idx.msk [tilespmem:v30+s4+$0x0], $0xffff;
	[tilespmem:s23+$0x180] =	vst v33  }
0x29a: {  	v63 =	vor.u32 v5, v18;
	s8 =	sor.u32 s9, s2;
	s17 =	sadd.s32 $0x7080, s12;
	v26 =	vld.idx.msk [tilespmem:v26+s4+$0x0], $0xffff;
	[tilespmem:s6+$0x0] =	vst v31  }
0x29b: {  	v62 =	vor.u32 v4, v20;
	s16 =	sor.u32 s13, s17;
	[tilespmem:s8+$0x0] =	vst v27;
	v24 =	vld.idx.msk [tilespmem:v24+s4+$0x0], $0xffff  }
0x29c: {  	v31 =	vor.u32 v5, v17;
	[tilespmem:s16+$0x0] =	vst v28;
	v28 =	vld.idx.msk [tilespmem:v60+s4+$0x0], $0xffff  }
0x29d: {  	v27 =	vor.u32 v5, v19;
	v29 =	vld.idx.msk [tilespmem:v29+s4+$0x0], $0xffff  }
0x29e: {  	v37 =	vor.u32 v14, v22;
	[tilespmem:s26+$0x200] =	vst v61;
	v25 =	vld.idx.msk [tilespmem:v25+s4+$0x0], $0xffff  }
0x29f: {  	v38 =	vld.idx.msk [tilespmem:v63+s4+$0x0], $0xffff;
	[tilespmem:s29+$0x180] =	vst v30;
	v30 =	vor.u32 v14, v16  }
0x2a0: {  	[tilespmem:s25+$0x200] =	vst v26;
	v26 =	vor.u32 v15, v23;
	v36 =	vld.idx.msk [tilespmem:v62+s4+$0x0], $0xffff  }
0x2a1: {  	v39 =	vor.u32 v5, v20;
	s24 =	sor.u32 s9, s17;
	v31 =	vld.idx.msk [tilespmem:v31+s4+$0x0], $0xffff;
	[tilespmem:s23+$0x200] =	vst v24  }
0x2a2: {  	v34 =	vor.u32 v6, v18;
	s0 =	sadd.s32 $0x7100, s12;
	s22 =	sor.u32 s5, s17;
	[tilespmem:s24+$0x0] =	vst v28;
	v32 =	vld.idx.msk [tilespmem:v27+s4+$0x0], $0xffff  }
0x2a3: {  	s2 =	sor.u32 s7, s2;
	s30 =	sor.u32 s13, s0;
	v33 =	vor.u32 v6, v17;
	v28 =	vld.idx.msk [tilespmem:v37+s4+$0x0], $0xffff;
	[tilespmem:s22+$0x0] =	vst v29  }
0x2a4: {  	s28 =	sor.u32 s5, s0;
	v35 =	vor.u32 v6, v19;
	s6 =	simm.s32 $0x4;
	s16 =	sadd.s32 $0x6E80, s15;
	v23 =	vor.u32 v14, v21;
	[tilespmem:s30+$0x0] =	vst v25;
	v29 =	vld.idx.msk [tilespmem:v30+s4+$0x0], $0xffff  }
0x2a5: {  	s1 =	sor.u32 s14, s16;
	s8 =	sor.u32 s11, s16;
	v24 =	vor.u32 v13, v21;
	s24 =	sor.u32 s7, s17;
	v30 =	vor.u32 v12, v21;
	v26 =	vld.idx.msk [tilespmem:v26+s4+$0x0], $0xffff;
	[tilespmem:s29+$0x200] =	vst v36  }
0x2a6: {  	s17 =	sor.u32 s7, s0;
	v27 =	vor.u32 v15, v22;
	v22 =	vor.u32 v15, v21;
	s22 =	sor.u32 s20, s16;
	s16 =	sor.u32 s21, s16;
	[tilespmem:s26+$0x280] =	vst v38;
	v36 =	vld.idx.msk [tilespmem:v39+s4+$0x0], $0xffff  }
.LBB2_7:
0x2a7: {  	s6 =	sadd.s32 $0x4, s6;
	v25 =	vld.idx.msk [tilespmem:v34+s4+$0x0], $0xffff;
	[tilespmem:s25+$0x280] =	vst v31;
	v21 =	vmov v20  }
0x2a8: {  	p1 =	slt.u32 s6, $0x9C;
	[tilespmem:s23+$0x280] =	vst v32;
	v20 =	vor.u32 v6, v21;
	v31 =	vld.idx.msk [tilespmem:v33+s4+$0x0], $0xffff  }
0x2a9: {  	s30 =	sadd.s32 $0x7180, s12;
	s0 =	sor.u32 s9, s0;
	s12 =	smov.u32 s15;
	v32 =	vor.u32 v7, v18;
	v33 =	vld.idx.msk [tilespmem:v35+s4+$0x0], $0xffff;
	[tilespmem:s28+$0x0] =	vst v29  }
0x2aa: {  	s13 =	sor.u32 s13, s30;
	s28 =	sor.u32 s5, s30;
	[tilespmem:s0+$0x0] =	vst v28;
	v28 =	vld.idx.msk [tilespmem:v30+s4+$0x0], $0xffff;
	s0 =	sor.u32 s7, s30  }
0x2ab: {  	s10 =	sadd.s32 $0x40, s10;
	v29 =	vor.u32 v7, v19;
	s7 =	smov.u32 s20;
	[tilespmem:s13+$0x0] =	vst v26;
	v26 =	vld.idx.msk [tilespmem:v27+s4+$0x0], $0xffff;
	s13 =	smov.u32 s14  }
0x2ac: {  	s5 =	smov.u32 s11;
	v27 =	vld [tilespmem:s10+$0x0];
	[tilespmem:s29+$0x280] =	vst v36  }
0x2ad: {  	[tilespmem:s26+$0x300] =	vst v25;
	v20 =	vld.idx.msk [tilespmem:v20+s4+$0x0], $0xffff;
	v25 =	vor.u32 v7, v17  }
0x2ae: {  	v30 =	vld.idx.msk [tilespmem:v32+s4+$0x0], $0xffff;
	[tilespmem:s25+$0x300] =	vst v31  }
0x2af: {  	v32 =	vor.u32 v7, v21;
	v31 =	vld [tilespmem:s10+$0xFFFFFFE0];
	[tilespmem:s23+$0x300] =	vst v33  }
0x2b0: {  	s11 =	sor.u32 s9, s30;
	s9 =	smov.u32 s21;
	v29 =	vld.idx.msk [tilespmem:v29+s4+$0x0], $0xffff;
	[tilespmem:s2+$0x0] =	vst v28  }
0x2b1: {  	v28 =	vor.u32 v8, v18;
	[tilespmem:s11+$0x0] =	vst v26;
	v24 =	vld.idx.msk [tilespmem:v24+s4+$0x0], $0xffff  }
0x2b2: {  	v33 =	vor.u32 v8, v19;
	v34 =	vld.idx.msk [tilespmem:v25+s4+$0x0], $0xffff  }
0x2b3: {  	v25 =	vld [tilespmem:s10+$0x10];
	[tilespmem:s29+$0x300] =	vst v20  }
0x2b4: {  	v35 =	vor.u32 v8, v17;
	v32 =	vld.idx.msk [tilespmem:v32+s4+$0x0], $0xffff  }
0x2b5: {  	v36 =	vld [tilespmem:s10+$0xFFFFFFF0];
	[tilespmem:s26+$0x380] =	vst v30;
	v30 =	vor.u32 v15, v16;
	v16 =	vmov v19  }
0x2b6: {  	v26 =	vshll.u32 v31, $0x8;
	v28 =	vld.idx.msk [tilespmem:v28+s4+$0x0], $0xffff;
	[tilespmem:s23+$0x380] =	vst v29;
	v29 =	vor.u32 v8, v21  }
0x2b7: {  	v31 =	vor.u32 v0, v26;
	v33 =	vld.idx.msk [tilespmem:v33+s4+$0x0], $0xffff;
	[tilespmem:s24+$0x0] =	vst v24  }
0x2b8: {  	v24 =	vor.u32 v9, v18;
	v25 =	vshll.u32 v25, $0x8;
	[tilespmem:s25+$0x380] =	vst v34;
	v23 =	vld.idx.msk [tilespmem:v23+s4+$0x0], $0xffff  }
0x2b9: {  	v20 =	vshll.u32 v27, $0x8;
	v27 =	vor.u32 v0, v25;
	v34 =	vld.idx.msk [tilespmem:v35+s4+$0x0], $0xffff  }
0x2ba: {  	s2 =	sadd.s32 $0x6E00, s12;
	v35 =	vor.u32 v0, v20;
	v19 =	vshll.u32 v36, $0x8;
	[tilespmem:s29+$0x380] =	vst v32;
	v30 =	vld.idx.msk [tilespmem:v30+s4+$0x0], $0xffff  }
0x2bb: {  	s11 =	sor.u32 s13, s2;
	s14 =	sor.u32 s5, s2;
	v36 =	vor.u32 v9, v17;
	v32 =	vor.u32 v0, v19;
	v29 =	vld.idx.msk [tilespmem:v29+s4+$0x0], $0xffff  }
0x2bc: {  	v31 =	vld.idx.msk [tilespmem:v31+s4+$0x0], $0xffff;
	[tilespmem:s11+$0x0] =	vst v28;
	v28 =	vor.u32 v9, v16  }
0x2bd: {  	v24 =	vld.idx.msk [tilespmem:v24+s4+$0x0], $0xffff;
	[tilespmem:s14+$0x0] =	vst v33;
	v33 =	vor.u32 v9, v21  }
0x2be: {  	s18 =	sadd.s32 $0x40, s18;
	s3 =	sadd.s32 $0x200, s3;
	s11 =	sor.u32 s7, s2;
	v27 =	vld.idx.msk [tilespmem:v27+s4+$0x0], $0xffff;
	[tilespmem:s17+$0x0] =	vst v23  }
0x2bf: {  	s15 =	sand.u32 $0x7C00, s3;
	s14 =	sadd.s32 $0xFFFFFFD0, s18;
	[tilespmem:s11+$0x0] =	vst v34;
	v22 =	vld.idx.msk [tilespmem:v22+s4+$0x0], $0xffff  }
0x2c0: {  	s2 =	sor.u32 s9, s2;
	s14 =	sand.u32 $0x40, s14;
	s17 =	sadd.s32 $0x1E00, s15;
	v23 =	vor.u32 v1, v26;
	v34 =	vld.idx.msk [tilespmem:v36+s4+$0x0], $0xffff;
	[tilespmem:s28+$0x0] =	vst v30  }
0x2c1: {  	s24 =	sadd.s32 $0x6E80, s15;
	s26 =	sor.u32 s14, s17;
	v30 =	vor.u32 v10, v18;
	v28 =	vld.idx.msk [tilespmem:v28+s4+$0x0], $0xffff;
	[tilespmem:s2+$0x0] =	vst v29  }
0x2c2: {  	s20 =	sand.u32 $0x70, s18;
	s2 =	sor.u32 s14, s24;
	v29 =	vor.u32 v1, v25;
	[tilespmem:s26+$0x0] =	vst v31;
	v31 =	vld.idx.msk [tilespmem:v33+s4+$0x0], $0xffff  }
0x2c3: {  	s25 =	sor.u32 s20, s17;
	s11 =	sor.u32 s20, s24;
	v32 =	vld.idx.msk [tilespmem:v32+s4+$0x0], $0xffff;
	[tilespmem:s1+$0x0] =	vst v24;
	v24 =	vor.u32 v10, v17;
	s1 =	smov.u32 s2  }
0x2c4: {  	v33 =	vld.idx.msk [tilespmem:v35+s4+$0x0], $0xffff;
	[tilespmem:s25+$0x0] =	vst v27;
	v27 =	vor.u32 v10, v21  }
0x2c5: {  	v36 =	vor.u32 v10, v16;
	v35 =	vor.u32 v1, v19;
	v23 =	vld.idx.msk [tilespmem:v23+s4+$0x0], $0xffff;
	[tilespmem:s0+$0x0] =	vst v22  }
0x2c6: {  	s0 =	sadd.s32 $0xFFFFFFE0, s18;
	v22 =	vld.idx.msk [tilespmem:v30+s4+$0x0], $0xffff;
	[tilespmem:s22+$0x0] =	vst v34;
	s22 =	smov.u32 s11  }
0x2c7: {  	s11 =	sand.u32 $0x50, s0;
	s0 =	sadd.s32 $0xFFFFFFF0, s18;
	v30 =	vor.u32 v1, v20;
	v29 =	vld.idx.msk [tilespmem:v29+s4+$0x0], $0xffff;
	[tilespmem:s8+$0x0] =	vst v28  }
0x2c8: {  	s23 =	sor.u32 s11, s17;
	s8 =	sor.u32 s11, s24;
	s21 =	sand.u32 $0x60, s0;
	v28 =	vor.u32 v11, v18;
	[tilespmem:s16+$0x0] =	vst v31;
	v24 =	vld.idx.msk [tilespmem:v24+s4+$0x0], $0xffff  }
0x2c9: {  	v31 =	vor.u32 v2, v26;
	s29 =	sor.u32 s21, s17;
	s16 =	sor.u32 s21, s24;
	[tilespmem:s23+$0x0] =	vst v32;
	v27 =	vld.idx.msk [tilespmem:v27+s4+$0x0], $0xffff  }
0x2ca: {  	s0 =	sadd.s32 $0x6F00, s12;
	v32 =	vld.idx.msk [tilespmem:v35+s4+$0x0], $0xffff;
	[tilespmem:s29+$0x0] =	vst v33;
	v33 =	vor.u32 v2, v25  }
0x2cb: {  	v34 =	vor.u32 v11, v21;
	s2 =	sor.u32 s13, s0;
	s17 =	sor.u32 s7, s0;
	[tilespmem:s26+$0x80] =	vst v23;
	v23 =	vld.idx.msk [tilespmem:v36+s4+$0x0], $0xffff  }
0x2cc: {  	v35 =	vor.u32 v2, v19;
	v30 =	vld.idx.msk [tilespmem:v30+s4+$0x0], $0xffff;
	[tilespmem:s2+$0x0] =	vst v22  }
0x2cd: {  	[tilespmem:s25+$0x80] =	vst v29;
	v22 =	vld.idx.msk [tilespmem:v28+s4+$0x0], $0xffff;
	v28 =	vor.u32 v11, v16;
	v29 =	vor.u32 v11, v17  }
0x2ce: {  	s2 =	sor.u32 s5, s0;
	s0 =	sor.u32 s9, s0;
	v31 =	vld.idx.msk [tilespmem:v31+s4+$0x0], $0xffff;
	[tilespmem:s17+$0x0] =	vst v24  }
0x2cf: {  	v24 =	vld.idx.msk [tilespmem:v33+s4+$0x0], $0xffff;
	v33 =	vor.u32 v12, v18;
	[tilespmem:s0+$0x0] =	vst v27  }
0x2d0: {  	v27 =	vor.u32 v2, v20;
	[tilespmem:s23+$0x80] =	vst v32;
	v32 =	vld.idx.msk [tilespmem:v34+s4+$0x0], $0xffff  }
0x2d1: {  	s0 =	sadd.s32 $0x6F80, s12;
	v34 =	vor.u32 v3, v26;
	v35 =	vld.idx.msk [tilespmem:v35+s4+$0x0], $0xffff;
	[tilespmem:s2+$0x0] =	vst v23  }
0x2d2: {  	s17 =	sor.u32 s7, s0;
	v23 =	vor.u32 v3, v25;
	s2 =	sor.u32 s13, s0;
	[tilespmem:s29+$0x80] =	vst v30;
	v28 =	vld.idx.msk [tilespmem:v28+s4+$0x0], $0xffff  }
0x2d3: {  	v30 =	vor.u32 v3, v19;
	[tilespmem:s2+$0x0] =	vst v22;
	v22 =	vld.idx.msk [tilespmem:v29+s4+$0x0], $0xffff  }
0x2d4: {  	[tilespmem:s26+$0x100] =	vst v31;
	v29 =	vld.idx.msk [tilespmem:v33+s4+$0x0], $0xffff;
	v31 =	vor.u32 v12, v16  }
0x2d5: {  	s2 =	sor.u32 s5, s0;
	s0 =	sor.u32 s9, s0;
	v27 =	vld.idx.msk [tilespmem:v27+s4+$0x0], $0xffff;
	[tilespmem:s25+$0x100] =	vst v24;
	v24 =	vor.u32 v12, v21  }
0x2d6: {  	v33 =	vld.idx.msk [tilespmem:v34+s4+$0x0], $0xffff;
	v34 =	vor.u32 v13, v18;
	[tilespmem:s0+$0x0] =	vst v32  }
0x2d7: {  	v32 =	vor.u32 v3, v20;
	[tilespmem:s23+$0x100] =	vst v35;
	v23 =	vld.idx.msk [tilespmem:v23+s4+$0x0], $0xffff  }
0x2d8: {  	s0 =	sadd.s32 $0x7000, s12;
	v35 =	vor.u32 v4, v26;
	v30 =	vld.idx.msk [tilespmem:v30+s4+$0x0], $0xffff;
	[tilespmem:s2+$0x0] =	vst v28  }
0x2d9: {  	s24 =	sor.u32 s13, s0;
	v28 =	vor.u32 v4, v25;
	s2 =	sor.u32 s7, s0;
	v31 =	vld.idx.msk [tilespmem:v31+s4+$0x0], $0xffff;
	[tilespmem:s17+$0x0] =	vst v22  }
0x2da: {  	v22 =	vor.u32 v4, v19;
	[tilespmem:s24+$0x0] =	vst v29;
	v29 =	vld.idx.msk [tilespmem:v24+s4+$0x0], $0xffff  }
0x2db: {  	[tilespmem:s29+$0x100] =	vst v27;
	v27 =	vld.idx.msk [tilespmem:v34+s4+$0x0], $0xffff;
	v34 =	vor.u32 v13, v16  }
0x2dc: {  	s17 =	sor.u32 s5, s0;
	v24 =	vor.u32 v13, v17;
	[tilespmem:s26+$0x180] =	vst v33;
	v32 =	vld.idx.msk [tilespmem:v32+s4+$0x0], $0xffff;
	v33 =	vor.u32 v13, v21  }
0x2dd: {  	v35 =	vld.idx.msk [tilespmem:v35+s4+$0x0], $0xffff;
	[tilespmem:s25+$0x180] =	vst v23;
	v23 =	vor.u32 v14, v18  }
0x2de: {  	[tilespmem:s23+$0x180] =	vst v30;
	v30 =	vor.u32 v4, v20;
	v28 =	vld.idx.msk [tilespmem:v28+s4+$0x0], $0xffff  }
0x2df: {  	s28 =	sadd.s32 $0x7080, s12;
	v36 =	vor.u32 v5, v26;
	s0 =	sor.u32 s9, s0;
	v22 =	vld.idx.msk [tilespmem:v22+s4+$0x0], $0xffff;
	[tilespmem:s17+$0x0] =	vst v31  }
0x2e0: {  	s24 =	sor.u32 s7, s28;
	v31 =	vor.u32 v5, v25;
	s17 =	sor.u32 s13, s28;
	v37 =	vld.idx.msk [tilespmem:v34+s4+$0x0], $0xffff;
	[tilespmem:s0+$0x0] =	vst v29  }
0x2e1: {  	v29 =	vor.u32 v5, v19;
	[tilespmem:s17+$0x0] =	vst v27;
	v27 =	vld.idx.msk [tilespmem:v33+s4+$0x0], $0xffff  }
0x2e2: {  	v39 =	vor.u32 v14, v16;
	[tilespmem:s29+$0x180] =	vst v32;
	v38 =	vld.idx.msk [tilespmem:v23+s4+$0x0], $0xffff  }
0x2e3: {  	s17 =	sor.u32 s5, s28;
	v23 =	vor.u32 v14, v17;
	[tilespmem:s26+$0x200] =	vst v35;
	v40 =	vld.idx.msk [tilespmem:v30+s4+$0x0], $0xffff;
	v30 =	vor.u32 v14, v21  }
0x2e4: {  	v41 =	vor.u32 v15, v18;
	v18 =	vmov v26;
	v36 =	vld.idx.msk [tilespmem:v36+s4+$0x0], $0xffff;
	[tilespmem:s25+$0x200] =	vst v28  }
0x2e5: {  	[tilespmem:s23+$0x200] =	vst v22;
	v22 =	vor.u32 v5, v20;
	v31 =	vld.idx.msk [tilespmem:v31+s4+$0x0], $0xffff  }
.Ltmp4:
0x2e6: {  	v34 =	vor.u32 v6, v18;
	s0 =	sadd.s32 $0x7100, s12;
	v32 =	vld.idx.msk [tilespmem:v29+s4+$0x0], $0xffff;
	[tilespmem:s17+$0x0] =	vst v37;
	s17 =	sor.u32 s9, s28;
	(pc) =	sbr.rel @p1 .LBB2_7-.Ltmp4, $4  }
0x2e7: {  	v33 =	vor.u32 v6, v25;
	s28 =	sor.u32 s13, s0;
	v29 =	vld.idx.msk [tilespmem:v39+s4+$0x0], $0xffff;
	[tilespmem:s17+$0x0] =	vst v27;
	s17 =	sor.u32 s7, s0  }
0x2e8: {  	v35 =	vor.u32 v6, v19;
	[tilespmem:s28+$0x0] =	vst v38;
	v28 =	vld.idx.msk [tilespmem:v30+s4+$0x0], $0xffff;
	v30 =	vor.u32 v12, v17  }
0x2e9: {  	[tilespmem:s29+$0x200] =	vst v40;
	v26 =	vld.idx.msk [tilespmem:v41+s4+$0x0], $0xffff  }
0x2ea: {  	v27 =	vor.u32 v15, v21;
	s28 =	sor.u32 s5, s0;
	[tilespmem:s26+$0x280] =	vst v36;
	v36 =	vld.idx.msk [tilespmem:v22+s4+$0x0], $0xffff;
	v22 =	vor.u32 v15, v17;
	v17 =	vmov v25  }
0x2eb: {  	_ = 	snop  }
0x2ec: {  	v21 =	vor.u32 v6, v20;
	_ =	sdelay $0x1  }
0x2ed: {  	[tilespmem:s23+$0x280] =	vst v32  }
0x2ee: {  	[tilespmem:s25+$0x280] =	vst v31;
	v31 =	vld.idx.msk [tilespmem:v35+s4+$0x0], $0xffff  }
0x2ef: {  	v25 =	vld.idx.msk [tilespmem:v34+s4+$0x0], $0xffff;
	v50 =	vor.u32 v7, v19;
	[tilespmem:s29+$0x280] =	vst v36  }
0x2f0: {  	v48 =	vor.u32 v7, v18;
	v21 =	vld.idx.msk [tilespmem:v21+s4+$0x0], $0xffff  }
0x2f1: {  	v49 =	vor.u32 v7, v20;
	v33 =	vld.idx.msk [tilespmem:v33+s4+$0x0], $0xffff  }
0x2f2: {  	v51 =	vor.u32 v7, v17  }
0x2f3: {  	[tilespmem:s23+$0x300] =	vst v31  }
0x2f4: {  	[tilespmem:s26+$0x300] =	vst v25;
	v52 =	vld.idx.msk [tilespmem:v50+s4+$0x0], $0xffff  }
0x2f5: {  	v54 =	vor.u32 v8, v19;
	v25 =	vld.idx.msk [tilespmem:v48+s4+$0x0], $0xffff;
	[tilespmem:s29+$0x300] =	vst v21  }
0x2f6: {  	[tilespmem:s25+$0x300] =	vst v33;
	v21 =	vor.u32 v8, v18;
	v31 =	vld.idx.msk [tilespmem:v49+s4+$0x0], $0xffff  }
0x2f7: {  	v53 =	vor.u32 v8, v20;
	v55 =	vld.idx.msk [tilespmem:v51+s4+$0x0], $0xffff  }
0x2f8: {  	v56 =	vor.u32 v8, v17  }
0x2f9: {  	[tilespmem:s23+$0x380] =	vst v52  }
0x2fa: {  	[tilespmem:s26+$0x380] =	vst v25;
	v32 =	vld.idx.msk [tilespmem:v54+s4+$0x0], $0xffff  }
0x2fb: {  	v59 =	vor.u32 v9, v19;
	v21 =	vld.idx.msk [tilespmem:v21+s4+$0x0], $0xffff;
	[tilespmem:s29+$0x380] =	vst v31  }
0x2fc: {  	v25 =	vor.u32 v9, v18;
	[tilespmem:s25+$0x380] =	vst v55;
	v31 =	vld.idx.msk [tilespmem:v53+s4+$0x0], $0xffff  }
0x2fd: {  	v57 =	vor.u32 v9, v20;
	s3 =	sadd.s32 $0x6E00, s15;
	v58 =	vld.idx.msk [tilespmem:v56+s4+$0x0], $0xffff  }
0x2fe: {  	v60 =	vor.u32 v9, v17;
	s10 =	sor.u32 s11, s3  }
0x2ff: {  	s6 =	sor.u32 s14, s3;
	[tilespmem:s10+$0x0] =	vst v32  }
0x300: {  	s26 =	sor.u32 s21, s3;
	v32 =	vld.idx.msk [tilespmem:v59+s4+$0x0], $0xffff;
	[tilespmem:s6+$0x0] =	vst v21  }
0x301: {  	v62 =	vor.u32 v10, v19;
	s3 =	sor.u32 s20, s3;
	v21 =	vld.idx.msk [tilespmem:v25+s4+$0x0], $0xffff;
	[tilespmem:s26+$0x0] =	vst v31  }
0x302: {  	[tilespmem:s3+$0x0] =	vst v58;
	v25 =	vor.u32 v10, v18;
	v31 =	vld.idx.msk [tilespmem:v57+s4+$0x0], $0xffff  }
0x303: {  	v61 =	vor.u32 v10, v20;
	v34 =	vld.idx.msk [tilespmem:v60+s4+$0x0], $0xffff  }
0x304: {  	v63 =	vor.u32 v10, v17  }
0x305: {  	[tilespmem:s8+$0x0] =	vst v32  }
0x306: {  	v32 =	vld.idx.msk [tilespmem:v62+s4+$0x0], $0xffff;
	[tilespmem:s1+$0x0] =	vst v21  }
0x307: {  	v41 =	vor.u32 v11, v19;
	v21 =	vld.idx.msk [tilespmem:v25+s4+$0x0], $0xffff;
	[tilespmem:s16+$0x0] =	vst v31  }
0x308: {  	[tilespmem:s22+$0x0] =	vst v34;
	v25 =	vor.u32 v11, v18;
	v31 =	vld.idx.msk [tilespmem:v61+s4+$0x0], $0xffff  }
0x309: {  	v40 =	vor.u32 v11, v20;
	s18 =	sadd.s32 $0x6F00, s15;
	v34 =	vld.idx.msk [tilespmem:v63+s4+$0x0], $0xffff  }
0x30a: {  	v42 =	vor.u32 v11, v17;
	s25 =	sor.u32 s11, s18  }
0x30b: {  	s22 =	sor.u32 s14, s18;
	[tilespmem:s25+$0x0] =	vst v32  }
0x30c: {  	s23 =	sor.u32 s21, s18;
	v32 =	vld.idx.msk [tilespmem:v41+s4+$0x0], $0xffff;
	[tilespmem:s22+$0x0] =	vst v21  }
0x30d: {  	v44 =	vor.u32 v12, v19;
	s1 =	sor.u32 s20, s18;
	v21 =	vld.idx.msk [tilespmem:v25+s4+$0x0], $0xffff;
	[tilespmem:s23+$0x0] =	vst v31  }
0x30e: {  	[tilespmem:s1+$0x0] =	vst v34;
	v25 =	vor.u32 v12, v18;
	v31 =	vld.idx.msk [tilespmem:v40+s4+$0x0], $0xffff  }
0x30f: {  	v43 =	vor.u32 v12, v20;
	s0 =	sor.u32 s9, s0;
	[tilespmem:s28+$0x0] =	vst v29;
	s26 =	sadd.s32 $0x6F80, s15;
	v34 =	vld.idx.msk [tilespmem:v42+s4+$0x0], $0xffff  }
0x310: {  	v30 =	vld.idx.msk [tilespmem:v30+s4+$0x0], $0xffff;
	v29 =	vor.u32 v12, v17;
	[tilespmem:s0+$0x0] =	vst v28;
	s10 =	sor.u32 s11, s26  }
0x311: {  	s6 =	sor.u32 s14, s26;
	[tilespmem:s10+$0x0] =	vst v32  }
0x312: {  	s8 =	sor.u32 s21, s26;
	v32 =	vld.idx.msk [tilespmem:v44+s4+$0x0], $0xffff;
	[tilespmem:s6+$0x0] =	vst v21  }
0x313: {  	v28 =	vor.u32 v13, v19;
	s1 =	sor.u32 s20, s26;
	v21 =	vld.idx.msk [tilespmem:v25+s4+$0x0], $0xffff;
	[tilespmem:s8+$0x0] =	vst v31  }
0x314: {  	s25 =	sadd.s32 $0x7180, s12;
	[tilespmem:s1+$0x0] =	vst v34;
	v25 =	vor.u32 v13, v18;
	v31 =	vld.idx.msk [tilespmem:v43+s4+$0x0], $0xffff  }
0x315: {  	v45 =	vor.u32 v13, v20;
	[tilespmem:s2+$0x0] =	vst v30;
	s16 =	sadd.s32 $0x7000, s15;
	s26 =	sor.u32 s13, s25;
	v29 =	vld.idx.msk [tilespmem:v29+s4+$0x0], $0xffff  }
0x316: {  	v30 =	vor.u32 v13, v17;
	v24 =	vld.idx.msk [tilespmem:v24+s4+$0x0], $0xffff;
	[tilespmem:s26+$0x0] =	vst v26;
	s23 =	sor.u32 s11, s16  }
0x317: {  	s18 =	sor.u32 s14, s16;
	[tilespmem:s23+$0x0] =	vst v32  }
0x318: {  	s22 =	sor.u32 s21, s16;
	v28 =	vld.idx.msk [tilespmem:v28+s4+$0x0], $0xffff;
	[tilespmem:s18+$0x0] =	vst v21  }
0x319: {  	s0 =	sor.u32 s20, s16;
	v26 =	vor.u32 v14, v19;
	v21 =	vld.idx.msk [tilespmem:v25+s4+$0x0], $0xffff;
	[tilespmem:s22+$0x0] =	vst v31  }
0x31a: {  	[tilespmem:s0+$0x0] =	vst v29;
	v25 =	vor.u32 v14, v18;
	v31 =	vld.idx.msk [tilespmem:v45+s4+$0x0], $0xffff  }
0x31b: {  	v46 =	vor.u32 v14, v20;
	[tilespmem:s24+$0x0] =	vst v24;
	s3 =	sadd.s32 $0x7080, s15;
	v29 =	vld.idx.msk [tilespmem:v30+s4+$0x0], $0xffff  }
0x31c: {  	v24 =	vor.u32 v14, v17;
	v23 =	vld.idx.msk [tilespmem:v23+s4+$0x0], $0xffff;
	s10 =	sor.u32 s11, s3  }
0x31d: {  	v16 =	vor.u32 v15, v16;
	v27 =	vld.idx.msk [tilespmem:v27+s4+$0x0], $0xffff;
	s6 =	sor.u32 s14, s3;
	[tilespmem:s10+$0x0] =	vst v28  }
0x31e: {  	s8 =	sor.u32 s21, s3;
	v26 =	vld.idx.msk [tilespmem:v26+s4+$0x0], $0xffff;
	[tilespmem:s6+$0x0] =	vst v21  }
0x31f: {  	v19 =	vor.u32 v15, v19;
	s0 =	sor.u32 s20, s3;
	v21 =	vld.idx.msk [tilespmem:v25+s4+$0x0], $0xffff;
	[tilespmem:s8+$0x0] =	vst v31  }
0x320: {  	v18 =	vor.u32 v15, v18;
	[tilespmem:s0+$0x0] =	vst v29;
	v25 =	vld.idx.msk [tilespmem:v46+s4+$0x0], $0xffff  }
0x321: {  	v20 =	vor.u32 v15, v20;
	[tilespmem:s17+$0x0] =	vst v23;
	s12 =	sor.u32 s9, s25;
	s13 =	sadd.s32 $0x7100, s15;
	v24 =	vld.idx.msk [tilespmem:v24+s4+$0x0], $0xffff  }
0x322: {  	v16 =	vld.idx.msk [tilespmem:v16+s4+$0x0], $0xffff;
	v17 =	vor.u32 v15, v17;
	[tilespmem:s12+$0x0] =	vst v27;
	s18 =	sor.u32 s11, s13  }
0x323: {  	v22 =	vld.idx.msk [tilespmem:v22+s4+$0x0], $0xffff;
	s16 =	sor.u32 s14, s13;
	[tilespmem:s18+$0x0] =	vst v26  }
0x324: {  	s17 =	sor.u32 s21, s13;
	v19 =	vld.idx.msk [tilespmem:v19+s4+$0x0], $0xffff;
	[tilespmem:s16+$0x0] =	vst v21  }
0x325: {  	s0 =	sor.u32 s20, s13;
	v18 =	vld.idx.msk [tilespmem:v18+s4+$0x0], $0xffff;
	[tilespmem:s17+$0x0] =	vst v25  }
0x326: {  	s24 =	sor.u32 s7, s25;
	s23 =	sor.u32 s5, s25;
	[tilespmem:s0+$0x0] =	vst v24;
	v20 =	vld.idx.msk [tilespmem:v20+s4+$0x0], $0xffff  }
0x327: {  	s25 =	sadd.s32 $0x7180, s15;
	s22 =	sshll.u32 s19, $0x6;
	s0 =	rddreg [dreg:$0x5];
	[tilespmem:s23+$0x0] =	vst v16;
	v16 =	vld.idx.msk [tilespmem:v17+s4+$0x0], $0xffff  }
0x328: {  	s6 =	sor.u32 s11, s25;
	[tilespmem:s24+$0x0] =	vst v22;
	s5 =	sor.u32 s0, s22  }
0x329: {  	s26 =	sor.u32 s14, s25;
	[tilespmem:s6+$0x0] =	vst v19;
	p1 =	slt.s32 s5, $0x4E1;
	s2 =	smov.u32 s5  }
0x32a: {  	s3 =	sor.u32 s21, s25;
	s2 =	simm.s32 @!p1 $0x4E1;
	[tilespmem:s26+$0x0] =	vst v18  }
0x32b: {  	s7 =	sor.u32 s20, s25;
	s2 =	smul.u32 $0x5000, s2;
	[tilespmem:s3+$0x0] =	vst v20  }
0x32c: {  	s10 =	rddreg [dreg:$0x2];
	[tilespmem:s7+$0x0] =	vst v16  }
0x32d: {  	s12 =	simm.s32 $0x0;
	s9 =	sshrl.u32 s2, $0x3;
	s14 =	rddreg [dreg:$0xf]  }
0x32e: {  	s13 =	simm.s32 $0x1E00;
	s11 =	sadd.s32 s10, s9;
	s0 =	sadd.s32 s14, s22  }
0x32f: {  	[hbm4b:s11+s12] =	stream.linear.scatter [tilespmem:s13], [sflag:$0x3], $0x5000, $0x38;
	[tilespmem:$0x15E00] =	vst v63  }
0x330: {  	s2 =	sadd.s32 $0x186A000, s2;
	p1 =	slt.s32 s0, $0x4E1  }
0x331: {  	s2 =	sshrl.u32 s2, $0x3;
	s0 =	simm.s32 @!p1 $0x4E1  }
0x332: {  	s15 =	simm.s32 $0x6E00;
	s2 =	sadd.s32 s10, s2;
	s0 =	smul.u32 $0xA00, s0  }
0x333: {  	[hbm4b:s2+s12] =	stream.linear.scatter [tilespmem:s15], [sflag:$0x3], $0x5000, $0x38;
	[tilespmem:$0x15E00] =	vst v63  }
0x334: {  	s16 =	simm.s32 $0xA00;
	s0 =	sshrl.u32 s0, $0x3  }
0x335: {  	s17 =	simm.s32 $0x2;
	[dreg:$0x15] =	wrdreg s22;
	s0 =	sadd.s32 s31, s0  }
0x336: {  	[tilespmem:s16], [sflag:$0x1] =	stream.linear.gather [hbm4b:s0+s12], $0xA00, $0x38;
	[tilespmem:$0x15E00] =	vst v63  }
0x337: {  	_ =	swait.ge [sflag:s17], $0xA00  }
0x338: {  	[sflag:s17] =	ssyncset.done $0x0  }
0x339: {  	s18 =	simm.s32 $0x4;
	[sflag:s17] =	ssyncadd.s32 $0xFFFFF600  }
0x33a: {  	_ =	swait.ge [sflag:s18], $0x5000  }
0x33b: {  	[sflag:s18] =	ssyncset.done $0x0  }
0x33c: {  	[sflag:s18] =	ssyncadd.s32 $0xFFFFB000  }
0x33d: {  	_ =	swait.ge [sflag:s18], $0x5000  }
0x33e: {  	[sflag:s18] =	ssyncset.done $0x0  }
0x33f: {  	s20 =	simm.s32 $0x1420;
	[sflag:s18] =	ssyncadd.s32 $0xFFFFB000  }
0x340: {  	v16 =	vld [tilespmem:s20+$0xFFFFFFE0];
	_ =	sdelay $0x1  }
0x341: {  	v17 =	vld [tilespmem:s20+$0x10];
	_ =	sdelay $0x1  }
0x342: {  	v18 =	vld [tilespmem:s20+$0xFFFFFFF0]  }
0x343: {  	v19 =	vld [tilespmem:s20+$0x0];
	v23 =	vshll.u32 v16, $0x8  }
0x344: {  	v20 =	vor.u32 v0, v23  }
0x345: {  	v21 =	vshll.u32 v17, $0x8  }
0x346: {  	v17 =	vor.u32 v0, v21  }
0x347: {  	v16 =	vshll.u32 v18, $0x8  }
0x348: {  	v22 =	vshll.u32 v19, $0x8;
	v18 =	vor.u32 v0, v16  }
0x349: {  	v19 =	vor.u32 v0, v22;
	v20 =	vld.idx.msk [tilespmem:v20+s4+$0x0], $0xffff  }
0x34a: {  	v24 =	vor.u32 v1, v23  }
0x34b: {  	s21 =	simm.s32 $0x0;
	s13 =	sand.u32 $0x7C00, s12;
	v17 =	vld.idx.msk [tilespmem:v17+s4+$0x0], $0xffff  }
0x34c: {  	s14 =	sand.u32 $0x40, s21;
	s22 =	sadd.s32 $0xBE00, s13;
	v25 =	vor.u32 v1, v21  }
0x34d: {  	s23 =	simm.s32 $0x30;
	s24 =	sor.u32 s14, s22;
	v18 =	vld.idx.msk [tilespmem:v18+s4+$0x0], $0xffff  }
0x34e: {  	s7 =	sand.u32 $0x70, s23;
	v19 =	vld.idx.msk [tilespmem:v19+s4+$0x0], $0xffff;
	[tilespmem:s24+$0x0] =	vst v20;
	v20 =	vor.u32 v1, v16  }
0x34f: {  	s25 =	simm.s32 $0x10;
	s0 =	sor.u32 s7, s22;
	v26 =	vor.u32 v1, v22;
	v24 =	vld.idx.msk [tilespmem:v24+s4+$0x0], $0xffff  }
0x350: {  	s26 =	simm.s32 $0x20;
	s9 =	sand.u32 $0x50, s25;
	[tilespmem:s0+$0x0] =	vst v17;
	v17 =	vor.u32 v2, v23  }
0x351: {  	s3 =	sor.u32 s9, s22;
	s12 =	sand.u32 $0x60, s26;
	v25 =	vld.idx.msk [tilespmem:v25+s4+$0x0], $0xffff  }
0x352: {  	s2 =	sor.u32 s12, s22;
	[tilespmem:s3+$0x0] =	vst v18;
	v18 =	vor.u32 v2, v21  }
0x353: {  	[tilespmem:s2+$0x0] =	vst v19;
	v20 =	vld.idx.msk [tilespmem:v20+s4+$0x0], $0xffff  }
0x354: {  	v19 =	vor.u32 v2, v16;
	[tilespmem:s24+$0x80] =	vst v24;
	v24 =	vld.idx.msk [tilespmem:v26+s4+$0x0], $0xffff  }
0x355: {  	v26 =	vor.u32 v2, v22;
	v17 =	vld.idx.msk [tilespmem:v17+s4+$0x0], $0xffff  }
0x356: {  	[tilespmem:s0+$0x80] =	vst v25;
	v25 =	vor.u32 v3, v23  }
0x357: {  	v18 =	vld.idx.msk [tilespmem:v18+s4+$0x0], $0xffff  }
0x358: {  	[tilespmem:s3+$0x80] =	vst v20;
	v20 =	vor.u32 v3, v21  }
0x359: {  	v19 =	vld.idx.msk [tilespmem:v19+s4+$0x0], $0xffff;
	[tilespmem:s2+$0x80] =	vst v24  }
0x35a: {  	v24 =	vor.u32 v3, v16;
	[tilespmem:s24+$0x100] =	vst v17;
	v17 =	vld.idx.msk [tilespmem:v26+s4+$0x0], $0xffff  }
0x35b: {  	v26 =	vor.u32 v3, v22;
	v25 =	vld.idx.msk [tilespmem:v25+s4+$0x0], $0xffff  }
0x35c: {  	[tilespmem:s0+$0x100] =	vst v18;
	v18 =	vor.u32 v4, v23  }
0x35d: {  	v20 =	vld.idx.msk [tilespmem:v20+s4+$0x0], $0xffff  }
0x35e: {  	[tilespmem:s3+$0x100] =	vst v19;
	v19 =	vor.u32 v4, v21  }
0x35f: {  	v24 =	vld.idx.msk [tilespmem:v24+s4+$0x0], $0xffff;
	[tilespmem:s2+$0x100] =	vst v17  }
0x360: {  	v17 =	vor.u32 v4, v16;
	[tilespmem:s24+$0x180] =	vst v25;
	v25 =	vld.idx.msk [tilespmem:v26+s4+$0x0], $0xffff  }
0x361: {  	v26 =	vor.u32 v4, v22;
	v18 =	vld.idx.msk [tilespmem:v18+s4+$0x0], $0xffff  }
0x362: {  	[tilespmem:s0+$0x180] =	vst v20;
	v20 =	vor.u32 v5, v23  }
0x363: {  	v19 =	vld.idx.msk [tilespmem:v19+s4+$0x0], $0xffff  }
0x364: {  	[tilespmem:s3+$0x180] =	vst v24;
	v24 =	vor.u32 v5, v21  }
0x365: {  	v17 =	vld.idx.msk [tilespmem:v17+s4+$0x0], $0xffff;
	[tilespmem:s2+$0x180] =	vst v25  }
0x366: {  	v25 =	vor.u32 v5, v16;
	[tilespmem:s24+$0x200] =	vst v18;
	v18 =	vld.idx.msk [tilespmem:v26+s4+$0x0], $0xffff  }
0x367: {  	v26 =	vor.u32 v5, v22;
	v20 =	vld.idx.msk [tilespmem:v20+s4+$0x0], $0xffff  }
0x368: {  	[tilespmem:s0+$0x200] =	vst v19;
	v19 =	vor.u32 v6, v23  }
0x369: {  	v24 =	vld.idx.msk [tilespmem:v24+s4+$0x0], $0xffff  }
0x36a: {  	[tilespmem:s3+$0x200] =	vst v17;
	v17 =	vor.u32 v6, v21  }
0x36b: {  	v25 =	vld.idx.msk [tilespmem:v25+s4+$0x0], $0xffff;
	[tilespmem:s2+$0x200] =	vst v18  }
0x36c: {  	v18 =	vor.u32 v6, v16;
	[tilespmem:s24+$0x280] =	vst v20;
	v20 =	vld.idx.msk [tilespmem:v26+s4+$0x0], $0xffff  }
0x36d: {  	v26 =	vor.u32 v6, v22;
	v19 =	vld.idx.msk [tilespmem:v19+s4+$0x0], $0xffff  }
0x36e: {  	[tilespmem:s0+$0x280] =	vst v24;
	v24 =	vor.u32 v7, v23  }
0x36f: {  	v17 =	vld.idx.msk [tilespmem:v17+s4+$0x0], $0xffff  }
0x370: {  	[tilespmem:s3+$0x280] =	vst v25  }
0x371: {  	v25 =	vor.u32 v7, v21;
	v18 =	vld.idx.msk [tilespmem:v18+s4+$0x0], $0xffff;
	[tilespmem:s2+$0x280] =	vst v20  }
0x372: {  	v20 =	vor.u32 v7, v16;
	[tilespmem:s24+$0x300] =	vst v19;
	v19 =	vld.idx.msk [tilespmem:v26+s4+$0x0], $0xffff  }
0x373: {  	s11 =	simm.s32 $0x1460;
	v26 =	vor.u32 v7, v22;
	v24 =	vld.idx.msk [tilespmem:v24+s4+$0x0], $0xffff  }
0x374: {  	[tilespmem:s0+$0x300] =	vst v17;
	v17 =	vld [tilespmem:s11+$0xFFFFFFE0]  }
0x375: {  	v28 =	vld [tilespmem:s11+$0x10];
	v27 =	vor.u32 v8, v23  }
0x376: {  	v25 =	vld.idx.msk [tilespmem:v25+s4+$0x0], $0xffff;
	[tilespmem:s3+$0x300] =	vst v18  }
0x377: {  	v20 =	vld.idx.msk [tilespmem:v20+s4+$0x0], $0xffff;
	[tilespmem:s2+$0x300] =	vst v19;
	v19 =	vor.u32 v8, v21  }
0x378: {  	v29 =	vor.u32 v8, v16;
	v26 =	vld.idx.msk [tilespmem:v26+s4+$0x0], $0xffff  }
0x379: {  	v30 =	vld [tilespmem:s11+$0xFFFFFFF0];
	[tilespmem:s24+$0x380] =	vst v24;
	v24 =	vor.u32 v8, v22;
	v18 =	vshll.u32 v17, $0x8  }
0x37a: {  	v27 =	vld.idx.msk [tilespmem:v27+s4+$0x0], $0xffff;
	v31 =	vor.u32 v0, v18  }
0x37b: {  	v47 =	vld [tilespmem:s11+$0x0];
	v17 =	vshll.u32 v28, $0x8;
	v28 =	vor.u32 v9, v23;
	[tilespmem:s0+$0x380] =	vst v25  }
0x37c: {  	v25 =	vor.u32 v0, v17;
	[tilespmem:s3+$0x380] =	vst v20;
	v48 =	vld.idx.msk [tilespmem:v19+s4+$0x0], $0xffff  }
0x37d: {  	s6 =	sadd.s32 $0x10E00, s13;
	v29 =	vld.idx.msk [tilespmem:v29+s4+$0x0], $0xffff;
	[tilespmem:s2+$0x380] =	vst v26;
	v26 =	vor.u32 v9, v21  }
0x37e: {  	s8 =	sor.u32 s14, s6;
	v49 =	vor.u32 v9, v16;
	v24 =	vld.idx.msk [tilespmem:v24+s4+$0x0], $0xffff  }
0x37f: {  	v19 =	vshll.u32 v30, $0x8;
	[tilespmem:s8+$0x0] =	vst v27;
	v27 =	vor.u32 v9, v22;
	v30 =	vld.idx.msk [tilespmem:v31+s4+$0x0], $0xffff  }
0x380: {  	s29 =	simm.s32 $0x200;
	s10 =	sor.u32 s7, s6;
	v20 =	vshll.u32 v47, $0x8;
	v31 =	vor.u32 v0, v19;
	v28 =	vld.idx.msk [tilespmem:v28+s4+$0x0], $0xffff  }
0x381: {  	s15 =	sor.u32 s9, s6;
	s16 =	simm.s32 $0x40;
	s20 =	sand.u32 $0x7C00, s29;
	v32 =	vor.u32 v0, v20;
	v25 =	vld.idx.msk [tilespmem:v25+s4+$0x0], $0xffff;
	[tilespmem:s10+$0x0] =	vst v48  }
0x382: {  	s17 =	sadd.s32 $0xBE00, s20;
	v50 =	vor.u32 v10, v23;
	s0 =	sor.u32 s12, s6;
	[tilespmem:s15+$0x0] =	vst v29;
	s15 =	sand.u32 $0x40, s16;
	v26 =	vld.idx.msk [tilespmem:v26+s4+$0x0], $0xffff  }
0x383: {  	s30 =	simm.s32 $0x70;
	s18 =	sadd.s32 $0x10E80, s13;
	v29 =	vor.u32 v1, v18;
	s25 =	sor.u32 s15, s17;
	v34 =	vld.idx.msk [tilespmem:v49+s4+$0x0], $0xffff;
	[tilespmem:s0+$0x0] =	vst v24  }
0x384: {  	s21 =	sor.u32 s14, s18;
	s10 =	sand.u32 $0x70, s30;
	v24 =	vor.u32 v1, v17;
	[tilespmem:s25+$0x0] =	vst v30;
	v27 =	vld.idx.msk [tilespmem:v27+s4+$0x0], $0xffff  }
0x385: {  	s26 =	sor.u32 s10, s17;
	v30 =	vld.idx.msk [tilespmem:v31+s4+$0x0], $0xffff;
	[tilespmem:s21+$0x0] =	vst v28;
	v28 =	vor.u32 v10, v21  }
0x386: {  	s22 =	sor.u32 s7, s18;
	v31 =	vld.idx.msk [tilespmem:v32+s4+$0x0], $0xffff;
	[tilespmem:s26+$0x0] =	vst v25;
	v25 =	vor.u32 v10, v22  }
0x387: {  	s23 =	sor.u32 s9, s18;
	s24 =	simm.s32 $0x50;
	v51 =	vor.u32 v1, v19;
	v33 =	vld.idx.msk [tilespmem:v50+s4+$0x0], $0xffff;
	[tilespmem:s22+$0x0] =	vst v26  }
0x388: {  	v52 =	vor.u32 v1, v20;
	s8 =	sor.u32 s12, s18;
	s16 =	simm.s32 $0x60;
	s21 =	sand.u32 $0x50, s24;
	v29 =	vld.idx.msk [tilespmem:v29+s4+$0x0], $0xffff;
	[tilespmem:s23+$0x0] =	vst v34  }
0x389: {  	s3 =	sand.u32 $0x60, s16;
	s1 =	sor.u32 s21, s17;
	v26 =	vor.u32 v10, v16;
	v24 =	vld.idx.msk [tilespmem:v24+s4+$0x0], $0xffff;
	[tilespmem:s8+$0x0] =	vst v27  }
0x38a: {  	s23 =	sor.u32 s3, s17;
	s17 =	sadd.s32 $0x10F00, s13;
	v27 =	vor.u32 v11, v23;
	v28 =	vld.idx.msk [tilespmem:v28+s4+$0x0], $0xffff;
	[tilespmem:s1+$0x0] =	vst v30  }
0x38b: {  	v30 =	vor.u32 v2, v18;
	[tilespmem:s23+$0x0] =	vst v31;
	s18 =	sor.u32 s14, s17;
	v25 =	vld.idx.msk [tilespmem:v25+s4+$0x0], $0xffff  }
0x38c: {  	v53 =	vor.u32 v2, v17;
	v31 =	vld.idx.msk [tilespmem:v51+s4+$0x0], $0xffff;
	[tilespmem:s18+$0x0] =	vst v33  }
0x38d: {  	v54 =	vor.u32 v2, v19;
	v34 =	vld.idx.msk [tilespmem:v52+s4+$0x0], $0xffff;
	[tilespmem:s25+$0x80] =	vst v29  }
0x38e: {  	s22 =	sor.u32 s7, s17;
	v26 =	vld.idx.msk [tilespmem:v26+s4+$0x0], $0xffff;
	v29 =	vor.u32 v11, v22;
	[tilespmem:s26+$0x80] =	vst v24  }
0x38f: {  	s24 =	sor.u32 s12, s17;
	v24 =	vld.idx.msk [tilespmem:v27+s4+$0x0], $0xffff;
	v27 =	vor.u32 v11, v16;
	[tilespmem:s22+$0x0] =	vst v28  }
0x390: {  	v28 =	vor.u32 v11, v21;
	v30 =	vld.idx.msk [tilespmem:v30+s4+$0x0], $0xffff;
	[tilespmem:s24+$0x0] =	vst v25  }
0x391: {  	v55 =	vor.u32 v12, v23;
	v25 =	vld.idx.msk [tilespmem:v53+s4+$0x0], $0xffff;
	[tilespmem:s1+$0x80] =	vst v31  }
0x392: {  	s0 =	sor.u32 s9, s17;
	v31 =	vor.u32 v2, v20;
	v33 =	vld.idx.msk [tilespmem:v54+s4+$0x0], $0xffff  }
0x393: {  	s6 =	sadd.s32 $0x10F80, s13;
	v56 =	vor.u32 v3, v17;
	v29 =	vld.idx.msk [tilespmem:v29+s4+$0x0], $0xffff;
	[tilespmem:s0+$0x0] =	vst v26  }
0x394: {  	s8 =	sor.u32 s14, s6;
	[tilespmem:s23+$0x80] =	vst v34;
	v26 =	vor.u32 v3, v18;
	v27 =	vld.idx.msk [tilespmem:v27+s4+$0x0], $0xffff  }
0x395: {  	[tilespmem:s8+$0x0] =	vst v24;
	v24 =	vor.u32 v3, v19;
	v28 =	vld.idx.msk [tilespmem:v28+s4+$0x0], $0xffff  }
0x396: {  	v57 =	vor.u32 v12, v16;
	[tilespmem:s25+$0x100] =	vst v30;
	v30 =	vld.idx.msk [tilespmem:v55+s4+$0x0], $0xffff  }
0x397: {  	s16 =	sor.u32 s12, s6;
	[tilespmem:s26+$0x100] =	vst v25;
	v25 =	vld.idx.msk [tilespmem:v31+s4+$0x0], $0xffff;
	v31 =	vor.u32 v12, v22  }
0x398: {  	v34 =	vld.idx.msk [tilespmem:v56+s4+$0x0], $0xffff;
	[tilespmem:s16+$0x0] =	vst v29;
	v29 =	vor.u32 v13, v23  }
0x399: {  	v58 =	vor.u32 v3, v20;
	s17 =	sor.u32 s9, s6;
	[tilespmem:s1+$0x100] =	vst v33;
	v26 =	vld.idx.msk [tilespmem:v26+s4+$0x0], $0xffff  }
0x39a: {  	s2 =	sadd.s32 $0x11000, s13;
	s18 =	sor.u32 s7, s6;
	[tilespmem:s17+$0x0] =	vst v27;
	v27 =	vor.u32 v4, v18;
	v24 =	vld.idx.msk [tilespmem:v24+s4+$0x0], $0xffff  }
0x39b: {  	s22 =	sor.u32 s14, s2;
	[tilespmem:s18+$0x0] =	vst v28;
	v28 =	vor.u32 v4, v17;
	v32 =	vld.idx.msk [tilespmem:v57+s4+$0x0], $0xffff  }
0x39c: {  	[tilespmem:s22+$0x0] =	vst v30;
	v30 =	vor.u32 v4, v19;
	v31 =	vld.idx.msk [tilespmem:v31+s4+$0x0], $0xffff  }
0x39d: {  	v59 =	vor.u32 v13, v22;
	[tilespmem:s23+$0x100] =	vst v25;
	v25 =	vld.idx.msk [tilespmem:v29+s4+$0x0], $0xffff  }
0x39e: {  	v29 =	vor.u32 v13, v16;
	[tilespmem:s25+$0x180] =	vst v26;
	v26 =	vld.idx.msk [tilespmem:v58+s4+$0x0], $0xffff  }
0x39f: {  	v60 =	vor.u32 v14, v23;
	[tilespmem:s26+$0x180] =	vst v34;
	v27 =	vld.idx.msk [tilespmem:v27+s4+$0x0], $0xffff  }
0x3a0: {  	s6 =	sor.u32 s12, s2;
	[tilespmem:s1+$0x180] =	vst v24;
	v24 =	vor.u32 v4, v20;
	v28 =	vld.idx.msk [tilespmem:v28+s4+$0x0], $0xffff  }
0x3a1: {  	v61 =	vor.u32 v5, v18;
	s24 =	sor.u32 s9, s2;
	s17 =	sadd.s32 $0x11080, s13;
	v30 =	vld.idx.msk [tilespmem:v30+s4+$0x0], $0xffff;
	[tilespmem:s6+$0x0] =	vst v31  }
0x3a2: {  	s8 =	sor.u32 s14, s17;
	[tilespmem:s24+$0x0] =	vst v32;
	v31 =	vor.u32 v5, v17;
	v33 =	vld.idx.msk [tilespmem:v59+s4+$0x0], $0xffff  }
0x3a3: {  	v29 =	vld.idx.msk [tilespmem:v29+s4+$0x0], $0xffff;
	[tilespmem:s8+$0x0] =	vst v25;
	v25 =	vor.u32 v5, v19  }
0x3a4: {  	v62 =	vor.u32 v14, v16;
	[tilespmem:s23+$0x180] =	vst v26;
	v26 =	vld.idx.msk [tilespmem:v60+s4+$0x0], $0xffff  }
0x3a5: {  	[tilespmem:s25+$0x200] =	vst v27;
	v24 =	vld.idx.msk [tilespmem:v24+s4+$0x0], $0xffff;
	v27 =	vor.u32 v14, v22  }
0x3a6: {  	v37 =	vor.u32 v15, v23;
	[tilespmem:s26+$0x200] =	vst v28;
	v63 =	vld.idx.msk [tilespmem:v61+s4+$0x0], $0xffff  }
0x3a7: {  	v38 =	vor.u32 v5, v20;
	s16 =	sor.u32 s9, s17;
	[tilespmem:s1+$0x200] =	vst v30;
	v31 =	vld.idx.msk [tilespmem:v31+s4+$0x0], $0xffff  }
0x3a8: {  	s0 =	sadd.s32 $0x11100, s13;
	s18 =	sor.u32 s12, s17;
	v34 =	vor.u32 v6, v18;
	[tilespmem:s16+$0x0] =	vst v29;
	v32 =	vld.idx.msk [tilespmem:v25+s4+$0x0], $0xffff  }
0x3a9: {  	s2 =	sor.u32 s7, s2;
	s22 =	sor.u32 s14, s0;
	[tilespmem:s18+$0x0] =	vst v33;
	v33 =	vor.u32 v6, v17;
	v29 =	vld.idx.msk [tilespmem:v62+s4+$0x0], $0xffff  }
0x3aa: {  	v36 =	vor.u32 v6, v19;
	s31 =	sor.u32 s9, s0;
	v23 =	vor.u32 v14, v21;
	s28 =	sor.u32 s7, s17;
	s24 =	sadd.s32 $0x10E80, s20;
	[tilespmem:s22+$0x0] =	vst v26;
	v28 =	vld.idx.msk [tilespmem:v27+s4+$0x0], $0xffff  }
0x3ab: {  	s17 =	simm.s32 $0x4;
	s6 =	sor.u32 s3, s24;
	s8 =	sor.u32 s15, s24;
	v30 =	vor.u32 v12, v21;
	v25 =	vor.u32 v13, v21;
	[tilespmem:s23+$0x200] =	vst v24;
	v26 =	vld.idx.msk [tilespmem:v37+s4+$0x0], $0xffff  }
0x3ac: {  	s16 =	sor.u32 s21, s24;
	s22 =	sor.u32 s10, s24;
	s24 =	sor.u32 s7, s0;
	v27 =	vor.u32 v15, v22;
	v22 =	vor.u32 v15, v21;
	[tilespmem:s25+$0x280] =	vst v63;
	v35 =	vld.idx.msk [tilespmem:v38+s4+$0x0], $0xffff  }
.LBB2_9:
0x3ad: {  	s17 =	sadd.s32 $0x4, s17;
	v24 =	vld.idx.msk [tilespmem:v34+s4+$0x0], $0xffff;
	[tilespmem:s26+$0x280] =	vst v31;
	v21 =	vmov v20  }
0x3ae: {  	p1 =	slt.u32 s17, $0x9C;
	[tilespmem:s1+$0x280] =	vst v32;
	v20 =	vor.u32 v6, v21;
	v31 =	vld.idx.msk [tilespmem:v33+s4+$0x0], $0xffff  }
0x3af: {  	s18 =	sadd.s32 $0x11180, s13;
	s0 =	sor.u32 s12, s0;
	s13 =	smov.u32 s20;
	v32 =	vor.u32 v7, v18;
	v33 =	vld.idx.msk [tilespmem:v36+s4+$0x0], $0xffff;
	[tilespmem:s31+$0x0] =	vst v29  }
0x3b0: {  	s14 =	sor.u32 s14, s18;
	s31 =	sor.u32 s9, s18;
	[tilespmem:s0+$0x0] =	vst v28;
	v28 =	vld.idx.msk [tilespmem:v30+s4+$0x0], $0xffff;
	s0 =	sor.u32 s7, s18  }
0x3b1: {  	s11 =	sadd.s32 $0x40, s11;
	v29 =	vor.u32 v7, v19;
	s7 =	smov.u32 s10;
	[tilespmem:s14+$0x0] =	vst v26;
	v26 =	vld.idx.msk [tilespmem:v27+s4+$0x0], $0xffff;
	s14 =	smov.u32 s15  }
0x3b2: {  	s9 =	smov.u32 s21;
	v27 =	vld [tilespmem:s11+$0x0];
	[tilespmem:s23+$0x280] =	vst v35  }
0x3b3: {  	[tilespmem:s25+$0x300] =	vst v24;
	v20 =	vld.idx.msk [tilespmem:v20+s4+$0x0], $0xffff;
	v24 =	vor.u32 v7, v17  }
0x3b4: {  	v30 =	vld.idx.msk [tilespmem:v32+s4+$0x0], $0xffff;
	[tilespmem:s26+$0x300] =	vst v31  }
0x3b5: {  	v32 =	vor.u32 v7, v21;
	v31 =	vld [tilespmem:s11+$0xFFFFFFE0];
	[tilespmem:s1+$0x300] =	vst v33  }
0x3b6: {  	s10 =	sor.u32 s12, s18;
	s12 =	smov.u32 s3;
	v29 =	vld.idx.msk [tilespmem:v29+s4+$0x0], $0xffff;
	[tilespmem:s2+$0x0] =	vst v28  }
0x3b7: {  	v28 =	vor.u32 v8, v18;
	[tilespmem:s10+$0x0] =	vst v26;
	v25 =	vld.idx.msk [tilespmem:v25+s4+$0x0], $0xffff  }
0x3b8: {  	v33 =	vor.u32 v8, v19;
	v34 =	vld.idx.msk [tilespmem:v24+s4+$0x0], $0xffff  }
0x3b9: {  	v24 =	vld [tilespmem:s11+$0x10];
	[tilespmem:s23+$0x300] =	vst v20  }
0x3ba: {  	v35 =	vor.u32 v8, v17;
	v32 =	vld.idx.msk [tilespmem:v32+s4+$0x0], $0xffff  }
0x3bb: {  	v36 =	vld [tilespmem:s11+$0xFFFFFFF0];
	[tilespmem:s25+$0x380] =	vst v30;
	v30 =	vor.u32 v15, v16;
	v16 =	vmov v19  }
0x3bc: {  	v26 =	vshll.u32 v31, $0x8;
	v28 =	vld.idx.msk [tilespmem:v28+s4+$0x0], $0xffff;
	[tilespmem:s1+$0x380] =	vst v29;
	v29 =	vor.u32 v8, v21  }
0x3bd: {  	v31 =	vor.u32 v0, v26;
	v33 =	vld.idx.msk [tilespmem:v33+s4+$0x0], $0xffff;
	[tilespmem:s28+$0x0] =	vst v25  }
0x3be: {  	v25 =	vor.u32 v9, v18;
	v24 =	vshll.u32 v24, $0x8;
	[tilespmem:s26+$0x380] =	vst v34;
	v23 =	vld.idx.msk [tilespmem:v23+s4+$0x0], $0xffff  }
0x3bf: {  	v20 =	vshll.u32 v27, $0x8;
	v27 =	vor.u32 v0, v24;
	v34 =	vld.idx.msk [tilespmem:v35+s4+$0x0], $0xffff  }
0x3c0: {  	s1 =	sadd.s32 $0x10E00, s13;
	v35 =	vor.u32 v0, v20;
	v19 =	vshll.u32 v36, $0x8;
	[tilespmem:s23+$0x380] =	vst v32;
	v30 =	vld.idx.msk [tilespmem:v30+s4+$0x0], $0xffff  }
0x3c1: {  	s2 =	sor.u32 s14, s1;
	s3 =	sor.u32 s9, s1;
	v36 =	vor.u32 v9, v17;
	v32 =	vor.u32 v0, v19;
	v29 =	vld.idx.msk [tilespmem:v29+s4+$0x0], $0xffff  }
0x3c2: {  	v31 =	vld.idx.msk [tilespmem:v31+s4+$0x0], $0xffff;
	[tilespmem:s2+$0x0] =	vst v28;
	v28 =	vor.u32 v9, v16  }
0x3c3: {  	v25 =	vld.idx.msk [tilespmem:v25+s4+$0x0], $0xffff;
	[tilespmem:s3+$0x0] =	vst v33;
	v33 =	vor.u32 v9, v21  }
0x3c4: {  	s30 =	sadd.s32 $0x40, s30;
	s29 =	sadd.s32 $0x200, s29;
	s2 =	sor.u32 s7, s1;
	v27 =	vld.idx.msk [tilespmem:v27+s4+$0x0], $0xffff;
	[tilespmem:s24+$0x0] =	vst v23  }
0x3c5: {  	s20 =	sand.u32 $0x7C00, s29;
	s3 =	sadd.s32 $0xFFFFFFD0, s30;
	[tilespmem:s2+$0x0] =	vst v34;
	v22 =	vld.idx.msk [tilespmem:v22+s4+$0x0], $0xffff  }
0x3c6: {  	s1 =	sor.u32 s12, s1;
	s15 =	sand.u32 $0x40, s3;
	v23 =	vor.u32 v1, v26;
	s2 =	sadd.s32 $0xBE00, s20;
	v34 =	vld.idx.msk [tilespmem:v36+s4+$0x0], $0xffff;
	[tilespmem:s31+$0x0] =	vst v30  }
0x3c7: {  	s18 =	sadd.s32 $0x10E80, s20;
	s25 =	sor.u32 s15, s2;
	v30 =	vor.u32 v10, v18;
	v28 =	vld.idx.msk [tilespmem:v28+s4+$0x0], $0xffff;
	[tilespmem:s1+$0x0] =	vst v29  }
0x3c8: {  	s10 =	sand.u32 $0x70, s30;
	s1 =	sor.u32 s15, s18;
	v29 =	vor.u32 v1, v24;
	[tilespmem:s25+$0x0] =	vst v31;
	v31 =	vld.idx.msk [tilespmem:v33+s4+$0x0], $0xffff  }
0x3c9: {  	s3 =	sor.u32 s10, s18;
	s26 =	sor.u32 s10, s2;
	v32 =	vld.idx.msk [tilespmem:v32+s4+$0x0], $0xffff;
	[tilespmem:s8+$0x0] =	vst v25;
	v25 =	vor.u32 v10, v17;
	s8 =	smov.u32 s1  }
0x3ca: {  	v33 =	vld.idx.msk [tilespmem:v35+s4+$0x0], $0xffff;
	[tilespmem:s26+$0x0] =	vst v27;
	v27 =	vor.u32 v10, v21  }
0x3cb: {  	v36 =	vor.u32 v10, v16;
	v35 =	vor.u32 v1, v19;
	v23 =	vld.idx.msk [tilespmem:v23+s4+$0x0], $0xffff;
	[tilespmem:s0+$0x0] =	vst v22  }
0x3cc: {  	s0 =	sadd.s32 $0xFFFFFFE0, s30;
	v22 =	vld.idx.msk [tilespmem:v30+s4+$0x0], $0xffff;
	[tilespmem:s22+$0x0] =	vst v34;
	s22 =	smov.u32 s3  }
0x3cd: {  	s21 =	sand.u32 $0x50, s0;
	s0 =	sadd.s32 $0xFFFFFFF0, s30;
	v30 =	vor.u32 v1, v20;
	v29 =	vld.idx.msk [tilespmem:v29+s4+$0x0], $0xffff;
	[tilespmem:s16+$0x0] =	vst v28  }
0x3ce: {  	s1 =	sor.u32 s21, s2;
	s16 =	sor.u32 s21, s18;
	s3 =	sand.u32 $0x60, s0;
	v28 =	vor.u32 v11, v18;
	[tilespmem:s6+$0x0] =	vst v31;
	v25 =	vld.idx.msk [tilespmem:v25+s4+$0x0], $0xffff  }
0x3cf: {  	v31 =	vor.u32 v2, v26;
	s23 =	sor.u32 s3, s2;
	s6 =	sor.u32 s3, s18;
	[tilespmem:s1+$0x0] =	vst v32;
	v27 =	vld.idx.msk [tilespmem:v27+s4+$0x0], $0xffff  }
0x3d0: {  	s0 =	sadd.s32 $0x10F00, s13;
	v32 =	vld.idx.msk [tilespmem:v35+s4+$0x0], $0xffff;
	[tilespmem:s23+$0x0] =	vst v33;
	v33 =	vor.u32 v2, v24  }
0x3d1: {  	v34 =	vor.u32 v11, v21;
	s2 =	sor.u32 s14, s0;
	s18 =	sor.u32 s7, s0;
	[tilespmem:s25+$0x80] =	vst v23;
	v23 =	vld.idx.msk [tilespmem:v36+s4+$0x0], $0xffff  }
0x3d2: {  	v35 =	vor.u32 v2, v19;
	v30 =	vld.idx.msk [tilespmem:v30+s4+$0x0], $0xffff;
	[tilespmem:s2+$0x0] =	vst v22  }
0x3d3: {  	[tilespmem:s26+$0x80] =	vst v29;
	v22 =	vld.idx.msk [tilespmem:v28+s4+$0x0], $0xffff;
	v28 =	vor.u32 v11, v16;
	v29 =	vor.u32 v11, v17  }
0x3d4: {  	s2 =	sor.u32 s9, s0;
	s0 =	sor.u32 s12, s0;
	v31 =	vld.idx.msk [tilespmem:v31+s4+$0x0], $0xffff;
	[tilespmem:s18+$0x0] =	vst v25  }
0x3d5: {  	v25 =	vld.idx.msk [tilespmem:v33+s4+$0x0], $0xffff;
	v33 =	vor.u32 v12, v18;
	[tilespmem:s0+$0x0] =	vst v27  }
0x3d6: {  	v27 =	vor.u32 v2, v20;
	[tilespmem:s1+$0x80] =	vst v32;
	v32 =	vld.idx.msk [tilespmem:v34+s4+$0x0], $0xffff  }
0x3d7: {  	s0 =	sadd.s32 $0x10F80, s13;
	v34 =	vor.u32 v3, v26;
	v35 =	vld.idx.msk [tilespmem:v35+s4+$0x0], $0xffff;
	[tilespmem:s2+$0x0] =	vst v23  }
0x3d8: {  	s18 =	sor.u32 s7, s0;
	v23 =	vor.u32 v3, v24;
	s2 =	sor.u32 s14, s0;
	[tilespmem:s23+$0x80] =	vst v30;
	v28 =	vld.idx.msk [tilespmem:v28+s4+$0x0], $0xffff  }
0x3d9: {  	v30 =	vor.u32 v3, v19;
	[tilespmem:s2+$0x0] =	vst v22;
	v22 =	vld.idx.msk [tilespmem:v29+s4+$0x0], $0xffff  }
0x3da: {  	[tilespmem:s25+$0x100] =	vst v31;
	v29 =	vld.idx.msk [tilespmem:v33+s4+$0x0], $0xffff;
	v31 =	vor.u32 v12, v16  }
0x3db: {  	s2 =	sor.u32 s9, s0;
	s0 =	sor.u32 s12, s0;
	v27 =	vld.idx.msk [tilespmem:v27+s4+$0x0], $0xffff;
	[tilespmem:s26+$0x100] =	vst v25;
	v25 =	vor.u32 v12, v21  }
0x3dc: {  	v33 =	vld.idx.msk [tilespmem:v34+s4+$0x0], $0xffff;
	v34 =	vor.u32 v13, v18;
	[tilespmem:s0+$0x0] =	vst v32  }
0x3dd: {  	v32 =	vor.u32 v3, v20;
	[tilespmem:s1+$0x100] =	vst v35;
	v23 =	vld.idx.msk [tilespmem:v23+s4+$0x0], $0xffff  }
0x3de: {  	s0 =	sadd.s32 $0x11000, s13;
	v35 =	vor.u32 v4, v26;
	v30 =	vld.idx.msk [tilespmem:v30+s4+$0x0], $0xffff;
	[tilespmem:s2+$0x0] =	vst v28  }
0x3df: {  	s24 =	sor.u32 s14, s0;
	v28 =	vor.u32 v4, v24;
	s2 =	sor.u32 s7, s0;
	v31 =	vld.idx.msk [tilespmem:v31+s4+$0x0], $0xffff;
	[tilespmem:s18+$0x0] =	vst v22  }
0x3e0: {  	v22 =	vor.u32 v4, v19;
	[tilespmem:s24+$0x0] =	vst v29;
	v29 =	vld.idx.msk [tilespmem:v25+s4+$0x0], $0xffff  }
0x3e1: {  	[tilespmem:s23+$0x100] =	vst v27;
	v27 =	vld.idx.msk [tilespmem:v34+s4+$0x0], $0xffff;
	v34 =	vor.u32 v13, v16  }
0x3e2: {  	s18 =	sor.u32 s9, s0;
	v25 =	vor.u32 v13, v17;
	[tilespmem:s25+$0x180] =	vst v33;
	v32 =	vld.idx.msk [tilespmem:v32+s4+$0x0], $0xffff;
	v33 =	vor.u32 v13, v21  }
0x3e3: {  	v35 =	vld.idx.msk [tilespmem:v35+s4+$0x0], $0xffff;
	[tilespmem:s26+$0x180] =	vst v23;
	v23 =	vor.u32 v14, v18  }
0x3e4: {  	[tilespmem:s1+$0x180] =	vst v30;
	v30 =	vor.u32 v4, v20;
	v28 =	vld.idx.msk [tilespmem:v28+s4+$0x0], $0xffff  }
0x3e5: {  	v36 =	vor.u32 v5, v26;
	s0 =	sor.u32 s12, s0;
	s24 =	sadd.s32 $0x11080, s13;
	v22 =	vld.idx.msk [tilespmem:v22+s4+$0x0], $0xffff;
	[tilespmem:s18+$0x0] =	vst v31  }
0x3e6: {  	s28 =	sor.u32 s7, s24;
	v31 =	vor.u32 v5, v24;
	s18 =	sor.u32 s14, s24;
	v37 =	vld.idx.msk [tilespmem:v34+s4+$0x0], $0xffff;
	[tilespmem:s0+$0x0] =	vst v29  }
0x3e7: {  	v29 =	vor.u32 v5, v19;
	[tilespmem:s18+$0x0] =	vst v27;
	v27 =	vld.idx.msk [tilespmem:v33+s4+$0x0], $0xffff  }
0x3e8: {  	v39 =	vor.u32 v14, v16;
	[tilespmem:s23+$0x180] =	vst v32;
	v38 =	vld.idx.msk [tilespmem:v23+s4+$0x0], $0xffff  }
0x3e9: {  	s18 =	sor.u32 s9, s24;
	v23 =	vor.u32 v14, v17;
	[tilespmem:s25+$0x200] =	vst v35;
	v35 =	vld.idx.msk [tilespmem:v30+s4+$0x0], $0xffff;
	v30 =	vor.u32 v14, v21  }
0x3ea: {  	v41 =	vor.u32 v15, v18;
	v18 =	vmov v26;
	v40 =	vld.idx.msk [tilespmem:v36+s4+$0x0], $0xffff;
	[tilespmem:s26+$0x200] =	vst v28  }
0x3eb: {  	[tilespmem:s1+$0x200] =	vst v22;
	v22 =	vor.u32 v5, v20;
	v31 =	vld.idx.msk [tilespmem:v31+s4+$0x0], $0xffff  }
.Ltmp5:
0x3ec: {  	v34 =	vor.u32 v6, v18;
	s0 =	sadd.s32 $0x11100, s13;
	v32 =	vld.idx.msk [tilespmem:v29+s4+$0x0], $0xffff;
	[tilespmem:s18+$0x0] =	vst v37;
	s18 =	sor.u32 s12, s24;
	(pc) =	sbr.rel @p1 .LBB2_9-.Ltmp5, $4  }
0x3ed: {  	v33 =	vor.u32 v6, v24;
	s31 =	sor.u32 s14, s0;
	s24 =	sor.u32 s7, s0;
	v29 =	vld.idx.msk [tilespmem:v39+s4+$0x0], $0xffff;
	[tilespmem:s18+$0x0] =	vst v27  }
0x3ee: {  	v36 =	vor.u32 v6, v19;
	[tilespmem:s31+$0x0] =	vst v38;
	v28 =	vld.idx.msk [tilespmem:v30+s4+$0x0], $0xffff;
	v30 =	vor.u32 v12, v17  }
0x3ef: {  	[tilespmem:s23+$0x200] =	vst v35;
	v26 =	vld.idx.msk [tilespmem:v41+s4+$0x0], $0xffff  }
0x3f0: {  	v27 =	vor.u32 v15, v21;
	s31 =	sor.u32 s9, s0;
	[tilespmem:s25+$0x280] =	vst v40;
	v35 =	vld.idx.msk [tilespmem:v22+s4+$0x0], $0xffff;
	v22 =	vor.u32 v15, v17;
	v17 =	vmov v24  }
0x3f1: {  	_ =	sdelay $0x1  }
0x3f2: {  	v21 =	vor.u32 v6, v20;
	_ =	sdelay $0x1  }
0x3f3: {  	v24 =	vld.idx.msk [tilespmem:v34+s4+$0x0], $0xffff;
	[tilespmem:s1+$0x280] =	vst v32  }
0x3f4: {  	v45 =	vor.u32 v7, v18;
	[tilespmem:s26+$0x280] =	vst v31;
	v46 =	vld.idx.msk [tilespmem:v36+s4+$0x0], $0xffff  }
0x3f5: {  	v48 =	vor.u32 v7, v19;
	v33 =	vld.idx.msk [tilespmem:v33+s4+$0x0], $0xffff;
	[tilespmem:s23+$0x280] =	vst v35  }
0x3f6: {  	v49 =	vor.u32 v7, v17;
	v21 =	vld.idx.msk [tilespmem:v21+s4+$0x0], $0xffff  }
0x3f7: {  	v47 =	vor.u32 v7, v20  }
0x3f8: {  	[tilespmem:s25+$0x300] =	vst v24  }
0x3f9: {  	v24 =	vld.idx.msk [tilespmem:v45+s4+$0x0], $0xffff;
	[tilespmem:s1+$0x300] =	vst v46  }
0x3fa: {  	v50 =	vor.u32 v8, v18;
	[tilespmem:s26+$0x300] =	vst v33;
	v52 =	vld.idx.msk [tilespmem:v48+s4+$0x0], $0xffff  }
0x3fb: {  	v54 =	vor.u32 v8, v19;
	v55 =	vld.idx.msk [tilespmem:v49+s4+$0x0], $0xffff;
	[tilespmem:s23+$0x300] =	vst v21  }
0x3fc: {  	v56 =	vor.u32 v8, v17;
	v51 =	vld.idx.msk [tilespmem:v47+s4+$0x0], $0xffff  }
0x3fd: {  	v53 =	vor.u32 v8, v20  }
0x3fe: {  	[tilespmem:s25+$0x380] =	vst v24  }
0x3ff: {  	v21 =	vld.idx.msk [tilespmem:v50+s4+$0x0], $0xffff;
	[tilespmem:s1+$0x380] =	vst v52  }
0x400: {  	v57 =	vor.u32 v9, v18;
	[tilespmem:s26+$0x380] =	vst v55;
	v32 =	vld.idx.msk [tilespmem:v54+s4+$0x0], $0xffff  }
0x401: {  	v60 =	vor.u32 v9, v19;
	v59 =	vld.idx.msk [tilespmem:v56+s4+$0x0], $0xffff;
	[tilespmem:s23+$0x380] =	vst v51  }
0x402: {  	s30 =	sadd.s32 $0x10E00, s20;
	v61 =	vor.u32 v9, v17;
	v31 =	vld.idx.msk [tilespmem:v53+s4+$0x0], $0xffff  }
0x403: {  	v58 =	vor.u32 v9, v20;
	s11 =	sor.u32 s15, s30  }
0x404: {  	s18 =	sor.u32 s21, s30;
	[tilespmem:s11+$0x0] =	vst v21  }
0x405: {  	s1 =	sor.u32 s10, s30;
	v21 =	vld.idx.msk [tilespmem:v57+s4+$0x0], $0xffff;
	[tilespmem:s18+$0x0] =	vst v32  }
0x406: {  	v62 =	vor.u32 v10, v18;
	s17 =	sor.u32 s3, s30;
	[tilespmem:s1+$0x0] =	vst v59;
	v32 =	vld.idx.msk [tilespmem:v60+s4+$0x0], $0xffff  }
0x407: {  	v40 =	vor.u32 v10, v19;
	v34 =	vld.idx.msk [tilespmem:v61+s4+$0x0], $0xffff;
	[tilespmem:s17+$0x0] =	vst v31  }
0x408: {  	v41 =	vor.u32 v10, v17;
	v31 =	vld.idx.msk [tilespmem:v58+s4+$0x0], $0xffff  }
0x409: {  	v63 =	vor.u32 v10, v20  }
0x40a: {  	[tilespmem:s8+$0x0] =	vst v21  }
0x40b: {  	v21 =	vld.idx.msk [tilespmem:v62+s4+$0x0], $0xffff;
	[tilespmem:s16+$0x0] =	vst v32  }
0x40c: {  	v42 =	vor.u32 v11, v18;
	[tilespmem:s22+$0x0] =	vst v34;
	v32 =	vld.idx.msk [tilespmem:v40+s4+$0x0], $0xffff  }
0x40d: {  	v44 =	vor.u32 v11, v19;
	v34 =	vld.idx.msk [tilespmem:v41+s4+$0x0], $0xffff;
	[tilespmem:s6+$0x0] =	vst v31  }
0x40e: {  	v45 =	vor.u32 v11, v17;
	s22 =	sadd.s32 $0x10F00, s20;
	v31 =	vld.idx.msk [tilespmem:v63+s4+$0x0], $0xffff  }
0x40f: {  	v43 =	vor.u32 v11, v20;
	s23 =	sor.u32 s15, s22  }
0x410: {  	v50 =	vld.idx.msk [tilespmem:v30+s4+$0x0], $0xffff;
	s26 =	sor.u32 s21, s22;
	[tilespmem:s23+$0x0] =	vst v21  }
0x411: {  	s1 =	sor.u32 s10, s22;
	v21 =	vld.idx.msk [tilespmem:v42+s4+$0x0], $0xffff;
	[tilespmem:s26+$0x0] =	vst v32  }
0x412: {  	v46 =	vor.u32 v12, v18;
	s25 =	sor.u32 s3, s22;
	[tilespmem:s1+$0x0] =	vst v34;
	v32 =	vld.idx.msk [tilespmem:v44+s4+$0x0], $0xffff  }
0x413: {  	v48 =	vor.u32 v12, v19;
	v34 =	vld.idx.msk [tilespmem:v45+s4+$0x0], $0xffff;
	[tilespmem:s25+$0x0] =	vst v31  }
0x414: {  	s29 =	sadd.s32 $0x10F80, s20;
	[tilespmem:s31+$0x0] =	vst v29;
	v49 =	vor.u32 v12, v17;
	v31 =	vld.idx.msk [tilespmem:v43+s4+$0x0], $0xffff  }
0x415: {  	v47 =	vor.u32 v12, v20;
	s30 =	sor.u32 s15, s29;
	[tilespmem:s2+$0x0] =	vst v50  }
0x416: {  	s11 =	sor.u32 s21, s29;
	v25 =	vld.idx.msk [tilespmem:v25+s4+$0x0], $0xffff;
	[tilespmem:s30+$0x0] =	vst v21  }
0x417: {  	s1 =	sor.u32 s10, s29;
	v24 =	vld.idx.msk [tilespmem:v46+s4+$0x0], $0xffff;
	[tilespmem:s11+$0x0] =	vst v32  }
0x418: {  	v51 =	vor.u32 v13, v18;
	s8 =	sor.u32 s3, s29;
	[tilespmem:s1+$0x0] =	vst v34;
	v32 =	vld.idx.msk [tilespmem:v48+s4+$0x0], $0xffff  }
0x419: {  	s0 =	sor.u32 s12, s0;
	v53 =	vor.u32 v13, v19;
	v29 =	vld.idx.msk [tilespmem:v49+s4+$0x0], $0xffff;
	[tilespmem:s8+$0x0] =	vst v31  }
0x41a: {  	[tilespmem:s0+$0x0] =	vst v28;
	v54 =	vor.u32 v13, v17;
	s16 =	sadd.s32 $0x11000, s20;
	v31 =	vld.idx.msk [tilespmem:v47+s4+$0x0], $0xffff  }
0x41b: {  	v52 =	vor.u32 v13, v20;
	[tilespmem:s28+$0x0] =	vst v25;
	s17 =	sor.u32 s15, s16  }
0x41c: {  	v23 =	vld.idx.msk [tilespmem:v23+s4+$0x0], $0xffff;
	s22 =	sor.u32 s21, s16;
	[tilespmem:s17+$0x0] =	vst v24  }
0x41d: {  	v16 =	vor.u32 v15, v16;
	s0 =	sor.u32 s10, s16;
	v24 =	vld.idx.msk [tilespmem:v51+s4+$0x0], $0xffff;
	[tilespmem:s22+$0x0] =	vst v32  }
0x41e: {  	v55 =	vor.u32 v14, v18;
	s18 =	sor.u32 s3, s16;
	[tilespmem:s0+$0x0] =	vst v29;
	v28 =	vld.idx.msk [tilespmem:v53+s4+$0x0], $0xffff  }
0x41f: {  	v57 =	vor.u32 v14, v19;
	v21 =	vld.idx.msk [tilespmem:v54+s4+$0x0], $0xffff;
	[tilespmem:s18+$0x0] =	vst v31  }
0x420: {  	v58 =	vor.u32 v14, v17;
	s26 =	sadd.s32 $0x11080, s20;
	v31 =	vld.idx.msk [tilespmem:v52+s4+$0x0], $0xffff  }
0x421: {  	v27 =	vld.idx.msk [tilespmem:v27+s4+$0x0], $0xffff;
	v56 =	vor.u32 v14, v20;
	[tilespmem:s24+$0x0] =	vst v23;
	s28 =	sor.u32 s15, s26  }
0x422: {  	v16 =	vld.idx.msk [tilespmem:v16+s4+$0x0], $0xffff;
	s30 =	sor.u32 s21, s26;
	[tilespmem:s28+$0x0] =	vst v24  }
0x423: {  	s0 =	sor.u32 s10, s26;
	v24 =	vld.idx.msk [tilespmem:v55+s4+$0x0], $0xffff;
	[tilespmem:s30+$0x0] =	vst v28  }
0x424: {  	v59 =	vor.u32 v15, v18;
	s23 =	sadd.s32 $0x11180, s13;
	s29 =	sor.u32 s3, s26;
	[tilespmem:s0+$0x0] =	vst v21;
	v61 =	vld.idx.msk [tilespmem:v57+s4+$0x0], $0xffff  }
0x425: {  	v63 =	vor.u32 v15, v19;
	s2 =	sor.u32 s12, s23;
	v25 =	vld.idx.msk [tilespmem:v58+s4+$0x0], $0xffff;
	[tilespmem:s29+$0x0] =	vst v31  }
0x426: {  	v17 =	vor.u32 v15, v17;
	s6 =	sadd.s32 $0x11100, s20;
	s13 =	sor.u32 s9, s23;
	[tilespmem:s2+$0x0] =	vst v27;
	v60 =	vld.idx.msk [tilespmem:v56+s4+$0x0], $0xffff  }
0x427: {  	v62 =	vor.u32 v15, v20;
	[tilespmem:s13+$0x0] =	vst v16;
	s8 =	sor.u32 s15, s6  }
0x428: {  	v22 =	vld.idx.msk [tilespmem:v22+s4+$0x0], $0xffff;
	s12 =	sor.u32 s21, s6;
	[tilespmem:s8+$0x0] =	vst v24  }
0x429: {  	s0 =	sor.u32 s10, s6;
	v18 =	vld.idx.msk [tilespmem:v59+s4+$0x0], $0xffff;
	[tilespmem:s12+$0x0] =	vst v61  }
0x42a: {  	s11 =	sor.u32 s3, s6;
	[tilespmem:s0+$0x0] =	vst v25;
	v19 =	vld.idx.msk [tilespmem:v63+s4+$0x0], $0xffff  }
0x42b: {  	s2 =	sor.u32 $0x20, s5;
	s25 =	sor.u32 s14, s23;
	v16 =	vld.idx.msk [tilespmem:v17+s4+$0x0], $0xffff;
	[tilespmem:s11+$0x0] =	vst v60  }
0x42c: {  	p1 =	slt.s32 s2, $0x4E1;
	s14 =	sadd.s32 $0x11180, s20;
	[tilespmem:s25+$0x0] =	vst v26;
	s1 =	sor.u32 s7, s23;
	v20 =	vld.idx.msk [tilespmem:v62+s4+$0x0], $0xffff  }
0x42d: {  	s2 =	simm.s32 @!p1 $0x4E1;
	s16 =	sor.u32 s15, s14;
	[tilespmem:s1+$0x0] =	vst v22  }
0x42e: {  	s2 =	smul.u32 $0x5000, s2;
	s18 =	sor.u32 s21, s14;
	[tilespmem:s16+$0x0] =	vst v18  }
0x42f: {  	s0 =	sor.u32 s10, s14;
	[tilespmem:s18+$0x0] =	vst v19  }
0x430: {  	s20 =	sshrl.u32 s2, $0x3;
	s17 =	sor.u32 s3, s14;
	s21 =	rddreg [dreg:$0x2];
	[tilespmem:s0+$0x0] =	vst v16  }
0x431: {  	s23 =	simm.s32 $0xBE00;
	s22 =	sadd.s32 s21, s20;
	[tilespmem:s17+$0x0] =	vst v20  }
0x432: {  	[hbm4b:s22+s4] =	stream.linear.scatter [tilespmem:s23], [sflag:$0x4], $0x5000, $0x38;
	[tilespmem:$0x15E00] =	vst v63  }
0x433: {  	s24 =	rddreg [dreg:$0x10]  }
0x434: {  	s25 =	rddreg [dreg:$0x15]  }
0x435: {  	s0 =	sadd.s32 s24, s25  }
0x436: {  	s19 =	sadd.s32 $0x1, s19;
	p1 =	slt.s32 s0, $0x4E1  }
0x437: {  	s26 =	sadd.s32 $0x186A000, s2;
	s30 =	rddreg [dreg:$0x7];
	s0 =	simm.s32 @!p1 $0x4E1  }
0x438: {  	s1 =	sshrl.u32 s26, $0x3;
	p1 =	sne.s32 s19, s30;
	s0 =	smul.u32 $0xA00, s0  }
.Ltmp6:
0x439: {  	s1 =	sadd.s32 s21, s1;
	s28 =	simm.s32 $0x10E00;
	(pc) =	sbr.rel @p1 .LBB2_6-.Ltmp6, $4  }
0x43a: {  	[hbm4b:s1+s4] =	stream.linear.scatter [tilespmem:s28], [sflag:$0x4], $0x5000, $0x38;
	[tilespmem:$0x15E00] =	vst v63  }
0x43b: {  	s31 =	rddreg [dreg:$0x0];
	s0 =	sshrl.u32 s0, $0x3  }
0x43c: {  	s29 =	simm.s32 $0x1400;
	s0 =	sadd.s32 s31, s0  }
0x43d: {  	[tilespmem:s29], [sflag:$0x2] =	stream.linear.gather [hbm4b:s0+s4], $0xA00, $0x38;
	[tilespmem:$0x15E00] =	vst v63  }
.Ltmp7:
0x43e: {  	(pc) =	sbr.rel @!p0 .LBB2_15-.Ltmp7, $4  }
0x43f: {  	s0 =	simm.s32 $0x1  }
0x440: {  	_ =	swait.ge [sflag:s0], $0xA00  }
0x441: {  	[sflag:s0] =	ssyncset.done $0x0  }
0x442: {  	s2 =	rddreg [dreg:$0x14];
	[sflag:s0] =	ssyncadd.s32 $0xFFFFF600  }
0x443: {  	s0 =	simm.s32 $0x3  }
0x444: {  	_ =	swait.ge [sflag:s0], $0x5000  }
0x445: {  	[sflag:s0] =	ssyncset.done $0x0  }
0x446: {  	[sflag:s0] =	ssyncadd.s32 $0xFFFFB000  }
0x447: {  	_ =	swait.ge [sflag:s0], $0x5000  }
0x448: {  	[sflag:s0] =	ssyncset.done $0x0  }
0x449: {  	s15 =	simm.s32 $0xA20;
	[sflag:s0] =	ssyncadd.s32 $0xFFFFB000  }
0x44a: {  	v16 =	vld [tilespmem:s15+$0xFFFFFFE0];
	_ =	sdelay $0x1  }
0x44b: {  	v17 =	vld [tilespmem:s15+$0x10];
	_ =	sdelay $0x1  }
0x44c: {  	v18 =	vld [tilespmem:s15+$0xFFFFFFF0]  }
0x44d: {  	v19 =	vld [tilespmem:s15+$0x0];
	v23 =	vshll.u32 v16, $0x8  }
0x44e: {  	v20 =	vor.u32 v0, v23  }
0x44f: {  	v21 =	vshll.u32 v17, $0x8  }
0x450: {  	v17 =	vor.u32 v0, v21  }
0x451: {  	v16 =	vshll.u32 v18, $0x8  }
0x452: {  	v22 =	vshll.u32 v19, $0x8;
	v18 =	vor.u32 v0, v16  }
0x453: {  	v19 =	vor.u32 v0, v22;
	v20 =	vld.idx.msk [tilespmem:v20+s4+$0x0], $0xffff  }
0x454: {  	s16 =	simm.s32 $0x0;
	v24 =	vor.u32 v1, v23  }
0x455: {  	s1 =	simm.s32 $0x0;
	s12 =	sand.u32 $0x7C00, s16;
	v17 =	vld.idx.msk [tilespmem:v17+s4+$0x0], $0xffff  }
0x456: {  	s13 =	sand.u32 $0x40, s1;
	s2 =	sadd.s32 $0x1E00, s12;
	v25 =	vor.u32 v1, v21  }
0x457: {  	s17 =	simm.s32 $0x30;
	s1 =	sor.u32 s13, s2;
	v18 =	vld.idx.msk [tilespmem:v18+s4+$0x0], $0xffff  }
0x458: {  	s5 =	sand.u32 $0x70, s17;
	v19 =	vld.idx.msk [tilespmem:v19+s4+$0x0], $0xffff;
	[tilespmem:s1+$0x0] =	vst v20;
	v20 =	vor.u32 v1, v16  }
0x459: {  	s3 =	simm.s32 $0x10;
	s0 =	sor.u32 s5, s2;
	v26 =	vor.u32 v1, v22;
	v24 =	vld.idx.msk [tilespmem:v24+s4+$0x0], $0xffff  }
0x45a: {  	s6 =	simm.s32 $0x20;
	s7 =	sand.u32 $0x50, s3;
	[tilespmem:s0+$0x0] =	vst v17;
	v17 =	vor.u32 v2, v23  }
0x45b: {  	s9 =	sand.u32 $0x60, s6;
	s3 =	sor.u32 s7, s2;
	v25 =	vld.idx.msk [tilespmem:v25+s4+$0x0], $0xffff  }
0x45c: {  	s2 =	sor.u32 s9, s2;
	[tilespmem:s3+$0x0] =	vst v18;
	v18 =	vor.u32 v2, v21  }
0x45d: {  	[tilespmem:s2+$0x0] =	vst v19;
	v20 =	vld.idx.msk [tilespmem:v20+s4+$0x0], $0xffff  }
0x45e: {  	v19 =	vor.u32 v2, v16;
	[tilespmem:s1+$0x80] =	vst v24;
	v24 =	vld.idx.msk [tilespmem:v26+s4+$0x0], $0xffff  }
0x45f: {  	v26 =	vor.u32 v2, v22;
	v17 =	vld.idx.msk [tilespmem:v17+s4+$0x0], $0xffff  }
0x460: {  	[tilespmem:s0+$0x80] =	vst v25;
	v25 =	vor.u32 v3, v23  }
0x461: {  	v18 =	vld.idx.msk [tilespmem:v18+s4+$0x0], $0xffff  }
0x462: {  	[tilespmem:s3+$0x80] =	vst v20;
	v20 =	vor.u32 v3, v21  }
0x463: {  	v19 =	vld.idx.msk [tilespmem:v19+s4+$0x0], $0xffff;
	[tilespmem:s2+$0x80] =	vst v24  }
0x464: {  	v24 =	vor.u32 v3, v16;
	[tilespmem:s1+$0x100] =	vst v17;
	v17 =	vld.idx.msk [tilespmem:v26+s4+$0x0], $0xffff  }
0x465: {  	v26 =	vor.u32 v3, v22;
	v25 =	vld.idx.msk [tilespmem:v25+s4+$0x0], $0xffff  }
0x466: {  	[tilespmem:s0+$0x100] =	vst v18;
	v18 =	vor.u32 v4, v23  }
0x467: {  	v20 =	vld.idx.msk [tilespmem:v20+s4+$0x0], $0xffff  }
0x468: {  	[tilespmem:s3+$0x100] =	vst v19;
	v19 =	vor.u32 v4, v21  }
0x469: {  	v24 =	vld.idx.msk [tilespmem:v24+s4+$0x0], $0xffff;
	[tilespmem:s2+$0x100] =	vst v17  }
0x46a: {  	v17 =	vor.u32 v4, v16;
	[tilespmem:s1+$0x180] =	vst v25;
	v25 =	vld.idx.msk [tilespmem:v26+s4+$0x0], $0xffff  }
0x46b: {  	v26 =	vor.u32 v4, v22;
	v18 =	vld.idx.msk [tilespmem:v18+s4+$0x0], $0xffff  }
0x46c: {  	[tilespmem:s0+$0x180] =	vst v20;
	v20 =	vor.u32 v5, v23  }
0x46d: {  	v19 =	vld.idx.msk [tilespmem:v19+s4+$0x0], $0xffff  }
0x46e: {  	[tilespmem:s3+$0x180] =	vst v24;
	v24 =	vor.u32 v5, v21  }
0x46f: {  	v17 =	vld.idx.msk [tilespmem:v17+s4+$0x0], $0xffff;
	[tilespmem:s2+$0x180] =	vst v25  }
0x470: {  	v25 =	vor.u32 v5, v16;
	[tilespmem:s1+$0x200] =	vst v18;
	v18 =	vld.idx.msk [tilespmem:v26+s4+$0x0], $0xffff  }
0x471: {  	v26 =	vor.u32 v5, v22;
	v20 =	vld.idx.msk [tilespmem:v20+s4+$0x0], $0xffff  }
0x472: {  	[tilespmem:s0+$0x200] =	vst v19;
	v19 =	vor.u32 v6, v23  }
0x473: {  	v24 =	vld.idx.msk [tilespmem:v24+s4+$0x0], $0xffff  }
0x474: {  	[tilespmem:s3+$0x200] =	vst v17;
	v17 =	vor.u32 v6, v21  }
0x475: {  	v25 =	vld.idx.msk [tilespmem:v25+s4+$0x0], $0xffff;
	[tilespmem:s2+$0x200] =	vst v18  }
0x476: {  	v18 =	vor.u32 v6, v16;
	[tilespmem:s1+$0x280] =	vst v20;
	v20 =	vld.idx.msk [tilespmem:v26+s4+$0x0], $0xffff  }
0x477: {  	v26 =	vor.u32 v6, v22;
	v19 =	vld.idx.msk [tilespmem:v19+s4+$0x0], $0xffff  }
0x478: {  	[tilespmem:s0+$0x280] =	vst v24;
	v24 =	vor.u32 v7, v23  }
0x479: {  	v17 =	vld.idx.msk [tilespmem:v17+s4+$0x0], $0xffff  }
0x47a: {  	[tilespmem:s3+$0x280] =	vst v25  }
0x47b: {  	v25 =	vor.u32 v7, v21;
	v18 =	vld.idx.msk [tilespmem:v18+s4+$0x0], $0xffff;
	[tilespmem:s2+$0x280] =	vst v20  }
0x47c: {  	v20 =	vor.u32 v7, v16;
	[tilespmem:s1+$0x300] =	vst v19;
	v19 =	vld.idx.msk [tilespmem:v26+s4+$0x0], $0xffff  }
0x47d: {  	s11 =	simm.s32 $0xA60;
	v26 =	vor.u32 v7, v22;
	v24 =	vld.idx.msk [tilespmem:v24+s4+$0x0], $0xffff  }
0x47e: {  	[tilespmem:s0+$0x300] =	vst v17;
	v17 =	vld [tilespmem:s11+$0xFFFFFFE0]  }
0x47f: {  	v28 =	vld [tilespmem:s11+$0x10];
	v27 =	vor.u32 v8, v23  }
0x480: {  	v25 =	vld.idx.msk [tilespmem:v25+s4+$0x0], $0xffff;
	[tilespmem:s3+$0x300] =	vst v18  }
0x481: {  	v20 =	vld.idx.msk [tilespmem:v20+s4+$0x0], $0xffff;
	[tilespmem:s2+$0x300] =	vst v19;
	v19 =	vor.u32 v8, v21  }
0x482: {  	v29 =	vor.u32 v8, v16;
	v26 =	vld.idx.msk [tilespmem:v26+s4+$0x0], $0xffff  }
0x483: {  	v30 =	vld [tilespmem:s11+$0xFFFFFFF0];
	[tilespmem:s1+$0x380] =	vst v24;
	v24 =	vor.u32 v8, v22;
	v18 =	vshll.u32 v17, $0x8  }
0x484: {  	v27 =	vld.idx.msk [tilespmem:v27+s4+$0x0], $0xffff;
	v31 =	vor.u32 v0, v18  }
0x485: {  	v32 =	vld [tilespmem:s11+$0x0];
	v17 =	vshll.u32 v28, $0x8;
	v28 =	vor.u32 v9, v23;
	[tilespmem:s0+$0x380] =	vst v25  }
0x486: {  	v25 =	vor.u32 v0, v17;
	[tilespmem:s3+$0x380] =	vst v20;
	v33 =	vld.idx.msk [tilespmem:v19+s4+$0x0], $0xffff  }
0x487: {  	s18 =	sadd.s32 $0x6E00, s12;
	v29 =	vld.idx.msk [tilespmem:v29+s4+$0x0], $0xffff;
	[tilespmem:s2+$0x380] =	vst v26;
	v26 =	vor.u32 v9, v21  }
0x488: {  	s19 =	sor.u32 s13, s18;
	v34 =	vor.u32 v9, v16;
	v24 =	vld.idx.msk [tilespmem:v24+s4+$0x0], $0xffff  }
0x489: {  	v19 =	vshll.u32 v30, $0x8;
	[tilespmem:s19+$0x0] =	vst v27;
	v27 =	vor.u32 v9, v22;
	v30 =	vld.idx.msk [tilespmem:v31+s4+$0x0], $0xffff  }
0x48a: {  	s20 =	sor.u32 s5, s18;
	v20 =	vshll.u32 v32, $0x8;
	v31 =	vor.u32 v0, v19;
	v28 =	vld.idx.msk [tilespmem:v28+s4+$0x0], $0xffff  }
0x48b: {  	s21 =	sor.u32 s7, s18;
	v32 =	vor.u32 v0, v20;
	s19 =	simm.s32 $0x200;
	v25 =	vld.idx.msk [tilespmem:v25+s4+$0x0], $0xffff;
	[tilespmem:s20+$0x0] =	vst v33  }
0x48c: {  	s22 =	simm.s32 $0x40;
	v49 =	vor.u32 v10, v23;
	s0 =	sor.u32 s9, s18;
	s15 =	sand.u32 $0x7C00, s19;
	[tilespmem:s21+$0x0] =	vst v29;
	v26 =	vld.idx.msk [tilespmem:v26+s4+$0x0], $0xffff  }
0x48d: {  	s14 =	sand.u32 $0x40, s22;
	s23 =	sadd.s32 $0x1E00, s15;
	v29 =	vor.u32 v1, v18;
	v34 =	vld.idx.msk [tilespmem:v34+s4+$0x0], $0xffff;
	[tilespmem:s0+$0x0] =	vst v24  }
0x48e: {  	s24 =	sadd.s32 $0x6E80, s12;
	s20 =	simm.s32 $0x70;
	s25 =	sor.u32 s14, s23;
	v27 =	vld.idx.msk [tilespmem:v27+s4+$0x0], $0xffff  }
0x48f: {  	s26 =	sor.u32 s13, s24;
	s10 =	sand.u32 $0x70, s20;
	v24 =	vor.u32 v1, v17;
	[tilespmem:s25+$0x0] =	vst v30;
	v30 =	vld.idx.msk [tilespmem:v31+s4+$0x0], $0xffff  }
0x490: {  	s21 =	sor.u32 s10, s23;
	v31 =	vor.u32 v10, v21;
	[tilespmem:s26+$0x0] =	vst v28;
	v28 =	vld.idx.msk [tilespmem:v32+s4+$0x0], $0xffff  }
0x491: {  	s29 =	sor.u32 s5, s24;
	v50 =	vor.u32 v10, v22;
	[tilespmem:s21+$0x0] =	vst v25;
	v33 =	vld.idx.msk [tilespmem:v49+s4+$0x0], $0xffff  }
0x492: {  	s16 =	simm.s32 $0x50;
	s30 =	sor.u32 s7, s24;
	v25 =	vld.idx.msk [tilespmem:v29+s4+$0x0], $0xffff;
	v29 =	vor.u32 v1, v19;
	[tilespmem:s29+$0x0] =	vst v26  }
0x493: {  	s8 =	simm.s32 $0x60;
	v35 =	vor.u32 v10, v16;
	s3 =	sand.u32 $0x50, s16;
	s0 =	sor.u32 s9, s24;
	[tilespmem:s30+$0x0] =	vst v34  }
0x494: {  	s18 =	sand.u32 $0x60, s8;
	s1 =	sor.u32 s3, s23;
	v26 =	vor.u32 v1, v20;
	v24 =	vld.idx.msk [tilespmem:v24+s4+$0x0], $0xffff;
	[tilespmem:s0+$0x0] =	vst v27  }
0x495: {  	s17 =	sadd.s32 $0x6F00, s12;
	v51 =	vor.u32 v11, v23;
	s23 =	sor.u32 s18, s23;
	v27 =	vld.idx.msk [tilespmem:v31+s4+$0x0], $0xffff;
	[tilespmem:s1+$0x0] =	vst v30  }
0x496: {  	s22 =	sor.u32 s13, s17;
	v31 =	vor.u32 v2, v18;
	[tilespmem:s23+$0x0] =	vst v28;
	v30 =	vld.idx.msk [tilespmem:v50+s4+$0x0], $0xffff  }
0x497: {  	v28 =	vor.u32 v2, v17;
	[tilespmem:s22+$0x0] =	vst v33;
	v29 =	vld.idx.msk [tilespmem:v29+s4+$0x0], $0xffff  }
0x498: {  	v52 =	vor.u32 v11, v22;
	[tilespmem:s25+$0x80] =	vst v25;
	v25 =	vld.idx.msk [tilespmem:v35+s4+$0x0], $0xffff  }
0x499: {  	v53 =	vor.u32 v2, v19;
	s24 =	sor.u32 s5, s17;
	v26 =	vld.idx.msk [tilespmem:v26+s4+$0x0], $0xffff;
	[tilespmem:s21+$0x80] =	vst v24  }
0x49a: {  	v54 =	vor.u32 v11, v16;
	s26 =	sor.u32 s9, s17;
	v24 =	vld.idx.msk [tilespmem:v51+s4+$0x0], $0xffff;
	[tilespmem:s24+$0x0] =	vst v27  }
0x49b: {  	v55 =	vor.u32 v11, v21;
	v31 =	vld.idx.msk [tilespmem:v31+s4+$0x0], $0xffff;
	[tilespmem:s26+$0x0] =	vst v30  }
0x49c: {  	s0 =	sor.u32 s7, s17;
	v27 =	vld.idx.msk [tilespmem:v28+s4+$0x0], $0xffff;
	v28 =	vor.u32 v12, v23;
	[tilespmem:s1+$0x80] =	vst v29  }
0x49d: {  	v56 =	vor.u32 v3, v18;
	s29 =	sadd.s32 $0x6F80, s12;
	v30 =	vld.idx.msk [tilespmem:v52+s4+$0x0], $0xffff;
	[tilespmem:s0+$0x0] =	vst v25  }
0x49e: {  	s30 =	sor.u32 s13, s29;
	v29 =	vor.u32 v2, v20;
	[tilespmem:s23+$0x80] =	vst v26;
	v35 =	vld.idx.msk [tilespmem:v53+s4+$0x0], $0xffff  }
0x49f: {  	v25 =	vor.u32 v3, v17;
	v26 =	vld.idx.msk [tilespmem:v54+s4+$0x0], $0xffff;
	[tilespmem:s30+$0x0] =	vst v24  }
0x4a0: {  	v57 =	vor.u32 v3, v19;
	v24 =	vld.idx.msk [tilespmem:v55+s4+$0x0], $0xffff;
	[tilespmem:s25+$0x100] =	vst v31  }
0x4a1: {  	s6 =	sor.u32 s9, s29;
	v28 =	vld.idx.msk [tilespmem:v28+s4+$0x0], $0xffff;
	v31 =	vor.u32 v12, v16;
	[tilespmem:s21+$0x100] =	vst v27  }
0x4a2: {  	v27 =	vor.u32 v12, v22;
	v32 =	vld.idx.msk [tilespmem:v56+s4+$0x0], $0xffff;
	[tilespmem:s6+$0x0] =	vst v30  }
0x4a3: {  	v58 =	vor.u32 v13, v23;
	s8 =	sor.u32 s7, s29;
	v29 =	vld.idx.msk [tilespmem:v29+s4+$0x0], $0xffff;
	[tilespmem:s1+$0x100] =	vst v35  }
0x4a4: {  	v59 =	vor.u32 v4, v18;
	s2 =	sadd.s32 $0x7000, s12;
	s16 =	sor.u32 s5, s29;
	v25 =	vld.idx.msk [tilespmem:v25+s4+$0x0], $0xffff;
	[tilespmem:s8+$0x0] =	vst v26  }
0x4a5: {  	s17 =	sor.u32 s13, s2;
	v30 =	vor.u32 v3, v20;
	[tilespmem:s16+$0x0] =	vst v24;
	v33 =	vld.idx.msk [tilespmem:v57+s4+$0x0], $0xffff  }
0x4a6: {  	v26 =	vor.u32 v4, v17;
	v31 =	vld.idx.msk [tilespmem:v31+s4+$0x0], $0xffff;
	[tilespmem:s17+$0x0] =	vst v28  }
0x4a7: {  	v24 =	vor.u32 v4, v19;
	v27 =	vld.idx.msk [tilespmem:v27+s4+$0x0], $0xffff;
	[tilespmem:s25+$0x180] =	vst v32  }
0x4a8: {  	v60 =	vor.u32 v13, v22;
	v28 =	vld.idx.msk [tilespmem:v58+s4+$0x0], $0xffff;
	[tilespmem:s23+$0x100] =	vst v29  }
0x4a9: {  	v61 =	vld.idx.msk [tilespmem:v59+s4+$0x0], $0xffff;
	v29 =	vor.u32 v13, v16;
	[tilespmem:s21+$0x180] =	vst v25  }
0x4aa: {  	s22 =	sor.u32 s7, s2;
	v25 =	vor.u32 v14, v23;
	v30 =	vld.idx.msk [tilespmem:v30+s4+$0x0], $0xffff;
	[tilespmem:s1+$0x180] =	vst v33  }
0x4ab: {  	v63 =	vor.u32 v5, v18;
	s24 =	sor.u32 s9, s2;
	s17 =	sadd.s32 $0x7080, s12;
	v26 =	vld.idx.msk [tilespmem:v26+s4+$0x0], $0xffff;
	[tilespmem:s22+$0x0] =	vst v31  }
0x4ac: {  	v62 =	vor.u32 v4, v20;
	s26 =	sor.u32 s13, s17;
	[tilespmem:s24+$0x0] =	vst v27;
	v24 =	vld.idx.msk [tilespmem:v24+s4+$0x0], $0xffff  }
0x4ad: {  	v31 =	vor.u32 v5, v17;
	[tilespmem:s26+$0x0] =	vst v28;
	v28 =	vld.idx.msk [tilespmem:v60+s4+$0x0], $0xffff  }
0x4ae: {  	v27 =	vor.u32 v5, v19;
	v29 =	vld.idx.msk [tilespmem:v29+s4+$0x0], $0xffff  }
0x4af: {  	v37 =	vor.u32 v14, v22;
	[tilespmem:s25+$0x200] =	vst v61;
	v25 =	vld.idx.msk [tilespmem:v25+s4+$0x0], $0xffff  }
0x4b0: {  	v38 =	vld.idx.msk [tilespmem:v63+s4+$0x0], $0xffff;
	[tilespmem:s23+$0x180] =	vst v30;
	v30 =	vor.u32 v14, v16  }
0x4b1: {  	[tilespmem:s21+$0x200] =	vst v26;
	v26 =	vor.u32 v15, v23;
	v36 =	vld.idx.msk [tilespmem:v62+s4+$0x0], $0xffff  }
0x4b2: {  	v39 =	vor.u32 v5, v20;
	s30 =	sor.u32 s9, s17;
	v31 =	vld.idx.msk [tilespmem:v31+s4+$0x0], $0xffff;
	[tilespmem:s1+$0x200] =	vst v24  }
0x4b3: {  	v34 =	vor.u32 v6, v18;
	s0 =	sadd.s32 $0x7100, s12;
	s29 =	sor.u32 s7, s17;
	[tilespmem:s30+$0x0] =	vst v28;
	v32 =	vld.idx.msk [tilespmem:v27+s4+$0x0], $0xffff  }
0x4b4: {  	s2 =	sor.u32 s5, s2;
	s16 =	sor.u32 s13, s0;
	v33 =	vor.u32 v6, v17;
	v28 =	vld.idx.msk [tilespmem:v37+s4+$0x0], $0xffff;
	[tilespmem:s29+$0x0] =	vst v29  }
0x4b5: {  	s28 =	sor.u32 s7, s0;
	v35 =	vor.u32 v6, v19;
	s24 =	sadd.s32 $0x6E80, s15;
	s26 =	simm.s32 $0x4;
	v23 =	vor.u32 v14, v21;
	[tilespmem:s16+$0x0] =	vst v25;
	v29 =	vld.idx.msk [tilespmem:v30+s4+$0x0], $0xffff  }
0x4b6: {  	s8 =	sor.u32 s14, s24;
	s22 =	sor.u32 s10, s24;
	s6 =	sor.u32 s18, s24;
	v24 =	vor.u32 v13, v21;
	v30 =	vor.u32 v12, v21;
	v26 =	vld.idx.msk [tilespmem:v26+s4+$0x0], $0xffff;
	[tilespmem:s23+$0x200] =	vst v36  }
0x4b7: {  	v27 =	vor.u32 v15, v22;
	v22 =	vor.u32 v15, v21;
	s16 =	sor.u32 s3, s24;
	s24 =	sor.u32 s5, s17;
	s17 =	sor.u32 s5, s0;
	[tilespmem:s25+$0x280] =	vst v38;
	v36 =	vld.idx.msk [tilespmem:v39+s4+$0x0], $0xffff  }
.LBB2_13:
0x4b8: {  	s26 =	sadd.s32 $0x4, s26;
	v25 =	vld.idx.msk [tilespmem:v34+s4+$0x0], $0xffff;
	[tilespmem:s21+$0x280] =	vst v31;
	v21 =	vmov v20  }
0x4b9: {  	p1 =	slt.u32 s26, $0x9C;
	[tilespmem:s1+$0x280] =	vst v32;
	v20 =	vor.u32 v6, v21;
	v31 =	vld.idx.msk [tilespmem:v33+s4+$0x0], $0xffff  }
0x4ba: {  	s29 =	sadd.s32 $0x7180, s12;
	s0 =	sor.u32 s9, s0;
	s12 =	smov.u32 s15;
	v32 =	vor.u32 v7, v18;
	v33 =	vld.idx.msk [tilespmem:v35+s4+$0x0], $0xffff;
	[tilespmem:s28+$0x0] =	vst v29  }
0x4bb: {  	s13 =	sor.u32 s13, s29;
	s28 =	sor.u32 s7, s29;
	[tilespmem:s0+$0x0] =	vst v28;
	v28 =	vld.idx.msk [tilespmem:v30+s4+$0x0], $0xffff;
	s0 =	sor.u32 s5, s29  }
0x4bc: {  	s11 =	sadd.s32 $0x40, s11;
	v29 =	vor.u32 v7, v19;
	s5 =	smov.u32 s10;
	[tilespmem:s13+$0x0] =	vst v26;
	v26 =	vld.idx.msk [tilespmem:v27+s4+$0x0], $0xffff;
	s13 =	smov.u32 s14  }
0x4bd: {  	s7 =	smov.u32 s3;
	v27 =	vld [tilespmem:s11+$0x0];
	[tilespmem:s23+$0x280] =	vst v36  }
0x4be: {  	[tilespmem:s25+$0x300] =	vst v25;
	v20 =	vld.idx.msk [tilespmem:v20+s4+$0x0], $0xffff;
	v25 =	vor.u32 v7, v17  }
0x4bf: {  	v30 =	vld.idx.msk [tilespmem:v32+s4+$0x0], $0xffff;
	[tilespmem:s21+$0x300] =	vst v31  }
0x4c0: {  	v32 =	vor.u32 v7, v21;
	v31 =	vld [tilespmem:s11+$0xFFFFFFE0];
	[tilespmem:s1+$0x300] =	vst v33  }
0x4c1: {  	s3 =	sor.u32 s9, s29;
	s9 =	smov.u32 s18;
	v29 =	vld.idx.msk [tilespmem:v29+s4+$0x0], $0xffff;
	[tilespmem:s2+$0x0] =	vst v28  }
0x4c2: {  	v28 =	vor.u32 v8, v18;
	[tilespmem:s3+$0x0] =	vst v26;
	v24 =	vld.idx.msk [tilespmem:v24+s4+$0x0], $0xffff  }
0x4c3: {  	v33 =	vor.u32 v8, v19;
	v34 =	vld.idx.msk [tilespmem:v25+s4+$0x0], $0xffff  }
0x4c4: {  	v25 =	vld [tilespmem:s11+$0x10];
	[tilespmem:s23+$0x300] =	vst v20  }
0x4c5: {  	v35 =	vor.u32 v8, v17;
	v32 =	vld.idx.msk [tilespmem:v32+s4+$0x0], $0xffff  }
0x4c6: {  	v36 =	vld [tilespmem:s11+$0xFFFFFFF0];
	[tilespmem:s25+$0x380] =	vst v30;
	v30 =	vor.u32 v15, v16;
	v16 =	vmov v19  }
0x4c7: {  	v26 =	vshll.u32 v31, $0x8;
	v28 =	vld.idx.msk [tilespmem:v28+s4+$0x0], $0xffff;
	[tilespmem:s1+$0x380] =	vst v29;
	v29 =	vor.u32 v8, v21  }
0x4c8: {  	v31 =	vor.u32 v0, v26;
	v33 =	vld.idx.msk [tilespmem:v33+s4+$0x0], $0xffff;
	[tilespmem:s24+$0x0] =	vst v24  }
0x4c9: {  	v24 =	vor.u32 v9, v18;
	v25 =	vshll.u32 v25, $0x8;
	[tilespmem:s21+$0x380] =	vst v34;
	v23 =	vld.idx.msk [tilespmem:v23+s4+$0x0], $0xffff  }
0x4ca: {  	v20 =	vshll.u32 v27, $0x8;
	v27 =	vor.u32 v0, v25;
	v34 =	vld.idx.msk [tilespmem:v35+s4+$0x0], $0xffff  }
0x4cb: {  	s1 =	sadd.s32 $0x6E00, s12;
	v35 =	vor.u32 v0, v20;
	v19 =	vshll.u32 v36, $0x8;
	[tilespmem:s23+$0x380] =	vst v32;
	v30 =	vld.idx.msk [tilespmem:v30+s4+$0x0], $0xffff  }
0x4cc: {  	s2 =	sor.u32 s13, s1;
	s3 =	sor.u32 s7, s1;
	v36 =	vor.u32 v9, v17;
	v32 =	vor.u32 v0, v19;
	v29 =	vld.idx.msk [tilespmem:v29+s4+$0x0], $0xffff  }
0x4cd: {  	v31 =	vld.idx.msk [tilespmem:v31+s4+$0x0], $0xffff;
	[tilespmem:s2+$0x0] =	vst v28;
	v28 =	vor.u32 v9, v16  }
0x4ce: {  	v24 =	vld.idx.msk [tilespmem:v24+s4+$0x0], $0xffff;
	[tilespmem:s3+$0x0] =	vst v33;
	v33 =	vor.u32 v9, v21  }
0x4cf: {  	s20 =	sadd.s32 $0x40, s20;
	s19 =	sadd.s32 $0x200, s19;
	s2 =	sor.u32 s5, s1;
	v27 =	vld.idx.msk [tilespmem:v27+s4+$0x0], $0xffff;
	[tilespmem:s17+$0x0] =	vst v23  }
0x4d0: {  	s15 =	sand.u32 $0x7C00, s19;
	s3 =	sadd.s32 $0xFFFFFFD0, s20;
	[tilespmem:s2+$0x0] =	vst v34;
	v22 =	vld.idx.msk [tilespmem:v22+s4+$0x0], $0xffff  }
0x4d1: {  	s1 =	sor.u32 s9, s1;
	s14 =	sand.u32 $0x40, s3;
	v23 =	vor.u32 v1, v26;
	s2 =	sadd.s32 $0x1E00, s15;
	v34 =	vld.idx.msk [tilespmem:v36+s4+$0x0], $0xffff;
	[tilespmem:s28+$0x0] =	vst v30  }
0x4d2: {  	s17 =	sadd.s32 $0x6E80, s15;
	s25 =	sor.u32 s14, s2;
	v30 =	vor.u32 v10, v18;
	v28 =	vld.idx.msk [tilespmem:v28+s4+$0x0], $0xffff;
	[tilespmem:s1+$0x0] =	vst v29  }
0x4d3: {  	s10 =	sand.u32 $0x70, s20;
	s1 =	sor.u32 s14, s17;
	v29 =	vor.u32 v1, v25;
	[tilespmem:s25+$0x0] =	vst v31;
	v31 =	vld.idx.msk [tilespmem:v33+s4+$0x0], $0xffff  }
0x4d4: {  	s3 =	sor.u32 s10, s17;
	s21 =	sor.u32 s10, s2;
	v32 =	vld.idx.msk [tilespmem:v32+s4+$0x0], $0xffff;
	[tilespmem:s8+$0x0] =	vst v24;
	v24 =	vor.u32 v10, v17;
	s8 =	smov.u32 s1  }
0x4d5: {  	v33 =	vld.idx.msk [tilespmem:v35+s4+$0x0], $0xffff;
	[tilespmem:s21+$0x0] =	vst v27;
	v27 =	vor.u32 v10, v21  }
0x4d6: {  	v36 =	vor.u32 v10, v16;
	v35 =	vor.u32 v1, v19;
	v23 =	vld.idx.msk [tilespmem:v23+s4+$0x0], $0xffff;
	[tilespmem:s0+$0x0] =	vst v22  }
0x4d7: {  	s0 =	sadd.s32 $0xFFFFFFE0, s20;
	v22 =	vld.idx.msk [tilespmem:v30+s4+$0x0], $0xffff;
	[tilespmem:s22+$0x0] =	vst v34;
	s22 =	smov.u32 s3  }
0x4d8: {  	s3 =	sand.u32 $0x50, s0;
	s0 =	sadd.s32 $0xFFFFFFF0, s20;
	v30 =	vor.u32 v1, v20;
	v29 =	vld.idx.msk [tilespmem:v29+s4+$0x0], $0xffff;
	[tilespmem:s16+$0x0] =	vst v28  }
0x4d9: {  	s1 =	sor.u32 s3, s2;
	s16 =	sor.u32 s3, s17;
	s18 =	sand.u32 $0x60, s0;
	v28 =	vor.u32 v11, v18;
	[tilespmem:s6+$0x0] =	vst v31;
	v24 =	vld.idx.msk [tilespmem:v24+s4+$0x0], $0xffff  }
0x4da: {  	v31 =	vor.u32 v2, v26;
	s23 =	sor.u32 s18, s2;
	s6 =	sor.u32 s18, s17;
	[tilespmem:s1+$0x0] =	vst v32;
	v27 =	vld.idx.msk [tilespmem:v27+s4+$0x0], $0xffff  }
0x4db: {  	s0 =	sadd.s32 $0x6F00, s12;
	v32 =	vld.idx.msk [tilespmem:v35+s4+$0x0], $0xffff;
	[tilespmem:s23+$0x0] =	vst v33;
	v33 =	vor.u32 v2, v25  }
0x4dc: {  	v34 =	vor.u32 v11, v21;
	s2 =	sor.u32 s13, s0;
	s17 =	sor.u32 s5, s0;
	[tilespmem:s25+$0x80] =	vst v23;
	v23 =	vld.idx.msk [tilespmem:v36+s4+$0x0], $0xffff  }
0x4dd: {  	v35 =	vor.u32 v2, v19;
	v30 =	vld.idx.msk [tilespmem:v30+s4+$0x0], $0xffff;
	[tilespmem:s2+$0x0] =	vst v22  }
0x4de: {  	[tilespmem:s21+$0x80] =	vst v29;
	v22 =	vld.idx.msk [tilespmem:v28+s4+$0x0], $0xffff;
	v28 =	vor.u32 v11, v16;
	v29 =	vor.u32 v11, v17  }
0x4df: {  	s2 =	sor.u32 s7, s0;
	s0 =	sor.u32 s9, s0;
	v31 =	vld.idx.msk [tilespmem:v31+s4+$0x0], $0xffff;
	[tilespmem:s17+$0x0] =	vst v24  }
0x4e0: {  	v24 =	vld.idx.msk [tilespmem:v33+s4+$0x0], $0xffff;
	v33 =	vor.u32 v12, v18;
	[tilespmem:s0+$0x0] =	vst v27  }
0x4e1: {  	v27 =	vor.u32 v2, v20;
	[tilespmem:s1+$0x80] =	vst v32;
	v32 =	vld.idx.msk [tilespmem:v34+s4+$0x0], $0xffff  }
0x4e2: {  	s0 =	sadd.s32 $0x6F80, s12;
	v34 =	vor.u32 v3, v26;
	v35 =	vld.idx.msk [tilespmem:v35+s4+$0x0], $0xffff;
	[tilespmem:s2+$0x0] =	vst v23  }
0x4e3: {  	s17 =	sor.u32 s5, s0;
	v23 =	vor.u32 v3, v25;
	s2 =	sor.u32 s13, s0;
	[tilespmem:s23+$0x80] =	vst v30;
	v28 =	vld.idx.msk [tilespmem:v28+s4+$0x0], $0xffff  }
0x4e4: {  	v30 =	vor.u32 v3, v19;
	[tilespmem:s2+$0x0] =	vst v22;
	v22 =	vld.idx.msk [tilespmem:v29+s4+$0x0], $0xffff  }
0x4e5: {  	[tilespmem:s25+$0x100] =	vst v31;
	v29 =	vld.idx.msk [tilespmem:v33+s4+$0x0], $0xffff;
	v31 =	vor.u32 v12, v16  }
0x4e6: {  	s2 =	sor.u32 s7, s0;
	s0 =	sor.u32 s9, s0;
	v27 =	vld.idx.msk [tilespmem:v27+s4+$0x0], $0xffff;
	[tilespmem:s21+$0x100] =	vst v24;
	v24 =	vor.u32 v12, v21  }
0x4e7: {  	v33 =	vld.idx.msk [tilespmem:v34+s4+$0x0], $0xffff;
	v34 =	vor.u32 v13, v18;
	[tilespmem:s0+$0x0] =	vst v32  }
0x4e8: {  	v32 =	vor.u32 v3, v20;
	[tilespmem:s1+$0x100] =	vst v35;
	v23 =	vld.idx.msk [tilespmem:v23+s4+$0x0], $0xffff  }
0x4e9: {  	s0 =	sadd.s32 $0x7000, s12;
	v35 =	vor.u32 v4, v26;
	v30 =	vld.idx.msk [tilespmem:v30+s4+$0x0], $0xffff;
	[tilespmem:s2+$0x0] =	vst v28  }
0x4ea: {  	s24 =	sor.u32 s13, s0;
	v28 =	vor.u32 v4, v25;
	s2 =	sor.u32 s5, s0;
	v31 =	vld.idx.msk [tilespmem:v31+s4+$0x0], $0xffff;
	[tilespmem:s17+$0x0] =	vst v22  }
0x4eb: {  	v22 =	vor.u32 v4, v19;
	[tilespmem:s24+$0x0] =	vst v29;
	v29 =	vld.idx.msk [tilespmem:v24+s4+$0x0], $0xffff  }
0x4ec: {  	[tilespmem:s23+$0x100] =	vst v27;
	v27 =	vld.idx.msk [tilespmem:v34+s4+$0x0], $0xffff;
	v34 =	vor.u32 v13, v16  }
0x4ed: {  	s17 =	sor.u32 s7, s0;
	v24 =	vor.u32 v13, v17;
	[tilespmem:s25+$0x180] =	vst v33;
	v32 =	vld.idx.msk [tilespmem:v32+s4+$0x0], $0xffff;
	v33 =	vor.u32 v13, v21  }
0x4ee: {  	v35 =	vld.idx.msk [tilespmem:v35+s4+$0x0], $0xffff;
	[tilespmem:s21+$0x180] =	vst v23;
	v23 =	vor.u32 v14, v18  }
0x4ef: {  	[tilespmem:s1+$0x180] =	vst v30;
	v30 =	vor.u32 v4, v20;
	v28 =	vld.idx.msk [tilespmem:v28+s4+$0x0], $0xffff  }
0x4f0: {  	s28 =	sadd.s32 $0x7080, s12;
	v36 =	vor.u32 v5, v26;
	s0 =	sor.u32 s9, s0;
	v22 =	vld.idx.msk [tilespmem:v22+s4+$0x0], $0xffff;
	[tilespmem:s17+$0x0] =	vst v31  }
0x4f1: {  	s24 =	sor.u32 s5, s28;
	v31 =	vor.u32 v5, v25;
	s17 =	sor.u32 s13, s28;
	v37 =	vld.idx.msk [tilespmem:v34+s4+$0x0], $0xffff;
	[tilespmem:s0+$0x0] =	vst v29  }
0x4f2: {  	v29 =	vor.u32 v5, v19;
	[tilespmem:s17+$0x0] =	vst v27;
	v27 =	vld.idx.msk [tilespmem:v33+s4+$0x0], $0xffff  }
0x4f3: {  	v39 =	vor.u32 v14, v16;
	[tilespmem:s23+$0x180] =	vst v32;
	v38 =	vld.idx.msk [tilespmem:v23+s4+$0x0], $0xffff  }
0x4f4: {  	s17 =	sor.u32 s7, s28;
	v23 =	vor.u32 v14, v17;
	[tilespmem:s25+$0x200] =	vst v35;
	v40 =	vld.idx.msk [tilespmem:v30+s4+$0x0], $0xffff;
	v30 =	vor.u32 v14, v21  }
0x4f5: {  	v41 =	vor.u32 v15, v18;
	v18 =	vmov v26;
	v36 =	vld.idx.msk [tilespmem:v36+s4+$0x0], $0xffff;
	[tilespmem:s21+$0x200] =	vst v28  }
0x4f6: {  	[tilespmem:s1+$0x200] =	vst v22;
	v22 =	vor.u32 v5, v20;
	v31 =	vld.idx.msk [tilespmem:v31+s4+$0x0], $0xffff  }
.Ltmp8:
0x4f7: {  	v34 =	vor.u32 v6, v18;
	s0 =	sadd.s32 $0x7100, s12;
	v32 =	vld.idx.msk [tilespmem:v29+s4+$0x0], $0xffff;
	[tilespmem:s17+$0x0] =	vst v37;
	s17 =	sor.u32 s9, s28;
	(pc) =	sbr.rel @p1 .LBB2_13-.Ltmp8, $4  }
0x4f8: {  	v33 =	vor.u32 v6, v25;
	s28 =	sor.u32 s13, s0;
	v29 =	vld.idx.msk [tilespmem:v39+s4+$0x0], $0xffff;
	[tilespmem:s17+$0x0] =	vst v27;
	s17 =	sor.u32 s5, s0  }
0x4f9: {  	v35 =	vor.u32 v6, v19;
	[tilespmem:s28+$0x0] =	vst v38;
	v28 =	vld.idx.msk [tilespmem:v30+s4+$0x0], $0xffff;
	v30 =	vor.u32 v12, v17  }
0x4fa: {  	[tilespmem:s23+$0x200] =	vst v40;
	v26 =	vld.idx.msk [tilespmem:v41+s4+$0x0], $0xffff  }
0x4fb: {  	v27 =	vor.u32 v15, v21;
	s28 =	sor.u32 s7, s0;
	[tilespmem:s25+$0x280] =	vst v36;
	v36 =	vld.idx.msk [tilespmem:v22+s4+$0x0], $0xffff;
	v22 =	vor.u32 v15, v17;
	v17 =	vmov v25  }
0x4fc: {  	_ =	sdelay $0x1  }
0x4fd: {  	v21 =	vor.u32 v6, v20;
	_ =	sdelay $0x1  }
0x4fe: {  	v25 =	vld.idx.msk [tilespmem:v34+s4+$0x0], $0xffff;
	[tilespmem:s1+$0x280] =	vst v32  }
0x4ff: {  	v45 =	vor.u32 v7, v18;
	[tilespmem:s21+$0x280] =	vst v31;
	v46 =	vld.idx.msk [tilespmem:v35+s4+$0x0], $0xffff  }
0x500: {  	v48 =	vor.u32 v7, v19;
	v33 =	vld.idx.msk [tilespmem:v33+s4+$0x0], $0xffff;
	[tilespmem:s23+$0x280] =	vst v36  }
0x501: {  	v49 =	vor.u32 v7, v17;
	v21 =	vld.idx.msk [tilespmem:v21+s4+$0x0], $0xffff  }
0x502: {  	v47 =	vor.u32 v7, v20  }
0x503: {  	[tilespmem:s25+$0x300] =	vst v25  }
0x504: {  	v25 =	vld.idx.msk [tilespmem:v45+s4+$0x0], $0xffff;
	[tilespmem:s1+$0x300] =	vst v46  }
0x505: {  	v50 =	vor.u32 v8, v18;
	[tilespmem:s21+$0x300] =	vst v33;
	v52 =	vld.idx.msk [tilespmem:v48+s4+$0x0], $0xffff  }
0x506: {  	v54 =	vor.u32 v8, v19;
	v55 =	vld.idx.msk [tilespmem:v49+s4+$0x0], $0xffff;
	[tilespmem:s23+$0x300] =	vst v21  }
0x507: {  	v56 =	vor.u32 v8, v17;
	v51 =	vld.idx.msk [tilespmem:v47+s4+$0x0], $0xffff  }
0x508: {  	v53 =	vor.u32 v8, v20  }
0x509: {  	[tilespmem:s25+$0x380] =	vst v25  }
0x50a: {  	v21 =	vld.idx.msk [tilespmem:v50+s4+$0x0], $0xffff;
	[tilespmem:s1+$0x380] =	vst v52  }
0x50b: {  	v57 =	vor.u32 v9, v18;
	[tilespmem:s21+$0x380] =	vst v55;
	v32 =	vld.idx.msk [tilespmem:v54+s4+$0x0], $0xffff  }
0x50c: {  	v60 =	vor.u32 v9, v19;
	v59 =	vld.idx.msk [tilespmem:v56+s4+$0x0], $0xffff;
	[tilespmem:s23+$0x380] =	vst v51  }
0x50d: {  	s26 =	sadd.s32 $0x6E00, s15;
	v61 =	vor.u32 v9, v17;
	v31 =	vld.idx.msk [tilespmem:v53+s4+$0x0], $0xffff  }
0x50e: {  	v58 =	vor.u32 v9, v20;
	s11 =	sor.u32 s14, s26  }
0x50f: {  	s30 =	sor.u32 s3, s26;
	[tilespmem:s11+$0x0] =	vst v21  }
0x510: {  	s1 =	sor.u32 s10, s26;
	v21 =	vld.idx.msk [tilespmem:v57+s4+$0x0], $0xffff;
	[tilespmem:s30+$0x0] =	vst v32  }
0x511: {  	v62 =	vor.u32 v10, v18;
	s29 =	sor.u32 s18, s26;
	[tilespmem:s1+$0x0] =	vst v59;
	v32 =	vld.idx.msk [tilespmem:v60+s4+$0x0], $0xffff  }
0x512: {  	v40 =	vor.u32 v10, v19;
	v34 =	vld.idx.msk [tilespmem:v61+s4+$0x0], $0xffff;
	[tilespmem:s29+$0x0] =	vst v31  }
0x513: {  	v41 =	vor.u32 v10, v17;
	v31 =	vld.idx.msk [tilespmem:v58+s4+$0x0], $0xffff  }
0x514: {  	v63 =	vor.u32 v10, v20  }
0x515: {  	[tilespmem:s8+$0x0] =	vst v21  }
0x516: {  	v21 =	vld.idx.msk [tilespmem:v62+s4+$0x0], $0xffff;
	[tilespmem:s16+$0x0] =	vst v32  }
0x517: {  	v42 =	vor.u32 v11, v18;
	[tilespmem:s22+$0x0] =	vst v34;
	v32 =	vld.idx.msk [tilespmem:v40+s4+$0x0], $0xffff  }
0x518: {  	v44 =	vor.u32 v11, v19;
	v34 =	vld.idx.msk [tilespmem:v41+s4+$0x0], $0xffff;
	[tilespmem:s6+$0x0] =	vst v31  }
0x519: {  	v45 =	vor.u32 v11, v17;
	s8 =	sadd.s32 $0x6F00, s15;
	v31 =	vld.idx.msk [tilespmem:v63+s4+$0x0], $0xffff  }
0x51a: {  	v43 =	vor.u32 v11, v20;
	s11 =	sor.u32 s14, s8  }
0x51b: {  	s19 =	sor.u32 s3, s8;
	[tilespmem:s11+$0x0] =	vst v21  }
0x51c: {  	s1 =	sor.u32 s10, s8;
	v21 =	vld.idx.msk [tilespmem:v42+s4+$0x0], $0xffff;
	[tilespmem:s19+$0x0] =	vst v32  }
0x51d: {  	v46 =	vor.u32 v12, v18;
	s16 =	sor.u32 s18, s8;
	[tilespmem:s1+$0x0] =	vst v34;
	v32 =	vld.idx.msk [tilespmem:v44+s4+$0x0], $0xffff  }
0x51e: {  	v48 =	vor.u32 v12, v19;
	v34 =	vld.idx.msk [tilespmem:v45+s4+$0x0], $0xffff;
	[tilespmem:s16+$0x0] =	vst v31  }
0x51f: {  	s20 =	sadd.s32 $0x6F80, s15;
	v49 =	vor.u32 v12, v17;
	v31 =	vld.idx.msk [tilespmem:v43+s4+$0x0], $0xffff  }
0x520: {  	[tilespmem:s28+$0x0] =	vst v29;
	v47 =	vor.u32 v12, v20;
	s21 =	sor.u32 s14, s20;
	v50 =	vld.idx.msk [tilespmem:v30+s4+$0x0], $0xffff  }
0x521: {  	s23 =	sor.u32 s3, s20;
	[tilespmem:s21+$0x0] =	vst v21  }
0x522: {  	s1 =	sor.u32 s10, s20;
	v25 =	vld.idx.msk [tilespmem:v46+s4+$0x0], $0xffff;
	[tilespmem:s23+$0x0] =	vst v32  }
0x523: {  	v51 =	vor.u32 v13, v18;
	s22 =	sor.u32 s18, s20;
	[tilespmem:s1+$0x0] =	vst v34;
	v32 =	vld.idx.msk [tilespmem:v48+s4+$0x0], $0xffff  }
0x524: {  	v53 =	vor.u32 v13, v19;
	v29 =	vld.idx.msk [tilespmem:v49+s4+$0x0], $0xffff;
	[tilespmem:s22+$0x0] =	vst v31  }
0x525: {  	s0 =	sor.u32 s9, s0;
	s25 =	sadd.s32 $0x7000, s15;
	v54 =	vor.u32 v13, v17;
	[tilespmem:s2+$0x0] =	vst v50;
	v31 =	vld.idx.msk [tilespmem:v47+s4+$0x0], $0xffff  }
0x526: {  	[tilespmem:s0+$0x0] =	vst v28;
	v52 =	vor.u32 v13, v20;
	s26 =	sor.u32 s14, s25;
	v24 =	vld.idx.msk [tilespmem:v24+s4+$0x0], $0xffff  }
0x527: {  	s29 =	sor.u32 s3, s25;
	[tilespmem:s26+$0x0] =	vst v25  }
0x528: {  	v16 =	vor.u32 v15, v16;
	s0 =	sor.u32 s10, s25;
	v25 =	vld.idx.msk [tilespmem:v51+s4+$0x0], $0xffff;
	[tilespmem:s29+$0x0] =	vst v32  }
0x529: {  	s28 =	sor.u32 s18, s25;
	v55 =	vor.u32 v14, v18;
	[tilespmem:s0+$0x0] =	vst v29;
	v28 =	vld.idx.msk [tilespmem:v53+s4+$0x0], $0xffff  }
0x52a: {  	s30 =	sadd.s32 $0x7180, s12;
	v57 =	vor.u32 v14, v19;
	v21 =	vld.idx.msk [tilespmem:v54+s4+$0x0], $0xffff;
	[tilespmem:s28+$0x0] =	vst v31  }
0x52b: {  	s2 =	sor.u32 s13, s30;
	[tilespmem:s24+$0x0] =	vst v24;
	v58 =	vor.u32 v14, v17;
	s6 =	sadd.s32 $0x7080, s15;
	v31 =	vld.idx.msk [tilespmem:v52+s4+$0x0], $0xffff  }
0x52c: {  	v56 =	vor.u32 v14, v20;
	[tilespmem:s2+$0x0] =	vst v26;
	v23 =	vld.idx.msk [tilespmem:v23+s4+$0x0], $0xffff;
	s8 =	sor.u32 s14, s6  }
0x52d: {  	v16 =	vld.idx.msk [tilespmem:v16+s4+$0x0], $0xffff;
	s12 =	sor.u32 s3, s6;
	[tilespmem:s8+$0x0] =	vst v25  }
0x52e: {  	s0 =	sor.u32 s10, s6;
	v25 =	vld.idx.msk [tilespmem:v55+s4+$0x0], $0xffff;
	[tilespmem:s12+$0x0] =	vst v28  }
0x52f: {  	v59 =	vor.u32 v15, v18;
	s11 =	sor.u32 s18, s6;
	[tilespmem:s0+$0x0] =	vst v21;
	v61 =	vld.idx.msk [tilespmem:v57+s4+$0x0], $0xffff  }
0x530: {  	v63 =	vor.u32 v15, v19;
	v24 =	vld.idx.msk [tilespmem:v58+s4+$0x0], $0xffff;
	[tilespmem:s11+$0x0] =	vst v31  }
0x531: {  	v17 =	vor.u32 v15, v17;
	[tilespmem:s17+$0x0] =	vst v23;
	s16 =	sadd.s32 $0x7100, s15;
	s22 =	sor.u32 s7, s30;
	v60 =	vld.idx.msk [tilespmem:v56+s4+$0x0], $0xffff  }
0x532: {  	v27 =	vld.idx.msk [tilespmem:v27+s4+$0x0], $0xffff;
	v62 =	vor.u32 v15, v20;
	s19 =	sor.u32 s14, s16;
	[tilespmem:s22+$0x0] =	vst v16  }
0x533: {  	v22 =	vld.idx.msk [tilespmem:v22+s4+$0x0], $0xffff;
	s21 =	sor.u32 s3, s16;
	[tilespmem:s19+$0x0] =	vst v25  }
0x534: {  	s0 =	sor.u32 s10, s16;
	v18 =	vld.idx.msk [tilespmem:v59+s4+$0x0], $0xffff;
	[tilespmem:s21+$0x0] =	vst v61  }
0x535: {  	s20 =	sor.u32 s18, s16;
	[tilespmem:s0+$0x0] =	vst v24;
	v19 =	vld.idx.msk [tilespmem:v63+s4+$0x0], $0xffff  }
0x536: {  	s13 =	sor.u32 s9, s30;
	v16 =	vld.idx.msk [tilespmem:v17+s4+$0x0], $0xffff;
	[tilespmem:s20+$0x0] =	vst v60  }
0x537: {  	[tilespmem:s13+$0x0] =	vst v27;
	s1 =	sor.u32 s5, s30;
	s23 =	sadd.s32 $0x7180, s15;
	v20 =	vld.idx.msk [tilespmem:v62+s4+$0x0], $0xffff  }
0x538: {  	[tilespmem:s1+$0x0] =	vst v22;
	s24 =	sor.u32 s14, s23  }
0x539: {  	s26 =	sor.u32 s3, s23;
	[tilespmem:s24+$0x0] =	vst v18  }
0x53a: {  	s0 =	sor.u32 s10, s23;
	[tilespmem:s26+$0x0] =	vst v19  }
0x53b: {  	s25 =	sor.u32 s18, s23;
	[tilespmem:s0+$0x0] =	vst v16  }
0x53c: {  	[tilespmem:s25+$0x0] =	vst v20  }
.Ltmp9:
0x53d: {  	s0 =	rddreg [dreg:$0x11];
	(pc) =	sbr.rel .LBB2_15-.Ltmp9, $4  }
0x53e: {  	s28 =	simm.s32 $0x1E00;
	s29 =	rddreg [dreg:$0x12]  }
0x53f: {  	[hbm4b:s0+s4] =	stream.linear.scatter [tilespmem:s28], [sflag:$0x3], $0x5000, $0x38;
	[tilespmem:$0x15E00] =	vst v63  }
0x540: {  	s30 =	simm.s32 $0x6E00;
	s2 =	rddreg [dreg:$0x14]  }
0x541: {  	[hbm4b:s29+s4] =	stream.linear.scatter [tilespmem:s30], [sflag:$0x3], $0x5000, $0x38;
	[tilespmem:$0x15E00] =	vst v63  }
.LBB2_16:
0x542: {  	_ =	sfence.sel $0x180000  }
0x543: {  	[bflag:$0x0] =	sbarrier.arrive $0xFFFF  }
0x544: {  	_ =	strace $0x90000047  }
0x545: {  	s0 =	stileid.u32;
	[bflag:$0x2] =	sbarrier.arrive $0xFFFF  }
0x546: {  	p0 =	sne.s32 s0, $0x0;
	s0 =	rddreg [dreg:$0x3]  }
0x547: {  	s0 =	sadd.s32 @!p0 $0x100000, s0  }
0x548: {  	[sflag:s0] =	ssyncadd.tile.s32 @!p0 $0x1;
	_ =	shalt  }
.Lfunc_end2:
_tile_overlayer_lowered:
.L_overlay_start_2:
0x549: {  	(tag) =	ssettag $0x2  }
0x54a: {  	s0 =	rddreg [dreg:$0x0];
	s2 =	stileid.u32  }
0x54b: {  	s1 =	rddreg [dreg:$0x1];
	p0 =	sne.s32 s2, $0x0  }
0x54c: {  	s3 =	rddreg [dreg:$0x2];
	[bflag:$0x3] =	sbarrier.arrive $0xFFFF;
	s2 =	simm.s32 @!p0 $0x1C05  }
0x54d: {  	[timem:s3], [sflag:s2] =	dma.local @!p0 [hbm:s0], s1  }
0x54e: {  	s0 =	simm.s32 @!p0 $0x5  }
0x54f: {  	_ =	swait.ge @!p0 [sflag:s0], s1  }
0x550: {  	s1 =	ssub.s32 @!p0 $0x0, s1;
	[sflag:s0] =	ssyncset.done @!p0 $0x0  }
0x551: {  	[sflag:s0] =	ssyncadd.s32 @!p0 s1  }
0x552: {  	[bflag:$0x3] =	sbarrier.arrive $0xFFFF  }
0x553: {  	_ =	shalt  }

</sc_bundles>
